<compile_context>
chip_gen: v7x
topology: tpu7x:2x2x1
jax: 0.10.2.dev20260603
libtpu: 0.0.44.dev20260713+nightly
codegen_flags: <defaults>
</compile_context>

<pallas_src>
import functools

import jax
import jax.numpy as jnp
from jax import lax
from jax.experimental import pallas as pl
from jax.experimental.pallas import tpu as pltpu
from jax.experimental.pallas import tpu_sc as plsc

N_NODES = 10000
N_EDGES = 320000
NHID = 128
NEDGE = 16
NLAYER = 3
NGRAPH = 64
NOUT = 128

NC = 2
NS = 16
NW = NC * NS

NPAD_EDGES = 327680
AGG_ROWS = 10112

_f32 = jnp.float32


def _h0_body(x_ref, w_ref, b_ref, g_ref, bt_ref, o_ref, oT_ref):
    t = jnp.dot(x_ref[...], w_ref[...], preferred_element_type=_f32) + b_ref[...]
    mu = jnp.mean(t, axis=0, keepdims=True)
    var = jnp.mean((t - mu) ** 2, axis=0, keepdims=True)
    h = jnp.maximum(g_ref[...] * (t - mu) / jnp.sqrt(var + 1e-5) + bt_ref[...], 0.0)
    o_ref[...] = h
    oT_ref[...] = jnp.pad(h, ((0, AGG_ROWS - N_NODES), (0, 0))).T.reshape(
        NW, NHID // NW, AGG_ROWS)


_STATS_BLK = 2560


def _estats_body(a_ref, we_ref, be_ref, ssum_ref, ssq_ref):
    blk = a_ref[...]

    @pl.when(pl.program_id(0) == 0)
    def _():
        ssum_ref[...] = jnp.zeros_like(ssum_ref)
        ssq_ref[...] = jnp.zeros_like(ssq_ref)

    for l in range(NLAYER):
        t = jnp.dot(blk, we_ref[l], preferred_element_type=_f32) + be_ref[l]
        ssum_ref[l] += jnp.sum(t, axis=0, keepdims=True)
        ssq_ref[l] += jnp.sum(t * t, axis=0, keepdims=True)


_E_BLK = 2048


def _edges_body(a_ref, we_ref, be_ref, ge_ref, bte_ref, ssum_ref, ssq_ref,
                e0_ref, e1_ref, e2_ref):
    blk = a_ref[...]
    outs = (e0_ref, e1_ref, e2_ref)
    for l in range(NLAYER):
        mu = ssum_ref[l] * (1.0 / N_EDGES)
        var = ssq_ref[l] * (1.0 / N_EDGES) - mu * mu
        t = jnp.dot(blk, we_ref[l], preferred_element_type=_f32) + be_ref[l]
        outs[l][...] = jnp.maximum(
            ge_ref[l] * (t - mu) / jnp.sqrt(var + 1e-5) + bte_ref[l],
            0.0).T.reshape(NW, NHID // NW, _E_BLK)


FPT = NHID // NW
IC = 2048
NIC = NPAD_EDGES // IC


def _mp_body(hT_hbm, eT_hbm, src_hbm, dst_hbm, out_hbm,
             h_v, agg_v, e_v, src_v, dst_v):
    cid = lax.axis_index("c")
    sid = lax.axis_index("s")
    wid = sid * NC + cid

    pltpu.sync_copy(hT_hbm.at[wid], h_v)

    def _zero(i, carry):
        for j in range(FPT):
            agg_v[j, pl.ds(i * 16, 16)] = jnp.zeros((16,), _f32)
        return carry

    lax.fori_loop(0, AGG_ROWS // 16, _zero, 0)

    jconst = [jnp.full((16,), j, jnp.int32) for j in range(FPT)]

    def _chunk(c, carry):
        pltpu.sync_copy(src_hbm.at[pl.ds(c * IC, IC)], src_v)
        pltpu.sync_copy(dst_hbm.at[pl.ds(c * IC, IC)], dst_v)
        pltpu.sync_copy(eT_hbm.at[wid, :, pl.ds(c * IC, IC)], e_v)

        def _group(g, gc):
            for u in range(8):
                i = g * 8 + u
                sl = pl.ds(i * 16, 16)
                s16 = src_v[sl]
                d16 = dst_v[sl]
                for j in range(FPT):
                    hv = plsc.load_gather(h_v, [jconst[j], s16])
                    m = jnp.maximum(hv + e_v[j, sl], 0.0)
                    plsc.addupdate_scatter(agg_v, [jconst[j], d16], m)
            return gc

        lax.fori_loop(0, IC // 128, _group, 0)
        return carry

    lax.fori_loop(0, NIC, _chunk, 0)

    pltpu.sync_copy(agg_v, out_hbm.at[wid])


@functools.lru_cache(maxsize=1)
def _get_mp_kernel():
    return pl.kernel(
        _mp_body,
        out_type=jax.ShapeDtypeStruct((NW, FPT, AGG_ROWS), _f32),
        mesh=plsc.VectorSubcoreMesh(core_axis_name="c", subcore_axis_name="s",
                                    num_cores=NC, num_subcores=NS),
        compiler_params=pltpu.CompilerParams(needs_layout_passes=False),
        scratch_types=[
            pltpu.VMEM((FPT, AGG_ROWS), _f32),
            pltpu.VMEM((FPT, AGG_ROWS), _f32),
            pltpu.VMEM((FPT, IC), _f32),
            pltpu.VMEM((IC,), jnp.int32),
            pltpu.VMEM((IC,), jnp.int32),
        ],
    )


def _update_body(h_ref, aT_ref, wc_ref, eps_ref, g_ref, bt_ref, o_ref, oT_ref):
    h = h_ref[...]
    agg = aT_ref[...].reshape(NHID, AGG_ROWS).T[:N_NODES]
    z = (1.0 + eps_ref[0, 0]) * h + agg
    t = jnp.dot(z, wc_ref[...], preferred_element_type=_f32)
    mu = jnp.mean(t, axis=0, keepdims=True)
    var = jnp.mean((t - mu) ** 2, axis=0, keepdims=True)
    hn = jnp.maximum(g_ref[...] * (t - mu) / jnp.sqrt(var + 1e-5) + bt_ref[...], 0.0) + h
    o_ref[...] = hn
    oT_ref[...] = jnp.pad(hn, ((0, AGG_ROWS - N_NODES), (0, 0))).T.reshape(
        NW, NHID // NW, AGG_ROWS)


def _pool_body(h_ref, batch_ref, w1_ref, b1_ref, g1_ref, bt1_ref,
               w2_ref, b2_ref, g2_ref, bt2_ref, o_ref):
    h = h_ref[...]
    b = batch_ref[...]
    gids = lax.broadcasted_iota(jnp.int32, (NGRAPH, N_NODES), 0)
    onehot = jnp.where(gids == b, 1.0, 0.0).astype(_f32)
    pooled = jnp.dot(onehot, h, preferred_element_type=_f32,
                     precision=lax.Precision.HIGHEST)

    t = jnp.dot(pooled, w1_ref[...], preferred_element_type=_f32) + b1_ref[...]
    mu = jnp.mean(t, axis=0, keepdims=True)
    var = jnp.mean((t - mu) ** 2, axis=0, keepdims=True)
    o = jnp.maximum(g1_ref[...] * (t - mu) / jnp.sqrt(var + 1e-5) + bt1_ref[...], 0.0)

    t2 = jnp.dot(o, w2_ref[...], preferred_element_type=_f32) + b2_ref[...]
    mu2 = jnp.mean(t2, axis=0, keepdims=True)
    var2 = jnp.mean((t2 - mu2) ** 2, axis=0, keepdims=True)
    o_ref[...] = g2_ref[...] * (t2 - mu2) / jnp.sqrt(var2 + 1e-5) + bt2_ref[...]


def _row(v):
    return v.reshape(1, -1)


def kernel(x, edge_index, edge_attr, batch, W_in, b_in, g_in, bt_in,
           W_e, b_e, g_e, bt_e, W_c, eps, g_n, bt_n,
           W1, b1, g1, bt1, W2, b2, g2, bt2):
    src = jnp.pad(edge_index[0], (0, NPAD_EDGES - N_EDGES))
    dst = jnp.pad(edge_index[1], (0, NPAD_EDGES - N_EDGES),
                  constant_values=N_NODES)
    ea_pad = jnp.pad(edge_attr, ((0, NPAD_EDGES - N_EDGES), (0, 0)))
    batch2d = batch.reshape(1, N_NODES)

    h, hT = pl.pallas_call(
        _h0_body,
        out_shape=[jax.ShapeDtypeStruct((N_NODES, NHID), _f32),
                   jax.ShapeDtypeStruct((NW, FPT, AGG_ROWS), _f32)],
    )(x, W_in, _row(b_in), _row(g_in), _row(bt_in))

    nblk = N_EDGES // _STATS_BLK
    full = lambda *shape: pl.BlockSpec(shape, lambda i: tuple(0 for _ in shape))
    be3 = b_e.reshape(NLAYER, 1, NHID)
    ssum, ssq = pl.pallas_call(
        _estats_body,
        grid=(nblk,),
        in_specs=[pl.BlockSpec((_STATS_BLK, NEDGE), lambda i: (i, 0)),
                  full(NLAYER, NEDGE, NHID),
                  full(NLAYER, 1, NHID)],
        out_specs=[full(NLAYER, 1, NHID), full(NLAYER, 1, NHID)],
        out_shape=[jax.ShapeDtypeStruct((NLAYER, 1, NHID), _f32),
                   jax.ShapeDtypeStruct((NLAYER, 1, NHID), _f32)],
    )(edge_attr, W_e, be3)

    neblk = NPAD_EDGES // _E_BLK
    e_shape = jax.ShapeDtypeStruct((NW, FPT, NPAD_EDGES), _f32)
    E0, E1, E2 = pl.pallas_call(
        _edges_body,
        grid=(neblk,),
        in_specs=[pl.BlockSpec((_E_BLK, NEDGE), lambda i: (i, 0)),
                  full(NLAYER, NEDGE, NHID),
                  full(NLAYER, 1, NHID),
                  full(NLAYER, 1, NHID),
                  full(NLAYER, 1, NHID),
                  full(NLAYER, 1, NHID),
                  full(NLAYER, 1, NHID)],
        out_specs=[pl.BlockSpec((NW, FPT, _E_BLK), lambda i: (0, 0, i))] * NLAYER,
        out_shape=[e_shape] * NLAYER,
    )(ea_pad, W_e, be3, g_e.reshape(NLAYER, 1, NHID),
      bt_e.reshape(NLAYER, 1, NHID), ssum, ssq)

    for l, E in enumerate((E0, E1, E2)):
        aggT = _get_mp_kernel()(hT, E, src, dst)
        h, hT = pl.pallas_call(
            _update_body,
            out_shape=[jax.ShapeDtypeStruct((N_NODES, NHID), _f32),
                       jax.ShapeDtypeStruct((NW, FPT, AGG_ROWS), _f32)],
        )(h, aggT, W_c[l], eps[l].reshape(1, 1),
          _row(g_n[l]), _row(bt_n[l]))

    out = pl.pallas_call(
        _pool_body,
        out_shape=jax.ShapeDtypeStruct((NGRAPH, NOUT), _f32),
    )(h, batch2d, W1, _row(b1), _row(g1), _row(bt1),
      W2, _row(b2), _row(g2), _row(bt2))
    return out

# --- scband reference (transcript-rebuilt; emitter-appended) ---
"""Pipeline reference for scband-gnn-33097017983485 (READ-ONLY COPY).

The authoritative reference and input builder live on the scoring server;
editing this copy changes nothing except your own understanding.
"""

import jax, jax.numpy as jnp
import numpy as np

N_NODES = 10000
N_EDGES = 320000
NHID = 128
NEDGE = 16
NLAYER = 3
NGRAPH = 64
NOUT = 128


def _bn(h, g, b):
    mu = h.mean(axis=0, keepdims=True)
    var = h.var(axis=0, keepdims=True)
    return g * (h - mu) / jnp.sqrt(var + 1e-5) + b


def setup_inputs(seed: int = 0):
    key = jax.random.key(seed)
    ks = jax.random.split(key, 16)
    inp = {}
    inp["x"] = jax.random.normal(ks[0], (N_NODES, NHID), dtype=jnp.float32)
    inp["edge_index"] = jax.random.randint(ks[1], (2, N_EDGES), 0, N_NODES, dtype=jnp.int32)
    inp["edge_attr"] = jax.random.normal(ks[2], (N_EDGES, NEDGE), dtype=jnp.float32)
    inp["batch"] = jnp.sort(jax.random.randint(ks[3], (N_NODES,), 0, NGRAPH, dtype=jnp.int32))
    inp["W_in"] = jax.random.normal(ks[4], (NHID, NHID), dtype=jnp.float32) * 0.05
    inp["b_in"] = jnp.zeros((NHID,), dtype=jnp.float32)
    inp["g_in"] = jnp.ones((NHID,), dtype=jnp.float32)
    inp["bt_in"] = jnp.zeros((NHID,), dtype=jnp.float32)
    inp["W_e"] = jax.random.normal(ks[5], (NLAYER, NEDGE, NHID), dtype=jnp.float32) * 0.05
    inp["b_e"] = jnp.zeros((NLAYER, NHID), dtype=jnp.float32)
    inp["g_e"] = jnp.ones((NLAYER, NHID), dtype=jnp.float32)
    inp["bt_e"] = jnp.zeros((NLAYER, NHID), dtype=jnp.float32)
    inp["W_c"] = jax.random.normal(ks[6], (NLAYER, NHID, NHID), dtype=jnp.float32) * 0.05
    inp["eps"] = jnp.zeros((NLAYER,), dtype=jnp.float32)
    inp["g_n"] = jnp.ones((NLAYER, NHID), dtype=jnp.float32)
    inp["bt_n"] = jnp.zeros((NLAYER, NHID), dtype=jnp.float32)
    inp["W1"] = jax.random.normal(ks[7], (NHID, NHID), dtype=jnp.float32) * 0.05
    inp["b1"] = jnp.zeros((NHID,), dtype=jnp.float32)
    inp["g1"] = jnp.ones((NHID,), dtype=jnp.float32)
    inp["bt1"] = jnp.zeros((NHID,), dtype=jnp.float32)
    inp["W2"] = jax.random.normal(ks[8], (NHID, NOUT), dtype=jnp.float32) * 0.05
    inp["b2"] = jnp.zeros((NOUT,), dtype=jnp.float32)
    inp["g2"] = jnp.ones((NOUT,), dtype=jnp.float32)
    inp["bt2"] = jnp.zeros((NOUT,), dtype=jnp.float32)
    return inp


def reference(x, edge_index, edge_attr, batch, W_in, b_in, g_in, bt_in, W_e, b_e, g_e, bt_e, W_c, eps, g_n, bt_n, W1, b1, g1, bt1, W2, b2, g2, bt2):
    # input encoder: MLP(nfeat_node, nhid, 1) = Linear + BN + ReLU
    h = jax.nn.relu(_bn(x @ W_in + b_in, g_in, bt_in))
    prev = h
    src = edge_index[0]
    dst = edge_index[1]
    for i in range(NLAYER):
        # edge encoder: MLP(nfeat_edge, nhid, 1)
        e = jax.nn.relu(_bn(edge_attr @ W_e[i] + b_e[i], g_e[i], bt_e[i]))
        # GINEConv: aggregate relu(x_src + edge_attr) via scatter-add to dst
        msg = jax.nn.relu(h[src] + e)
        agg = jax.ops.segment_sum(msg, dst, num_segments=N_NODES)
        h2 = ((1.0 + eps[i]) * h + agg) @ W_c[i]  # bias=False since bn=True
        h2 = jax.nn.relu(_bn(h2, g_n[i], bt_n[i]))
        # dropout=0 -> identity; residual
        h = h2 + prev
        prev = h
    # pooling='add': scatter-add over graph ids
    pooled = jax.ops.segment_sum(h, batch, num_segments=NGRAPH)
    # output encoder: MLP nlayer=2, with_norm=True, no final activation
    o = jax.nn.relu(_bn(pooled @ W1 + b1, g1, bt1))
    out = _bn(o @ W2 + b2, g2, bt2)
    return out

if __name__ == "__main__":
    import jax
    _d = setup_inputs()
    print(jax.jit(kernel)(*tuple(_d.values())))

</pallas_src>

<mosaic_0001>
#map = affine_map<(d0, d1) -> (0, 0, 0)>
#map1 = affine_map<(d0, d1) -> (0)>
module attributes {stable_mosaic.version = 14 : i64} {
  func.func @_mp_body(%arg0: i32, %arg1: i32, %arg2: memref<32x4x10112xf32, #tpu.memory_space<hbm>>, %arg3: memref<32x4x327680xf32, #tpu.memory_space<hbm>>, %arg4: memref<327680xi32, #tpu.memory_space<hbm>>, %arg5: memref<327680xi32, #tpu.memory_space<hbm>>, %arg6: memref<32x4x10112xf32, #tpu.memory_space<hbm>>, %arg7: memref<4x10112xf32, #tpu.memory_space<vmem>>, %arg8: memref<4x10112xf32, #tpu.memory_space<vmem>>, %arg9: memref<4x2048xf32, #tpu.memory_space<vmem>>, %arg10: memref<2048xi32, #tpu.memory_space<vmem>>, %arg11: memref<2048xi32, #tpu.memory_space<vmem>>) attributes {dimension_semantics = [#tpu.dimension_semantics<core_parallel>, #tpu.dimension_semantics<subcore_parallel>], iteration_bounds = array<i64: 2, 16>, scalar_prefetch = 0 : i64, scratch_operands = 5 : i64, tpu.core_type = #tpu.core_type<sc_vector_subcore>, window_params = [{transform_indices = #map}, {transform_indices = #map}, {transform_indices = #map1}, {transform_indices = #map1}, {transform_indices = #map}]} {
    %mul3A = arith.constant 2 : i32
    %mul3A_0 = arith.muli %arg1, %mul3A : i32
    %add3A = arith.addi %mul3A_0, %arg0 : i32
    "tpu.region"() ({
      %run_scoped3A = tpu.sem_alloc : memref<!tpu.dma_semaphore, #tpu.memory_space<semaphore_mem>>
      %dma_start3A = arith.constant 0 : i32
      %dma_start3A_19 = arith.constant 0 : i32
      %dma_start3A_20 = tpu.memref_slice %arg2[%add3A, %dma_start3A, %dma_start3A_19] : memref<32x4x10112xf32, #tpu.memory_space<hbm>> -> memref<1x4x10112xf32, #tpu.memory_space<hbm>>
      %dma_start3A_21 = tpu.memref_squeeze %dma_start3A_20 : memref<1x4x10112xf32, #tpu.memory_space<hbm>> -> memref<4x10112xf32, #tpu.memory_space<hbm>>
      %dma_start3A_22 = arith.constant 0 : i32
      %dma_start3A_23 = arith.constant 0 : i32
      %dma_start3A_24 = tpu.memref_slice %arg2[%add3A, %dma_start3A_22, %dma_start3A_23] : memref<32x4x10112xf32, #tpu.memory_space<hbm>> -> memref<1x4x10112xf32, #tpu.memory_space<hbm>>
      %dma_start3A_25 = tpu.memref_squeeze %dma_start3A_24 : memref<1x4x10112xf32, #tpu.memory_space<hbm>> -> memref<4x10112xf32, #tpu.memory_space<hbm>>
      tpu.enqueue_dma source(%dma_start3A_25 : memref<4x10112xf32, #tpu.memory_space<hbm>>) target(%arg7 : memref<4x10112xf32, #tpu.memory_space<vmem>>) target_semaphore(%run_scoped3A : memref<!tpu.dma_semaphore, #tpu.memory_space<semaphore_mem>>)
      %dma_wait3A = arith.constant 0 : i32
      %dma_wait3A_26 = arith.constant 0 : i32
      %dma_wait3A_27 = tpu.memref_slice %arg2[%add3A, %dma_wait3A, %dma_wait3A_26] : memref<32x4x10112xf32, #tpu.memory_space<hbm>> -> memref<1x4x10112xf32, #tpu.memory_space<hbm>>
      %dma_wait3A_28 = tpu.memref_squeeze %dma_wait3A_27 : memref<1x4x10112xf32, #tpu.memory_space<hbm>> -> memref<4x10112xf32, #tpu.memory_space<hbm>>
      %dma_wait3A_29 = arith.constant 0 : i32
      %dma_wait3A_30 = arith.constant 0 : i32
      %dma_wait3A_31 = tpu.memref_slice %arg2[%add3A, %dma_wait3A_29, %dma_wait3A_30] : memref<32x4x10112xf32, #tpu.memory_space<hbm>> -> memref<1x4x10112xf32, #tpu.memory_space<hbm>>
      %dma_wait3A_32 = tpu.memref_squeeze %dma_wait3A_31 : memref<1x4x10112xf32, #tpu.memory_space<hbm>> -> memref<4x10112xf32, #tpu.memory_space<hbm>>
      tpu.wait_dma2 semaphore(%run_scoped3A : memref<!tpu.dma_semaphore, #tpu.memory_space<semaphore_mem>>) src(%dma_wait3A_32 : memref<4x10112xf32, #tpu.memory_space<hbm>>) dst(%arg7 : memref<4x10112xf32, #tpu.memory_space<vmem>>)
      tpu.yield
    }) : () -> ()
    %scan3A = arith.constant 0 : i32
    %scan3A_1 = arith.constant 0 : i32
    %scan3A_2 = arith.constant 632 : i32
    %scan3A_3 = arith.addi %scan3A_1, %scan3A_2 : i32
    %scan3A_4 = arith.constant 1 : i32
    scf.for %scan3A_19 = %scan3A_1 to %scan3A_3 step %scan3A_4  : i32 {
      %broadcast_in_dim3A_20 = arith.constant 0.000000e+00 : f32
      %broadcast_in_dim3A_21 = vector.broadcast %broadcast_in_dim3A_20 : f32 to vector<16xf32>
      %mul3A_22 = arith.constant 16 : i32
      %mul3A_23 = arith.muli %scan3A_19, %mul3A_22 : i32
      %swap3A = arith.constant 0 : i32
      %swap3A_24 = arith.index_cast %swap3A : i32 to index
      %swap3A_25 = arith.index_cast %mul3A_23 : i32 to index
      %swap3A_26 = tpu.vector_load %arg8[%swap3A_24, %swap3A_25] {strides = array<i32>} : memref<4x10112xf32, #tpu.memory_space<vmem>>, vector<16xf32>,
      tpu.vector_store %arg8[%swap3A_24, %swap3A_25], %broadcast_in_dim3A_21 {strides = array<i32>} : memref<4x10112xf32, #tpu.memory_space<vmem>>, vector<16xf32>,
      %broadcast_in_dim3A_27 = arith.constant 0.000000e+00 : f32
      %broadcast_in_dim3A_28 = vector.broadcast %broadcast_in_dim3A_27 : f32 to vector<16xf32>
      %mul3A_29 = arith.constant 16 : i32
      %mul3A_30 = arith.muli %scan3A_19, %mul3A_29 : i32
      %swap3A_31 = arith.constant 1 : i32
      %swap3A_32 = arith.index_cast %swap3A_31 : i32 to index
      %swap3A_33 = arith.index_cast %mul3A_30 : i32 to index
      %swap3A_34 = tpu.vector_load %arg8[%swap3A_32, %swap3A_33] {strides = array<i32>} : memref<4x10112xf32, #tpu.memory_space<vmem>>, vector<16xf32>,
      tpu.vector_store %arg8[%swap3A_32, %swap3A_33], %broadcast_in_dim3A_28 {strides = array<i32>} : memref<4x10112xf32, #tpu.memory_space<vmem>>, vector<16xf32>,
      %broadcast_in_dim3A_35 = arith.constant 0.000000e+00 : f32
      %broadcast_in_dim3A_36 = vector.broadcast %broadcast_in_dim3A_35 : f32 to vector<16xf32>
      %mul3A_37 = arith.constant 16 : i32
      %mul3A_38 = arith.muli %scan3A_19, %mul3A_37 : i32
      %swap3A_39 = arith.constant 2 : i32
      %swap3A_40 = arith.index_cast %swap3A_39 : i32 to index
      %swap3A_41 = arith.index_cast %mul3A_38 : i32 to index
      %swap3A_42 = tpu.vector_load %arg8[%swap3A_40, %swap3A_41] {strides = array<i32>} : memref<4x10112xf32, #tpu.memory_space<vmem>>, vector<16xf32>,
      tpu.vector_store %arg8[%swap3A_40, %swap3A_41], %broadcast_in_dim3A_36 {strides = array<i32>} : memref<4x10112xf32, #tpu.memory_space<vmem>>, vector<16xf32>,
      %broadcast_in_dim3A_43 = arith.constant 0.000000e+00 : f32
      %broadcast_in_dim3A_44 = vector.broadcast %broadcast_in_dim3A_43 : f32 to vector<16xf32>
      %mul3A_45 = arith.constant 16 : i32
      %mul3A_46 = arith.muli %scan3A_19, %mul3A_45 : i32
      %swap3A_47 = arith.constant 3 : i32
      %swap3A_48 = arith.index_cast %swap3A_47 : i32 to index
      %swap3A_49 = arith.index_cast %mul3A_46 : i32 to index
      %swap3A_50 = tpu.vector_load %arg8[%swap3A_48, %swap3A_49] {strides = array<i32>} : memref<4x10112xf32, #tpu.memory_space<vmem>>, vector<16xf32>,
      tpu.vector_store %arg8[%swap3A_48, %swap3A_49], %broadcast_in_dim3A_44 {strides = array<i32>} : memref<4x10112xf32, #tpu.memory_space<vmem>>, vector<16xf32>,
    }
    %scan3A_5 = arith.constant 632 : i32
    %broadcast_in_dim3A = arith.constant 0 : i32
    %broadcast_in_dim3A_6 = vector.broadcast %broadcast_in_dim3A : i32 to vector<16xi32>
    %broadcast_in_dim3A_7 = arith.constant 1 : i32
    %broadcast_in_dim3A_8 = vector.broadcast %broadcast_in_dim3A_7 : i32 to vector<16xi32>
    %broadcast_in_dim3A_9 = arith.constant 2 : i32
    %broadcast_in_dim3A_10 = vector.broadcast %broadcast_in_dim3A_9 : i32 to vector<16xi32>
    %broadcast_in_dim3A_11 = arith.constant 3 : i32
    %broadcast_in_dim3A_12 = vector.broadcast %broadcast_in_dim3A_11 : i32 to vector<16xi32>
    %scan3A_13 = arith.constant 0 : i32
    %scan3A_14 = arith.constant 0 : i32
    %scan3A_15 = arith.constant 160 : i32
    %scan3A_16 = arith.addi %scan3A_14, %scan3A_15 : i32
    %scan3A_17 = arith.constant 1 : i32
    scf.for %scan3A_19 = %scan3A_14 to %scan3A_16 step %scan3A_17  : i32 {
      %mul3A_20 = arith.constant 2048 : i32
      %mul3A_21 = arith.muli %scan3A_19, %mul3A_20 : i32
      "tpu.region"() ({
        %run_scoped3A = tpu.sem_alloc : memref<!tpu.dma_semaphore, #tpu.memory_space<semaphore_mem>>
        %dma_start3A = tpu.memref_slice %arg4[%mul3A_21] : memref<327680xi32, #tpu.memory_space<hbm>> -> memref<2048xi32, #tpu.memory_space<hbm>>
        %dma_start3A_32 = tpu.memref_slice %arg4[%mul3A_21] : memref<327680xi32, #tpu.memory_space<hbm>> -> memref<2048xi32, #tpu.memory_space<hbm>>
        tpu.enqueue_dma source(%dma_start3A_32 : memref<2048xi32, #tpu.memory_space<hbm>>) target(%arg10 : memref<2048xi32, #tpu.memory_space<vmem>>) target_semaphore(%run_scoped3A : memref<!tpu.dma_semaphore, #tpu.memory_space<semaphore_mem>>)
        %dma_wait3A = tpu.memref_slice %arg4[%mul3A_21] : memref<327680xi32, #tpu.memory_space<hbm>> -> memref<2048xi32, #tpu.memory_space<hbm>>
        %dma_wait3A_33 = tpu.memref_slice %arg4[%mul3A_21] : memref<327680xi32, #tpu.memory_space<hbm>> -> memref<2048xi32, #tpu.memory_space<hbm>>
        tpu.wait_dma2 semaphore(%run_scoped3A : memref<!tpu.dma_semaphore, #tpu.memory_space<semaphore_mem>>) src(%dma_wait3A_33 : memref<2048xi32, #tpu.memory_space<hbm>>) dst(%arg10 : memref<2048xi32, #tpu.memory_space<vmem>>)
        tpu.yield
      }) : () -> ()
      %mul3A_22 = arith.constant 2048 : i32
      %mul3A_23 = arith.muli %scan3A_19, %mul3A_22 : i32
      "tpu.region"() ({
        %run_scoped3A = tpu.sem_alloc : memref<!tpu.dma_semaphore, #tpu.memory_space<semaphore_mem>>
        %dma_start3A = tpu.memref_slice %arg5[%mul3A_23] : memref<327680xi32, #tpu.memory_space<hbm>> -> memref<2048xi32, #tpu.memory_space<hbm>>
        %dma_start3A_32 = tpu.memref_slice %arg5[%mul3A_23] : memref<327680xi32, #tpu.memory_space<hbm>> -> memref<2048xi32, #tpu.memory_space<hbm>>
        tpu.enqueue_dma source(%dma_start3A_32 : memref<2048xi32, #tpu.memory_space<hbm>>) target(%arg11 : memref<2048xi32, #tpu.memory_space<vmem>>) target_semaphore(%run_scoped3A : memref<!tpu.dma_semaphore, #tpu.memory_space<semaphore_mem>>)
        %dma_wait3A = tpu.memref_slice %arg5[%mul3A_23] : memref<327680xi32, #tpu.memory_space<hbm>> -> memref<2048xi32, #tpu.memory_space<hbm>>
        %dma_wait3A_33 = tpu.memref_slice %arg5[%mul3A_23] : memref<327680xi32, #tpu.memory_space<hbm>> -> memref<2048xi32, #tpu.memory_space<hbm>>
        tpu.wait_dma2 semaphore(%run_scoped3A : memref<!tpu.dma_semaphore, #tpu.memory_space<semaphore_mem>>) src(%dma_wait3A_33 : memref<2048xi32, #tpu.memory_space<hbm>>) dst(%arg11 : memref<2048xi32, #tpu.memory_space<vmem>>)
        tpu.yield
      }) : () -> ()
      %mul3A_24 = arith.constant 2048 : i32
      %mul3A_25 = arith.muli %scan3A_19, %mul3A_24 : i32
      "tpu.region"() ({
        %run_scoped3A = tpu.sem_alloc : memref<!tpu.dma_semaphore, #tpu.memory_space<semaphore_mem>>
        %dma_start3A = arith.constant 0 : i32
        %dma_start3A_32 = tpu.memref_slice %arg3[%add3A, %dma_start3A, %mul3A_25] : memref<32x4x327680xf32, #tpu.memory_space<hbm>> -> memref<1x4x2048xf32, #tpu.memory_space<hbm>>
        %dma_start3A_33 = tpu.memref_squeeze %dma_start3A_32 : memref<1x4x2048xf32, #tpu.memory_space<hbm>> -> memref<4x2048xf32, #tpu.memory_space<hbm>>
        %dma_start3A_34 = arith.constant 0 : i32
        %dma_start3A_35 = tpu.memref_slice %arg3[%add3A, %dma_start3A_34, %mul3A_25] : memref<32x4x327680xf32, #tpu.memory_space<hbm>> -> memref<1x4x2048xf32, #tpu.memory_space<hbm>>
        %dma_start3A_36 = tpu.memref_squeeze %dma_start3A_35 : memref<1x4x2048xf32, #tpu.memory_space<hbm>> -> memref<4x2048xf32, #tpu.memory_space<hbm>>
        tpu.enqueue_dma source(%dma_start3A_36 : memref<4x2048xf32, #tpu.memory_space<hbm>>) target(%arg9 : memref<4x2048xf32, #tpu.memory_space<vmem>>) target_semaphore(%run_scoped3A : memref<!tpu.dma_semaphore, #tpu.memory_space<semaphore_mem>>)
        %dma_wait3A = arith.constant 0 : i32
        %dma_wait3A_37 = tpu.memref_slice %arg3[%add3A, %dma_wait3A, %mul3A_25] : memref<32x4x327680xf32, #tpu.memory_space<hbm>> -> memref<1x4x2048xf32, #tpu.memory_space<hbm>>
        %dma_wait3A_38 = tpu.memref_squeeze %dma_wait3A_37 : memref<1x4x2048xf32, #tpu.memory_space<hbm>> -> memref<4x2048xf32, #tpu.memory_space<hbm>>
        %dma_wait3A_39 = arith.constant 0 : i32
        %dma_wait3A_40 = tpu.memref_slice %arg3[%add3A, %dma_wait3A_39, %mul3A_25] : memref<32x4x327680xf32, #tpu.memory_space<hbm>> -> memref<1x4x2048xf32, #tpu.memory_space<hbm>>
        %dma_wait3A_41 = tpu.memref_squeeze %dma_wait3A_40 : memref<1x4x2048xf32, #tpu.memory_space<hbm>> -> memref<4x2048xf32, #tpu.memory_space<hbm>>
        tpu.wait_dma2 semaphore(%run_scoped3A : memref<!tpu.dma_semaphore, #tpu.memory_space<semaphore_mem>>) src(%dma_wait3A_41 : memref<4x2048xf32, #tpu.memory_space<hbm>>) dst(%arg9 : memref<4x2048xf32, #tpu.memory_space<vmem>>)
        tpu.yield
      }) : () -> ()
      %scan3A_26 = arith.constant 0 : i32
      %scan3A_27 = arith.constant 0 : i32
      %scan3A_28 = arith.constant 16 : i32
      %scan3A_29 = arith.addi %scan3A_27, %scan3A_28 : i32
      %scan3A_30 = arith.constant 1 : i32
      scf.for %scan3A_32 = %scan3A_27 to %scan3A_29 step %scan3A_30  : i32 {
        %mul3A_33 = arith.constant 8 : i32
        %mul3A_34 = arith.muli %scan3A_32, %mul3A_33 : i32
        %add3A_35 = arith.constant 0 : i32
        %add3A_36 = arith.addi %mul3A_34, %add3A_35 : i32
        %mul3A_37 = arith.constant 16 : i32
        %mul3A_38 = arith.muli %add3A_36, %mul3A_37 : i32
        %get3A = arith.index_cast %mul3A_38 : i32 to index
        %get3A_39 = tpu.vector_load %arg10[%get3A] {strides = array<i32>} : memref<2048xi32, #tpu.memory_space<vmem>>, vector<16xi32>,
        %get3A_40 = arith.index_cast %mul3A_38 : i32 to index
        %get3A_41 = tpu.vector_load %arg11[%get3A_40] {strides = array<i32>} : memref<2048xi32, #tpu.memory_space<vmem>>, vector<16xi32>,
        %gather3A = tpu.vector_load_idx %arg7[%broadcast_in_dim3A_6, %get3A_39] : memref<4x10112xf32, #tpu.memory_space<vmem>>[vector<16xi32>, vector<16xi32>], vector<16xf32>,
        %get3A_42 = arith.constant 0 : i32
        %get3A_43 = arith.index_cast %get3A_42 : i32 to index
        %get3A_44 = arith.index_cast %mul3A_38 : i32 to index
        %get3A_45 = tpu.vector_load %arg9[%get3A_43, %get3A_44] {strides = array<i32>} : memref<4x2048xf32, #tpu.memory_space<vmem>>, vector<16xf32>,
        %add3A_46 = arith.addf %gather3A, %get3A_45 : vector<16xf32>
        %max3A = arith.constant 0.000000e+00 : f32
        %max3A_47 = vector.broadcast %max3A : f32 to vector<16xf32>
        %max3A_48 = arith.maximumf %add3A_46, %max3A_47 : vector<16xf32>
        tpu.vector_store_idx %arg8[%broadcast_in_dim3A_6, %get3A_41], %max3A_48 {add = true} : memref<4x10112xf32, #tpu.memory_space<vmem>>[vector<16xi32>, vector<16xi32>], vector<16xf32>,
        %gather3A_49 = tpu.vector_load_idx %arg7[%broadcast_in_dim3A_8, %get3A_39] : memref<4x10112xf32, #tpu.memory_space<vmem>>[vector<16xi32>, vector<16xi32>], vector<16xf32>,
        %get3A_50 = arith.constant 1 : i32
        %get3A_51 = arith.index_cast %get3A_50 : i32 to index
        %get3A_52 = arith.index_cast %mul3A_38 : i32 to index
        %get3A_53 = tpu.vector_load %arg9[%get3A_51, %get3A_52] {strides = array<i32>} : memref<4x2048xf32, #tpu.memory_space<vmem>>, vector<16xf32>,
        %add3A_54 = arith.addf %gather3A_49, %get3A_53 : vector<16xf32>
        %max3A_55 = arith.constant 0.000000e+00 : f32
        %max3A_56 = vector.broadcast %max3A_55 : f32 to vector<16xf32>
        %max3A_57 = arith.maximumf %add3A_54, %max3A_56 : vector<16xf32>
        tpu.vector_store_idx %arg8[%broadcast_in_dim3A_8, %get3A_41], %max3A_57 {add = true} : memref<4x10112xf32, #tpu.memory_space<vmem>>[vector<16xi32>, vector<16xi32>], vector<16xf32>,
        %gather3A_58 = tpu.vector_load_idx %arg7[%broadcast_in_dim3A_10, %get3A_39] : memref<4x10112xf32, #tpu.memory_space<vmem>>[vector<16xi32>, vector<16xi32>], vector<16xf32>,
        %get3A_59 = arith.constant 2 : i32
        %get3A_60 = arith.index_cast %get3A_59 : i32 to index
        %get3A_61 = arith.index_cast %mul3A_38 : i32 to index
        %get3A_62 = tpu.vector_load %arg9[%get3A_60, %get3A_61] {strides = array<i32>} : memref<4x2048xf32, #tpu.memory_space<vmem>>, vector<16xf32>,
        %add3A_63 = arith.addf %gather3A_58, %get3A_62 : vector<16xf32>
        %max3A_64 = arith.constant 0.000000e+00 : f32
        %max3A_65 = vector.broadcast %max3A_64 : f32 to vector<16xf32>
        %max3A_66 = arith.maximumf %add3A_63, %max3A_65 : vector<16xf32>
        tpu.vector_store_idx %arg8[%broadcast_in_dim3A_10, %get3A_41], %max3A_66 {add = true} : memref<4x10112xf32, #tpu.memory_space<vmem>>[vector<16xi32>, vector<16xi32>], vector<16xf32>,
        %gather3A_67 = tpu.vector_load_idx %arg7[%broadcast_in_dim3A_12, %get3A_39] : memref<4x10112xf32, #tpu.memory_space<vmem>>[vector<16xi32>, vector<16xi32>], vector<16xf32>,
        %get3A_68 = arith.constant 3 : i32
        %get3A_69 = arith.index_cast %get3A_68 : i32 to index
        %get3A_70 = arith.index_cast %mul3A_38 : i32 to index
        %get3A_71 = tpu.vector_load %arg9[%get3A_69, %get3A_70] {strides = array<i32>} : memref<4x2048xf32, #tpu.memory_space<vmem>>, vector<16xf32>,
        %add3A_72 = arith.addf %gather3A_67, %get3A_71 : vector<16xf32>
        %max3A_73 = arith.constant 0.000000e+00 : f32
        %max3A_74 = vector.broadcast %max3A_73 : f32 to vector<16xf32>
        %max3A_75 = arith.maximumf %add3A_72, %max3A_74 : vector<16xf32>
        tpu.vector_store_idx %arg8[%broadcast_in_dim3A_12, %get3A_41], %max3A_75 {add = true} : memref<4x10112xf32, #tpu.memory_space<vmem>>[vector<16xi32>, vector<16xi32>], vector<16xf32>,
        %mul3A_76 = arith.constant 8 : i32
        %mul3A_77 = arith.muli %scan3A_32, %mul3A_76 : i32
        %add3A_78 = arith.constant 1 : i32
        %add3A_79 = arith.addi %mul3A_77, %add3A_78 : i32
        %mul3A_80 = arith.constant 16 : i32
        %mul3A_81 = arith.muli %add3A_79, %mul3A_80 : i32
        %get3A_82 = arith.index_cast %mul3A_81 : i32 to index
        %get3A_83 = tpu.vector_load %arg10[%get3A_82] {strides = array<i32>} : memref<2048xi32, #tpu.memory_space<vmem>>, vector<16xi32>,
        %get3A_84 = arith.index_cast %mul3A_81 : i32 to index
        %get3A_85 = tpu.vector_load %arg11[%get3A_84] {strides = array<i32>} : memref<2048xi32, #tpu.memory_space<vmem>>, vector<16xi32>,
        %gather3A_86 = tpu.vector_load_idx %arg7[%broadcast_in_dim3A_6, %get3A_83] : memref<4x10112xf32, #tpu.memory_space<vmem>>[vector<16xi32>, vector<16xi32>], vector<16xf32>,
        %get3A_87 = arith.constant 0 : i32
        %get3A_88 = arith.index_cast %get3A_87 : i32 to index
        %get3A_89 = arith.index_cast %mul3A_81 : i32 to index
        %get3A_90 = tpu.vector_load %arg9[%get3A_88, %get3A_89] {strides = array<i32>} : memref<4x2048xf32, #tpu.memory_space<vmem>>, vector<16xf32>,
        %add3A_91 = arith.addf %gather3A_86, %get3A_90 : vector<16xf32>
        %max3A_92 = arith.constant 0.000000e+00 : f32
        %max3A_93 = vector.broadcast %max3A_92 : f32 to vector<16xf32>
        %max3A_94 = arith.maximumf %add3A_91, %max3A_93 : vector<16xf32>
        tpu.vector_store_idx %arg8[%broadcast_in_dim3A_6, %get3A_85], %max3A_94 {add = true} : memref<4x10112xf32, #tpu.memory_space<vmem>>[vector<16xi32>, vector<16xi32>], vector<16xf32>,
        %gather3A_95 = tpu.vector_load_idx %arg7[%broadcast_in_dim3A_8, %get3A_83] : memref<4x10112xf32, #tpu.memory_space<vmem>>[vector<16xi32>, vector<16xi32>], vector<16xf32>,
        %get3A_96 = arith.constant 1 : i32
        %get3A_97 = arith.index_cast %get3A_96 : i32 to index
        %get3A_98 = arith.index_cast %mul3A_81 : i32 to index
        %get3A_99 = tpu.vector_load %arg9[%get3A_97, %get3A_98] {strides = array<i32>} : memref<4x2048xf32, #tpu.memory_space<vmem>>, vector<16xf32>,
        %add3A_100 = arith.addf %gather3A_95, %get3A_99 : vector<16xf32>
        %max3A_101 = arith.constant 0.000000e+00 : f32
        %max3A_102 = vector.broadcast %max3A_101 : f32 to vector<16xf32>
        %max3A_103 = arith.maximumf %add3A_100, %max3A_102 : vector<16xf32>
        tpu.vector_store_idx %arg8[%broadcast_in_dim3A_8, %get3A_85], %max3A_103 {add = true} : memref<4x10112xf32, #tpu.memory_space<vmem>>[vector<16xi32>, vector<16xi32>], vector<16xf32>,
        %gather3A_104 = tpu.vector_load_idx %arg7[%broadcast_in_dim3A_10, %get3A_83] : memref<4x10112xf32, #tpu.memory_space<vmem>>[vector<16xi32>, vector<16xi32>], vector<16xf32>,
        %get3A_105 = arith.constant 2 : i32
        %get3A_106 = arith.index_cast %get3A_105 : i32 to index
        %get3A_107 = arith.index_cast %mul3A_81 : i32 to index
        %get3A_108 = tpu.vector_load %arg9[%get3A_106, %get3A_107] {strides = array<i32>} : memref<4x2048xf32, #tpu.memory_space<vmem>>, vector<16xf32>,
        %add3A_109 = arith.addf %gather3A_104, %get3A_108 : vector<16xf32>
        %max3A_110 = arith.constant 0.000000e+00 : f32
        %max3A_111 = vector.broadcast %max3A_110 : f32 to vector<16xf32>
        %max3A_112 = arith.maximumf %add3A_109, %max3A_111 : vector<16xf32>
        tpu.vector_store_idx %arg8[%broadcast_in_dim3A_10, %get3A_85], %max3A_112 {add = true} : memref<4x10112xf32, #tpu.memory_space<vmem>>[vector<16xi32>, vector<16xi32>], vector<16xf32>,
        %gather3A_113 = tpu.vector_load_idx %arg7[%broadcast_in_dim3A_12, %get3A_83] : memref<4x10112xf32, #tpu.memory_space<vmem>>[vector<16xi32>, vector<16xi32>], vector<16xf32>,
        %get3A_114 = arith.constant 3 : i32
        %get3A_115 = arith.index_cast %get3A_114 : i32 to index
        %get3A_116 = arith.index_cast %mul3A_81 : i32 to index
        %get3A_117 = tpu.vector_load %arg9[%get3A_115, %get3A_116] {strides = array<i32>} : memref<4x2048xf32, #tpu.memory_space<vmem>>, vector<16xf32>,
        %add3A_118 = arith.addf %gather3A_113, %get3A_117 : vector<16xf32>
        %max3A_119 = arith.constant 0.000000e+00 : f32
        %max3A_120 = vector.broadcast %max3A_119 : f32 to vector<16xf32>
        %max3A_121 = arith.maximumf %add3A_118, %max3A_120 : vector<16xf32>
        tpu.vector_store_idx %arg8[%broadcast_in_dim3A_12, %get3A_85], %max3A_121 {add = true} : memref<4x10112xf32, #tpu.memory_space<vmem>>[vector<16xi32>, vector<16xi32>], vector<16xf32>,
        %mul3A_122 = arith.constant 8 : i32
        %mul3A_123 = arith.muli %scan3A_32, %mul3A_122 : i32
        %add3A_124 = arith.constant 2 : i32
        %add3A_125 = arith.addi %mul3A_123, %add3A_124 : i32
        %mul3A_126 = arith.constant 16 : i32
        %mul3A_127 = arith.muli %add3A_125, %mul3A_126 : i32
        %get3A_128 = arith.index_cast %mul3A_127 : i32 to index
        %get3A_129 = tpu.vector_load %arg10[%get3A_128] {strides = array<i32>} : memref<2048xi32, #tpu.memory_space<vmem>>, vector<16xi32>,
        %get3A_130 = arith.index_cast %mul3A_127 : i32 to index
        %get3A_131 = tpu.vector_load %arg11[%get3A_130] {strides = array<i32>} : memref<2048xi32, #tpu.memory_space<vmem>>, vector<16xi32>,
        %gather3A_132 = tpu.vector_load_idx %arg7[%broadcast_in_dim3A_6, %get3A_129] : memref<4x10112xf32, #tpu.memory_space<vmem>>[vector<16xi32>, vector<16xi32>], vector<16xf32>,
        %get3A_133 = arith.constant 0 : i32
        %get3A_134 = arith.index_cast %get3A_133 : i32 to index
        %get3A_135 = arith.index_cast %mul3A_127 : i32 to index
        %get3A_136 = tpu.vector_load %arg9[%get3A_134, %get3A_135] {strides = array<i32>} : memref<4x2048xf32, #tpu.memory_space<vmem>>, vector<16xf32>,
        %add3A_137 = arith.addf %gather3A_132, %get3A_136 : vector<16xf32>
        %max3A_138 = arith.constant 0.000000e+00 : f32
        %max3A_139 = vector.broadcast %max3A_138 : f32 to vector<16xf32>
        %max3A_140 = arith.maximumf %add3A_137, %max3A_139 : vector<16xf32>
        tpu.vector_store_idx %arg8[%broadcast_in_dim3A_6, %get3A_131], %max3A_140 {add = true} : memref<4x10112xf32, #tpu.memory_space<vmem>>[vector<16xi32>, vector<16xi32>], vector<16xf32>,
        %gather3A_141 = tpu.vector_load_idx %arg7[%broadcast_in_dim3A_8, %get3A_129] : memref<4x10112xf32, #tpu.memory_space<vmem>>[vector<16xi32>, vector<16xi32>], vector<16xf32>,
        %get3A_142 = arith.constant 1 : i32
        %get3A_143 = arith.index_cast %get3A_142 : i32 to index
        %get3A_144 = arith.index_cast %mul3A_127 : i32 to index
        %get3A_145 = tpu.vector_load %arg9[%get3A_143, %get3A_144] {strides = array<i32>} : memref<4x2048xf32, #tpu.memory_space<vmem>>, vector<16xf32>,
        %add3A_146 = arith.addf %gather3A_141, %get3A_145 : vector<16xf32>
        %max3A_147 = arith.constant 0.000000e+00 : f32
        %max3A_148 = vector.broadcast %max3A_147 : f32 to vector<16xf32>
        %max3A_149 = arith.maximumf %add3A_146, %max3A_148 : vector<16xf32>
        tpu.vector_store_idx %arg8[%broadcast_in_dim3A_8, %get3A_131], %max3A_149 {add = true} : memref<4x10112xf32, #tpu.memory_space<vmem>>[vector<16xi32>, vector<16xi32>], vector<16xf32>,
        %gather3A_150 = tpu.vector_load_idx %arg7[%broadcast_in_dim3A_10, %get3A_129] : memref<4x10112xf32, #tpu.memory_space<vmem>>[vector<16xi32>, vector<16xi32>], vector<16xf32>,
        %get3A_151 = arith.constant 2 : i32
        %get3A_152 = arith.index_cast %get3A_151 : i32 to index
        %get3A_153 = arith.index_cast %mul3A_127 : i32 to index
        %get3A_154 = tpu.vector_load %arg9[%get3A_152, %get3A_153] {strides = array<i32>} : memref<4x2048xf32, #tpu.memory_space<vmem>>, vector<16xf32>,
        %add3A_155 = arith.addf %gather3A_150, %get3A_154 : vector<16xf32>
        %max3A_156 = arith.constant 0.000000e+00 : f32
        %max3A_157 = vector.broadcast %max3A_156 : f32 to vector<16xf32>
        %max3A_158 = arith.maximumf %add3A_155, %max3A_157 : vector<16xf32>
        tpu.vector_store_idx %arg8[%broadcast_in_dim3A_10, %get3A_131], %max3A_158 {add = true} : memref<4x10112xf32, #tpu.memory_space<vmem>>[vector<16xi32>, vector<16xi32>], vector<16xf32>,
        %gather3A_159 = tpu.vector_load_idx %arg7[%broadcast_in_dim3A_12, %get3A_129] : memref<4x10112xf32, #tpu.memory_space<vmem>>[vector<16xi32>, vector<16xi32>], vector<16xf32>,
        %get3A_160 = arith.constant 3 : i32
        %get3A_161 = arith.index_cast %get3A_160 : i32 to index
        %get3A_162 = arith.index_cast %mul3A_127 : i32 to index
        %get3A_163 = tpu.vector_load %arg9[%get3A_161, %get3A_162] {strides = array<i32>} : memref<4x2048xf32, #tpu.memory_space<vmem>>, vector<16xf32>,
        %add3A_164 = arith.addf %gather3A_159, %get3A_163 : vector<16xf32>
        %max3A_165 = arith.constant 0.000000e+00 : f32
        %max3A_166 = vector.broadcast %max3A_165 : f32 to vector<16xf32>
        %max3A_167 = arith.maximumf %add3A_164, %max3A_166 : vector<16xf32>
        tpu.vector_store_idx %arg8[%broadcast_in_dim3A_12, %get3A_131], %max3A_167 {add = true} : memref<4x10112xf32, #tpu.memory_space<vmem>>[vector<16xi32>, vector<16xi32>], vector<16xf32>,
        %mul3A_168 = arith.constant 8 : i32
        %mul3A_169 = arith.muli %scan3A_32, %mul3A_168 : i32
        %add3A_170 = arith.constant 3 : i32
        %add3A_171 = arith.addi %mul3A_169, %add3A_170 : i32
        %mul3A_172 = arith.constant 16 : i32
        %mul3A_173 = arith.muli %add3A_171, %mul3A_172 : i32
        %get3A_174 = arith.index_cast %mul3A_173 : i32 to index
        %get3A_175 = tpu.vector_load %arg10[%get3A_174] {strides = array<i32>} : memref<2048xi32, #tpu.memory_space<vmem>>, vector<16xi32>,
        %get3A_176 = arith.index_cast %mul3A_173 : i32 to index
        %get3A_177 = tpu.vector_load %arg11[%get3A_176] {strides = array<i32>} : memref<2048xi32, #tpu.memory_space<vmem>>, vector<16xi32>,
        %gather3A_178 = tpu.vector_load_idx %arg7[%broadcast_in_dim3A_6, %get3A_175] : memref<4x10112xf32, #tpu.memory_space<vmem>>[vector<16xi32>, vector<16xi32>], vector<16xf32>,
        %get3A_179 = arith.constant 0 : i32
        %get3A_180 = arith.index_cast %get3A_179 : i32 to index
        %get3A_181 = arith.index_cast %mul3A_173 : i32 to index
        %get3A_182 = tpu.vector_load %arg9[%get3A_180, %get3A_181] {strides = array<i32>} : memref<4x2048xf32, #tpu.memory_space<vmem>>, vector<16xf32>,
        %add3A_183 = arith.addf %gather3A_178, %get3A_182 : vector<16xf32>
        %max3A_184 = arith.constant 0.000000e+00 : f32
        %max3A_185 = vector.broadcast %max3A_184 : f32 to vector<16xf32>
        %max3A_186 = arith.maximumf %add3A_183, %max3A_185 : vector<16xf32>
        tpu.vector_store_idx %arg8[%broadcast_in_dim3A_6, %get3A_177], %max3A_186 {add = true} : memref<4x10112xf32, #tpu.memory_space<vmem>>[vector<16xi32>, vector<16xi32>], vector<16xf32>,
        %gather3A_187 = tpu.vector_load_idx %arg7[%broadcast_in_dim3A_8, %get3A_175] : memref<4x10112xf32, #tpu.memory_space<vmem>>[vector<16xi32>, vector<16xi32>], vector<16xf32>,
        %get3A_188 = arith.constant 1 : i32
        %get3A_189 = arith.index_cast %get3A_188 : i32 to index
        %get3A_190 = arith.index_cast %mul3A_173 : i32 to index
        %get3A_191 = tpu.vector_load %arg9[%get3A_189, %get3A_190] {strides = array<i32>} : memref<4x2048xf32, #tpu.memory_space<vmem>>, vector<16xf32>,
        %add3A_192 = arith.addf %gather3A_187, %get3A_191 : vector<16xf32>
        %max3A_193 = arith.constant 0.000000e+00 : f32
        %max3A_194 = vector.broadcast %max3A_193 : f32 to vector<16xf32>
        %max3A_195 = arith.maximumf %add3A_192, %max3A_194 : vector<16xf32>
        tpu.vector_store_idx %arg8[%broadcast_in_dim3A_8, %get3A_177], %max3A_195 {add = true} : memref<4x10112xf32, #tpu.memory_space<vmem>>[vector<16xi32>, vector<16xi32>], vector<16xf32>,
        %gather3A_196 = tpu.vector_load_idx %arg7[%broadcast_in_dim3A_10, %get3A_175] : memref<4x10112xf32, #tpu.memory_space<vmem>>[vector<16xi32>, vector<16xi32>], vector<16xf32>,
        %get3A_197 = arith.constant 2 : i32
        %get3A_198 = arith.index_cast %get3A_197 : i32 to index
        %get3A_199 = arith.index_cast %mul3A_173 : i32 to index
        %get3A_200 = tpu.vector_load %arg9[%get3A_198, %get3A_199] {strides = array<i32>} : memref<4x2048xf32, #tpu.memory_space<vmem>>, vector<16xf32>,
        %add3A_201 = arith.addf %gather3A_196, %get3A_200 : vector<16xf32>
        %max3A_202 = arith.constant 0.000000e+00 : f32
        %max3A_203 = vector.broadcast %max3A_202 : f32 to vector<16xf32>
        %max3A_204 = arith.maximumf %add3A_201, %max3A_203 : vector<16xf32>
        tpu.vector_store_idx %arg8[%broadcast_in_dim3A_10, %get3A_177], %max3A_204 {add = true} : memref<4x10112xf32, #tpu.memory_space<vmem>>[vector<16xi32>, vector<16xi32>], vector<16xf32>,
        %gather3A_205 = tpu.vector_load_idx %arg7[%broadcast_in_dim3A_12, %get3A_175] : memref<4x10112xf32, #tpu.memory_space<vmem>>[vector<16xi32>, vector<16xi32>], vector<16xf32>,
        %get3A_206 = arith.constant 3 : i32
        %get3A_207 = arith.index_cast %get3A_206 : i32 to index
        %get3A_208 = arith.index_cast %mul3A_173 : i32 to index
        %get3A_209 = tpu.vector_load %arg9[%get3A_207, %get3A_208] {strides = array<i32>} : memref<4x2048xf32, #tpu.memory_space<vmem>>, vector<16xf32>,
        %add3A_210 = arith.addf %gather3A_205, %get3A_209 : vector<16xf32>
        %max3A_211 = arith.constant 0.000000e+00 : f32
        %max3A_212 = vector.broadcast %max3A_211 : f32 to vector<16xf32>
        %max3A_213 = arith.maximumf %add3A_210, %max3A_212 : vector<16xf32>
        tpu.vector_store_idx %arg8[%broadcast_in_dim3A_12, %get3A_177], %max3A_213 {add = true} : memref<4x10112xf32, #tpu.memory_space<vmem>>[vector<16xi32>, vector<16xi32>], vector<16xf32>,
        %mul3A_214 = arith.constant 8 : i32
        %mul3A_215 = arith.muli %scan3A_32, %mul3A_214 : i32
        %add3A_216 = arith.constant 4 : i32
        %add3A_217 = arith.addi %mul3A_215, %add3A_216 : i32
        %mul3A_218 = arith.constant 16 : i32
        %mul3A_219 = arith.muli %add3A_217, %mul3A_218 : i32
        %get3A_220 = arith.index_cast %mul3A_219 : i32 to index
        %get3A_221 = tpu.vector_load %arg10[%get3A_220] {strides = array<i32>} : memref<2048xi32, #tpu.memory_space<vmem>>, vector<16xi32>,
        %get3A_222 = arith.index_cast %mul3A_219 : i32 to index
        %get3A_223 = tpu.vector_load %arg11[%get3A_222] {strides = array<i32>} : memref<2048xi32, #tpu.memory_space<vmem>>, vector<16xi32>,
        %gather3A_224 = tpu.vector_load_idx %arg7[%broadcast_in_dim3A_6, %get3A_221] : memref<4x10112xf32, #tpu.memory_space<vmem>>[vector<16xi32>, vector<16xi32>], vector<16xf32>,
        %get3A_225 = arith.constant 0 : i32
        %get3A_226 = arith.index_cast %get3A_225 : i32 to index
        %get3A_227 = arith.index_cast %mul3A_219 : i32 to index
        %get3A_228 = tpu.vector_load %arg9[%get3A_226, %get3A_227] {strides = array<i32>} : memref<4x2048xf32, #tpu.memory_space<vmem>>, vector<16xf32>,
        %add3A_229 = arith.addf %gather3A_224, %get3A_228 : vector<16xf32>
        %max3A_230 = arith.constant 0.000000e+00 : f32
        %max3A_231 = vector.broadcast %max3A_230 : f32 to vector<16xf32>
        %max3A_232 = arith.maximumf %add3A_229, %max3A_231 : vector<16xf32>
        tpu.vector_store_idx %arg8[%broadcast_in_dim3A_6, %get3A_223], %max3A_232 {add = true} : memref<4x10112xf32, #tpu.memory_space<vmem>>[vector<16xi32>, vector<16xi32>], vector<16xf32>,
        %gather3A_233 = tpu.vector_load_idx %arg7[%broadcast_in_dim3A_8, %get3A_221] : memref<4x10112xf32, #tpu.memory_space<vmem>>[vector<16xi32>, vector<16xi32>], vector<16xf32>,
        %get3A_234 = arith.constant 1 : i32
        %get3A_235 = arith.index_cast %get3A_234 : i32 to index
        %get3A_236 = arith.index_cast %mul3A_219 : i32 to index
        %get3A_237 = tpu.vector_load %arg9[%get3A_235, %get3A_236] {strides = array<i32>} : memref<4x2048xf32, #tpu.memory_space<vmem>>, vector<16xf32>,
        %add3A_238 = arith.addf %gather3A_233, %get3A_237 : vector<16xf32>
        %max3A_239 = arith.constant 0.000000e+00 : f32
        %max3A_240 = vector.broadcast %max3A_239 : f32 to vector<16xf32>
        %max3A_241 = arith.maximumf %add3A_238, %max3A_240 : vector<16xf32>
        tpu.vector_store_idx %arg8[%broadcast_in_dim3A_8, %get3A_223], %max3A_241 {add = true} : memref<4x10112xf32, #tpu.memory_space<vmem>>[vector<16xi32>, vector<16xi32>], vector<16xf32>,
        %gather3A_242 = tpu.vector_load_idx %arg7[%broadcast_in_dim3A_10, %get3A_221] : memref<4x10112xf32, #tpu.memory_space<vmem>>[vector<16xi32>, vector<16xi32>], vector<16xf32>,
        %get3A_243 = arith.constant 2 : i32
        %get3A_244 = arith.index_cast %get3A_243 : i32 to index
        %get3A_245 = arith.index_cast %mul3A_219 : i32 to index
        %get3A_246 = tpu.vector_load %arg9[%get3A_244, %get3A_245] {strides = array<i32>} : memref<4x2048xf32, #tpu.memory_space<vmem>>, vector<16xf32>,
        %add3A_247 = arith.addf %gather3A_242, %get3A_246 : vector<16xf32>
        %max3A_248 = arith.constant 0.000000e+00 : f32
        %max3A_249 = vector.broadcast %max3A_248 : f32 to vector<16xf32>
        %max3A_250 = arith.maximumf %add3A_247, %max3A_249 : vector<16xf32>
        tpu.vector_store_idx %arg8[%broadcast_in_dim3A_10, %get3A_223], %max3A_250 {add = true} : memref<4x10112xf32, #tpu.memory_space<vmem>>[vector<16xi32>, vector<16xi32>], vector<16xf32>,
        %gather3A_251 = tpu.vector_load_idx %arg7[%broadcast_in_dim3A_12, %get3A_221] : memref<4x10112xf32, #tpu.memory_space<vmem>>[vector<16xi32>, vector<16xi32>], vector<16xf32>,
        %get3A_252 = arith.constant 3 : i32
        %get3A_253 = arith.index_cast %get3A_252 : i32 to index
        %get3A_254 = arith.index_cast %mul3A_219 : i32 to index
        %get3A_255 = tpu.vector_load %arg9[%get3A_253, %get3A_254] {strides = array<i32>} : memref<4x2048xf32, #tpu.memory_space<vmem>>, vector<16xf32>,
        %add3A_256 = arith.addf %gather3A_251, %get3A_255 : vector<16xf32>
        %max3A_257 = arith.constant 0.000000e+00 : f32
        %max3A_258 = vector.broadcast %max3A_257 : f32 to vector<16xf32>
        %max3A_259 = arith.maximumf %add3A_256, %max3A_258 : vector<16xf32>
        tpu.vector_store_idx %arg8[%broadcast_in_dim3A_12, %get3A_223], %max3A_259 {add = true} : memref<4x10112xf32, #tpu.memory_space<vmem>>[vector<16xi32>, vector<16xi32>], vector<16xf32>,
        %mul3A_260 = arith.constant 8 : i32
        %mul3A_261 = arith.muli %scan3A_32, %mul3A_260 : i32
        %add3A_262 = arith.constant 5 : i32
        %add3A_263 = arith.addi %mul3A_261, %add3A_262 : i32
        %mul3A_264 = arith.constant 16 : i32
        %mul3A_265 = arith.muli %add3A_263, %mul3A_264 : i32
        %get3A_266 = arith.index_cast %mul3A_265 : i32 to index
        %get3A_267 = tpu.vector_load %arg10[%get3A_266] {strides = array<i32>} : memref<2048xi32, #tpu.memory_space<vmem>>, vector<16xi32>,
        %get3A_268 = arith.index_cast %mul3A_265 : i32 to index
        %get3A_269 = tpu.vector_load %arg11[%get3A_268] {strides = array<i32>} : memref<2048xi32, #tpu.memory_space<vmem>>, vector<16xi32>,
        %gather3A_270 = tpu.vector_load_idx %arg7[%broadcast_in_dim3A_6, %get3A_267] : memref<4x10112xf32, #tpu.memory_space<vmem>>[vector<16xi32>, vector<16xi32>], vector<16xf32>,
        %get3A_271 = arith.constant 0 : i32
        %get3A_272 = arith.index_cast %get3A_271 : i32 to index
        %get3A_273 = arith.index_cast %mul3A_265 : i32 to index
        %get3A_274 = tpu.vector_load %arg9[%get3A_272, %get3A_273] {strides = array<i32>} : memref<4x2048xf32, #tpu.memory_space<vmem>>, vector<16xf32>,
        %add3A_275 = arith.addf %gather3A_270, %get3A_274 : vector<16xf32>
        %max3A_276 = arith.constant 0.000000e+00 : f32
        %max3A_277 = vector.broadcast %max3A_276 : f32 to vector<16xf32>
        %max3A_278 = arith.maximumf %add3A_275, %max3A_277 : vector<16xf32>
        tpu.vector_store_idx %arg8[%broadcast_in_dim3A_6, %get3A_269], %max3A_278 {add = true} : memref<4x10112xf32, #tpu.memory_space<vmem>>[vector<16xi32>, vector<16xi32>], vector<16xf32>,
        %gather3A_279 = tpu.vector_load_idx %arg7[%broadcast_in_dim3A_8, %get3A_267] : memref<4x10112xf32, #tpu.memory_space<vmem>>[vector<16xi32>, vector<16xi32>], vector<16xf32>,
        %get3A_280 = arith.constant 1 : i32
        %get3A_281 = arith.index_cast %get3A_280 : i32 to index
        %get3A_282 = arith.index_cast %mul3A_265 : i32 to index
        %get3A_283 = tpu.vector_load %arg9[%get3A_281, %get3A_282] {strides = array<i32>} : memref<4x2048xf32, #tpu.memory_space<vmem>>, vector<16xf32>,
        %add3A_284 = arith.addf %gather3A_279, %get3A_283 : vector<16xf32>
        %max3A_285 = arith.constant 0.000000e+00 : f32
        %max3A_286 = vector.broadcast %max3A_285 : f32 to vector<16xf32>
        %max3A_287 = arith.maximumf %add3A_284, %max3A_286 : vector<16xf32>
        tpu.vector_store_idx %arg8[%broadcast_in_dim3A_8, %get3A_269], %max3A_287 {add = true} : memref<4x10112xf32, #tpu.memory_space<vmem>>[vector<16xi32>, vector<16xi32>], vector<16xf32>,
        %gather3A_288 = tpu.vector_load_idx %arg7[%broadcast_in_dim3A_10, %get3A_267] : memref<4x10112xf32, #tpu.memory_space<vmem>>[vector<16xi32>, vector<16xi32>], vector<16xf32>,
        %get3A_289 = arith.constant 2 : i32
        %get3A_290 = arith.index_cast %get3A_289 : i32 to index
        %get3A_291 = arith.index_cast %mul3A_265 : i32 to index
        %get3A_292 = tpu.vector_load %arg9[%get3A_290, %get3A_291] {strides = array<i32>} : memref<4x2048xf32, #tpu.memory_space<vmem>>, vector<16xf32>,
        %add3A_293 = arith.addf %gather3A_288, %get3A_292 : vector<16xf32>
        %max3A_294 = arith.constant 0.000000e+00 : f32
        %max3A_295 = vector.broadcast %max3A_294 : f32 to vector<16xf32>
        %max3A_296 = arith.maximumf %add3A_293, %max3A_295 : vector<16xf32>
        tpu.vector_store_idx %arg8[%broadcast_in_dim3A_10, %get3A_269], %max3A_296 {add = true} : memref<4x10112xf32, #tpu.memory_space<vmem>>[vector<16xi32>, vector<16xi32>], vector<16xf32>,
        %gather3A_297 = tpu.vector_load_idx %arg7[%broadcast_in_dim3A_12, %get3A_267] : memref<4x10112xf32, #tpu.memory_space<vmem>>[vector<16xi32>, vector<16xi32>], vector<16xf32>,
        %get3A_298 = arith.constant 3 : i32
        %get3A_299 = arith.index_cast %get3A_298 : i32 to index
        %get3A_300 = arith.index_cast %mul3A_265 : i32 to index
        %get3A_301 = tpu.vector_load %arg9[%get3A_299, %get3A_300] {strides = array<i32>} : memref<4x2048xf32, #tpu.memory_space<vmem>>, vector<16xf32>,
        %add3A_302 = arith.addf %gather3A_297, %get3A_301 : vector<16xf32>
        %max3A_303 = arith.constant 0.000000e+00 : f32
        %max3A_304 = vector.broadcast %max3A_303 : f32 to vector<16xf32>
        %max3A_305 = arith.maximumf %add3A_302, %max3A_304 : vector<16xf32>
        tpu.vector_store_idx %arg8[%broadcast_in_dim3A_12, %get3A_269], %max3A_305 {add = true} : memref<4x10112xf32, #tpu.memory_space<vmem>>[vector<16xi32>, vector<16xi32>], vector<16xf32>,
        %mul3A_306 = arith.constant 8 : i32
        %mul3A_307 = arith.muli %scan3A_32, %mul3A_306 : i32
        %add3A_308 = arith.constant 6 : i32
        %add3A_309 = arith.addi %mul3A_307, %add3A_308 : i32
        %mul3A_310 = arith.constant 16 : i32
        %mul3A_311 = arith.muli %add3A_309, %mul3A_310 : i32
        %get3A_312 = arith.index_cast %mul3A_311 : i32 to index
        %get3A_313 = tpu.vector_load %arg10[%get3A_312] {strides = array<i32>} : memref<2048xi32, #tpu.memory_space<vmem>>, vector<16xi32>,
        %get3A_314 = arith.index_cast %mul3A_311 : i32 to index
        %get3A_315 = tpu.vector_load %arg11[%get3A_314] {strides = array<i32>} : memref<2048xi32, #tpu.memory_space<vmem>>, vector<16xi32>,
        %gather3A_316 = tpu.vector_load_idx %arg7[%broadcast_in_dim3A_6, %get3A_313] : memref<4x10112xf32, #tpu.memory_space<vmem>>[vector<16xi32>, vector<16xi32>], vector<16xf32>,
        %get3A_317 = arith.constant 0 : i32
        %get3A_318 = arith.index_cast %get3A_317 : i32 to index
        %get3A_319 = arith.index_cast %mul3A_311 : i32 to index
        %get3A_320 = tpu.vector_load %arg9[%get3A_318, %get3A_319] {strides = array<i32>} : memref<4x2048xf32, #tpu.memory_space<vmem>>, vector<16xf32>,
        %add3A_321 = arith.addf %gather3A_316, %get3A_320 : vector<16xf32>
        %max3A_322 = arith.constant 0.000000e+00 : f32
        %max3A_323 = vector.broadcast %max3A_322 : f32 to vector<16xf32>
        %max3A_324 = arith.maximumf %add3A_321, %max3A_323 : vector<16xf32>
        tpu.vector_store_idx %arg8[%broadcast_in_dim3A_6, %get3A_315], %max3A_324 {add = true} : memref<4x10112xf32, #tpu.memory_space<vmem>>[vector<16xi32>, vector<16xi32>], vector<16xf32>,
        %gather3A_325 = tpu.vector_load_idx %arg7[%broadcast_in_dim3A_8, %get3A_313] : memref<4x10112xf32, #tpu.memory_space<vmem>>[vector<16xi32>, vector<16xi32>], vector<16xf32>,
        %get3A_326 = arith.constant 1 : i32
        %get3A_327 = arith.index_cast %get3A_326 : i32 to index
        %get3A_328 = arith.index_cast %mul3A_311 : i32 to index
        %get3A_329 = tpu.vector_load %arg9[%get3A_327, %get3A_328] {strides = array<i32>} : memref<4x2048xf32, #tpu.memory_space<vmem>>, vector<16xf32>,
        %add3A_330 = arith.addf %gather3A_325, %get3A_329 : vector<16xf32>
        %max3A_331 = arith.constant 0.000000e+00 : f32
        %max3A_332 = vector.broadcast %max3A_331 : f32 to vector<16xf32>
        %max3A_333 = arith.maximumf %add3A_330, %max3A_332 : vector<16xf32>
        tpu.vector_store_idx %arg8[%broadcast_in_dim3A_8, %get3A_315], %max3A_333 {add = true} : memref<4x10112xf32, #tpu.memory_space<vmem>>[vector<16xi32>, vector<16xi32>], vector<16xf32>,
        %gather3A_334 = tpu.vector_load_idx %arg7[%broadcast_in_dim3A_10, %get3A_313] : memref<4x10112xf32, #tpu.memory_space<vmem>>[vector<16xi32>, vector<16xi32>], vector<16xf32>,
        %get3A_335 = arith.constant 2 : i32
        %get3A_336 = arith.index_cast %get3A_335 : i32 to index
        %get3A_337 = arith.index_cast %mul3A_311 : i32 to index
        %get3A_338 = tpu.vector_load %arg9[%get3A_336, %get3A_337] {strides = array<i32>} : memref<4x2048xf32, #tpu.memory_space<vmem>>, vector<16xf32>,
        %add3A_339 = arith.addf %gather3A_334, %get3A_338 : vector<16xf32>
        %max3A_340 = arith.constant 0.000000e+00 : f32
        %max3A_341 = vector.broadcast %max3A_340 : f32 to vector<16xf32>
        %max3A_342 = arith.maximumf %add3A_339, %max3A_341 : vector<16xf32>
        tpu.vector_store_idx %arg8[%broadcast_in_dim3A_10, %get3A_315], %max3A_342 {add = true} : memref<4x10112xf32, #tpu.memory_space<vmem>>[vector<16xi32>, vector<16xi32>], vector<16xf32>,
        %gather3A_343 = tpu.vector_load_idx %arg7[%broadcast_in_dim3A_12, %get3A_313] : memref<4x10112xf32, #tpu.memory_space<vmem>>[vector<16xi32>, vector<16xi32>], vector<16xf32>,
        %get3A_344 = arith.constant 3 : i32
        %get3A_345 = arith.index_cast %get3A_344 : i32 to index
        %get3A_346 = arith.index_cast %mul3A_311 : i32 to index
        %get3A_347 = tpu.vector_load %arg9[%get3A_345, %get3A_346] {strides = array<i32>} : memref<4x2048xf32, #tpu.memory_space<vmem>>, vector<16xf32>,
        %add3A_348 = arith.addf %gather3A_343, %get3A_347 : vector<16xf32>
        %max3A_349 = arith.constant 0.000000e+00 : f32
        %max3A_350 = vector.broadcast %max3A_349 : f32 to vector<16xf32>
        %max3A_351 = arith.maximumf %add3A_348, %max3A_350 : vector<16xf32>
        tpu.vector_store_idx %arg8[%broadcast_in_dim3A_12, %get3A_315], %max3A_351 {add = true} : memref<4x10112xf32, #tpu.memory_space<vmem>>[vector<16xi32>, vector<16xi32>], vector<16xf32>,
        %mul3A_352 = arith.constant 8 : i32
        %mul3A_353 = arith.muli %scan3A_32, %mul3A_352 : i32
        %add3A_354 = arith.constant 7 : i32
        %add3A_355 = arith.addi %mul3A_353, %add3A_354 : i32
        %mul3A_356 = arith.constant 16 : i32
        %mul3A_357 = arith.muli %add3A_355, %mul3A_356 : i32
        %get3A_358 = arith.index_cast %mul3A_357 : i32 to index
        %get3A_359 = tpu.vector_load %arg10[%get3A_358] {strides = array<i32>} : memref<2048xi32, #tpu.memory_space<vmem>>, vector<16xi32>,
        %get3A_360 = arith.index_cast %mul3A_357 : i32 to index
        %get3A_361 = tpu.vector_load %arg11[%get3A_360] {strides = array<i32>} : memref<2048xi32, #tpu.memory_space<vmem>>, vector<16xi32>,
        %gather3A_362 = tpu.vector_load_idx %arg7[%broadcast_in_dim3A_6, %get3A_359] : memref<4x10112xf32, #tpu.memory_space<vmem>>[vector<16xi32>, vector<16xi32>], vector<16xf32>,
        %get3A_363 = arith.constant 0 : i32
        %get3A_364 = arith.index_cast %get3A_363 : i32 to index
        %get3A_365 = arith.index_cast %mul3A_357 : i32 to index
        %get3A_366 = tpu.vector_load %arg9[%get3A_364, %get3A_365] {strides = array<i32>} : memref<4x2048xf32, #tpu.memory_space<vmem>>, vector<16xf32>,
        %add3A_367 = arith.addf %gather3A_362, %get3A_366 : vector<16xf32>
        %max3A_368 = arith.constant 0.000000e+00 : f32
        %max3A_369 = vector.broadcast %max3A_368 : f32 to vector<16xf32>
        %max3A_370 = arith.maximumf %add3A_367, %max3A_369 : vector<16xf32>
        tpu.vector_store_idx %arg8[%broadcast_in_dim3A_6, %get3A_361], %max3A_370 {add = true} : memref<4x10112xf32, #tpu.memory_space<vmem>>[vector<16xi32>, vector<16xi32>], vector<16xf32>,
        %gather3A_371 = tpu.vector_load_idx %arg7[%broadcast_in_dim3A_8, %get3A_359] : memref<4x10112xf32, #tpu.memory_space<vmem>>[vector<16xi32>, vector<16xi32>], vector<16xf32>,
        %get3A_372 = arith.constant 1 : i32
        %get3A_373 = arith.index_cast %get3A_372 : i32 to index
        %get3A_374 = arith.index_cast %mul3A_357 : i32 to index
        %get3A_375 = tpu.vector_load %arg9[%get3A_373, %get3A_374] {strides = array<i32>} : memref<4x2048xf32, #tpu.memory_space<vmem>>, vector<16xf32>,
        %add3A_376 = arith.addf %gather3A_371, %get3A_375 : vector<16xf32>
        %max3A_377 = arith.constant 0.000000e+00 : f32
        %max3A_378 = vector.broadcast %max3A_377 : f32 to vector<16xf32>
        %max3A_379 = arith.maximumf %add3A_376, %max3A_378 : vector<16xf32>
        tpu.vector_store_idx %arg8[%broadcast_in_dim3A_8, %get3A_361], %max3A_379 {add = true} : memref<4x10112xf32, #tpu.memory_space<vmem>>[vector<16xi32>, vector<16xi32>], vector<16xf32>,
        %gather3A_380 = tpu.vector_load_idx %arg7[%broadcast_in_dim3A_10, %get3A_359] : memref<4x10112xf32, #tpu.memory_space<vmem>>[vector<16xi32>, vector<16xi32>], vector<16xf32>,
        %get3A_381 = arith.constant 2 : i32
        %get3A_382 = arith.index_cast %get3A_381 : i32 to index
        %get3A_383 = arith.index_cast %mul3A_357 : i32 to index
        %get3A_384 = tpu.vector_load %arg9[%get3A_382, %get3A_383] {strides = array<i32>} : memref<4x2048xf32, #tpu.memory_space<vmem>>, vector<16xf32>,
        %add3A_385 = arith.addf %gather3A_380, %get3A_384 : vector<16xf32>
        %max3A_386 = arith.constant 0.000000e+00 : f32
        %max3A_387 = vector.broadcast %max3A_386 : f32 to vector<16xf32>
        %max3A_388 = arith.maximumf %add3A_385, %max3A_387 : vector<16xf32>
        tpu.vector_store_idx %arg8[%broadcast_in_dim3A_10, %get3A_361], %max3A_388 {add = true} : memref<4x10112xf32, #tpu.memory_space<vmem>>[vector<16xi32>, vector<16xi32>], vector<16xf32>,
        %gather3A_389 = tpu.vector_load_idx %arg7[%broadcast_in_dim3A_12, %get3A_359] : memref<4x10112xf32, #tpu.memory_space<vmem>>[vector<16xi32>, vector<16xi32>], vector<16xf32>,
        %get3A_390 = arith.constant 3 : i32
        %get3A_391 = arith.index_cast %get3A_390 : i32 to index
        %get3A_392 = arith.index_cast %mul3A_357 : i32 to index
        %get3A_393 = tpu.vector_load %arg9[%get3A_391, %get3A_392] {strides = array<i32>} : memref<4x2048xf32, #tpu.memory_space<vmem>>, vector<16xf32>,
        %add3A_394 = arith.addf %gather3A_389, %get3A_393 : vector<16xf32>
        %max3A_395 = arith.constant 0.000000e+00 : f32
        %max3A_396 = vector.broadcast %max3A_395 : f32 to vector<16xf32>
        %max3A_397 = arith.maximumf %add3A_394, %max3A_396 : vector<16xf32>
        tpu.vector_store_idx %arg8[%broadcast_in_dim3A_12, %get3A_361], %max3A_397 {add = true} : memref<4x10112xf32, #tpu.memory_space<vmem>>[vector<16xi32>, vector<16xi32>], vector<16xf32>,
      }
      %scan3A_31 = arith.constant 16 : i32
    }
    %scan3A_18 = arith.constant 160 : i32
    "tpu.region"() ({
      %run_scoped3A = tpu.sem_alloc : memref<!tpu.dma_semaphore, #tpu.memory_space<semaphore_mem>>
      %dma_start3A = arith.constant 0 : i32
      %dma_start3A_19 = arith.constant 0 : i32
      %dma_start3A_20 = tpu.memref_slice %arg6[%add3A, %dma_start3A, %dma_start3A_19] : memref<32x4x10112xf32, #tpu.memory_space<hbm>> -> memref<1x4x10112xf32, #tpu.memory_space<hbm>>
      %dma_start3A_21 = tpu.memref_squeeze %dma_start3A_20 : memref<1x4x10112xf32, #tpu.memory_space<hbm>> -> memref<4x10112xf32, #tpu.memory_space<hbm>>
      %dma_start3A_22 = arith.constant 0 : i32
      %dma_start3A_23 = arith.constant 0 : i32
      %dma_start3A_24 = tpu.memref_slice %arg6[%add3A, %dma_start3A_22, %dma_start3A_23] : memref<32x4x10112xf32, #tpu.memory_space<hbm>> -> memref<1x4x10112xf32, #tpu.memory_space<hbm>>
      %dma_start3A_25 = tpu.memref_squeeze %dma_start3A_24 : memref<1x4x10112xf32, #tpu.memory_space<hbm>> -> memref<4x10112xf32, #tpu.memory_space<hbm>>
      tpu.enqueue_dma source(%arg8 : memref<4x10112xf32, #tpu.memory_space<vmem>>) target(%dma_start3A_25 : memref<4x10112xf32, #tpu.memory_space<hbm>>) target_semaphore(%run_scoped3A : memref<!tpu.dma_semaphore, #tpu.memory_space<semaphore_mem>>)
      %dma_wait3A = arith.constant 0 : i32
      %dma_wait3A_26 = arith.constant 0 : i32
      %dma_wait3A_27 = tpu.memref_slice %arg6[%add3A, %dma_wait3A, %dma_wait3A_26] : memref<32x4x10112xf32, #tpu.memory_space<hbm>> -> memref<1x4x10112xf32, #tpu.memory_space<hbm>>
      %dma_wait3A_28 = tpu.memref_squeeze %dma_wait3A_27 : memref<1x4x10112xf32, #tpu.memory_space<hbm>> -> memref<4x10112xf32, #tpu.memory_space<hbm>>
      %dma_wait3A_29 = arith.constant 0 : i32
      %dma_wait3A_30 = arith.constant 0 : i32
      %dma_wait3A_31 = tpu.memref_slice %arg6[%add3A, %dma_wait3A_29, %dma_wait3A_30] : memref<32x4x10112xf32, #tpu.memory_space<hbm>> -> memref<1x4x10112xf32, #tpu.memory_space<hbm>>
      %dma_wait3A_32 = tpu.memref_squeeze %dma_wait3A_31 : memref<1x4x10112xf32, #tpu.memory_space<hbm>> -> memref<4x10112xf32, #tpu.memory_space<hbm>>
      tpu.wait_dma2 semaphore(%run_scoped3A : memref<!tpu.dma_semaphore, #tpu.memory_space<semaphore_mem>>) src(%arg8 : memref<4x10112xf32, #tpu.memory_space<vmem>>) dst(%dma_wait3A_32 : memref<4x10112xf32, #tpu.memory_space<hbm>>)
      tpu.yield
    }) : () -> ()
    return
  }
}

#map = affine_map<(d0, d1) -> (0, 0, 0)>
#map1 = affine_map<(d0, d1) -> (0)>
module attributes {stable_mosaic.version = 14 : i64} {
  func.func @_mp_body(%arg0: i32, %arg1: i32, %arg2: memref<32x4x10112xf32, #tpu.memory_space<hbm>>, %arg3: memref<32x4x327680xf32, #tpu.memory_space<hbm>>, %arg4: memref<327680xi32, #tpu.memory_space<hbm>>, %arg5: memref<327680xi32, #tpu.memory_space<hbm>>, %arg6: memref<32x4x10112xf32, #tpu.memory_space<hbm>>, %arg7: memref<4x10112xf32, #tpu.memory_space<vmem>>, %arg8: memref<4x10112xf32, #tpu.memory_space<vmem>>, %arg9: memref<4x2048xf32, #tpu.memory_space<vmem>>, %arg10: memref<2048xi32, #tpu.memory_space<vmem>>, %arg11: memref<2048xi32, #tpu.memory_space<vmem>>) attributes {dimension_semantics = [#tpu.dimension_semantics<core_parallel>, #tpu.dimension_semantics<subcore_parallel>], iteration_bounds = array<i64: 2, 16>, scalar_prefetch = 0 : i64, scratch_operands = 5 : i64, tpu.core_type = #tpu.core_type<sc_vector_subcore>, window_params = [{transform_indices = #map}, {transform_indices = #map}, {transform_indices = #map1}, {transform_indices = #map1}, {transform_indices = #map}]} {
    %mul3A = arith.constant 2 : i32
    %mul3A_0 = arith.muli %arg1, %mul3A : i32
    %add3A = arith.addi %mul3A_0, %arg0 : i32
    "tpu.region"() ({
      %run_scoped3A = tpu.sem_alloc : memref<!tpu.dma_semaphore, #tpu.memory_space<semaphore_mem>>
      %dma_start3A = arith.constant 0 : i32
      %dma_start3A_19 = arith.constant 0 : i32
      %dma_start3A_20 = tpu.memref_slice %arg2[%add3A, %dma_start3A, %dma_start3A_19] : memref<32x4x10112xf32, #tpu.memory_space<hbm>> -> memref<1x4x10112xf32, #tpu.memory_space<hbm>>
      %dma_start3A_21 = tpu.memref_squeeze %dma_start3A_20 : memref<1x4x10112xf32, #tpu.memory_space<hbm>> -> memref<4x10112xf32, #tpu.memory_space<hbm>>
      %dma_start3A_22 = arith.constant 0 : i32
      %dma_start3A_23 = arith.constant 0 : i32
      %dma_start3A_24 = tpu.memref_slice %arg2[%add3A, %dma_start3A_22, %dma_start3A_23] : memref<32x4x10112xf32, #tpu.memory_space<hbm>> -> memref<1x4x10112xf32, #tpu.memory_space<hbm>>
      %dma_start3A_25 = tpu.memref_squeeze %dma_start3A_24 : memref<1x4x10112xf32, #tpu.memory_space<hbm>> -> memref<4x10112xf32, #tpu.memory_space<hbm>>
      tpu.enqueue_dma source(%dma_start3A_25 : memref<4x10112xf32, #tpu.memory_space<hbm>>) target(%arg7 : memref<4x10112xf32, #tpu.memory_space<vmem>>) target_semaphore(%run_scoped3A : memref<!tpu.dma_semaphore, #tpu.memory_space<semaphore_mem>>)
      %dma_wait3A = arith.constant 0 : i32
      %dma_wait3A_26 = arith.constant 0 : i32
      %dma_wait3A_27 = tpu.memref_slice %arg2[%add3A, %dma_wait3A, %dma_wait3A_26] : memref<32x4x10112xf32, #tpu.memory_space<hbm>> -> memref<1x4x10112xf32, #tpu.memory_space<hbm>>
      %dma_wait3A_28 = tpu.memref_squeeze %dma_wait3A_27 : memref<1x4x10112xf32, #tpu.memory_space<hbm>> -> memref<4x10112xf32, #tpu.memory_space<hbm>>
      %dma_wait3A_29 = arith.constant 0 : i32
      %dma_wait3A_30 = arith.constant 0 : i32
      %dma_wait3A_31 = tpu.memref_slice %arg2[%add3A, %dma_wait3A_29, %dma_wait3A_30] : memref<32x4x10112xf32, #tpu.memory_space<hbm>> -> memref<1x4x10112xf32, #tpu.memory_space<hbm>>
      %dma_wait3A_32 = tpu.memref_squeeze %dma_wait3A_31 : memref<1x4x10112xf32, #tpu.memory_space<hbm>> -> memref<4x10112xf32, #tpu.memory_space<hbm>>
      tpu.wait_dma2 semaphore(%run_scoped3A : memref<!tpu.dma_semaphore, #tpu.memory_space<semaphore_mem>>) src(%dma_wait3A_32 : memref<4x10112xf32, #tpu.memory_space<hbm>>) dst(%arg7 : memref<4x10112xf32, #tpu.memory_space<vmem>>)
      tpu.yield
    }) : () -> ()
    %scan3A = arith.constant 0 : i32
    %scan3A_1 = arith.constant 0 : i32
    %scan3A_2 = arith.constant 632 : i32
    %scan3A_3 = arith.addi %scan3A_1, %scan3A_2 : i32
    %scan3A_4 = arith.constant 1 : i32
    scf.for %scan3A_19 = %scan3A_1 to %scan3A_3 step %scan3A_4  : i32 {
      %broadcast_in_dim3A_20 = arith.constant 0.000000e+00 : f32
      %broadcast_in_dim3A_21 = vector.broadcast %broadcast_in_dim3A_20 : f32 to vector<16xf32>
      %mul3A_22 = arith.constant 16 : i32
      %mul3A_23 = arith.muli %scan3A_19, %mul3A_22 : i32
      %swap3A = arith.constant 0 : i32
      %swap3A_24 = arith.index_cast %swap3A : i32 to index
      %swap3A_25 = arith.index_cast %mul3A_23 : i32 to index
      %swap3A_26 = tpu.vector_load %arg8[%swap3A_24, %swap3A_25] {strides = array<i32>} : memref<4x10112xf32, #tpu.memory_space<vmem>>, vector<16xf32>,
      tpu.vector_store %arg8[%swap3A_24, %swap3A_25], %broadcast_in_dim3A_21 {strides = array<i32>} : memref<4x10112xf32, #tpu.memory_space<vmem>>, vector<16xf32>,
      %broadcast_in_dim3A_27 = arith.constant 0.000000e+00 : f32
      %broadcast_in_dim3A_28 = vector.broadcast %broadcast_in_dim3A_27 : f32 to vector<16xf32>
      %mul3A_29 = arith.constant 16 : i32
      %mul3A_30 = arith.muli %scan3A_19, %mul3A_29 : i32
      %swap3A_31 = arith.constant 1 : i32
      %swap3A_32 = arith.index_cast %swap3A_31 : i32 to index
      %swap3A_33 = arith.index_cast %mul3A_30 : i32 to index
      %swap3A_34 = tpu.vector_load %arg8[%swap3A_32, %swap3A_33] {strides = array<i32>} : memref<4x10112xf32, #tpu.memory_space<vmem>>, vector<16xf32>,
      tpu.vector_store %arg8[%swap3A_32, %swap3A_33], %broadcast_in_dim3A_28 {strides = array<i32>} : memref<4x10112xf32, #tpu.memory_space<vmem>>, vector<16xf32>,
      %broadcast_in_dim3A_35 = arith.constant 0.000000e+00 : f32
      %broadcast_in_dim3A_36 = vector.broadcast %broadcast_in_dim3A_35 : f32 to vector<16xf32>
      %mul3A_37 = arith.constant 16 : i32
      %mul3A_38 = arith.muli %scan3A_19, %mul3A_37 : i32
      %swap3A_39 = arith.constant 2 : i32
      %swap3A_40 = arith.index_cast %swap3A_39 : i32 to index
      %swap3A_41 = arith.index_cast %mul3A_38 : i32 to index
      %swap3A_42 = tpu.vector_load %arg8[%swap3A_40, %swap3A_41] {strides = array<i32>} : memref<4x10112xf32, #tpu.memory_space<vmem>>, vector<16xf32>,
      tpu.vector_store %arg8[%swap3A_40, %swap3A_41], %broadcast_in_dim3A_36 {strides = array<i32>} : memref<4x10112xf32, #tpu.memory_space<vmem>>, vector<16xf32>,
      %broadcast_in_dim3A_43 = arith.constant 0.000000e+00 : f32
      %broadcast_in_dim3A_44 = vector.broadcast %broadcast_in_dim3A_43 : f32 to vector<16xf32>
      %mul3A_45 = arith.constant 16 : i32
      %mul3A_46 = arith.muli %scan3A_19, %mul3A_45 : i32
      %swap3A_47 = arith.constant 3 : i32
      %swap3A_48 = arith.index_cast %swap3A_47 : i32 to index
      %swap3A_49 = arith.index_cast %mul3A_46 : i32 to index
      %swap3A_50 = tpu.vector_load %arg8[%swap3A_48, %swap3A_49] {strides = array<i32>} : memref<4x10112xf32, #tpu.memory_space<vmem>>, vector<16xf32>,
      tpu.vector_store %arg8[%swap3A_48, %swap3A_49], %broadcast_in_dim3A_44 {strides = array<i32>} : memref<4x10112xf32, #tpu.memory_space<vmem>>, vector<16xf32>,
    }
    %scan3A_5 = arith.constant 632 : i32
    %broadcast_in_dim3A = arith.constant 0 : i32
    %broadcast_in_dim3A_6 = vector.broadcast %broadcast_in_dim3A : i32 to vector<16xi32>
    %broadcast_in_dim3A_7 = arith.constant 1 : i32
    %broadcast_in_dim3A_8 = vector.broadcast %broadcast_in_dim3A_7 : i32 to vector<16xi32>
    %broadcast_in_dim3A_9 = arith.constant 2 : i32
    %broadcast_in_dim3A_10 = vector.broadcast %broadcast_in_dim3A_9 : i32 to vector<16xi32>
    %broadcast_in_dim3A_11 = arith.constant 3 : i32
    %broadcast_in_dim3A_12 = vector.broadcast %broadcast_in_dim3A_11 : i32 to vector<16xi32>
    %scan3A_13 = arith.constant 0 : i32
    %scan3A_14 = arith.constant 0 : i32
    %scan3A_15 = arith.constant 160 : i32
    %scan3A_16 = arith.addi %scan3A_14, %scan3A_15 : i32
    %scan3A_17 = arith.constant 1 : i32
    scf.for %scan3A_19 = %scan3A_14 to %scan3A_16 step %scan3A_17  : i32 {
      %mul3A_20 = arith.constant 2048 : i32
      %mul3A_21 = arith.muli %scan3A_19, %mul3A_20 : i32
      "tpu.region"() ({
        %run_scoped3A = tpu.sem_alloc : memref<!tpu.dma_semaphore, #tpu.memory_space<semaphore_mem>>
        %dma_start3A = tpu.memref_slice %arg4[%mul3A_21] : memref<327680xi32, #tpu.memory_space<hbm>> -> memref<2048xi32, #tpu.memory_space<hbm>>
        %dma_start3A_32 = tpu.memref_slice %arg4[%mul3A_21] : memref<327680xi32, #tpu.memory_space<hbm>> -> memref<2048xi32, #tpu.memory_space<hbm>>
        tpu.enqueue_dma source(%dma_start3A_32 : memref<2048xi32, #tpu.memory_space<hbm>>) target(%arg10 : memref<2048xi32, #tpu.memory_space<vmem>>) target_semaphore(%run_scoped3A : memref<!tpu.dma_semaphore, #tpu.memory_space<semaphore_mem>>)
        %dma_wait3A = tpu.memref_slice %arg4[%mul3A_21] : memref<327680xi32, #tpu.memory_space<hbm>> -> memref<2048xi32, #tpu.memory_space<hbm>>
        %dma_wait3A_33 = tpu.memref_slice %arg4[%mul3A_21] : memref<327680xi32, #tpu.memory_space<hbm>> -> memref<2048xi32, #tpu.memory_space<hbm>>
        tpu.wait_dma2 semaphore(%run_scoped3A : memref<!tpu.dma_semaphore, #tpu.memory_space<semaphore_mem>>) src(%dma_wait3A_33 : memref<2048xi32, #tpu.memory_space<hbm>>) dst(%arg10 : memref<2048xi32, #tpu.memory_space<vmem>>)
        tpu.yield
      }) : () -> ()
      %mul3A_22 = arith.constant 2048 : i32
      %mul3A_23 = arith.muli %scan3A_19, %mul3A_22 : i32
      "tpu.region"() ({
        %run_scoped3A = tpu.sem_alloc : memref<!tpu.dma_semaphore, #tpu.memory_space<semaphore_mem>>
        %dma_start3A = tpu.memref_slice %arg5[%mul3A_23] : memref<327680xi32, #tpu.memory_space<hbm>> -> memref<2048xi32, #tpu.memory_space<hbm>>
        %dma_start3A_32 = tpu.memref_slice %arg5[%mul3A_23] : memref<327680xi32, #tpu.memory_space<hbm>> -> memref<2048xi32, #tpu.memory_space<hbm>>
        tpu.enqueue_dma source(%dma_start3A_32 : memref<2048xi32, #tpu.memory_space<hbm>>) target(%arg11 : memref<2048xi32, #tpu.memory_space<vmem>>) target_semaphore(%run_scoped3A : memref<!tpu.dma_semaphore, #tpu.memory_space<semaphore_mem>>)
        %dma_wait3A = tpu.memref_slice %arg5[%mul3A_23] : memref<327680xi32, #tpu.memory_space<hbm>> -> memref<2048xi32, #tpu.memory_space<hbm>>
        %dma_wait3A_33 = tpu.memref_slice %arg5[%mul3A_23] : memref<327680xi32, #tpu.memory_space<hbm>> -> memref<2048xi32, #tpu.memory_space<hbm>>
        tpu.wait_dma2 semaphore(%run_scoped3A : memref<!tpu.dma_semaphore, #tpu.memory_space<semaphore_mem>>) src(%dma_wait3A_33 : memref<2048xi32, #tpu.memory_space<hbm>>) dst(%arg11 : memref<2048xi32, #tpu.memory_space<vmem>>)
        tpu.yield
      }) : () -> ()
      %mul3A_24 = arith.constant 2048 : i32
      %mul3A_25 = arith.muli %scan3A_19, %mul3A_24 : i32
      "tpu.region"() ({
        %run_scoped3A = tpu.sem_alloc : memref<!tpu.dma_semaphore, #tpu.memory_space<semaphore_mem>>
        %dma_start3A = arith.constant 0 : i32
        %dma_start3A_32 = tpu.memref_slice %arg3[%add3A, %dma_start3A, %mul3A_25] : memref<32x4x327680xf32, #tpu.memory_space<hbm>> -> memref<1x4x2048xf32, #tpu.memory_space<hbm>>
        %dma_start3A_33 = tpu.memref_squeeze %dma_start3A_32 : memref<1x4x2048xf32, #tpu.memory_space<hbm>> -> memref<4x2048xf32, #tpu.memory_space<hbm>>
        %dma_start3A_34 = arith.constant 0 : i32
        %dma_start3A_35 = tpu.memref_slice %arg3[%add3A, %dma_start3A_34, %mul3A_25] : memref<32x4x327680xf32, #tpu.memory_space<hbm>> -> memref<1x4x2048xf32, #tpu.memory_space<hbm>>
        %dma_start3A_36 = tpu.memref_squeeze %dma_start3A_35 : memref<1x4x2048xf32, #tpu.memory_space<hbm>> -> memref<4x2048xf32, #tpu.memory_space<hbm>>
        tpu.enqueue_dma source(%dma_start3A_36 : memref<4x2048xf32, #tpu.memory_space<hbm>>) target(%arg9 : memref<4x2048xf32, #tpu.memory_space<vmem>>) target_semaphore(%run_scoped3A : memref<!tpu.dma_semaphore, #tpu.memory_space<semaphore_mem>>)
        %dma_wait3A = arith.constant 0 : i32
        %dma_wait3A_37 = tpu.memref_slice %arg3[%add3A, %dma_wait3A, %mul3A_25] : memref<32x4x327680xf32, #tpu.memory_space<hbm>> -> memref<1x4x2048xf32, #tpu.memory_space<hbm>>
        %dma_wait3A_38 = tpu.memref_squeeze %dma_wait3A_37 : memref<1x4x2048xf32, #tpu.memory_space<hbm>> -> memref<4x2048xf32, #tpu.memory_space<hbm>>
        %dma_wait3A_39 = arith.constant 0 : i32
        %dma_wait3A_40 = tpu.memref_slice %arg3[%add3A, %dma_wait3A_39, %mul3A_25] : memref<32x4x327680xf32, #tpu.memory_space<hbm>> -> memref<1x4x2048xf32, #tpu.memory_space<hbm>>
        %dma_wait3A_41 = tpu.memref_squeeze %dma_wait3A_40 : memref<1x4x2048xf32, #tpu.memory_space<hbm>> -> memref<4x2048xf32, #tpu.memory_space<hbm>>
        tpu.wait_dma2 semaphore(%run_scoped3A : memref<!tpu.dma_semaphore, #tpu.memory_space<semaphore_mem>>) src(%dma_wait3A_41 : memref<4x2048xf32, #tpu.memory_space<hbm>>) dst(%arg9 : memref<4x2048xf32, #tpu.memory_space<vmem>>)
        tpu.yield
      }) : () -> ()
      %scan3A_26 = arith.constant 0 : i32
      %scan3A_27 = arith.constant 0 : i32
      %scan3A_28 = arith.constant 16 : i32
      %scan3A_29 = arith.addi %scan3A_27, %scan3A_28 : i32
      %scan3A_30 = arith.constant 1 : i32
      scf.for %scan3A_32 = %scan3A_27 to %scan3A_29 step %scan3A_30  : i32 {
        %mul3A_33 = arith.constant 8 : i32
        %mul3A_34 = arith.muli %scan3A_32, %mul3A_33 : i32
        %add3A_35 = arith.constant 0 : i32
        %add3A_36 = arith.addi %mul3A_34, %add3A_35 : i32
        %mul3A_37 = arith.constant 16 : i32
        %mul3A_38 = arith.muli %add3A_36, %mul3A_37 : i32
        %get3A = arith.index_cast %mul3A_38 : i32 to index
        %get3A_39 = tpu.vector_load %arg10[%get3A] {strides = array<i32>} : memref<2048xi32, #tpu.memory_space<vmem>>, vector<16xi32>,
        %get3A_40 = arith.index_cast %mul3A_38 : i32 to index
        %get3A_41 = tpu.vector_load %arg11[%get3A_40] {strides = array<i32>} : memref<2048xi32, #tpu.memory_space<vmem>>, vector<16xi32>,
        %gather3A = tpu.vector_load_idx %arg7[%broadcast_in_dim3A_6, %get3A_39] : memref<4x10112xf32, #tpu.memory_space<vmem>>[vector<16xi32>, vector<16xi32>], vector<16xf32>,
        %get3A_42 = arith.constant 0 : i32
        %get3A_43 = arith.index_cast %get3A_42 : i32 to index
        %get3A_44 = arith.index_cast %mul3A_38 : i32 to index
        %get3A_45 = tpu.vector_load %arg9[%get3A_43, %get3A_44] {strides = array<i32>} : memref<4x2048xf32, #tpu.memory_space<vmem>>, vector<16xf32>,
        %add3A_46 = arith.addf %gather3A, %get3A_45 : vector<16xf32>
        %max3A = arith.constant 0.000000e+00 : f32
        %max3A_47 = vector.broadcast %max3A : f32 to vector<16xf32>
        %max3A_48 = arith.maximumf %add3A_46, %max3A_47 : vector<16xf32>
        tpu.vector_store_idx %arg8[%broadcast_in_dim3A_6, %get3A_41], %max3A_48 {add = true} : memref<4x10112xf32, #tpu.memory_space<vmem>>[vector<16xi32>, vector<16xi32>], vector<16xf32>,
        %gather3A_49 = tpu.vector_load_idx %arg7[%broadcast_in_dim3A_8, %get3A_39] : memref<4x10112xf32, #tpu.memory_space<vmem>>[vector<16xi32>, vector<16xi32>], vector<16xf32>,
        %get3A_50 = arith.constant 1 : i32
        %get3A_51 = arith.index_cast %get3A_50 : i32 to index
        %get3A_52 = arith.index_cast %mul3A_38 : i32 to index
        %get3A_53 = tpu.vector_load %arg9[%get3A_51, %get3A_52] {strides = array<i32>} : memref<4x2048xf32, #tpu.memory_space<vmem>>, vector<16xf32>,
        %add3A_54 = arith.addf %gather3A_49, %get3A_53 : vector<16xf32>
        %max3A_55 = arith.constant 0.000000e+00 : f32
        %max3A_56 = vector.broadcast %max3A_55 : f32 to vector<16xf32>
        %max3A_57 = arith.maximumf %add3A_54, %max3A_56 : vector<16xf32>
        tpu.vector_store_idx %arg8[%broadcast_in_dim3A_8, %get3A_41], %max3A_57 {add = true} : memref<4x10112xf32, #tpu.memory_space<vmem>>[vector<16xi32>, vector<16xi32>], vector<16xf32>,
        %gather3A_58 = tpu.vector_load_idx %arg7[%broadcast_in_dim3A_10, %get3A_39] : memref<4x10112xf32, #tpu.memory_space<vmem>>[vector<16xi32>, vector<16xi32>], vector<16xf32>,
        %get3A_59 = arith.constant 2 : i32
        %get3A_60 = arith.index_cast %get3A_59 : i32 to index
        %get3A_61 = arith.index_cast %mul3A_38 : i32 to index
        %get3A_62 = tpu.vector_load %arg9[%get3A_60, %get3A_61] {strides = array<i32>} : memref<4x2048xf32, #tpu.memory_space<vmem>>, vector<16xf32>,
        %add3A_63 = arith.addf %gather3A_58, %get3A_62 : vector<16xf32>
        %max3A_64 = arith.constant 0.000000e+00 : f32
        %max3A_65 = vector.broadcast %max3A_64 : f32 to vector<16xf32>
        %max3A_66 = arith.maximumf %add3A_63, %max3A_65 : vector<16xf32>
        tpu.vector_store_idx %arg8[%broadcast_in_dim3A_10, %get3A_41], %max3A_66 {add = true} : memref<4x10112xf32, #tpu.memory_space<vmem>>[vector<16xi32>, vector<16xi32>], vector<16xf32>,
        %gather3A_67 = tpu.vector_load_idx %arg7[%broadcast_in_dim3A_12, %get3A_39] : memref<4x10112xf32, #tpu.memory_space<vmem>>[vector<16xi32>, vector<16xi32>], vector<16xf32>,
        %get3A_68 = arith.constant 3 : i32
        %get3A_69 = arith.index_cast %get3A_68 : i32 to index
        %get3A_70 = arith.index_cast %mul3A_38 : i32 to index
        %get3A_71 = tpu.vector_load %arg9[%get3A_69, %get3A_70] {strides = array<i32>} : memref<4x2048xf32, #tpu.memory_space<vmem>>, vector<16xf32>,
        %add3A_72 = arith.addf %gather3A_67, %get3A_71 : vector<16xf32>
        %max3A_73 = arith.constant 0.000000e+00 : f32
        %max3A_74 = vector.broadcast %max3A_73 : f32 to vector<16xf32>
        %max3A_75 = arith.maximumf %add3A_72, %max3A_74 : vector<16xf32>
        tpu.vector_store_idx %arg8[%broadcast_in_dim3A_12, %get3A_41], %max3A_75 {add = true} : memref<4x10112xf32, #tpu.memory_space<vmem>>[vector<16xi32>, vector<16xi32>], vector<16xf32>,
        %mul3A_76 = arith.constant 8 : i32
        %mul3A_77 = arith.muli %scan3A_32, %mul3A_76 : i32
        %add3A_78 = arith.constant 1 : i32
        %add3A_79 = arith.addi %mul3A_77, %add3A_78 : i32
        %mul3A_80 = arith.constant 16 : i32
        %mul3A_81 = arith.muli %add3A_79, %mul3A_80 : i32
        %get3A_82 = arith.index_cast %mul3A_81 : i32 to index
        %get3A_83 = tpu.vector_load %arg10[%get3A_82] {strides = array<i32>} : memref<2048xi32, #tpu.memory_space<vmem>>, vector<16xi32>,
        %get3A_84 = arith.index_cast %mul3A_81 : i32 to index
        %get3A_85 = tpu.vector_load %arg11[%get3A_84] {strides = array<i32>} : memref<2048xi32, #tpu.memory_space<vmem>>, vector<16xi32>,
        %gather3A_86 = tpu.vector_load_idx %arg7[%broadcast_in_dim3A_6, %get3A_83] : memref<4x10112xf32, #tpu.memory_space<vmem>>[vector<16xi32>, vector<16xi32>], vector<16xf32>,
        %get3A_87 = arith.constant 0 : i32
        %get3A_88 = arith.index_cast %get3A_87 : i32 to index
        %get3A_89 = arith.index_cast %mul3A_81 : i32 to index
        %get3A_90 = tpu.vector_load %arg9[%get3A_88, %get3A_89] {strides = array<i32>} : memref<4x2048xf32, #tpu.memory_space<vmem>>, vector<16xf32>,
        %add3A_91 = arith.addf %gather3A_86, %get3A_90 : vector<16xf32>
        %max3A_92 = arith.constant 0.000000e+00 : f32
        %max3A_93 = vector.broadcast %max3A_92 : f32 to vector<16xf32>
        %max3A_94 = arith.maximumf %add3A_91, %max3A_93 : vector<16xf32>
        tpu.vector_store_idx %arg8[%broadcast_in_dim3A_6, %get3A_85], %max3A_94 {add = true} : memref<4x10112xf32, #tpu.memory_space<vmem>>[vector<16xi32>, vector<16xi32>], vector<16xf32>,
        %gather3A_95 = tpu.vector_load_idx %arg7[%broadcast_in_dim3A_8, %get3A_83] : memref<4x10112xf32, #tpu.memory_space<vmem>>[vector<16xi32>, vector<16xi32>], vector<16xf32>,
        %get3A_96 = arith.constant 1 : i32
        %get3A_97 = arith.index_cast %get3A_96 : i32 to index
        %get3A_98 = arith.index_cast %mul3A_81 : i32 to index
        %get3A_99 = tpu.vector_load %arg9[%get3A_97, %get3A_98] {strides = array<i32>} : memref<4x2048xf32, #tpu.memory_space<vmem>>, vector<16xf32>,
        %add3A_100 = arith.addf %gather3A_95, %get3A_99 : vector<16xf32>
        %max3A_101 = arith.constant 0.000000e+00 : f32
        %max3A_102 = vector.broadcast %max3A_101 : f32 to vector<16xf32>
        %max3A_103 = arith.maximumf %add3A_100, %max3A_102 : vector<16xf32>
        tpu.vector_store_idx %arg8[%broadcast_in_dim3A_8, %get3A_85], %max3A_103 {add = true} : memref<4x10112xf32, #tpu.memory_space<vmem>>[vector<16xi32>, vector<16xi32>], vector<16xf32>,
        %gather3A_104 = tpu.vector_load_idx %arg7[%broadcast_in_dim3A_10, %get3A_83] : memref<4x10112xf32, #tpu.memory_space<vmem>>[vector<16xi32>, vector<16xi32>], vector<16xf32>,
        %get3A_105 = arith.constant 2 : i32
        %get3A_106 = arith.index_cast %get3A_105 : i32 to index
        %get3A_107 = arith.index_cast %mul3A_81 : i32 to index
        %get3A_108 = tpu.vector_load %arg9[%get3A_106, %get3A_107] {strides = array<i32>} : memref<4x2048xf32, #tpu.memory_space<vmem>>, vector<16xf32>,
        %add3A_109 = arith.addf %gather3A_104, %get3A_108 : vector<16xf32>
        %max3A_110 = arith.constant 0.000000e+00 : f32
        %max3A_111 = vector.broadcast %max3A_110 : f32 to vector<16xf32>
        %max3A_112 = arith.maximumf %add3A_109, %max3A_111 : vector<16xf32>
        tpu.vector_store_idx %arg8[%broadcast_in_dim3A_10, %get3A_85], %max3A_112 {add = true} : memref<4x10112xf32, #tpu.memory_space<vmem>>[vector<16xi32>, vector<16xi32>], vector<16xf32>,
        %gather3A_113 = tpu.vector_load_idx %arg7[%broadcast_in_dim3A_12, %get3A_83] : memref<4x10112xf32, #tpu.memory_space<vmem>>[vector<16xi32>, vector<16xi32>], vector<16xf32>,
        %get3A_114 = arith.constant 3 : i32
        %get3A_115 = arith.index_cast %get3A_114 : i32 to index
        %get3A_116 = arith.index_cast %mul3A_81 : i32 to index
        %get3A_117 = tpu.vector_load %arg9[%get3A_115, %get3A_116] {strides = array<i32>} : memref<4x2048xf32, #tpu.memory_space<vmem>>, vector<16xf32>,
        %add3A_118 = arith.addf %gather3A_113, %get3A_117 : vector<16xf32>
        %max3A_119 = arith.constant 0.000000e+00 : f32
        %max3A_120 = vector.broadcast %max3A_119 : f32 to vector<16xf32>
        %max3A_121 = arith.maximumf %add3A_118, %max3A_120 : vector<16xf32>
        tpu.vector_store_idx %arg8[%broadcast_in_dim3A_12, %get3A_85], %max3A_121 {add = true} : memref<4x10112xf32, #tpu.memory_space<vmem>>[vector<16xi32>, vector<16xi32>], vector<16xf32>,
        %mul3A_122 = arith.constant 8 : i32
        %mul3A_123 = arith.muli %scan3A_32, %mul3A_122 : i32
        %add3A_124 = arith.constant 2 : i32
        %add3A_125 = arith.addi %mul3A_123, %add3A_124 : i32
        %mul3A_126 = arith.constant 16 : i32
        %mul3A_127 = arith.muli %add3A_125, %mul3A_126 : i32
        %get3A_128 = arith.index_cast %mul3A_127 : i32 to index
        %get3A_129 = tpu.vector_load %arg10[%get3A_128] {strides = array<i32>} : memref<2048xi32, #tpu.memory_space<vmem>>, vector<16xi32>,
        %get3A_130 = arith.index_cast %mul3A_127 : i32 to index
        %get3A_131 = tpu.vector_load %arg11[%get3A_130] {strides = array<i32>} : memref<2048xi32, #tpu.memory_space<vmem>>, vector<16xi32>,
        %gather3A_132 = tpu.vector_load_idx %arg7[%broadcast_in_dim3A_6, %get3A_129] : memref<4x10112xf32, #tpu.memory_space<vmem>>[vector<16xi32>, vector<16xi32>], vector<16xf32>,
        %get3A_133 = arith.constant 0 : i32
        %get3A_134 = arith.index_cast %get3A_133 : i32 to index
        %get3A_135 = arith.index_cast %mul3A_127 : i32 to index
        %get3A_136 = tpu.vector_load %arg9[%get3A_134, %get3A_135] {strides = array<i32>} : memref<4x2048xf32, #tpu.memory_space<vmem>>, vector<16xf32>,
        %add3A_137 = arith.addf %gather3A_132, %get3A_136 : vector<16xf32>
        %max3A_138 = arith.constant 0.000000e+00 : f32
        %max3A_139 = vector.broadcast %max3A_138 : f32 to vector<16xf32>
        %max3A_140 = arith.maximumf %add3A_137, %max3A_139 : vector<16xf32>
        tpu.vector_store_idx %arg8[%broadcast_in_dim3A_6, %get3A_131], %max3A_140 {add = true} : memref<4x10112xf32, #tpu.memory_space<vmem>>[vector<16xi32>, vector<16xi32>], vector<16xf32>,
        %gather3A_141 = tpu.vector_load_idx %arg7[%broadcast_in_dim3A_8, %get3A_129] : memref<4x10112xf32, #tpu.memory_space<vmem>>[vector<16xi32>, vector<16xi32>], vector<16xf32>,
        %get3A_142 = arith.constant 1 : i32
        %get3A_143 = arith.index_cast %get3A_142 : i32 to index
        %get3A_144 = arith.index_cast %mul3A_127 : i32 to index
        %get3A_145 = tpu.vector_load %arg9[%get3A_143, %get3A_144] {strides = array<i32>} : memref<4x2048xf32, #tpu.memory_space<vmem>>, vector<16xf32>,
        %add3A_146 = arith.addf %gather3A_141, %get3A_145 : vector<16xf32>
        %max3A_147 = arith.constant 0.000000e+00 : f32
        %max3A_148 = vector.broadcast %max3A_147 : f32 to vector<16xf32>
        %max3A_149 = arith.maximumf %add3A_146, %max3A_148 : vector<16xf32>
        tpu.vector_store_idx %arg8[%broadcast_in_dim3A_8, %get3A_131], %max3A_149 {add = true} : memref<4x10112xf32, #tpu.memory_space<vmem>>[vector<16xi32>, vector<16xi32>], vector<16xf32>,
        %gather3A_150 = tpu.vector_load_idx %arg7[%broadcast_in_dim3A_10, %get3A_129] : memref<4x10112xf32, #tpu.memory_space<vmem>>[vector<16xi32>, vector<16xi32>], vector<16xf32>,
        %get3A_151 = arith.constant 2 : i32
        %get3A_152 = arith.index_cast %get3A_151 : i32 to index
        %get3A_153 = arith.index_cast %mul3A_127 : i32 to index
        %get3A_154 = tpu.vector_load %arg9[%get3A_152, %get3A_153] {strides = array<i32>} : memref<4x2048xf32, #tpu.memory_space<vmem>>, vector<16xf32>,
        %add3A_155 = arith.addf %gather3A_150, %get3A_154 : vector<16xf32>
        %max3A_156 = arith.constant 0.000000e+00 : f32
        %max3A_157 = vector.broadcast %max3A_156 : f32 to vector<16xf32>
        %max3A_158 = arith.maximumf %add3A_155, %max3A_157 : vector<16xf32>
        tpu.vector_store_idx %arg8[%broadcast_in_dim3A_10, %get3A_131], %max3A_158 {add = true} : memref<4x10112xf32, #tpu.memory_space<vmem>>[vector<16xi32>, vector<16xi32>], vector<16xf32>,
        %gather3A_159 = tpu.vector_load_idx %arg7[%broadcast_in_dim3A_12, %get3A_129] : memref<4x10112xf32, #tpu.memory_space<vmem>>[vector<16xi32>, vector<16xi32>], vector<16xf32>,
        %get3A_160 = arith.constant 3 : i32
        %get3A_161 = arith.index_cast %get3A_160 : i32 to index
        %get3A_162 = arith.index_cast %mul3A_127 : i32 to index
        %get3A_163 = tpu.vector_load %arg9[%get3A_161, %get3A_162] {strides = array<i32>} : memref<4x2048xf32, #tpu.memory_space<vmem>>, vector<16xf32>,
        %add3A_164 = arith.addf %gather3A_159, %get3A_163 : vector<16xf32>
        %max3A_165 = arith.constant 0.000000e+00 : f32
        %max3A_166 = vector.broadcast %max3A_165 : f32 to vector<16xf32>
        %max3A_167 = arith.maximumf %add3A_164, %max3A_166 : vector<16xf32>
        tpu.vector_store_idx %arg8[%broadcast_in_dim3A_12, %get3A_131], %max3A_167 {add = true} : memref<4x10112xf32, #tpu.memory_space<vmem>>[vector<16xi32>, vector<16xi32>], vector<16xf32>,
        %mul3A_168 = arith.constant 8 : i32
        %mul3A_169 = arith.muli %scan3A_32, %mul3A_168 : i32
        %add3A_170 = arith.constant 3 : i32
        %add3A_171 = arith.addi %mul3A_169, %add3A_170 : i32
        %mul3A_172 = arith.constant 16 : i32
        %mul3A_173 = arith.muli %add3A_171, %mul3A_172 : i32
        %get3A_174 = arith.index_cast %mul3A_173 : i32 to index
        %get3A_175 = tpu.vector_load %arg10[%get3A_174] {strides = array<i32>} : memref<2048xi32, #tpu.memory_space<vmem>>, vector<16xi32>,
        %get3A_176 = arith.index_cast %mul3A_173 : i32 to index
        %get3A_177 = tpu.vector_load %arg11[%get3A_176] {strides = array<i32>} : memref<2048xi32, #tpu.memory_space<vmem>>, vector<16xi32>,
        %gather3A_178 = tpu.vector_load_idx %arg7[%broadcast_in_dim3A_6, %get3A_175] : memref<4x10112xf32, #tpu.memory_space<vmem>>[vector<16xi32>, vector<16xi32>], vector<16xf32>,
        %get3A_179 = arith.constant 0 : i32
        %get3A_180 = arith.index_cast %get3A_179 : i32 to index
        %get3A_181 = arith.index_cast %mul3A_173 : i32 to index
        %get3A_182 = tpu.vector_load %arg9[%get3A_180, %get3A_181] {strides = array<i32>} : memref<4x2048xf32, #tpu.memory_space<vmem>>, vector<16xf32>,
        %add3A_183 = arith.addf %gather3A_178, %get3A_182 : vector<16xf32>
        %max3A_184 = arith.constant 0.000000e+00 : f32
        %max3A_185 = vector.broadcast %max3A_184 : f32 to vector<16xf32>
        %max3A_186 = arith.maximumf %add3A_183, %max3A_185 : vector<16xf32>
        tpu.vector_store_idx %arg8[%broadcast_in_dim3A_6, %get3A_177], %max3A_186 {add = true} : memref<4x10112xf32, #tpu.memory_space<vmem>>[vector<16xi32>, vector<16xi32>], vector<16xf32>,
        %gather3A_187 = tpu.vector_load_idx %arg7[%broadcast_in_dim3A_8, %get3A_175] : memref<4x10112xf32, #tpu.memory_space<vmem>>[vector<16xi32>, vector<16xi32>], vector<16xf32>,
        %get3A_188 = arith.constant 1 : i32
        %get3A_189 = arith.index_cast %get3A_188 : i32 to index
        %get3A_190 = arith.index_cast %mul3A_173 : i32 to index
        %get3A_191 = tpu.vector_load %arg9[%get3A_189, %get3A_190] {strides = array<i32>} : memref<4x2048xf32, #tpu.memory_space<vmem>>, vector<16xf32>,
        %add3A_192 = arith.addf %gather3A_187, %get3A_191 : vector<16xf32>
        %max3A_193 = arith.constant 0.000000e+00 : f32
        %max3A_194 = vector.broadcast %max3A_193 : f32 to vector<16xf32>
        %max3A_195 = arith.maximumf %add3A_192, %max3A_194 : vector<16xf32>
        tpu.vector_store_idx %arg8[%broadcast_in_dim3A_8, %get3A_177], %max3A_195 {add = true} : memref<4x10112xf32, #tpu.memory_space<vmem>>[vector<16xi32>, vector<16xi32>], vector<16xf32>,
        %gather3A_196 = tpu.vector_load_idx %arg7[%broadcast_in_dim3A_10, %get3A_175] : memref<4x10112xf32, #tpu.memory_space<vmem>>[vector<16xi32>, vector<16xi32>], vector<16xf32>,
        %get3A_197 = arith.constant 2 : i32
        %get3A_198 = arith.index_cast %get3A_197 : i32 to index
        %get3A_199 = arith.index_cast %mul3A_173 : i32 to index
        %get3A_200 = tpu.vector_load %arg9[%get3A_198, %get3A_199] {strides = array<i32>} : memref<4x2048xf32, #tpu.memory_space<vmem>>, vector<16xf32>,
        %add3A_201 = arith.addf %gather3A_196, %get3A_200 : vector<16xf32>
        %max3A_202 = arith.constant 0.000000e+00 : f32
        %max3A_203 = vector.broadcast %max3A_202 : f32 to vector<16xf32>
        %max3A_204 = arith.maximumf %add3A_201, %max3A_203 : vector<16xf32>
        tpu.vector_store_idx %arg8[%broadcast_in_dim3A_10, %get3A_177], %max3A_204 {add = true} : memref<4x10112xf32, #tpu.memory_space<vmem>>[vector<16xi32>, vector<16xi32>], vector<16xf32>,
        %gather3A_205 = tpu.vector_load_idx %arg7[%broadcast_in_dim3A_12, %get3A_175] : memref<4x10112xf32, #tpu.memory_space<vmem>>[vector<16xi32>, vector<16xi32>], vector<16xf32>,
        %get3A_206 = arith.constant 3 : i32
        %get3A_207 = arith.index_cast %get3A_206 : i32 to index
        %get3A_208 = arith.index_cast %mul3A_173 : i32 to index
        %get3A_209 = tpu.vector_load %arg9[%get3A_207, %get3A_208] {strides = array<i32>} : memref<4x2048xf32, #tpu.memory_space<vmem>>, vector<16xf32>,
        %add3A_210 = arith.addf %gather3A_205, %get3A_209 : vector<16xf32>
        %max3A_211 = arith.constant 0.000000e+00 : f32
        %max3A_212 = vector.broadcast %max3A_211 : f32 to vector<16xf32>
        %max3A_213 = arith.maximumf %add3A_210, %max3A_212 : vector<16xf32>
        tpu.vector_store_idx %arg8[%broadcast_in_dim3A_12, %get3A_177], %max3A_213 {add = true} : memref<4x10112xf32, #tpu.memory_space<vmem>>[vector<16xi32>, vector<16xi32>], vector<16xf32>,
        %mul3A_214 = arith.constant 8 : i32
        %mul3A_215 = arith.muli %scan3A_32, %mul3A_214 : i32
        %add3A_216 = arith.constant 4 : i32
        %add3A_217 = arith.addi %mul3A_215, %add3A_216 : i32
        %mul3A_218 = arith.constant 16 : i32
        %mul3A_219 = arith.muli %add3A_217, %mul3A_218 : i32
        %get3A_220 = arith.index_cast %mul3A_219 : i32 to index
        %get3A_221 = tpu.vector_load %arg10[%get3A_220] {strides = array<i32>} : memref<2048xi32, #tpu.memory_space<vmem>>, vector<16xi32>,
        %get3A_222 = arith.index_cast %mul3A_219 : i32 to index
        %get3A_223 = tpu.vector_load %arg11[%get3A_222] {strides = array<i32>} : memref<2048xi32, #tpu.memory_space<vmem>>, vector<16xi32>,
        %gather3A_224 = tpu.vector_load_idx %arg7[%broadcast_in_dim3A_6, %get3A_221] : memref<4x10112xf32, #tpu.memory_space<vmem>>[vector<16xi32>, vector<16xi32>], vector<16xf32>,
        %get3A_225 = arith.constant 0 : i32
        %get3A_226 = arith.index_cast %get3A_225 : i32 to index
        %get3A_227 = arith.index_cast %mul3A_219 : i32 to index
        %get3A_228 = tpu.vector_load %arg9[%get3A_226, %get3A_227] {strides = array<i32>} : memref<4x2048xf32, #tpu.memory_space<vmem>>, vector<16xf32>,
        %add3A_229 = arith.addf %gather3A_224, %get3A_228 : vector<16xf32>
        %max3A_230 = arith.constant 0.000000e+00 : f32
        %max3A_231 = vector.broadcast %max3A_230 : f32 to vector<16xf32>
        %max3A_232 = arith.maximumf %add3A_229, %max3A_231 : vector<16xf32>
        tpu.vector_store_idx %arg8[%broadcast_in_dim3A_6, %get3A_223], %max3A_232 {add = true} : memref<4x10112xf32, #tpu.memory_space<vmem>>[vector<16xi32>, vector<16xi32>], vector<16xf32>,
        %gather3A_233 = tpu.vector_load_idx %arg7[%broadcast_in_dim3A_8, %get3A_221] : memref<4x10112xf32, #tpu.memory_space<vmem>>[vector<16xi32>, vector<16xi32>], vector<16xf32>,
        %get3A_234 = arith.constant 1 : i32
        %get3A_235 = arith.index_cast %get3A_234 : i32 to index
        %get3A_236 = arith.index_cast %mul3A_219 : i32 to index
        %get3A_237 = tpu.vector_load %arg9[%get3A_235, %get3A_236] {strides = array<i32>} : memref<4x2048xf32, #tpu.memory_space<vmem>>, vector<16xf32>,
        %add3A_238 = arith.addf %gather3A_233, %get3A_237 : vector<16xf32>
        %max3A_239 = arith.constant 0.000000e+00 : f32
        %max3A_240 = vector.broadcast %max3A_239 : f32 to vector<16xf32>
        %max3A_241 = arith.maximumf %add3A_238, %max3A_240 : vector<16xf32>
        tpu.vector_store_idx %arg8[%broadcast_in_dim3A_8, %get3A_223], %max3A_241 {add = true} : memref<4x10112xf32, #tpu.memory_space<vmem>>[vector<16xi32>, vector<16xi32>], vector<16xf32>,
        %gather3A_242 = tpu.vector_load_idx %arg7[%broadcast_in_dim3A_10, %get3A_221] : memref<4x10112xf32, #tpu.memory_space<vmem>>[vector<16xi32>, vector<16xi32>], vector<16xf32>,
        %get3A_243 = arith.constant 2 : i32
        %get3A_244 = arith.index_cast %get3A_243 : i32 to index
        %get3A_245 = arith.index_cast %mul3A_219 : i32 to index
        %get3A_246 = tpu.vector_load %arg9[%get3A_244, %get3A_245] {strides = array<i32>} : memref<4x2048xf32, #tpu.memory_space<vmem>>, vector<16xf32>,
        %add3A_247 = arith.addf %gather3A_242, %get3A_246 : vector<16xf32>
        %max3A_248 = arith.constant 0.000000e+00 : f32
        %max3A_249 = vector.broadcast %max3A_248 : f32 to vector<16xf32>
        %max3A_250 = arith.maximumf %add3A_247, %max3A_249 : vector<16xf32>
        tpu.vector_store_idx %arg8[%broadcast_in_dim3A_10, %get3A_223], %max3A_250 {add = true} : memref<4x10112xf32, #tpu.memory_space<vmem>>[vector<16xi32>, vector<16xi32>], vector<16xf32>,
        %gather3A_251 = tpu.vector_load_idx %arg7[%broadcast_in_dim3A_12, %get3A_221] : memref<4x10112xf32, #tpu.memory_space<vmem>>[vector<16xi32>, vector<16xi32>], vector<16xf32>,
        %get3A_252 = arith.constant 3 : i32
        %get3A_253 = arith.index_cast %get3A_252 : i32 to index
        %get3A_254 = arith.index_cast %mul3A_219 : i32 to index
        %get3A_255 = tpu.vector_load %arg9[%get3A_253, %get3A_254] {strides = array<i32>} : memref<4x2048xf32, #tpu.memory_space<vmem>>, vector<16xf32>,
        %add3A_256 = arith.addf %gather3A_251, %get3A_255 : vector<16xf32>
        %max3A_257 = arith.constant 0.000000e+00 : f32
        %max3A_258 = vector.broadcast %max3A_257 : f32 to vector<16xf32>
        %max3A_259 = arith.maximumf %add3A_256, %max3A_258 : vector<16xf32>
        tpu.vector_store_idx %arg8[%broadcast_in_dim3A_12, %get3A_223], %max3A_259 {add = true} : memref<4x10112xf32, #tpu.memory_space<vmem>>[vector<16xi32>, vector<16xi32>], vector<16xf32>,
        %mul3A_260 = arith.constant 8 : i32
        %mul3A_261 = arith.muli %scan3A_32, %mul3A_260 : i32
        %add3A_262 = arith.constant 5 : i32
        %add3A_263 = arith.addi %mul3A_261, %add3A_262 : i32
        %mul3A_264 = arith.constant 16 : i32
        %mul3A_265 = arith.muli %add3A_263, %mul3A_264 : i32
        %get3A_266 = arith.index_cast %mul3A_265 : i32 to index
        %get3A_267 = tpu.vector_load %arg10[%get3A_266] {strides = array<i32>} : memref<2048xi32, #tpu.memory_space<vmem>>, vector<16xi32>,
        %get3A_268 = arith.index_cast %mul3A_265 : i32 to index
        %get3A_269 = tpu.vector_load %arg11[%get3A_268] {strides = array<i32>} : memref<2048xi32, #tpu.memory_space<vmem>>, vector<16xi32>,
        %gather3A_270 = tpu.vector_load_idx %arg7[%broadcast_in_dim3A_6, %get3A_267] : memref<4x10112xf32, #tpu.memory_space<vmem>>[vector<16xi32>, vector<16xi32>], vector<16xf32>,
        %get3A_271 = arith.constant 0 : i32
        %get3A_272 = arith.index_cast %get3A_271 : i32 to index
        %get3A_273 = arith.index_cast %mul3A_265 : i32 to index
        %get3A_274 = tpu.vector_load %arg9[%get3A_272, %get3A_273] {strides = array<i32>} : memref<4x2048xf32, #tpu.memory_space<vmem>>, vector<16xf32>,
        %add3A_275 = arith.addf %gather3A_270, %get3A_274 : vector<16xf32>
        %max3A_276 = arith.constant 0.000000e+00 : f32
        %max3A_277 = vector.broadcast %max3A_276 : f32 to vector<16xf32>
        %max3A_278 = arith.maximumf %add3A_275, %max3A_277 : vector<16xf32>
        tpu.vector_store_idx %arg8[%broadcast_in_dim3A_6, %get3A_269], %max3A_278 {add = true} : memref<4x10112xf32, #tpu.memory_space<vmem>>[vector<16xi32>, vector<16xi32>], vector<16xf32>,
        %gather3A_279 = tpu.vector_load_idx %arg7[%broadcast_in_dim3A_8, %get3A_267] : memref<4x10112xf32, #tpu.memory_space<vmem>>[vector<16xi32>, vector<16xi32>], vector<16xf32>,
        %get3A_280 = arith.constant 1 : i32
        %get3A_281 = arith.index_cast %get3A_280 : i32 to index
        %get3A_282 = arith.index_cast %mul3A_265 : i32 to index
        %get3A_283 = tpu.vector_load %arg9[%get3A_281, %get3A_282] {strides = array<i32>} : memref<4x2048xf32, #tpu.memory_space<vmem>>, vector<16xf32>,
        %add3A_284 = arith.addf %gather3A_279, %get3A_283 : vector<16xf32>
        %max3A_285 = arith.constant 0.000000e+00 : f32
        %max3A_286 = vector.broadcast %max3A_285 : f32 to vector<16xf32>
        %max3A_287 = arith.maximumf %add3A_284, %max3A_286 : vector<16xf32>
        tpu.vector_store_idx %arg8[%broadcast_in_dim3A_8, %get3A_269], %max3A_287 {add = true} : memref<4x10112xf32, #tpu.memory_space<vmem>>[vector<16xi32>, vector<16xi32>], vector<16xf32>,
        %gather3A_288 = tpu.vector_load_idx %arg7[%broadcast_in_dim3A_10, %get3A_267] : memref<4x10112xf32, #tpu.memory_space<vmem>>[vector<16xi32>, vector<16xi32>], vector<16xf32>,
        %get3A_289 = arith.constant 2 : i32
        %get3A_290 = arith.index_cast %get3A_289 : i32 to index
        %get3A_291 = arith.index_cast %mul3A_265 : i32 to index
        %get3A_292 = tpu.vector_load %arg9[%get3A_290, %get3A_291] {strides = array<i32>} : memref<4x2048xf32, #tpu.memory_space<vmem>>, vector<16xf32>,
        %add3A_293 = arith.addf %gather3A_288, %get3A_292 : vector<16xf32>
        %max3A_294 = arith.constant 0.000000e+00 : f32
        %max3A_295 = vector.broadcast %max3A_294 : f32 to vector<16xf32>
        %max3A_296 = arith.maximumf %add3A_293, %max3A_295 : vector<16xf32>
        tpu.vector_store_idx %arg8[%broadcast_in_dim3A_10, %get3A_269], %max3A_296 {add = true} : memref<4x10112xf32, #tpu.memory_space<vmem>>[vector<16xi32>, vector<16xi32>], vector<16xf32>,
        %gather3A_297 = tpu.vector_load_idx %arg7[%broadcast_in_dim3A_12, %get3A_267] : memref<4x10112xf32, #tpu.memory_space<vmem>>[vector<16xi32>, vector<16xi32>], vector<16xf32>,
        %get3A_298 = arith.constant 3 : i32
        %get3A_299 = arith.index_cast %get3A_298 : i32 to index
        %get3A_300 = arith.index_cast %mul3A_265 : i32 to index
        %get3A_301 = tpu.vector_load %arg9[%get3A_299, %get3A_300] {strides = array<i32>} : memref<4x2048xf32, #tpu.memory_space<vmem>>, vector<16xf32>,
        %add3A_302 = arith.addf %gather3A_297, %get3A_301 : vector<16xf32>
        %max3A_303 = arith.constant 0.000000e+00 : f32
        %max3A_304 = vector.broadcast %max3A_303 : f32 to vector<16xf32>
        %max3A_305 = arith.maximumf %add3A_302, %max3A_304 : vector<16xf32>
        tpu.vector_store_idx %arg8[%broadcast_in_dim3A_12, %get3A_269], %max3A_305 {add = true} : memref<4x10112xf32, #tpu.memory_space<vmem>>[vector<16xi32>, vector<16xi32>], vector<16xf32>,
        %mul3A_306 = arith.constant 8 : i32
        %mul3A_307 = arith.muli %scan3A_32, %mul3A_306 : i32
        %add3A_308 = arith.constant 6 : i32
        %add3A_309 = arith.addi %mul3A_307, %add3A_308 : i32
        %mul3A_310 = arith.constant 16 : i32
        %mul3A_311 = arith.muli %add3A_309, %mul3A_310 : i32
        %get3A_312 = arith.index_cast %mul3A_311 : i32 to index
        %get3A_313 = tpu.vector_load %arg10[%get3A_312] {strides = array<i32>} : memref<2048xi32, #tpu.memory_space<vmem>>, vector<16xi32>,
        %get3A_314 = arith.index_cast %mul3A_311 : i32 to index
        %get3A_315 = tpu.vector_load %arg11[%get3A_314] {strides = array<i32>} : memref<2048xi32, #tpu.memory_space<vmem>>, vector<16xi32>,
        %gather3A_316 = tpu.vector_load_idx %arg7[%broadcast_in_dim3A_6, %get3A_313] : memref<4x10112xf32, #tpu.memory_space<vmem>>[vector<16xi32>, vector<16xi32>], vector<16xf32>,
        %get3A_317 = arith.constant 0 : i32
        %get3A_318 = arith.index_cast %get3A_317 : i32 to index
        %get3A_319 = arith.index_cast %mul3A_311 : i32 to index
        %get3A_320 = tpu.vector_load %arg9[%get3A_318, %get3A_319] {strides = array<i32>} : memref<4x2048xf32, #tpu.memory_space<vmem>>, vector<16xf32>,
        %add3A_321 = arith.addf %gather3A_316, %get3A_320 : vector<16xf32>
        %max3A_322 = arith.constant 0.000000e+00 : f32
        %max3A_323 = vector.broadcast %max3A_322 : f32 to vector<16xf32>
        %max3A_324 = arith.maximumf %add3A_321, %max3A_323 : vector<16xf32>
        tpu.vector_store_idx %arg8[%broadcast_in_dim3A_6, %get3A_315], %max3A_324 {add = true} : memref<4x10112xf32, #tpu.memory_space<vmem>>[vector<16xi32>, vector<16xi32>], vector<16xf32>,
        %gather3A_325 = tpu.vector_load_idx %arg7[%broadcast_in_dim3A_8, %get3A_313] : memref<4x10112xf32, #tpu.memory_space<vmem>>[vector<16xi32>, vector<16xi32>], vector<16xf32>,
        %get3A_326 = arith.constant 1 : i32
        %get3A_327 = arith.index_cast %get3A_326 : i32 to index
        %get3A_328 = arith.index_cast %mul3A_311 : i32 to index
        %get3A_329 = tpu.vector_load %arg9[%get3A_327, %get3A_328] {strides = array<i32>} : memref<4x2048xf32, #tpu.memory_space<vmem>>, vector<16xf32>,
        %add3A_330 = arith.addf %gather3A_325, %get3A_329 : vector<16xf32>
        %max3A_331 = arith.constant 0.000000e+00 : f32
        %max3A_332 = vector.broadcast %max3A_331 : f32 to vector<16xf32>
        %max3A_333 = arith.maximumf %add3A_330, %max3A_332 : vector<16xf32>
        tpu.vector_store_idx %arg8[%broadcast_in_dim3A_8, %get3A_315], %max3A_333 {add = true} : memref<4x10112xf32, #tpu.memory_space<vmem>>[vector<16xi32>, vector<16xi32>], vector<16xf32>,
        %gather3A_334 = tpu.vector_load_idx %arg7[%broadcast_in_dim3A_10, %get3A_313] : memref<4x10112xf32, #tpu.memory_space<vmem>>[vector<16xi32>, vector<16xi32>], vector<16xf32>,
        %get3A_335 = arith.constant 2 : i32
        %get3A_336 = arith.index_cast %get3A_335 : i32 to index
        %get3A_337 = arith.index_cast %mul3A_311 : i32 to index
        %get3A_338 = tpu.vector_load %arg9[%get3A_336, %get3A_337] {strides = array<i32>} : memref<4x2048xf32, #tpu.memory_space<vmem>>, vector<16xf32>,
        %add3A_339 = arith.addf %gather3A_334, %get3A_338 : vector<16xf32>
        %max3A_340 = arith.constant 0.000000e+00 : f32
        %max3A_341 = vector.broadcast %max3A_340 : f32 to vector<16xf32>
        %max3A_342 = arith.maximumf %add3A_339, %max3A_341 : vector<16xf32>
        tpu.vector_store_idx %arg8[%broadcast_in_dim3A_10, %get3A_315], %max3A_342 {add = true} : memref<4x10112xf32, #tpu.memory_space<vmem>>[vector<16xi32>, vector<16xi32>], vector<16xf32>,
        %gather3A_343 = tpu.vector_load_idx %arg7[%broadcast_in_dim3A_12, %get3A_313] : memref<4x10112xf32, #tpu.memory_space<vmem>>[vector<16xi32>, vector<16xi32>], vector<16xf32>,
        %get3A_344 = arith.constant 3 : i32
        %get3A_345 = arith.index_cast %get3A_344 : i32 to index
        %get3A_346 = arith.index_cast %mul3A_311 : i32 to index
        %get3A_347 = tpu.vector_load %arg9[%get3A_345, %get3A_346] {strides = array<i32>} : memref<4x2048xf32, #tpu.memory_space<vmem>>, vector<16xf32>,
        %add3A_348 = arith.addf %gather3A_343, %get3A_347 : vector<16xf32>
        %max3A_349 = arith.constant 0.000000e+00 : f32
        %max3A_350 = vector.broadcast %max3A_349 : f32 to vector<16xf32>
        %max3A_351 = arith.maximumf %add3A_348, %max3A_350 : vector<16xf32>
        tpu.vector_store_idx %arg8[%broadcast_in_dim3A_12, %get3A_315], %max3A_351 {add = true} : memref<4x10112xf32, #tpu.memory_space<vmem>>[vector<16xi32>, vector<16xi32>], vector<16xf32>,
        %mul3A_352 = arith.constant 8 : i32
        %mul3A_353 = arith.muli %scan3A_32, %mul3A_352 : i32
        %add3A_354 = arith.constant 7 : i32
        %add3A_355 = arith.addi %mul3A_353, %add3A_354 : i32
        %mul3A_356 = arith.constant 16 : i32
        %mul3A_357 = arith.muli %add3A_355, %mul3A_356 : i32
        %get3A_358 = arith.index_cast %mul3A_357 : i32 to index
        %get3A_359 = tpu.vector_load %arg10[%get3A_358] {strides = array<i32>} : memref<2048xi32, #tpu.memory_space<vmem>>, vector<16xi32>,
        %get3A_360 = arith.index_cast %mul3A_357 : i32 to index
        %get3A_361 = tpu.vector_load %arg11[%get3A_360] {strides = array<i32>} : memref<2048xi32, #tpu.memory_space<vmem>>, vector<16xi32>,
        %gather3A_362 = tpu.vector_load_idx %arg7[%broadcast_in_dim3A_6, %get3A_359] : memref<4x10112xf32, #tpu.memory_space<vmem>>[vector<16xi32>, vector<16xi32>], vector<16xf32>,
        %get3A_363 = arith.constant 0 : i32
        %get3A_364 = arith.index_cast %get3A_363 : i32 to index
        %get3A_365 = arith.index_cast %mul3A_357 : i32 to index
        %get3A_366 = tpu.vector_load %arg9[%get3A_364, %get3A_365] {strides = array<i32>} : memref<4x2048xf32, #tpu.memory_space<vmem>>, vector<16xf32>,
        %add3A_367 = arith.addf %gather3A_362, %get3A_366 : vector<16xf32>
        %max3A_368 = arith.constant 0.000000e+00 : f32
        %max3A_369 = vector.broadcast %max3A_368 : f32 to vector<16xf32>
        %max3A_370 = arith.maximumf %add3A_367, %max3A_369 : vector<16xf32>
        tpu.vector_store_idx %arg8[%broadcast_in_dim3A_6, %get3A_361], %max3A_370 {add = true} : memref<4x10112xf32, #tpu.memory_space<vmem>>[vector<16xi32>, vector<16xi32>], vector<16xf32>,
        %gather3A_371 = tpu.vector_load_idx %arg7[%broadcast_in_dim3A_8, %get3A_359] : memref<4x10112xf32, #tpu.memory_space<vmem>>[vector<16xi32>, vector<16xi32>], vector<16xf32>,
        %get3A_372 = arith.constant 1 : i32
        %get3A_373 = arith.index_cast %get3A_372 : i32 to index
        %get3A_374 = arith.index_cast %mul3A_357 : i32 to index
        %get3A_375 = tpu.vector_load %arg9[%get3A_373, %get3A_374] {strides = array<i32>} : memref<4x2048xf32, #tpu.memory_space<vmem>>, vector<16xf32>,
        %add3A_376 = arith.addf %gather3A_371, %get3A_375 : vector<16xf32>
        %max3A_377 = arith.constant 0.000000e+00 : f32
        %max3A_378 = vector.broadcast %max3A_377 : f32 to vector<16xf32>
        %max3A_379 = arith.maximumf %add3A_376, %max3A_378 : vector<16xf32>
        tpu.vector_store_idx %arg8[%broadcast_in_dim3A_8, %get3A_361], %max3A_379 {add = true} : memref<4x10112xf32, #tpu.memory_space<vmem>>[vector<16xi32>, vector<16xi32>], vector<16xf32>,
        %gather3A_380 = tpu.vector_load_idx %arg7[%broadcast_in_dim3A_10, %get3A_359] : memref<4x10112xf32, #tpu.memory_space<vmem>>[vector<16xi32>, vector<16xi32>], vector<16xf32>,
        %get3A_381 = arith.constant 2 : i32
        %get3A_382 = arith.index_cast %get3A_381 : i32 to index
        %get3A_383 = arith.index_cast %mul3A_357 : i32 to index
        %get3A_384 = tpu.vector_load %arg9[%get3A_382, %get3A_383] {strides = array<i32>} : memref<4x2048xf32, #tpu.memory_space<vmem>>, vector<16xf32>,
        %add3A_385 = arith.addf %gather3A_380, %get3A_384 : vector<16xf32>
        %max3A_386 = arith.constant 0.000000e+00 : f32
        %max3A_387 = vector.broadcast %max3A_386 : f32 to vector<16xf32>
        %max3A_388 = arith.maximumf %add3A_385, %max3A_387 : vector<16xf32>
        tpu.vector_store_idx %arg8[%broadcast_in_dim3A_10, %get3A_361], %max3A_388 {add = true} : memref<4x10112xf32, #tpu.memory_space<vmem>>[vector<16xi32>, vector<16xi32>], vector<16xf32>,
        %gather3A_389 = tpu.vector_load_idx %arg7[%broadcast_in_dim3A_12, %get3A_359] : memref<4x10112xf32, #tpu.memory_space<vmem>>[vector<16xi32>, vector<16xi32>], vector<16xf32>,
        %get3A_390 = arith.constant 3 : i32
        %get3A_391 = arith.index_cast %get3A_390 : i32 to index
        %get3A_392 = arith.index_cast %mul3A_357 : i32 to index
        %get3A_393 = tpu.vector_load %arg9[%get3A_391, %get3A_392] {strides = array<i32>} : memref<4x2048xf32, #tpu.memory_space<vmem>>, vector<16xf32>,
        %add3A_394 = arith.addf %gather3A_389, %get3A_393 : vector<16xf32>
        %max3A_395 = arith.constant 0.000000e+00 : f32
        %max3A_396 = vector.broadcast %max3A_395 : f32 to vector<16xf32>
        %max3A_397 = arith.maximumf %add3A_394, %max3A_396 : vector<16xf32>
        tpu.vector_store_idx %arg8[%broadcast_in_dim3A_12, %get3A_361], %max3A_397 {add = true} : memref<4x10112xf32, #tpu.memory_space<vmem>>[vector<16xi32>, vector<16xi32>], vector<16xf32>,
      }
      %scan3A_31 = arith.constant 16 : i32
    }
    %scan3A_18 = arith.constant 160 : i32
    "tpu.region"() ({
      %run_scoped3A = tpu.sem_alloc : memref<!tpu.dma_semaphore, #tpu.memory_space<semaphore_mem>>
      %dma_start3A = arith.constant 0 : i32
      %dma_start3A_19 = arith.constant 0 : i32
      %dma_start3A_20 = tpu.memref_slice %arg6[%add3A, %dma_start3A, %dma_start3A_19] : memref<32x4x10112xf32, #tpu.memory_space<hbm>> -> memref<1x4x10112xf32, #tpu.memory_space<hbm>>
      %dma_start3A_21 = tpu.memref_squeeze %dma_start3A_20 : memref<1x4x10112xf32, #tpu.memory_space<hbm>> -> memref<4x10112xf32, #tpu.memory_space<hbm>>
      %dma_start3A_22 = arith.constant 0 : i32
      %dma_start3A_23 = arith.constant 0 : i32
      %dma_start3A_24 = tpu.memref_slice %arg6[%add3A, %dma_start3A_22, %dma_start3A_23] : memref<32x4x10112xf32, #tpu.memory_space<hbm>> -> memref<1x4x10112xf32, #tpu.memory_space<hbm>>
      %dma_start3A_25 = tpu.memref_squeeze %dma_start3A_24 : memref<1x4x10112xf32, #tpu.memory_space<hbm>> -> memref<4x10112xf32, #tpu.memory_space<hbm>>
      tpu.enqueue_dma source(%arg8 : memref<4x10112xf32, #tpu.memory_space<vmem>>) target(%dma_start3A_25 : memref<4x10112xf32, #tpu.memory_space<hbm>>) target_semaphore(%run_scoped3A : memref<!tpu.dma_semaphore, #tpu.memory_space<semaphore_mem>>)
      %dma_wait3A = arith.constant 0 : i32
      %dma_wait3A_26 = arith.constant 0 : i32
      %dma_wait3A_27 = tpu.memref_slice %arg6[%add3A, %dma_wait3A, %dma_wait3A_26] : memref<32x4x10112xf32, #tpu.memory_space<hbm>> -> memref<1x4x10112xf32, #tpu.memory_space<hbm>>
      %dma_wait3A_28 = tpu.memref_squeeze %dma_wait3A_27 : memref<1x4x10112xf32, #tpu.memory_space<hbm>> -> memref<4x10112xf32, #tpu.memory_space<hbm>>
      %dma_wait3A_29 = arith.constant 0 : i32
      %dma_wait3A_30 = arith.constant 0 : i32
      %dma_wait3A_31 = tpu.memref_slice %arg6[%add3A, %dma_wait3A_29, %dma_wait3A_30] : memref<32x4x10112xf32, #tpu.memory_space<hbm>> -> memref<1x4x10112xf32, #tpu.memory_space<hbm>>
      %dma_wait3A_32 = tpu.memref_squeeze %dma_wait3A_31 : memref<1x4x10112xf32, #tpu.memory_space<hbm>> -> memref<4x10112xf32, #tpu.memory_space<hbm>>
      tpu.wait_dma2 semaphore(%run_scoped3A : memref<!tpu.dma_semaphore, #tpu.memory_space<semaphore_mem>>) src(%arg8 : memref<4x10112xf32, #tpu.memory_space<vmem>>) dst(%dma_wait3A_32 : memref<4x10112xf32, #tpu.memory_space<hbm>>)
      tpu.yield
    }) : () -> ()
    return
  }
}

#map = affine_map<(d0, d1) -> (0, 0, 0)>
#map1 = affine_map<(d0, d1) -> (0)>
module attributes {stable_mosaic.version = 14 : i64} {
  func.func @_mp_body(%arg0: i32, %arg1: i32, %arg2: memref<32x4x10112xf32, #tpu.memory_space<hbm>>, %arg3: memref<32x4x327680xf32, #tpu.memory_space<hbm>>, %arg4: memref<327680xi32, #tpu.memory_space<hbm>>, %arg5: memref<327680xi32, #tpu.memory_space<hbm>>, %arg6: memref<32x4x10112xf32, #tpu.memory_space<hbm>>, %arg7: memref<4x10112xf32, #tpu.memory_space<vmem>>, %arg8: memref<4x10112xf32, #tpu.memory_space<vmem>>, %arg9: memref<4x2048xf32, #tpu.memory_space<vmem>>, %arg10: memref<2048xi32, #tpu.memory_space<vmem>>, %arg11: memref<2048xi32, #tpu.memory_space<vmem>>) attributes {dimension_semantics = [#tpu.dimension_semantics<core_parallel>, #tpu.dimension_semantics<subcore_parallel>], iteration_bounds = array<i64: 2, 16>, scalar_prefetch = 0 : i64, scratch_operands = 5 : i64, tpu.core_type = #tpu.core_type<sc_vector_subcore>, window_params = [{transform_indices = #map}, {transform_indices = #map}, {transform_indices = #map1}, {transform_indices = #map1}, {transform_indices = #map}]} {
    %mul3A = arith.constant 2 : i32
    %mul3A_0 = arith.muli %arg1, %mul3A : i32
    %add3A = arith.addi %mul3A_0, %arg0 : i32
    "tpu.region"() ({
      %run_scoped3A = tpu.sem_alloc : memref<!tpu.dma_semaphore, #tpu.memory_space<semaphore_mem>>
      %dma_start3A = arith.constant 0 : i32
      %dma_start3A_19 = arith.constant 0 : i32
      %dma_start3A_20 = tpu.memref_slice %arg2[%add3A, %dma_start3A, %dma_start3A_19] : memref<32x4x10112xf32, #tpu.memory_space<hbm>> -> memref<1x4x10112xf32, #tpu.memory_space<hbm>>
      %dma_start3A_21 = tpu.memref_squeeze %dma_start3A_20 : memref<1x4x10112xf32, #tpu.memory_space<hbm>> -> memref<4x10112xf32, #tpu.memory_space<hbm>>
      %dma_start3A_22 = arith.constant 0 : i32
      %dma_start3A_23 = arith.constant 0 : i32
      %dma_start3A_24 = tpu.memref_slice %arg2[%add3A, %dma_start3A_22, %dma_start3A_23] : memref<32x4x10112xf32, #tpu.memory_space<hbm>> -> memref<1x4x10112xf32, #tpu.memory_space<hbm>>
      %dma_start3A_25 = tpu.memref_squeeze %dma_start3A_24 : memref<1x4x10112xf32, #tpu.memory_space<hbm>> -> memref<4x10112xf32, #tpu.memory_space<hbm>>
      tpu.enqueue_dma source(%dma_start3A_25 : memref<4x10112xf32, #tpu.memory_space<hbm>>) target(%arg7 : memref<4x10112xf32, #tpu.memory_space<vmem>>) target_semaphore(%run_scoped3A : memref<!tpu.dma_semaphore, #tpu.memory_space<semaphore_mem>>)
      %dma_wait3A = arith.constant 0 : i32
      %dma_wait3A_26 = arith.constant 0 : i32
      %dma_wait3A_27 = tpu.memref_slice %arg2[%add3A, %dma_wait3A, %dma_wait3A_26] : memref<32x4x10112xf32, #tpu.memory_space<hbm>> -> memref<1x4x10112xf32, #tpu.memory_space<hbm>>
      %dma_wait3A_28 = tpu.memref_squeeze %dma_wait3A_27 : memref<1x4x10112xf32, #tpu.memory_space<hbm>> -> memref<4x10112xf32, #tpu.memory_space<hbm>>
      %dma_wait3A_29 = arith.constant 0 : i32
      %dma_wait3A_30 = arith.constant 0 : i32
      %dma_wait3A_31 = tpu.memref_slice %arg2[%add3A, %dma_wait3A_29, %dma_wait3A_30] : memref<32x4x10112xf32, #tpu.memory_space<hbm>> -> memref<1x4x10112xf32, #tpu.memory_space<hbm>>
      %dma_wait3A_32 = tpu.memref_squeeze %dma_wait3A_31 : memref<1x4x10112xf32, #tpu.memory_space<hbm>> -> memref<4x10112xf32, #tpu.memory_space<hbm>>
      tpu.wait_dma2 semaphore(%run_scoped3A : memref<!tpu.dma_semaphore, #tpu.memory_space<semaphore_mem>>) src(%dma_wait3A_32 : memref<4x10112xf32, #tpu.memory_space<hbm>>) dst(%arg7 : memref<4x10112xf32, #tpu.memory_space<vmem>>)
      tpu.yield
    }) : () -> ()
    %scan3A = arith.constant 0 : i32
    %scan3A_1 = arith.constant 0 : i32
    %scan3A_2 = arith.constant 632 : i32
    %scan3A_3 = arith.addi %scan3A_1, %scan3A_2 : i32
    %scan3A_4 = arith.constant 1 : i32
    scf.for %scan3A_19 = %scan3A_1 to %scan3A_3 step %scan3A_4  : i32 {
      %broadcast_in_dim3A_20 = arith.constant 0.000000e+00 : f32
      %broadcast_in_dim3A_21 = vector.broadcast %broadcast_in_dim3A_20 : f32 to vector<16xf32>
      %mul3A_22 = arith.constant 16 : i32
      %mul3A_23 = arith.muli %scan3A_19, %mul3A_22 : i32
      %swap3A = arith.constant 0 : i32
      %swap3A_24 = arith.index_cast %swap3A : i32 to index
      %swap3A_25 = arith.index_cast %mul3A_23 : i32 to index
      %swap3A_26 = tpu.vector_load %arg8[%swap3A_24, %swap3A_25] {strides = array<i32>} : memref<4x10112xf32, #tpu.memory_space<vmem>>, vector<16xf32>,
      tpu.vector_store %arg8[%swap3A_24, %swap3A_25], %broadcast_in_dim3A_21 {strides = array<i32>} : memref<4x10112xf32, #tpu.memory_space<vmem>>, vector<16xf32>,
      %broadcast_in_dim3A_27 = arith.constant 0.000000e+00 : f32
      %broadcast_in_dim3A_28 = vector.broadcast %broadcast_in_dim3A_27 : f32 to vector<16xf32>
      %mul3A_29 = arith.constant 16 : i32
      %mul3A_30 = arith.muli %scan3A_19, %mul3A_29 : i32
      %swap3A_31 = arith.constant 1 : i32
      %swap3A_32 = arith.index_cast %swap3A_31 : i32 to index
      %swap3A_33 = arith.index_cast %mul3A_30 : i32 to index
      %swap3A_34 = tpu.vector_load %arg8[%swap3A_32, %swap3A_33] {strides = array<i32>} : memref<4x10112xf32, #tpu.memory_space<vmem>>, vector<16xf32>,
      tpu.vector_store %arg8[%swap3A_32, %swap3A_33], %broadcast_in_dim3A_28 {strides = array<i32>} : memref<4x10112xf32, #tpu.memory_space<vmem>>, vector<16xf32>,
      %broadcast_in_dim3A_35 = arith.constant 0.000000e+00 : f32
      %broadcast_in_dim3A_36 = vector.broadcast %broadcast_in_dim3A_35 : f32 to vector<16xf32>
      %mul3A_37 = arith.constant 16 : i32
      %mul3A_38 = arith.muli %scan3A_19, %mul3A_37 : i32
      %swap3A_39 = arith.constant 2 : i32
      %swap3A_40 = arith.index_cast %swap3A_39 : i32 to index
      %swap3A_41 = arith.index_cast %mul3A_38 : i32 to index
      %swap3A_42 = tpu.vector_load %arg8[%swap3A_40, %swap3A_41] {strides = array<i32>} : memref<4x10112xf32, #tpu.memory_space<vmem>>, vector<16xf32>,
      tpu.vector_store %arg8[%swap3A_40, %swap3A_41], %broadcast_in_dim3A_36 {strides = array<i32>} : memref<4x10112xf32, #tpu.memory_space<vmem>>, vector<16xf32>,
      %broadcast_in_dim3A_43 = arith.constant 0.000000e+00 : f32
      %broadcast_in_dim3A_44 = vector.broadcast %broadcast_in_dim3A_43 : f32 to vector<16xf32>
      %mul3A_45 = arith.constant 16 : i32
      %mul3A_46 = arith.muli %scan3A_19, %mul3A_45 : i32
      %swap3A_47 = arith.constant 3 : i32
      %swap3A_48 = arith.index_cast %swap3A_47 : i32 to index
      %swap3A_49 = arith.index_cast %mul3A_46 : i32 to index
      %swap3A_50 = tpu.vector_load %arg8[%swap3A_48, %swap3A_49] {strides = array<i32>} : memref<4x10112xf32, #tpu.memory_space<vmem>>, vector<16xf32>,
      tpu.vector_store %arg8[%swap3A_48, %swap3A_49], %broadcast_in_dim3A_44 {strides = array<i32>} : memref<4x10112xf32, #tpu.memory_space<vmem>>, vector<16xf32>,
    }
    %scan3A_5 = arith.constant 632 : i32
    %broadcast_in_dim3A = arith.constant 0 : i32
    %broadcast_in_dim3A_6 = vector.broadcast %broadcast_in_dim3A : i32 to vector<16xi32>
    %broadcast_in_dim3A_7 = arith.constant 1 : i32
    %broadcast_in_dim3A_8 = vector.broadcast %broadcast_in_dim3A_7 : i32 to vector<16xi32>
    %broadcast_in_dim3A_9 = arith.constant 2 : i32
    %broadcast_in_dim3A_10 = vector.broadcast %broadcast_in_dim3A_9 : i32 to vector<16xi32>
    %broadcast_in_dim3A_11 = arith.constant 3 : i32
    %broadcast_in_dim3A_12 = vector.broadcast %broadcast_in_dim3A_11 : i32 to vector<16xi32>
    %scan3A_13 = arith.constant 0 : i32
    %scan3A_14 = arith.constant 0 : i32
    %scan3A_15 = arith.constant 160 : i32
    %scan3A_16 = arith.addi %scan3A_14, %scan3A_15 : i32
    %scan3A_17 = arith.constant 1 : i32
    scf.for %scan3A_19 = %scan3A_14 to %scan3A_16 step %scan3A_17  : i32 {
      %mul3A_20 = arith.constant 2048 : i32
      %mul3A_21 = arith.muli %scan3A_19, %mul3A_20 : i32
      "tpu.region"() ({
        %run_scoped3A = tpu.sem_alloc : memref<!tpu.dma_semaphore, #tpu.memory_space<semaphore_mem>>
        %dma_start3A = tpu.memref_slice %arg4[%mul3A_21] : memref<327680xi32, #tpu.memory_space<hbm>> -> memref<2048xi32, #tpu.memory_space<hbm>>
        %dma_start3A_32 = tpu.memref_slice %arg4[%mul3A_21] : memref<327680xi32, #tpu.memory_space<hbm>> -> memref<2048xi32, #tpu.memory_space<hbm>>
        tpu.enqueue_dma source(%dma_start3A_32 : memref<2048xi32, #tpu.memory_space<hbm>>) target(%arg10 : memref<2048xi32, #tpu.memory_space<vmem>>) target_semaphore(%run_scoped3A : memref<!tpu.dma_semaphore, #tpu.memory_space<semaphore_mem>>)
        %dma_wait3A = tpu.memref_slice %arg4[%mul3A_21] : memref<327680xi32, #tpu.memory_space<hbm>> -> memref<2048xi32, #tpu.memory_space<hbm>>
        %dma_wait3A_33 = tpu.memref_slice %arg4[%mul3A_21] : memref<327680xi32, #tpu.memory_space<hbm>> -> memref<2048xi32, #tpu.memory_space<hbm>>
        tpu.wait_dma2 semaphore(%run_scoped3A : memref<!tpu.dma_semaphore, #tpu.memory_space<semaphore_mem>>) src(%dma_wait3A_33 : memref<2048xi32, #tpu.memory_space<hbm>>) dst(%arg10 : memref<2048xi32, #tpu.memory_space<vmem>>)
        tpu.yield
      }) : () -> ()
      %mul3A_22 = arith.constant 2048 : i32
      %mul3A_23 = arith.muli %scan3A_19, %mul3A_22 : i32
      "tpu.region"() ({
        %run_scoped3A = tpu.sem_alloc : memref<!tpu.dma_semaphore, #tpu.memory_space<semaphore_mem>>
        %dma_start3A = tpu.memref_slice %arg5[%mul3A_23] : memref<327680xi32, #tpu.memory_space<hbm>> -> memref<2048xi32, #tpu.memory_space<hbm>>
        %dma_start3A_32 = tpu.memref_slice %arg5[%mul3A_23] : memref<327680xi32, #tpu.memory_space<hbm>> -> memref<2048xi32, #tpu.memory_space<hbm>>
        tpu.enqueue_dma source(%dma_start3A_32 : memref<2048xi32, #tpu.memory_space<hbm>>) target(%arg11 : memref<2048xi32, #tpu.memory_space<vmem>>) target_semaphore(%run_scoped3A : memref<!tpu.dma_semaphore, #tpu.memory_space<semaphore_mem>>)
        %dma_wait3A = tpu.memref_slice %arg5[%mul3A_23] : memref<327680xi32, #tpu.memory_space<hbm>> -> memref<2048xi32, #tpu.memory_space<hbm>>
        %dma_wait3A_33 = tpu.memref_slice %arg5[%mul3A_23] : memref<327680xi32, #tpu.memory_space<hbm>> -> memref<2048xi32, #tpu.memory_space<hbm>>
        tpu.wait_dma2 semaphore(%run_scoped3A : memref<!tpu.dma_semaphore, #tpu.memory_space<semaphore_mem>>) src(%dma_wait3A_33 : memref<2048xi32, #tpu.memory_space<hbm>>) dst(%arg11 : memref<2048xi32, #tpu.memory_space<vmem>>)
        tpu.yield
      }) : () -> ()
      %mul3A_24 = arith.constant 2048 : i32
      %mul3A_25 = arith.muli %scan3A_19, %mul3A_24 : i32
      "tpu.region"() ({
        %run_scoped3A = tpu.sem_alloc : memref<!tpu.dma_semaphore, #tpu.memory_space<semaphore_mem>>
        %dma_start3A = arith.constant 0 : i32
        %dma_start3A_32 = tpu.memref_slice %arg3[%add3A, %dma_start3A, %mul3A_25] : memref<32x4x327680xf32, #tpu.memory_space<hbm>> -> memref<1x4x2048xf32, #tpu.memory_space<hbm>>
        %dma_start3A_33 = tpu.memref_squeeze %dma_start3A_32 : memref<1x4x2048xf32, #tpu.memory_space<hbm>> -> memref<4x2048xf32, #tpu.memory_space<hbm>>
        %dma_start3A_34 = arith.constant 0 : i32
        %dma_start3A_35 = tpu.memref_slice %arg3[%add3A, %dma_start3A_34, %mul3A_25] : memref<32x4x327680xf32, #tpu.memory_space<hbm>> -> memref<1x4x2048xf32, #tpu.memory_space<hbm>>
        %dma_start3A_36 = tpu.memref_squeeze %dma_start3A_35 : memref<1x4x2048xf32, #tpu.memory_space<hbm>> -> memref<4x2048xf32, #tpu.memory_space<hbm>>
        tpu.enqueue_dma source(%dma_start3A_36 : memref<4x2048xf32, #tpu.memory_space<hbm>>) target(%arg9 : memref<4x2048xf32, #tpu.memory_space<vmem>>) target_semaphore(%run_scoped3A : memref<!tpu.dma_semaphore, #tpu.memory_space<semaphore_mem>>)
        %dma_wait3A = arith.constant 0 : i32
        %dma_wait3A_37 = tpu.memref_slice %arg3[%add3A, %dma_wait3A, %mul3A_25] : memref<32x4x327680xf32, #tpu.memory_space<hbm>> -> memref<1x4x2048xf32, #tpu.memory_space<hbm>>
        %dma_wait3A_38 = tpu.memref_squeeze %dma_wait3A_37 : memref<1x4x2048xf32, #tpu.memory_space<hbm>> -> memref<4x2048xf32, #tpu.memory_space<hbm>>
        %dma_wait3A_39 = arith.constant 0 : i32
        %dma_wait3A_40 = tpu.memref_slice %arg3[%add3A, %dma_wait3A_39, %mul3A_25] : memref<32x4x327680xf32, #tpu.memory_space<hbm>> -> memref<1x4x2048xf32, #tpu.memory_space<hbm>>
        %dma_wait3A_41 = tpu.memref_squeeze %dma_wait3A_40 : memref<1x4x2048xf32, #tpu.memory_space<hbm>> -> memref<4x2048xf32, #tpu.memory_space<hbm>>
        tpu.wait_dma2 semaphore(%run_scoped3A : memref<!tpu.dma_semaphore, #tpu.memory_space<semaphore_mem>>) src(%dma_wait3A_41 : memref<4x2048xf32, #tpu.memory_space<hbm>>) dst(%arg9 : memref<4x2048xf32, #tpu.memory_space<vmem>>)
        tpu.yield
      }) : () -> ()
      %scan3A_26 = arith.constant 0 : i32
      %scan3A_27 = arith.constant 0 : i32
      %scan3A_28 = arith.constant 16 : i32
      %scan3A_29 = arith.addi %scan3A_27, %scan3A_28 : i32
      %scan3A_30 = arith.constant 1 : i32
      scf.for %scan3A_32 = %scan3A_27 to %scan3A_29 step %scan3A_30  : i32 {
        %mul3A_33 = arith.constant 8 : i32
        %mul3A_34 = arith.muli %scan3A_32, %mul3A_33 : i32
        %add3A_35 = arith.constant 0 : i32
        %add3A_36 = arith.addi %mul3A_34, %add3A_35 : i32
        %mul3A_37 = arith.constant 16 : i32
        %mul3A_38 = arith.muli %add3A_36, %mul3A_37 : i32
        %get3A = arith.index_cast %mul3A_38 : i32 to index
        %get3A_39 = tpu.vector_load %arg10[%get3A] {strides = array<i32>} : memref<2048xi32, #tpu.memory_space<vmem>>, vector<16xi32>,
        %get3A_40 = arith.index_cast %mul3A_38 : i32 to index
        %get3A_41 = tpu.vector_load %arg11[%get3A_40] {strides = array<i32>} : memref<2048xi32, #tpu.memory_space<vmem>>, vector<16xi32>,
        %gather3A = tpu.vector_load_idx %arg7[%broadcast_in_dim3A_6, %get3A_39] : memref<4x10112xf32, #tpu.memory_space<vmem>>[vector<16xi32>, vector<16xi32>], vector<16xf32>,
        %get3A_42 = arith.constant 0 : i32
        %get3A_43 = arith.index_cast %get3A_42 : i32 to index
        %get3A_44 = arith.index_cast %mul3A_38 : i32 to index
        %get3A_45 = tpu.vector_load %arg9[%get3A_43, %get3A_44] {strides = array<i32>} : memref<4x2048xf32, #tpu.memory_space<vmem>>, vector<16xf32>,
        %add3A_46 = arith.addf %gather3A, %get3A_45 : vector<16xf32>
        %max3A = arith.constant 0.000000e+00 : f32
        %max3A_47 = vector.broadcast %max3A : f32 to vector<16xf32>
        %max3A_48 = arith.maximumf %add3A_46, %max3A_47 : vector<16xf32>
        tpu.vector_store_idx %arg8[%broadcast_in_dim3A_6, %get3A_41], %max3A_48 {add = true} : memref<4x10112xf32, #tpu.memory_space<vmem>>[vector<16xi32>, vector<16xi32>], vector<16xf32>,
        %gather3A_49 = tpu.vector_load_idx %arg7[%broadcast_in_dim3A_8, %get3A_39] : memref<4x10112xf32, #tpu.memory_space<vmem>>[vector<16xi32>, vector<16xi32>], vector<16xf32>,
        %get3A_50 = arith.constant 1 : i32
        %get3A_51 = arith.index_cast %get3A_50 : i32 to index
        %get3A_52 = arith.index_cast %mul3A_38 : i32 to index
        %get3A_53 = tpu.vector_load %arg9[%get3A_51, %get3A_52] {strides = array<i32>} : memref<4x2048xf32, #tpu.memory_space<vmem>>, vector<16xf32>,
        %add3A_54 = arith.addf %gather3A_49, %get3A_53 : vector<16xf32>
        %max3A_55 = arith.constant 0.000000e+00 : f32
        %max3A_56 = vector.broadcast %max3A_55 : f32 to vector<16xf32>
        %max3A_57 = arith.maximumf %add3A_54, %max3A_56 : vector<16xf32>
        tpu.vector_store_idx %arg8[%broadcast_in_dim3A_8, %get3A_41], %max3A_57 {add = true} : memref<4x10112xf32, #tpu.memory_space<vmem>>[vector<16xi32>, vector<16xi32>], vector<16xf32>,
        %gather3A_58 = tpu.vector_load_idx %arg7[%broadcast_in_dim3A_10, %get3A_39] : memref<4x10112xf32, #tpu.memory_space<vmem>>[vector<16xi32>, vector<16xi32>], vector<16xf32>,
        %get3A_59 = arith.constant 2 : i32
        %get3A_60 = arith.index_cast %get3A_59 : i32 to index
        %get3A_61 = arith.index_cast %mul3A_38 : i32 to index
        %get3A_62 = tpu.vector_load %arg9[%get3A_60, %get3A_61] {strides = array<i32>} : memref<4x2048xf32, #tpu.memory_space<vmem>>, vector<16xf32>,
        %add3A_63 = arith.addf %gather3A_58, %get3A_62 : vector<16xf32>
        %max3A_64 = arith.constant 0.000000e+00 : f32
        %max3A_65 = vector.broadcast %max3A_64 : f32 to vector<16xf32>
        %max3A_66 = arith.maximumf %add3A_63, %max3A_65 : vector<16xf32>
        tpu.vector_store_idx %arg8[%broadcast_in_dim3A_10, %get3A_41], %max3A_66 {add = true} : memref<4x10112xf32, #tpu.memory_space<vmem>>[vector<16xi32>, vector<16xi32>], vector<16xf32>,
        %gather3A_67 = tpu.vector_load_idx %arg7[%broadcast_in_dim3A_12, %get3A_39] : memref<4x10112xf32, #tpu.memory_space<vmem>>[vector<16xi32>, vector<16xi32>], vector<16xf32>,
        %get3A_68 = arith.constant 3 : i32
        %get3A_69 = arith.index_cast %get3A_68 : i32 to index
        %get3A_70 = arith.index_cast %mul3A_38 : i32 to index
        %get3A_71 = tpu.vector_load %arg9[%get3A_69, %get3A_70] {strides = array<i32>} : memref<4x2048xf32, #tpu.memory_space<vmem>>, vector<16xf32>,
        %add3A_72 = arith.addf %gather3A_67, %get3A_71 : vector<16xf32>
        %max3A_73 = arith.constant 0.000000e+00 : f32
        %max3A_74 = vector.broadcast %max3A_73 : f32 to vector<16xf32>
        %max3A_75 = arith.maximumf %add3A_72, %max3A_74 : vector<16xf32>
        tpu.vector_store_idx %arg8[%broadcast_in_dim3A_12, %get3A_41], %max3A_75 {add = true} : memref<4x10112xf32, #tpu.memory_space<vmem>>[vector<16xi32>, vector<16xi32>], vector<16xf32>,
        %mul3A_76 = arith.constant 8 : i32
        %mul3A_77 = arith.muli %scan3A_32, %mul3A_76 : i32
        %add3A_78 = arith.constant 1 : i32
        %add3A_79 = arith.addi %mul3A_77, %add3A_78 : i32
        %mul3A_80 = arith.constant 16 : i32
        %mul3A_81 = arith.muli %add3A_79, %mul3A_80 : i32
        %get3A_82 = arith.index_cast %mul3A_81 : i32 to index
        %get3A_83 = tpu.vector_load %arg10[%get3A_82] {strides = array<i32>} : memref<2048xi32, #tpu.memory_space<vmem>>, vector<16xi32>,
        %get3A_84 = arith.index_cast %mul3A_81 : i32 to index
        %get3A_85 = tpu.vector_load %arg11[%get3A_84] {strides = array<i32>} : memref<2048xi32, #tpu.memory_space<vmem>>, vector<16xi32>,
        %gather3A_86 = tpu.vector_load_idx %arg7[%broadcast_in_dim3A_6, %get3A_83] : memref<4x10112xf32, #tpu.memory_space<vmem>>[vector<16xi32>, vector<16xi32>], vector<16xf32>,
        %get3A_87 = arith.constant 0 : i32
        %get3A_88 = arith.index_cast %get3A_87 : i32 to index
        %get3A_89 = arith.index_cast %mul3A_81 : i32 to index
        %get3A_90 = tpu.vector_load %arg9[%get3A_88, %get3A_89] {strides = array<i32>} : memref<4x2048xf32, #tpu.memory_space<vmem>>, vector<16xf32>,
        %add3A_91 = arith.addf %gather3A_86, %get3A_90 : vector<16xf32>
        %max3A_92 = arith.constant 0.000000e+00 : f32
        %max3A_93 = vector.broadcast %max3A_92 : f32 to vector<16xf32>
        %max3A_94 = arith.maximumf %add3A_91, %max3A_93 : vector<16xf32>
        tpu.vector_store_idx %arg8[%broadcast_in_dim3A_6, %get3A_85], %max3A_94 {add = true} : memref<4x10112xf32, #tpu.memory_space<vmem>>[vector<16xi32>, vector<16xi32>], vector<16xf32>,
        %gather3A_95 = tpu.vector_load_idx %arg7[%broadcast_in_dim3A_8, %get3A_83] : memref<4x10112xf32, #tpu.memory_space<vmem>>[vector<16xi32>, vector<16xi32>], vector<16xf32>,
        %get3A_96 = arith.constant 1 : i32
        %get3A_97 = arith.index_cast %get3A_96 : i32 to index
        %get3A_98 = arith.index_cast %mul3A_81 : i32 to index
        %get3A_99 = tpu.vector_load %arg9[%get3A_97, %get3A_98] {strides = array<i32>} : memref<4x2048xf32, #tpu.memory_space<vmem>>, vector<16xf32>,
        %add3A_100 = arith.addf %gather3A_95, %get3A_99 : vector<16xf32>
        %max3A_101 = arith.constant 0.000000e+00 : f32
        %max3A_102 = vector.broadcast %max3A_101 : f32 to vector<16xf32>
        %max3A_103 = arith.maximumf %add3A_100, %max3A_102 : vector<16xf32>
        tpu.vector_store_idx %arg8[%broadcast_in_dim3A_8, %get3A_85], %max3A_103 {add = true} : memref<4x10112xf32, #tpu.memory_space<vmem>>[vector<16xi32>, vector<16xi32>], vector<16xf32>,
        %gather3A_104 = tpu.vector_load_idx %arg7[%broadcast_in_dim3A_10, %get3A_83] : memref<4x10112xf32, #tpu.memory_space<vmem>>[vector<16xi32>, vector<16xi32>], vector<16xf32>,
        %get3A_105 = arith.constant 2 : i32
        %get3A_106 = arith.index_cast %get3A_105 : i32 to index
        %get3A_107 = arith.index_cast %mul3A_81 : i32 to index
        %get3A_108 = tpu.vector_load %arg9[%get3A_106, %get3A_107] {strides = array<i32>} : memref<4x2048xf32, #tpu.memory_space<vmem>>, vector<16xf32>,
        %add3A_109 = arith.addf %gather3A_104, %get3A_108 : vector<16xf32>
        %max3A_110 = arith.constant 0.000000e+00 : f32
        %max3A_111 = vector.broadcast %max3A_110 : f32 to vector<16xf32>
        %max3A_112 = arith.maximumf %add3A_109, %max3A_111 : vector<16xf32>
        tpu.vector_store_idx %arg8[%broadcast_in_dim3A_10, %get3A_85], %max3A_112 {add = true} : memref<4x10112xf32, #tpu.memory_space<vmem>>[vector<16xi32>, vector<16xi32>], vector<16xf32>,
        %gather3A_113 = tpu.vector_load_idx %arg7[%broadcast_in_dim3A_12, %get3A_83] : memref<4x10112xf32, #tpu.memory_space<vmem>>[vector<16xi32>, vector<16xi32>], vector<16xf32>,
        %get3A_114 = arith.constant 3 : i32
        %get3A_115 = arith.index_cast %get3A_114 : i32 to index
        %get3A_116 = arith.index_cast %mul3A_81 : i32 to index
        %get3A_117 = tpu.vector_load %arg9[%get3A_115, %get3A_116] {strides = array<i32>} : memref<4x2048xf32, #tpu.memory_space<vmem>>, vector<16xf32>,
        %add3A_118 = arith.addf %gather3A_113, %get3A_117 : vector<16xf32>
        %max3A_119 = arith.constant 0.000000e+00 : f32
        %max3A_120 = vector.broadcast %max3A_119 : f32 to vector<16xf32>
        %max3A_121 = arith.maximumf %add3A_118, %max3A_120 : vector<16xf32>
        tpu.vector_store_idx %arg8[%broadcast_in_dim3A_12, %get3A_85], %max3A_121 {add = true} : memref<4x10112xf32, #tpu.memory_space<vmem>>[vector<16xi32>, vector<16xi32>], vector<16xf32>,
        %mul3A_122 = arith.constant 8 : i32
        %mul3A_123 = arith.muli %scan3A_32, %mul3A_122 : i32
        %add3A_124 = arith.constant 2 : i32
        %add3A_125 = arith.addi %mul3A_123, %add3A_124 : i32
        %mul3A_126 = arith.constant 16 : i32
        %mul3A_127 = arith.muli %add3A_125, %mul3A_126 : i32
        %get3A_128 = arith.index_cast %mul3A_127 : i32 to index
        %get3A_129 = tpu.vector_load %arg10[%get3A_128] {strides = array<i32>} : memref<2048xi32, #tpu.memory_space<vmem>>, vector<16xi32>,
        %get3A_130 = arith.index_cast %mul3A_127 : i32 to index
        %get3A_131 = tpu.vector_load %arg11[%get3A_130] {strides = array<i32>} : memref<2048xi32, #tpu.memory_space<vmem>>, vector<16xi32>,
        %gather3A_132 = tpu.vector_load_idx %arg7[%broadcast_in_dim3A_6, %get3A_129] : memref<4x10112xf32, #tpu.memory_space<vmem>>[vector<16xi32>, vector<16xi32>], vector<16xf32>,
        %get3A_133 = arith.constant 0 : i32
        %get3A_134 = arith.index_cast %get3A_133 : i32 to index
        %get3A_135 = arith.index_cast %mul3A_127 : i32 to index
        %get3A_136 = tpu.vector_load %arg9[%get3A_134, %get3A_135] {strides = array<i32>} : memref<4x2048xf32, #tpu.memory_space<vmem>>, vector<16xf32>,
        %add3A_137 = arith.addf %gather3A_132, %get3A_136 : vector<16xf32>
        %max3A_138 = arith.constant 0.000000e+00 : f32
        %max3A_139 = vector.broadcast %max3A_138 : f32 to vector<16xf32>
        %max3A_140 = arith.maximumf %add3A_137, %max3A_139 : vector<16xf32>
        tpu.vector_store_idx %arg8[%broadcast_in_dim3A_6, %get3A_131], %max3A_140 {add = true} : memref<4x10112xf32, #tpu.memory_space<vmem>>[vector<16xi32>, vector<16xi32>], vector<16xf32>,
        %gather3A_141 = tpu.vector_load_idx %arg7[%broadcast_in_dim3A_8, %get3A_129] : memref<4x10112xf32, #tpu.memory_space<vmem>>[vector<16xi32>, vector<16xi32>], vector<16xf32>,
        %get3A_142 = arith.constant 1 : i32
        %get3A_143 = arith.index_cast %get3A_142 : i32 to index
        %get3A_144 = arith.index_cast %mul3A_127 : i32 to index
        %get3A_145 = tpu.vector_load %arg9[%get3A_143, %get3A_144] {strides = array<i32>} : memref<4x2048xf32, #tpu.memory_space<vmem>>, vector<16xf32>,
        %add3A_146 = arith.addf %gather3A_141, %get3A_145 : vector<16xf32>
        %max3A_147 = arith.constant 0.000000e+00 : f32
        %max3A_148 = vector.broadcast %max3A_147 : f32 to vector<16xf32>
        %max3A_149 = arith.maximumf %add3A_146, %max3A_148 : vector<16xf32>
        tpu.vector_store_idx %arg8[%broadcast_in_dim3A_8, %get3A_131], %max3A_149 {add = true} : memref<4x10112xf32, #tpu.memory_space<vmem>>[vector<16xi32>, vector<16xi32>], vector<16xf32>,
        %gather3A_150 = tpu.vector_load_idx %arg7[%broadcast_in_dim3A_10, %get3A_129] : memref<4x10112xf32, #tpu.memory_space<vmem>>[vector<16xi32>, vector<16xi32>], vector<16xf32>,
        %get3A_151 = arith.constant 2 : i32
        %get3A_152 = arith.index_cast %get3A_151 : i32 to index
        %get3A_153 = arith.index_cast %mul3A_127 : i32 to index
        %get3A_154 = tpu.vector_load %arg9[%get3A_152, %get3A_153] {strides = array<i32>} : memref<4x2048xf32, #tpu.memory_space<vmem>>, vector<16xf32>,
        %add3A_155 = arith.addf %gather3A_150, %get3A_154 : vector<16xf32>
        %max3A_156 = arith.constant 0.000000e+00 : f32
        %max3A_157 = vector.broadcast %max3A_156 : f32 to vector<16xf32>
        %max3A_158 = arith.maximumf %add3A_155, %max3A_157 : vector<16xf32>
        tpu.vector_store_idx %arg8[%broadcast_in_dim3A_10, %get3A_131], %max3A_158 {add = true} : memref<4x10112xf32, #tpu.memory_space<vmem>>[vector<16xi32>, vector<16xi32>], vector<16xf32>,
        %gather3A_159 = tpu.vector_load_idx %arg7[%broadcast_in_dim3A_12, %get3A_129] : memref<4x10112xf32, #tpu.memory_space<vmem>>[vector<16xi32>, vector<16xi32>], vector<16xf32>,
        %get3A_160 = arith.constant 3 : i32
        %get3A_161 = arith.index_cast %get3A_160 : i32 to index
        %get3A_162 = arith.index_cast %mul3A_127 : i32 to index
        %get3A_163 = tpu.vector_load %arg9[%get3A_161, %get3A_162] {strides = array<i32>} : memref<4x2048xf32, #tpu.memory_space<vmem>>, vector<16xf32>,
        %add3A_164 = arith.addf %gather3A_159, %get3A_163 : vector<16xf32>
        %max3A_165 = arith.constant 0.000000e+00 : f32
        %max3A_166 = vector.broadcast %max3A_165 : f32 to vector<16xf32>
        %max3A_167 = arith.maximumf %add3A_164, %max3A_166 : vector<16xf32>
        tpu.vector_store_idx %arg8[%broadcast_in_dim3A_12, %get3A_131], %max3A_167 {add = true} : memref<4x10112xf32, #tpu.memory_space<vmem>>[vector<16xi32>, vector<16xi32>], vector<16xf32>,
        %mul3A_168 = arith.constant 8 : i32
        %mul3A_169 = arith.muli %scan3A_32, %mul3A_168 : i32
        %add3A_170 = arith.constant 3 : i32
        %add3A_171 = arith.addi %mul3A_169, %add3A_170 : i32
        %mul3A_172 = arith.constant 16 : i32
        %mul3A_173 = arith.muli %add3A_171, %mul3A_172 : i32
        %get3A_174 = arith.index_cast %mul3A_173 : i32 to index
        %get3A_175 = tpu.vector_load %arg10[%get3A_174] {strides = array<i32>} : memref<2048xi32, #tpu.memory_space<vmem>>, vector<16xi32>,
        %get3A_176 = arith.index_cast %mul3A_173 : i32 to index
        %get3A_177 = tpu.vector_load %arg11[%get3A_176] {strides = array<i32>} : memref<2048xi32, #tpu.memory_space<vmem>>, vector<16xi32>,
        %gather3A_178 = tpu.vector_load_idx %arg7[%broadcast_in_dim3A_6, %get3A_175] : memref<4x10112xf32, #tpu.memory_space<vmem>>[vector<16xi32>, vector<16xi32>], vector<16xf32>,
        %get3A_179 = arith.constant 0 : i32
        %get3A_180 = arith.index_cast %get3A_179 : i32 to index
        %get3A_181 = arith.index_cast %mul3A_173 : i32 to index
        %get3A_182 = tpu.vector_load %arg9[%get3A_180, %get3A_181] {strides = array<i32>} : memref<4x2048xf32, #tpu.memory_space<vmem>>, vector<16xf32>,
        %add3A_183 = arith.addf %gather3A_178, %get3A_182 : vector<16xf32>
        %max3A_184 = arith.constant 0.000000e+00 : f32
        %max3A_185 = vector.broadcast %max3A_184 : f32 to vector<16xf32>
        %max3A_186 = arith.maximumf %add3A_183, %max3A_185 : vector<16xf32>
        tpu.vector_store_idx %arg8[%broadcast_in_dim3A_6, %get3A_177], %max3A_186 {add = true} : memref<4x10112xf32, #tpu.memory_space<vmem>>[vector<16xi32>, vector<16xi32>], vector<16xf32>,
        %gather3A_187 = tpu.vector_load_idx %arg7[%broadcast_in_dim3A_8, %get3A_175] : memref<4x10112xf32, #tpu.memory_space<vmem>>[vector<16xi32>, vector<16xi32>], vector<16xf32>,
        %get3A_188 = arith.constant 1 : i32
        %get3A_189 = arith.index_cast %get3A_188 : i32 to index
        %get3A_190 = arith.index_cast %mul3A_173 : i32 to index
        %get3A_191 = tpu.vector_load %arg9[%get3A_189, %get3A_190] {strides = array<i32>} : memref<4x2048xf32, #tpu.memory_space<vmem>>, vector<16xf32>,
        %add3A_192 = arith.addf %gather3A_187, %get3A_191 : vector<16xf32>
        %max3A_193 = arith.constant 0.000000e+00 : f32
        %max3A_194 = vector.broadcast %max3A_193 : f32 to vector<16xf32>
        %max3A_195 = arith.maximumf %add3A_192, %max3A_194 : vector<16xf32>
        tpu.vector_store_idx %arg8[%broadcast_in_dim3A_8, %get3A_177], %max3A_195 {add = true} : memref<4x10112xf32, #tpu.memory_space<vmem>>[vector<16xi32>, vector<16xi32>], vector<16xf32>,
        %gather3A_196 = tpu.vector_load_idx %arg7[%broadcast_in_dim3A_10, %get3A_175] : memref<4x10112xf32, #tpu.memory_space<vmem>>[vector<16xi32>, vector<16xi32>], vector<16xf32>,
        %get3A_197 = arith.constant 2 : i32
        %get3A_198 = arith.index_cast %get3A_197 : i32 to index
        %get3A_199 = arith.index_cast %mul3A_173 : i32 to index
        %get3A_200 = tpu.vector_load %arg9[%get3A_198, %get3A_199] {strides = array<i32>} : memref<4x2048xf32, #tpu.memory_space<vmem>>, vector<16xf32>,
        %add3A_201 = arith.addf %gather3A_196, %get3A_200 : vector<16xf32>
        %max3A_202 = arith.constant 0.000000e+00 : f32
        %max3A_203 = vector.broadcast %max3A_202 : f32 to vector<16xf32>
        %max3A_204 = arith.maximumf %add3A_201, %max3A_203 : vector<16xf32>
        tpu.vector_store_idx %arg8[%broadcast_in_dim3A_10, %get3A_177], %max3A_204 {add = true} : memref<4x10112xf32, #tpu.memory_space<vmem>>[vector<16xi32>, vector<16xi32>], vector<16xf32>,
        %gather3A_205 = tpu.vector_load_idx %arg7[%broadcast_in_dim3A_12, %get3A_175] : memref<4x10112xf32, #tpu.memory_space<vmem>>[vector<16xi32>, vector<16xi32>], vector<16xf32>,
        %get3A_206 = arith.constant 3 : i32
        %get3A_207 = arith.index_cast %get3A_206 : i32 to index
        %get3A_208 = arith.index_cast %mul3A_173 : i32 to index
        %get3A_209 = tpu.vector_load %arg9[%get3A_207, %get3A_208] {strides = array<i32>} : memref<4x2048xf32, #tpu.memory_space<vmem>>, vector<16xf32>,
        %add3A_210 = arith.addf %gather3A_205, %get3A_209 : vector<16xf32>
        %max3A_211 = arith.constant 0.000000e+00 : f32
        %max3A_212 = vector.broadcast %max3A_211 : f32 to vector<16xf32>
        %max3A_213 = arith.maximumf %add3A_210, %max3A_212 : vector<16xf32>
        tpu.vector_store_idx %arg8[%broadcast_in_dim3A_12, %get3A_177], %max3A_213 {add = true} : memref<4x10112xf32, #tpu.memory_space<vmem>>[vector<16xi32>, vector<16xi32>], vector<16xf32>,
        %mul3A_214 = arith.constant 8 : i32
        %mul3A_215 = arith.muli %scan3A_32, %mul3A_214 : i32
        %add3A_216 = arith.constant 4 : i32
        %add3A_217 = arith.addi %mul3A_215, %add3A_216 : i32
        %mul3A_218 = arith.constant 16 : i32
        %mul3A_219 = arith.muli %add3A_217, %mul3A_218 : i32
        %get3A_220 = arith.index_cast %mul3A_219 : i32 to index
        %get3A_221 = tpu.vector_load %arg10[%get3A_220] {strides = array<i32>} : memref<2048xi32, #tpu.memory_space<vmem>>, vector<16xi32>,
        %get3A_222 = arith.index_cast %mul3A_219 : i32 to index
        %get3A_223 = tpu.vector_load %arg11[%get3A_222] {strides = array<i32>} : memref<2048xi32, #tpu.memory_space<vmem>>, vector<16xi32>,
        %gather3A_224 = tpu.vector_load_idx %arg7[%broadcast_in_dim3A_6, %get3A_221] : memref<4x10112xf32, #tpu.memory_space<vmem>>[vector<16xi32>, vector<16xi32>], vector<16xf32>,
        %get3A_225 = arith.constant 0 : i32
        %get3A_226 = arith.index_cast %get3A_225 : i32 to index
        %get3A_227 = arith.index_cast %mul3A_219 : i32 to index
        %get3A_228 = tpu.vector_load %arg9[%get3A_226, %get3A_227] {strides = array<i32>} : memref<4x2048xf32, #tpu.memory_space<vmem>>, vector<16xf32>,
        %add3A_229 = arith.addf %gather3A_224, %get3A_228 : vector<16xf32>
        %max3A_230 = arith.constant 0.000000e+00 : f32
        %max3A_231 = vector.broadcast %max3A_230 : f32 to vector<16xf32>
        %max3A_232 = arith.maximumf %add3A_229, %max3A_231 : vector<16xf32>
        tpu.vector_store_idx %arg8[%broadcast_in_dim3A_6, %get3A_223], %max3A_232 {add = true} : memref<4x10112xf32, #tpu.memory_space<vmem>>[vector<16xi32>, vector<16xi32>], vector<16xf32>,
        %gather3A_233 = tpu.vector_load_idx %arg7[%broadcast_in_dim3A_8, %get3A_221] : memref<4x10112xf32, #tpu.memory_space<vmem>>[vector<16xi32>, vector<16xi32>], vector<16xf32>,
        %get3A_234 = arith.constant 1 : i32
        %get3A_235 = arith.index_cast %get3A_234 : i32 to index
        %get3A_236 = arith.index_cast %mul3A_219 : i32 to index
        %get3A_237 = tpu.vector_load %arg9[%get3A_235, %get3A_236] {strides = array<i32>} : memref<4x2048xf32, #tpu.memory_space<vmem>>, vector<16xf32>,
        %add3A_238 = arith.addf %gather3A_233, %get3A_237 : vector<16xf32>
        %max3A_239 = arith.constant 0.000000e+00 : f32
        %max3A_240 = vector.broadcast %max3A_239 : f32 to vector<16xf32>
        %max3A_241 = arith.maximumf %add3A_238, %max3A_240 : vector<16xf32>
        tpu.vector_store_idx %arg8[%broadcast_in_dim3A_8, %get3A_223], %max3A_241 {add = true} : memref<4x10112xf32, #tpu.memory_space<vmem>>[vector<16xi32>, vector<16xi32>], vector<16xf32>,
        %gather3A_242 = tpu.vector_load_idx %arg7[%broadcast_in_dim3A_10, %get3A_221] : memref<4x10112xf32, #tpu.memory_space<vmem>>[vector<16xi32>, vector<16xi32>], vector<16xf32>,
        %get3A_243 = arith.constant 2 : i32
        %get3A_244 = arith.index_cast %get3A_243 : i32 to index
        %get3A_245 = arith.index_cast %mul3A_219 : i32 to index
        %get3A_246 = tpu.vector_load %arg9[%get3A_244, %get3A_245] {strides = array<i32>} : memref<4x2048xf32, #tpu.memory_space<vmem>>, vector<16xf32>,
        %add3A_247 = arith.addf %gather3A_242, %get3A_246 : vector<16xf32>
        %max3A_248 = arith.constant 0.000000e+00 : f32
        %max3A_249 = vector.broadcast %max3A_248 : f32 to vector<16xf32>
        %max3A_250 = arith.maximumf %add3A_247, %max3A_249 : vector<16xf32>
        tpu.vector_store_idx %arg8[%broadcast_in_dim3A_10, %get3A_223], %max3A_250 {add = true} : memref<4x10112xf32, #tpu.memory_space<vmem>>[vector<16xi32>, vector<16xi32>], vector<16xf32>,
        %gather3A_251 = tpu.vector_load_idx %arg7[%broadcast_in_dim3A_12, %get3A_221] : memref<4x10112xf32, #tpu.memory_space<vmem>>[vector<16xi32>, vector<16xi32>], vector<16xf32>,
        %get3A_252 = arith.constant 3 : i32
        %get3A_253 = arith.index_cast %get3A_252 : i32 to index
        %get3A_254 = arith.index_cast %mul3A_219 : i32 to index
        %get3A_255 = tpu.vector_load %arg9[%get3A_253, %get3A_254] {strides = array<i32>} : memref<4x2048xf32, #tpu.memory_space<vmem>>, vector<16xf32>,
        %add3A_256 = arith.addf %gather3A_251, %get3A_255 : vector<16xf32>
        %max3A_257 = arith.constant 0.000000e+00 : f32
        %max3A_258 = vector.broadcast %max3A_257 : f32 to vector<16xf32>
        %max3A_259 = arith.maximumf %add3A_256, %max3A_258 : vector<16xf32>
        tpu.vector_store_idx %arg8[%broadcast_in_dim3A_12, %get3A_223], %max3A_259 {add = true} : memref<4x10112xf32, #tpu.memory_space<vmem>>[vector<16xi32>, vector<16xi32>], vector<16xf32>,
        %mul3A_260 = arith.constant 8 : i32
        %mul3A_261 = arith.muli %scan3A_32, %mul3A_260 : i32
        %add3A_262 = arith.constant 5 : i32
        %add3A_263 = arith.addi %mul3A_261, %add3A_262 : i32
        %mul3A_264 = arith.constant 16 : i32
        %mul3A_265 = arith.muli %add3A_263, %mul3A_264 : i32
        %get3A_266 = arith.index_cast %mul3A_265 : i32 to index
        %get3A_267 = tpu.vector_load %arg10[%get3A_266] {strides = array<i32>} : memref<2048xi32, #tpu.memory_space<vmem>>, vector<16xi32>,
        %get3A_268 = arith.index_cast %mul3A_265 : i32 to index
        %get3A_269 = tpu.vector_load %arg11[%get3A_268] {strides = array<i32>} : memref<2048xi32, #tpu.memory_space<vmem>>, vector<16xi32>,
        %gather3A_270 = tpu.vector_load_idx %arg7[%broadcast_in_dim3A_6, %get3A_267] : memref<4x10112xf32, #tpu.memory_space<vmem>>[vector<16xi32>, vector<16xi32>], vector<16xf32>,
        %get3A_271 = arith.constant 0 : i32
        %get3A_272 = arith.index_cast %get3A_271 : i32 to index
        %get3A_273 = arith.index_cast %mul3A_265 : i32 to index
        %get3A_274 = tpu.vector_load %arg9[%get3A_272, %get3A_273] {strides = array<i32>} : memref<4x2048xf32, #tpu.memory_space<vmem>>, vector<16xf32>,
        %add3A_275 = arith.addf %gather3A_270, %get3A_274 : vector<16xf32>
        %max3A_276 = arith.constant 0.000000e+00 : f32
        %max3A_277 = vector.broadcast %max3A_276 : f32 to vector<16xf32>
        %max3A_278 = arith.maximumf %add3A_275, %max3A_277 : vector<16xf32>
        tpu.vector_store_idx %arg8[%broadcast_in_dim3A_6, %get3A_269], %max3A_278 {add = true} : memref<4x10112xf32, #tpu.memory_space<vmem>>[vector<16xi32>, vector<16xi32>], vector<16xf32>,
        %gather3A_279 = tpu.vector_load_idx %arg7[%broadcast_in_dim3A_8, %get3A_267] : memref<4x10112xf32, #tpu.memory_space<vmem>>[vector<16xi32>, vector<16xi32>], vector<16xf32>,
        %get3A_280 = arith.constant 1 : i32
        %get3A_281 = arith.index_cast %get3A_280 : i32 to index
        %get3A_282 = arith.index_cast %mul3A_265 : i32 to index
        %get3A_283 = tpu.vector_load %arg9[%get3A_281, %get3A_282] {strides = array<i32>} : memref<4x2048xf32, #tpu.memory_space<vmem>>, vector<16xf32>,
        %add3A_284 = arith.addf %gather3A_279, %get3A_283 : vector<16xf32>
        %max3A_285 = arith.constant 0.000000e+00 : f32
        %max3A_286 = vector.broadcast %max3A_285 : f32 to vector<16xf32>
        %max3A_287 = arith.maximumf %add3A_284, %max3A_286 : vector<16xf32>
        tpu.vector_store_idx %arg8[%broadcast_in_dim3A_8, %get3A_269], %max3A_287 {add = true} : memref<4x10112xf32, #tpu.memory_space<vmem>>[vector<16xi32>, vector<16xi32>], vector<16xf32>,
        %gather3A_288 = tpu.vector_load_idx %arg7[%broadcast_in_dim3A_10, %get3A_267] : memref<4x10112xf32, #tpu.memory_space<vmem>>[vector<16xi32>, vector<16xi32>], vector<16xf32>,
        %get3A_289 = arith.constant 2 : i32
        %get3A_290 = arith.index_cast %get3A_289 : i32 to index
        %get3A_291 = arith.index_cast %mul3A_265 : i32 to index
        %get3A_292 = tpu.vector_load %arg9[%get3A_290, %get3A_291] {strides = array<i32>} : memref<4x2048xf32, #tpu.memory_space<vmem>>, vector<16xf32>,
        %add3A_293 = arith.addf %gather3A_288, %get3A_292 : vector<16xf32>
        %max3A_294 = arith.constant 0.000000e+00 : f32
        %max3A_295 = vector.broadcast %max3A_294 : f32 to vector<16xf32>
        %max3A_296 = arith.maximumf %add3A_293, %max3A_295 : vector<16xf32>
        tpu.vector_store_idx %arg8[%broadcast_in_dim3A_10, %get3A_269], %max3A_296 {add = true} : memref<4x10112xf32, #tpu.memory_space<vmem>>[vector<16xi32>, vector<16xi32>], vector<16xf32>,
        %gather3A_297 = tpu.vector_load_idx %arg7[%broadcast_in_dim3A_12, %get3A_267] : memref<4x10112xf32, #tpu.memory_space<vmem>>[vector<16xi32>, vector<16xi32>], vector<16xf32>,
        %get3A_298 = arith.constant 3 : i32
        %get3A_299 = arith.index_cast %get3A_298 : i32 to index
        %get3A_300 = arith.index_cast %mul3A_265 : i32 to index
        %get3A_301 = tpu.vector_load %arg9[%get3A_299, %get3A_300] {strides = array<i32>} : memref<4x2048xf32, #tpu.memory_space<vmem>>, vector<16xf32>,
        %add3A_302 = arith.addf %gather3A_297, %get3A_301 : vector<16xf32>
        %max3A_303 = arith.constant 0.000000e+00 : f32
        %max3A_304 = vector.broadcast %max3A_303 : f32 to vector<16xf32>
        %max3A_305 = arith.maximumf %add3A_302, %max3A_304 : vector<16xf32>
        tpu.vector_store_idx %arg8[%broadcast_in_dim3A_12, %get3A_269], %max3A_305 {add = true} : memref<4x10112xf32, #tpu.memory_space<vmem>>[vector<16xi32>, vector<16xi32>], vector<16xf32>,
        %mul3A_306 = arith.constant 8 : i32
        %mul3A_307 = arith.muli %scan3A_32, %mul3A_306 : i32
        %add3A_308 = arith.constant 6 : i32
        %add3A_309 = arith.addi %mul3A_307, %add3A_308 : i32
        %mul3A_310 = arith.constant 16 : i32
        %mul3A_311 = arith.muli %add3A_309, %mul3A_310 : i32
        %get3A_312 = arith.index_cast %mul3A_311 : i32 to index
        %get3A_313 = tpu.vector_load %arg10[%get3A_312] {strides = array<i32>} : memref<2048xi32, #tpu.memory_space<vmem>>, vector<16xi32>,
        %get3A_314 = arith.index_cast %mul3A_311 : i32 to index
        %get3A_315 = tpu.vector_load %arg11[%get3A_314] {strides = array<i32>} : memref<2048xi32, #tpu.memory_space<vmem>>, vector<16xi32>,
        %gather3A_316 = tpu.vector_load_idx %arg7[%broadcast_in_dim3A_6, %get3A_313] : memref<4x10112xf32, #tpu.memory_space<vmem>>[vector<16xi32>, vector<16xi32>], vector<16xf32>,
        %get3A_317 = arith.constant 0 : i32
        %get3A_318 = arith.index_cast %get3A_317 : i32 to index
        %get3A_319 = arith.index_cast %mul3A_311 : i32 to index
        %get3A_320 = tpu.vector_load %arg9[%get3A_318, %get3A_319] {strides = array<i32>} : memref<4x2048xf32, #tpu.memory_space<vmem>>, vector<16xf32>,
        %add3A_321 = arith.addf %gather3A_316, %get3A_320 : vector<16xf32>
        %max3A_322 = arith.constant 0.000000e+00 : f32
        %max3A_323 = vector.broadcast %max3A_322 : f32 to vector<16xf32>
        %max3A_324 = arith.maximumf %add3A_321, %max3A_323 : vector<16xf32>
        tpu.vector_store_idx %arg8[%broadcast_in_dim3A_6, %get3A_315], %max3A_324 {add = true} : memref<4x10112xf32, #tpu.memory_space<vmem>>[vector<16xi32>, vector<16xi32>], vector<16xf32>,
        %gather3A_325 = tpu.vector_load_idx %arg7[%broadcast_in_dim3A_8, %get3A_313] : memref<4x10112xf32, #tpu.memory_space<vmem>>[vector<16xi32>, vector<16xi32>], vector<16xf32>,
        %get3A_326 = arith.constant 1 : i32
        %get3A_327 = arith.index_cast %get3A_326 : i32 to index
        %get3A_328 = arith.index_cast %mul3A_311 : i32 to index
        %get3A_329 = tpu.vector_load %arg9[%get3A_327, %get3A_328] {strides = array<i32>} : memref<4x2048xf32, #tpu.memory_space<vmem>>, vector<16xf32>,
        %add3A_330 = arith.addf %gather3A_325, %get3A_329 : vector<16xf32>
        %max3A_331 = arith.constant 0.000000e+00 : f32
        %max3A_332 = vector.broadcast %max3A_331 : f32 to vector<16xf32>
        %max3A_333 = arith.maximumf %add3A_330, %max3A_332 : vector<16xf32>
        tpu.vector_store_idx %arg8[%broadcast_in_dim3A_8, %get3A_315], %max3A_333 {add = true} : memref<4x10112xf32, #tpu.memory_space<vmem>>[vector<16xi32>, vector<16xi32>], vector<16xf32>,
        %gather3A_334 = tpu.vector_load_idx %arg7[%broadcast_in_dim3A_10, %get3A_313] : memref<4x10112xf32, #tpu.memory_space<vmem>>[vector<16xi32>, vector<16xi32>], vector<16xf32>,
        %get3A_335 = arith.constant 2 : i32
        %get3A_336 = arith.index_cast %get3A_335 : i32 to index
        %get3A_337 = arith.index_cast %mul3A_311 : i32 to index
        %get3A_338 = tpu.vector_load %arg9[%get3A_336, %get3A_337] {strides = array<i32>} : memref<4x2048xf32, #tpu.memory_space<vmem>>, vector<16xf32>,
        %add3A_339 = arith.addf %gather3A_334, %get3A_338 : vector<16xf32>
        %max3A_340 = arith.constant 0.000000e+00 : f32
        %max3A_341 = vector.broadcast %max3A_340 : f32 to vector<16xf32>
        %max3A_342 = arith.maximumf %add3A_339, %max3A_341 : vector<16xf32>
        tpu.vector_store_idx %arg8[%broadcast_in_dim3A_10, %get3A_315], %max3A_342 {add = true} : memref<4x10112xf32, #tpu.memory_space<vmem>>[vector<16xi32>, vector<16xi32>], vector<16xf32>,
        %gather3A_343 = tpu.vector_load_idx %arg7[%broadcast_in_dim3A_12, %get3A_313] : memref<4x10112xf32, #tpu.memory_space<vmem>>[vector<16xi32>, vector<16xi32>], vector<16xf32>,
        %get3A_344 = arith.constant 3 : i32
        %get3A_345 = arith.index_cast %get3A_344 : i32 to index
        %get3A_346 = arith.index_cast %mul3A_311 : i32 to index
        %get3A_347 = tpu.vector_load %arg9[%get3A_345, %get3A_346] {strides = array<i32>} : memref<4x2048xf32, #tpu.memory_space<vmem>>, vector<16xf32>,
        %add3A_348 = arith.addf %gather3A_343, %get3A_347 : vector<16xf32>
        %max3A_349 = arith.constant 0.000000e+00 : f32
        %max3A_350 = vector.broadcast %max3A_349 : f32 to vector<16xf32>
        %max3A_351 = arith.maximumf %add3A_348, %max3A_350 : vector<16xf32>
        tpu.vector_store_idx %arg8[%broadcast_in_dim3A_12, %get3A_315], %max3A_351 {add = true} : memref<4x10112xf32, #tpu.memory_space<vmem>>[vector<16xi32>, vector<16xi32>], vector<16xf32>,
        %mul3A_352 = arith.constant 8 : i32
        %mul3A_353 = arith.muli %scan3A_32, %mul3A_352 : i32
        %add3A_354 = arith.constant 7 : i32
        %add3A_355 = arith.addi %mul3A_353, %add3A_354 : i32
        %mul3A_356 = arith.constant 16 : i32
        %mul3A_357 = arith.muli %add3A_355, %mul3A_356 : i32
        %get3A_358 = arith.index_cast %mul3A_357 : i32 to index
        %get3A_359 = tpu.vector_load %arg10[%get3A_358] {strides = array<i32>} : memref<2048xi32, #tpu.memory_space<vmem>>, vector<16xi32>,
        %get3A_360 = arith.index_cast %mul3A_357 : i32 to index
        %get3A_361 = tpu.vector_load %arg11[%get3A_360] {strides = array<i32>} : memref<2048xi32, #tpu.memory_space<vmem>>, vector<16xi32>,
        %gather3A_362 = tpu.vector_load_idx %arg7[%broadcast_in_dim3A_6, %get3A_359] : memref<4x10112xf32, #tpu.memory_space<vmem>>[vector<16xi32>, vector<16xi32>], vector<16xf32>,
        %get3A_363 = arith.constant 0 : i32
        %get3A_364 = arith.index_cast %get3A_363 : i32 to index
        %get3A_365 = arith.index_cast %mul3A_357 : i32 to index
        %get3A_366 = tpu.vector_load %arg9[%get3A_364, %get3A_365] {strides = array<i32>} : memref<4x2048xf32, #tpu.memory_space<vmem>>, vector<16xf32>,
        %add3A_367 = arith.addf %gather3A_362, %get3A_366 : vector<16xf32>
        %max3A_368 = arith.constant 0.000000e+00 : f32
        %max3A_369 = vector.broadcast %max3A_368 : f32 to vector<16xf32>
        %max3A_370 = arith.maximumf %add3A_367, %max3A_369 : vector<16xf32>
        tpu.vector_store_idx %arg8[%broadcast_in_dim3A_6, %get3A_361], %max3A_370 {add = true} : memref<4x10112xf32, #tpu.memory_space<vmem>>[vector<16xi32>, vector<16xi32>], vector<16xf32>,
        %gather3A_371 = tpu.vector_load_idx %arg7[%broadcast_in_dim3A_8, %get3A_359] : memref<4x10112xf32, #tpu.memory_space<vmem>>[vector<16xi32>, vector<16xi32>], vector<16xf32>,
        %get3A_372 = arith.constant 1 : i32
        %get3A_373 = arith.index_cast %get3A_372 : i32 to index
        %get3A_374 = arith.index_cast %mul3A_357 : i32 to index
        %get3A_375 = tpu.vector_load %arg9[%get3A_373, %get3A_374] {strides = array<i32>} : memref<4x2048xf32, #tpu.memory_space<vmem>>, vector<16xf32>,
        %add3A_376 = arith.addf %gather3A_371, %get3A_375 : vector<16xf32>
        %max3A_377 = arith.constant 0.000000e+00 : f32
        %max3A_378 = vector.broadcast %max3A_377 : f32 to vector<16xf32>
        %max3A_379 = arith.maximumf %add3A_376, %max3A_378 : vector<16xf32>
        tpu.vector_store_idx %arg8[%broadcast_in_dim3A_8, %get3A_361], %max3A_379 {add = true} : memref<4x10112xf32, #tpu.memory_space<vmem>>[vector<16xi32>, vector<16xi32>], vector<16xf32>,
        %gather3A_380 = tpu.vector_load_idx %arg7[%broadcast_in_dim3A_10, %get3A_359] : memref<4x10112xf32, #tpu.memory_space<vmem>>[vector<16xi32>, vector<16xi32>], vector<16xf32>,
        %get3A_381 = arith.constant 2 : i32
        %get3A_382 = arith.index_cast %get3A_381 : i32 to index
        %get3A_383 = arith.index_cast %mul3A_357 : i32 to index
        %get3A_384 = tpu.vector_load %arg9[%get3A_382, %get3A_383] {strides = array<i32>} : memref<4x2048xf32, #tpu.memory_space<vmem>>, vector<16xf32>,
        %add3A_385 = arith.addf %gather3A_380, %get3A_384 : vector<16xf32>
        %max3A_386 = arith.constant 0.000000e+00 : f32
        %max3A_387 = vector.broadcast %max3A_386 : f32 to vector<16xf32>
        %max3A_388 = arith.maximumf %add3A_385, %max3A_387 : vector<16xf32>
        tpu.vector_store_idx %arg8[%broadcast_in_dim3A_10, %get3A_361], %max3A_388 {add = true} : memref<4x10112xf32, #tpu.memory_space<vmem>>[vector<16xi32>, vector<16xi32>], vector<16xf32>,
        %gather3A_389 = tpu.vector_load_idx %arg7[%broadcast_in_dim3A_12, %get3A_359] : memref<4x10112xf32, #tpu.memory_space<vmem>>[vector<16xi32>, vector<16xi32>], vector<16xf32>,
        %get3A_390 = arith.constant 3 : i32
        %get3A_391 = arith.index_cast %get3A_390 : i32 to index
        %get3A_392 = arith.index_cast %mul3A_357 : i32 to index
        %get3A_393 = tpu.vector_load %arg9[%get3A_391, %get3A_392] {strides = array<i32>} : memref<4x2048xf32, #tpu.memory_space<vmem>>, vector<16xf32>,
        %add3A_394 = arith.addf %gather3A_389, %get3A_393 : vector<16xf32>
        %max3A_395 = arith.constant 0.000000e+00 : f32
        %max3A_396 = vector.broadcast %max3A_395 : f32 to vector<16xf32>
        %max3A_397 = arith.maximumf %add3A_394, %max3A_396 : vector<16xf32>
        tpu.vector_store_idx %arg8[%broadcast_in_dim3A_12, %get3A_361], %max3A_397 {add = true} : memref<4x10112xf32, #tpu.memory_space<vmem>>[vector<16xi32>, vector<16xi32>], vector<16xf32>,
      }
      %scan3A_31 = arith.constant 16 : i32
    }
    %scan3A_18 = arith.constant 160 : i32
    "tpu.region"() ({
      %run_scoped3A = tpu.sem_alloc : memref<!tpu.dma_semaphore, #tpu.memory_space<semaphore_mem>>
      %dma_start3A = arith.constant 0 : i32
      %dma_start3A_19 = arith.constant 0 : i32
      %dma_start3A_20 = tpu.memref_slice %arg6[%add3A, %dma_start3A, %dma_start3A_19] : memref<32x4x10112xf32, #tpu.memory_space<hbm>> -> memref<1x4x10112xf32, #tpu.memory_space<hbm>>
      %dma_start3A_21 = tpu.memref_squeeze %dma_start3A_20 : memref<1x4x10112xf32, #tpu.memory_space<hbm>> -> memref<4x10112xf32, #tpu.memory_space<hbm>>
      %dma_start3A_22 = arith.constant 0 : i32
      %dma_start3A_23 = arith.constant 0 : i32
      %dma_start3A_24 = tpu.memref_slice %arg6[%add3A, %dma_start3A_22, %dma_start3A_23] : memref<32x4x10112xf32, #tpu.memory_space<hbm>> -> memref<1x4x10112xf32, #tpu.memory_space<hbm>>
      %dma_start3A_25 = tpu.memref_squeeze %dma_start3A_24 : memref<1x4x10112xf32, #tpu.memory_space<hbm>> -> memref<4x10112xf32, #tpu.memory_space<hbm>>
      tpu.enqueue_dma source(%arg8 : memref<4x10112xf32, #tpu.memory_space<vmem>>) target(%dma_start3A_25 : memref<4x10112xf32, #tpu.memory_space<hbm>>) target_semaphore(%run_scoped3A : memref<!tpu.dma_semaphore, #tpu.memory_space<semaphore_mem>>)
      %dma_wait3A = arith.constant 0 : i32
      %dma_wait3A_26 = arith.constant 0 : i32
      %dma_wait3A_27 = tpu.memref_slice %arg6[%add3A, %dma_wait3A, %dma_wait3A_26] : memref<32x4x10112xf32, #tpu.memory_space<hbm>> -> memref<1x4x10112xf32, #tpu.memory_space<hbm>>
      %dma_wait3A_28 = tpu.memref_squeeze %dma_wait3A_27 : memref<1x4x10112xf32, #tpu.memory_space<hbm>> -> memref<4x10112xf32, #tpu.memory_space<hbm>>
      %dma_wait3A_29 = arith.constant 0 : i32
      %dma_wait3A_30 = arith.constant 0 : i32
      %dma_wait3A_31 = tpu.memref_slice %arg6[%add3A, %dma_wait3A_29, %dma_wait3A_30] : memref<32x4x10112xf32, #tpu.memory_space<hbm>> -> memref<1x4x10112xf32, #tpu.memory_space<hbm>>
      %dma_wait3A_32 = tpu.memref_squeeze %dma_wait3A_31 : memref<1x4x10112xf32, #tpu.memory_space<hbm>> -> memref<4x10112xf32, #tpu.memory_space<hbm>>
      tpu.wait_dma2 semaphore(%run_scoped3A : memref<!tpu.dma_semaphore, #tpu.memory_space<semaphore_mem>>) src(%arg8 : memref<4x10112xf32, #tpu.memory_space<vmem>>) dst(%dma_wait3A_32 : memref<4x10112xf32, #tpu.memory_space<hbm>>)
      tpu.yield
    }) : () -> ()
    return
  }
}

module attributes {stable_mosaic.version = 14 : i64} {
  func.func @_estats_body(%arg0: i32, %arg1: memref<2560x16xf32, #tpu.memory_space<vmem>>, %arg2: memref<3x16x128xf32, #tpu.memory_space<vmem>>, %arg3: memref<3x1x128xf32, #tpu.memory_space<vmem>>, %arg4: memref<3x1x128xf32, #tpu.memory_space<vmem>>, %arg5: memref<3x1x128xf32, #tpu.memory_space<vmem>>) attributes {dimension_semantics = [#tpu.dimension_semantics<arbitrary>], iteration_bounds = array<i64: 125>, scalar_prefetch = 0 : i64, scratch_operands = 0 : i64, tpu.core_type = #tpu.core_type<tc>, window_params = [{transform_indices = @transform_0, window_bounds = array<i64: 2560, 16>}, {pipeline_mode = #tpu.pipeline_mode<synchronous>, transform_indices = @transform_1, window_bounds = array<i64: 3, 16, 128>}, {pipeline_mode = #tpu.pipeline_mode<synchronous>, transform_indices = @transform_2, window_bounds = array<i64: 3, 1, 128>}, {pipeline_mode = #tpu.pipeline_mode<synchronous>, transform_indices = @transform_3, window_bounds = array<i64: 3, 1, 128>}, {pipeline_mode = #tpu.pipeline_mode<synchronous>, transform_indices = @transform_4, window_bounds = array<i64: 3, 1, 128>}]} {
    %get3A = arith.constant 0 : index
    %get3A_0 = arith.constant 0 : index
    %get3A_1 = vector.load %arg1[%get3A, %get3A_0] : memref<2560x16xf32, #tpu.memory_space<vmem>>, vector<2560x16xf32>
    %eq3A = arith.constant 0 : i32
    %eq3A_2 = arith.cmpi eq, %arg0, %eq3A : i32
    %convert_element_type3A = arith.extui %eq3A_2 : i1 to i32
    %cond3A = arith.constant 0 : i32
    %cond3A_3 = arith.cmpi ne, %convert_element_type3A, %cond3A : i32
    scf.if %cond3A_3 {
      %broadcast_in_dim3A_133 = arith.constant 0.000000e+00 : f32
      %broadcast_in_dim3A_134 = vector.broadcast %broadcast_in_dim3A_133 : f32 to vector<3x1x128xf32>
      %swap3A_135 = arith.constant 0 : index
      %swap3A_136 = arith.constant 0 : index
      %swap3A_137 = arith.constant 0 : index
      %swap3A_138 = vector.load %arg4[%swap3A_135, %swap3A_136, %swap3A_137] : memref<3x1x128xf32, #tpu.memory_space<vmem>>, vector<3x1x128xf32>
      tpu.vector_store %arg4[%swap3A_135, %swap3A_136, %swap3A_137], %broadcast_in_dim3A_134 {strides = array<i32>} : memref<3x1x128xf32, #tpu.memory_space<vmem>>, vector<3x1x128xf32>,
      %broadcast_in_dim3A_139 = arith.constant 0.000000e+00 : f32
      %broadcast_in_dim3A_140 = vector.broadcast %broadcast_in_dim3A_139 : f32 to vector<3x1x128xf32>
      %swap3A_141 = arith.constant 0 : index
      %swap3A_142 = arith.constant 0 : index
      %swap3A_143 = arith.constant 0 : index
      %swap3A_144 = vector.load %arg5[%swap3A_141, %swap3A_142, %swap3A_143] : memref<3x1x128xf32, #tpu.memory_space<vmem>>, vector<3x1x128xf32>
      tpu.vector_store %arg5[%swap3A_141, %swap3A_142, %swap3A_143], %broadcast_in_dim3A_140 {strides = array<i32>} : memref<3x1x128xf32, #tpu.memory_space<vmem>>, vector<3x1x128xf32>,
    } else {
    }
    %get3A_4 = arith.constant 0 : index
    %get3A_5 = arith.constant 0 : index
    %get3A_6 = arith.constant 0 : index
    %get3A_7 = vector.load %arg2[%get3A_4, %get3A_5, %get3A_6] : memref<3x16x128xf32, #tpu.memory_space<vmem>>, vector<1x16x128xf32>
    %get3A_8 = vector.shape_cast %get3A_7 : vector<1x16x128xf32> to vector<16x128xf32>
    %dot_general3A = arith.constant dense<0.000000e+00> : vector<2560x128xf32>
    %dot_general3A_9 = tpu.matmul %get3A_1, %get3A_8, %dot_general3A {dimension_numbers = #tpu.dot_dimension_numbers<[1], [0], [0], [1], [0, 0, 1, 1], [], []>, transpose_lhs_hint = false} : vector<2560x16xf32>, vector<16x128xf32>, vector<2560x128xf32> -> vector<2560x128xf32>
    %get3A_10 = arith.constant 0 : index
    %get3A_11 = arith.constant 0 : index
    %get3A_12 = arith.constant 0 : index
    %get3A_13 = vector.load %arg3[%get3A_10, %get3A_11, %get3A_12] : memref<3x1x128xf32, #tpu.memory_space<vmem>>, vector<1x1x128xf32>
    %get3A_14 = vector.shape_cast %get3A_13 : vector<1x1x128xf32> to vector<1x128xf32>
    %add3A = vector.broadcast %get3A_14 : vector<1x128xf32> to vector<2560x128xf32>
    %add3A_15 = arith.addf %dot_general3A_9, %add3A : vector<2560x128xf32>
    %get3A_16 = arith.constant 0 : index
    %get3A_17 = arith.constant 0 : index
    %get3A_18 = arith.constant 0 : index
    %get3A_19 = vector.load %arg4[%get3A_16, %get3A_17, %get3A_18] : memref<3x1x128xf32, #tpu.memory_space<vmem>>, vector<1x1x128xf32>
    %get3A_20 = vector.shape_cast %get3A_19 : vector<1x1x128xf32> to vector<1x128xf32>
    %reduce_sum3A = arith.constant dense<0.000000e+00> : vector<128xf32>
    %reduce_sum3A_21 = vector.multi_reduction <add>, %add3A_15, %reduce_sum3A [0] : vector<2560x128xf32> to vector<128xf32>
    %broadcast_in_dim3A = vector.shape_cast %reduce_sum3A_21 : vector<128xf32> to vector<1x128xf32>
    %add3A_22 = arith.addf %get3A_20, %broadcast_in_dim3A : vector<1x128xf32>
    %swap3A = arith.constant 0 : index
    %swap3A_23 = arith.constant 0 : index
    %swap3A_24 = arith.constant 0 : index
    %swap3A_25 = vector.load %arg4[%swap3A, %swap3A_23, %swap3A_24] : memref<3x1x128xf32, #tpu.memory_space<vmem>>, vector<1x1x128xf32>
    %swap3A_26 = vector.shape_cast %swap3A_25 : vector<1x1x128xf32> to vector<1x128xf32>
    %swap3A_27 = vector.shape_cast %add3A_22 : vector<1x128xf32> to vector<1x1x128xf32>
    tpu.vector_store %arg4[%swap3A, %swap3A_23, %swap3A_24], %swap3A_27 {strides = array<i32>} : memref<3x1x128xf32, #tpu.memory_space<vmem>>, vector<1x1x128xf32>,
    %get3A_28 = arith.constant 0 : index
    %get3A_29 = arith.constant 0 : index
    %get3A_30 = arith.constant 0 : index
    %get3A_31 = vector.load %arg5[%get3A_28, %get3A_29, %get3A_30] : memref<3x1x128xf32, #tpu.memory_space<vmem>>, vector<1x1x128xf32>
    %get3A_32 = vector.shape_cast %get3A_31 : vector<1x1x128xf32> to vector<1x128xf32>
    %mul3A = arith.mulf %add3A_15, %add3A_15 : vector<2560x128xf32>
    %reduce_sum3A_33 = arith.constant dense<0.000000e+00> : vector<128xf32>
    %reduce_sum3A_34 = vector.multi_reduction <add>, %mul3A, %reduce_sum3A_33 [0] : vector<2560x128xf32> to vector<128xf32>
    %broadcast_in_dim3A_35 = vector.shape_cast %reduce_sum3A_34 : vector<128xf32> to vector<1x128xf32>
    %add3A_36 = arith.addf %get3A_32, %broadcast_in_dim3A_35 : vector<1x128xf32>
    %swap3A_37 = arith.constant 0 : index
    %swap3A_38 = arith.constant 0 : index
    %swap3A_39 = arith.constant 0 : index
    %swap3A_40 = vector.load %arg5[%swap3A_37, %swap3A_38, %swap3A_39] : memref<3x1x128xf32, #tpu.memory_space<vmem>>, vector<1x1x128xf32>
    %swap3A_41 = vector.shape_cast %swap3A_40 : vector<1x1x128xf32> to vector<1x128xf32>
    %swap3A_42 = vector.shape_cast %add3A_36 : vector<1x128xf32> to vector<1x1x128xf32>
    tpu.vector_store %arg5[%swap3A_37, %swap3A_38, %swap3A_39], %swap3A_42 {strides = array<i32>} : memref<3x1x128xf32, #tpu.memory_space<vmem>>, vector<1x1x128xf32>,
    %get3A_43 = arith.constant 1 : index
    %get3A_44 = arith.constant 0 : index
    %get3A_45 = arith.constant 0 : index
    %get3A_46 = vector.load %arg2[%get3A_43, %get3A_44, %get3A_45] : memref<3x16x128xf32, #tpu.memory_space<vmem>>, vector<1x16x128xf32>
    %get3A_47 = vector.shape_cast %get3A_46 : vector<1x16x128xf32> to vector<16x128xf32>
    %dot_general3A_48 = arith.constant dense<0.000000e+00> : vector<2560x128xf32>
    %dot_general3A_49 = tpu.matmul %get3A_1, %get3A_47, %dot_general3A_48 {dimension_numbers = #tpu.dot_dimension_numbers<[1], [0], [0], [1], [0, 0, 1, 1], [], []>, transpose_lhs_hint = false} : vector<2560x16xf32>, vector<16x128xf32>, vector<2560x128xf32> -> vector<2560x128xf32>
    %get3A_50 = arith.constant 1 : index
    %get3A_51 = arith.constant 0 : index
    %get3A_52 = arith.constant 0 : index
    %get3A_53 = vector.load %arg3[%get3A_50, %get3A_51, %get3A_52] : memref<3x1x128xf32, #tpu.memory_space<vmem>>, vector<1x1x128xf32>
    %get3A_54 = vector.shape_cast %get3A_53 : vector<1x1x128xf32> to vector<1x128xf32>
    %add3A_55 = vector.broadcast %get3A_54 : vector<1x128xf32> to vector<2560x128xf32>
    %add3A_56 = arith.addf %dot_general3A_49, %add3A_55 : vector<2560x128xf32>
    %get3A_57 = arith.constant 1 : index
    %get3A_58 = arith.constant 0 : index
    %get3A_59 = arith.constant 0 : index
    %get3A_60 = vector.load %arg4[%get3A_57, %get3A_58, %get3A_59] : memref<3x1x128xf32, #tpu.memory_space<vmem>>, vector<1x1x128xf32>
    %get3A_61 = vector.shape_cast %get3A_60 : vector<1x1x128xf32> to vector<1x128xf32>
    %reduce_sum3A_62 = arith.constant dense<0.000000e+00> : vector<128xf32>
    %reduce_sum3A_63 = vector.multi_reduction <add>, %add3A_56, %reduce_sum3A_62 [0] : vector<2560x128xf32> to vector<128xf32>
    %broadcast_in_dim3A_64 = vector.shape_cast %reduce_sum3A_63 : vector<128xf32> to vector<1x128xf32>
    %add3A_65 = arith.addf %get3A_61, %broadcast_in_dim3A_64 : vector<1x128xf32>
    %swap3A_66 = arith.constant 1 : index
    %swap3A_67 = arith.constant 0 : index
    %swap3A_68 = arith.constant 0 : index
    %swap3A_69 = vector.load %arg4[%swap3A_66, %swap3A_67, %swap3A_68] : memref<3x1x128xf32, #tpu.memory_space<vmem>>, vector<1x1x128xf32>
    %swap3A_70 = vector.shape_cast %swap3A_69 : vector<1x1x128xf32> to vector<1x128xf32>
    %swap3A_71 = vector.shape_cast %add3A_65 : vector<1x128xf32> to vector<1x1x128xf32>
    tpu.vector_store %arg4[%swap3A_66, %swap3A_67, %swap3A_68], %swap3A_71 {strides = array<i32>} : memref<3x1x128xf32, #tpu.memory_space<vmem>>, vector<1x1x128xf32>,
    %get3A_72 = arith.constant 1 : index
    %get3A_73 = arith.constant 0 : index
    %get3A_74 = arith.constant 0 : index
    %get3A_75 = vector.load %arg5[%get3A_72, %get3A_73, %get3A_74] : memref<3x1x128xf32, #tpu.memory_space<vmem>>, vector<1x1x128xf32>
    %get3A_76 = vector.shape_cast %get3A_75 : vector<1x1x128xf32> to vector<1x128xf32>
    %mul3A_77 = arith.mulf %add3A_56, %add3A_56 : vector<2560x128xf32>
    %reduce_sum3A_78 = arith.constant dense<0.000000e+00> : vector<128xf32>
    %reduce_sum3A_79 = vector.multi_reduction <add>, %mul3A_77, %reduce_sum3A_78 [0] : vector<2560x128xf32> to vector<128xf32>
    %broadcast_in_dim3A_80 = vector.shape_cast %reduce_sum3A_79 : vector<128xf32> to vector<1x128xf32>
    %add3A_81 = arith.addf %get3A_76, %broadcast_in_dim3A_80 : vector<1x128xf32>
    %swap3A_82 = arith.constant 1 : index
    %swap3A_83 = arith.constant 0 : index
    %swap3A_84 = arith.constant 0 : index
    %swap3A_85 = vector.load %arg5[%swap3A_82, %swap3A_83, %swap3A_84] : memref<3x1x128xf32, #tpu.memory_space<vmem>>, vector<1x1x128xf32>
    %swap3A_86 = vector.shape_cast %swap3A_85 : vector<1x1x128xf32> to vector<1x128xf32>
    %swap3A_87 = vector.shape_cast %add3A_81 : vector<1x128xf32> to vector<1x1x128xf32>
    tpu.vector_store %arg5[%swap3A_82, %swap3A_83, %swap3A_84], %swap3A_87 {strides = array<i32>} : memref<3x1x128xf32, #tpu.memory_space<vmem>>, vector<1x1x128xf32>,
    %get3A_88 = arith.constant 2 : index
    %get3A_89 = arith.constant 0 : index
    %get3A_90 = arith.constant 0 : index
    %get3A_91 = vector.load %arg2[%get3A_88, %get3A_89, %get3A_90] : memref<3x16x128xf32, #tpu.memory_space<vmem>>, vector<1x16x128xf32>
    %get3A_92 = vector.shape_cast %get3A_91 : vector<1x16x128xf32> to vector<16x128xf32>
    %dot_general3A_93 = arith.constant dense<0.000000e+00> : vector<2560x128xf32>
    %dot_general3A_94 = tpu.matmul %get3A_1, %get3A_92, %dot_general3A_93 {dimension_numbers = #tpu.dot_dimension_numbers<[1], [0], [0], [1], [0, 0, 1, 1], [], []>, transpose_lhs_hint = false} : vector<2560x16xf32>, vector<16x128xf32>, vector<2560x128xf32> -> vector<2560x128xf32>
    %get3A_95 = arith.constant 2 : index
    %get3A_96 = arith.constant 0 : index
    %get3A_97 = arith.constant 0 : index
    %get3A_98 = vector.load %arg3[%get3A_95, %get3A_96, %get3A_97] : memref<3x1x128xf32, #tpu.memory_space<vmem>>, vector<1x1x128xf32>
    %get3A_99 = vector.shape_cast %get3A_98 : vector<1x1x128xf32> to vector<1x128xf32>
    %add3A_100 = vector.broadcast %get3A_99 : vector<1x128xf32> to vector<2560x128xf32>
    %add3A_101 = arith.addf %dot_general3A_94, %add3A_100 : vector<2560x128xf32>
    %get3A_102 = arith.constant 2 : index
    %get3A_103 = arith.constant 0 : index
    %get3A_104 = arith.constant 0 : index
    %get3A_105 = vector.load %arg4[%get3A_102, %get3A_103, %get3A_104] : memref<3x1x128xf32, #tpu.memory_space<vmem>>, vector<1x1x128xf32>
    %get3A_106 = vector.shape_cast %get3A_105 : vector<1x1x128xf32> to vector<1x128xf32>
    %reduce_sum3A_107 = arith.constant dense<0.000000e+00> : vector<128xf32>
    %reduce_sum3A_108 = vector.multi_reduction <add>, %add3A_101, %reduce_sum3A_107 [0] : vector<2560x128xf32> to vector<128xf32>
    %broadcast_in_dim3A_109 = vector.shape_cast %reduce_sum3A_108 : vector<128xf32> to vector<1x128xf32>
    %add3A_110 = arith.addf %get3A_106, %broadcast_in_dim3A_109 : vector<1x128xf32>
    %swap3A_111 = arith.constant 2 : index
    %swap3A_112 = arith.constant 0 : index
    %swap3A_113 = arith.constant 0 : index
    %swap3A_114 = vector.load %arg4[%swap3A_111, %swap3A_112, %swap3A_113] : memref<3x1x128xf32, #tpu.memory_space<vmem>>, vector<1x1x128xf32>
    %swap3A_115 = vector.shape_cast %swap3A_114 : vector<1x1x128xf32> to vector<1x128xf32>
    %swap3A_116 = vector.shape_cast %add3A_110 : vector<1x128xf32> to vector<1x1x128xf32>
    tpu.vector_store %arg4[%swap3A_111, %swap3A_112, %swap3A_113], %swap3A_116 {strides = array<i32>} : memref<3x1x128xf32, #tpu.memory_space<vmem>>, vector<1x1x128xf32>,
    %get3A_117 = arith.constant 2 : index
    %get3A_118 = arith.constant 0 : index
    %get3A_119 = arith.constant 0 : index
    %get3A_120 = vector.load %arg5[%get3A_117, %get3A_118, %get3A_119] : memref<3x1x128xf32, #tpu.memory_space<vmem>>, vector<1x1x128xf32>
    %get3A_121 = vector.shape_cast %get3A_120 : vector<1x1x128xf32> to vector<1x128xf32>
    %mul3A_122 = arith.mulf %add3A_101, %add3A_101 : vector<2560x128xf32>
    %reduce_sum3A_123 = arith.constant dense<0.000000e+00> : vector<128xf32>
    %reduce_sum3A_124 = vector.multi_reduction <add>, %mul3A_122, %reduce_sum3A_123 [0] : vector<2560x128xf32> to vector<128xf32>
    %broadcast_in_dim3A_125 = vector.shape_cast %reduce_sum3A_124 : vector<128xf32> to vector<1x128xf32>
    %add3A_126 = arith.addf %get3A_121, %broadcast_in_dim3A_125 : vector<1x128xf32>
    %swap3A_127 = arith.constant 2 : index
    %swap3A_128 = arith.constant 0 : index
    %swap3A_129 = arith.constant 0 : index
    %swap3A_130 = vector.load %arg5[%swap3A_127, %swap3A_128, %swap3A_129] : memref<3x1x128xf32, #tpu.memory_space<vmem>>, vector<1x1x128xf32>
    %swap3A_131 = vector.shape_cast %swap3A_130 : vector<1x1x128xf32> to vector<1x128xf32>
    %swap3A_132 = vector.shape_cast %add3A_126 : vector<1x128xf32> to vector<1x1x128xf32>
    tpu.vector_store %arg5[%swap3A_127, %swap3A_128, %swap3A_129], %swap3A_132 {strides = array<i32>} : memref<3x1x128xf32, #tpu.memory_space<vmem>>, vector<1x1x128xf32>,
    return
  }
  func.func @transform_0(%arg0: i32) -> (i32, i32) {
    %c0_i32 = arith.constant 0 : i32
    %c0_i32_0 = arith.constant 0 : i32
    return %arg0, %c0_i32 : i32, i32
  }
  func.func @transform_1(%arg0: i32) -> (i32, i32, i32) {
    %c0_i32 = arith.constant 0 : i32
    %c0_i32_0 = arith.constant 0 : i32
    %c0_i32_1 = arith.constant 0 : i32
    %c0_i32_2 = arith.constant 0 : i32
    return %c0_i32, %c0_i32_0, %c0_i32_1 : i32, i32, i32
  }
  func.func @transform_2(%arg0: i32) -> (i32, i32, i32) {
    %c0_i32 = arith.constant 0 : i32
    %c0_i32_0 = arith.constant 0 : i32
    %c0_i32_1 = arith.constant 0 : i32
    %c0_i32_2 = arith.constant 0 : i32
    return %c0_i32, %c0_i32_0, %c0_i32_1 : i32, i32, i32
  }
  func.func @transform_3(%arg0: i32) -> (i32, i32, i32) {
    %c0_i32 = arith.constant 0 : i32
    %c0_i32_0 = arith.constant 0 : i32
    %c0_i32_1 = arith.constant 0 : i32
    %c0_i32_2 = arith.constant 0 : i32
    return %c0_i32, %c0_i32_0, %c0_i32_1 : i32, i32, i32
  }
  func.func @transform_4(%arg0: i32) -> (i32, i32, i32) {
    %c0_i32 = arith.constant 0 : i32
    %c0_i32_0 = arith.constant 0 : i32
    %c0_i32_1 = arith.constant 0 : i32
    %c0_i32_2 = arith.constant 0 : i32
    return %c0_i32, %c0_i32_0, %c0_i32_1 : i32, i32, i32
  }
}

module attributes {stable_mosaic.version = 14 : i64} {
  func.func @_edges_body(%arg0: i32, %arg1: memref<2048x16xf32, #tpu.memory_space<vmem>>, %arg2: memref<3x16x128xf32, #tpu.memory_space<vmem>>, %arg3: memref<3x1x128xf32, #tpu.memory_space<vmem>>, %arg4: memref<3x1x128xf32, #tpu.memory_space<vmem>>, %arg5: memref<3x1x128xf32, #tpu.memory_space<vmem>>, %arg6: memref<3x1x128xf32, #tpu.memory_space<vmem>>, %arg7: memref<3x1x128xf32, #tpu.memory_space<vmem>>, %arg8: memref<32x4x2048xf32, #tpu.memory_space<vmem>>, %arg9: memref<32x4x2048xf32, #tpu.memory_space<vmem>>, %arg10: memref<32x4x2048xf32, #tpu.memory_space<vmem>>) attributes {dimension_semantics = [#tpu.dimension_semantics<arbitrary>], iteration_bounds = array<i64: 160>, scalar_prefetch = 0 : i64, scratch_operands = 0 : i64, tpu.core_type = #tpu.core_type<tc>, window_params = [{transform_indices = @transform_0, window_bounds = array<i64: 2048, 16>}, {pipeline_mode = #tpu.pipeline_mode<synchronous>, transform_indices = @transform_1, window_bounds = array<i64: 3, 16, 128>}, {pipeline_mode = #tpu.pipeline_mode<synchronous>, transform_indices = @transform_2, window_bounds = array<i64: 3, 1, 128>}, {pipeline_mode = #tpu.pipeline_mode<synchronous>, transform_indices = @transform_3, window_bounds = array<i64: 3, 1, 128>}, {pipeline_mode = #tpu.pipeline_mode<synchronous>, transform_indices = @transform_4, window_bounds = array<i64: 3, 1, 128>}, {pipeline_mode = #tpu.pipeline_mode<synchronous>, transform_indices = @transform_5, window_bounds = array<i64: 3, 1, 128>}, {pipeline_mode = #tpu.pipeline_mode<synchronous>, transform_indices = @transform_6, window_bounds = array<i64: 3, 1, 128>}, {transform_indices = @transform_7, window_bounds = array<i64: 32, 4, 2048>}, {transform_indices = @transform_8, window_bounds = array<i64: 32, 4, 2048>}, {transform_indices = @transform_9, window_bounds = array<i64: 32, 4, 2048>}]} {
    %get3A = arith.constant 0 : index
    %get3A_0 = arith.constant 0 : index
    %get3A_1 = vector.load %arg1[%get3A, %get3A_0] : memref<2048x16xf32, #tpu.memory_space<vmem>>, vector<2048x16xf32>
    %get3A_2 = arith.constant 0 : index
    %get3A_3 = arith.constant 0 : index
    %get3A_4 = arith.constant 0 : index
    %get3A_5 = vector.load %arg6[%get3A_2, %get3A_3, %get3A_4] : memref<3x1x128xf32, #tpu.memory_space<vmem>>, vector<1x1x128xf32>
    %get3A_6 = vector.shape_cast %get3A_5 : vector<1x1x128xf32> to vector<1x128xf32>
    %mul3A = arith.constant 3.125000e-06 : f32
    %mul3A_7 = vector.broadcast %mul3A : f32 to vector<1x128xf32>
    %mul3A_8 = arith.mulf %get3A_6, %mul3A_7 : vector<1x128xf32>
    %get3A_9 = arith.constant 0 : index
    %get3A_10 = arith.constant 0 : index
    %get3A_11 = arith.constant 0 : index
    %get3A_12 = vector.load %arg7[%get3A_9, %get3A_10, %get3A_11] : memref<3x1x128xf32, #tpu.memory_space<vmem>>, vector<1x1x128xf32>
    %get3A_13 = vector.shape_cast %get3A_12 : vector<1x1x128xf32> to vector<1x128xf32>
    %mul3A_14 = arith.constant 3.125000e-06 : f32
    %mul3A_15 = vector.broadcast %mul3A_14 : f32 to vector<1x128xf32>
    %mul3A_16 = arith.mulf %get3A_13, %mul3A_15 : vector<1x128xf32>
    %mul3A_17 = arith.mulf %mul3A_8, %mul3A_8 : vector<1x128xf32>
    %sub3A = arith.subf %mul3A_16, %mul3A_17 : vector<1x128xf32>
    %get3A_18 = arith.constant 0 : index
    %get3A_19 = arith.constant 0 : index
    %get3A_20 = arith.constant 0 : index
    %get3A_21 = vector.load %arg2[%get3A_18, %get3A_19, %get3A_20] : memref<3x16x128xf32, #tpu.memory_space<vmem>>, vector<1x16x128xf32>
    %get3A_22 = vector.shape_cast %get3A_21 : vector<1x16x128xf32> to vector<16x128xf32>
    %dot_general3A = arith.constant dense<0.000000e+00> : vector<2048x128xf32>
    %dot_general3A_23 = tpu.matmul %get3A_1, %get3A_22, %dot_general3A {dimension_numbers = #tpu.dot_dimension_numbers<[1], [0], [0], [1], [0, 0, 1, 1], [], []>, transpose_lhs_hint = false} : vector<2048x16xf32>, vector<16x128xf32>, vector<2048x128xf32> -> vector<2048x128xf32>
    %get3A_24 = arith.constant 0 : index
    %get3A_25 = arith.constant 0 : index
    %get3A_26 = arith.constant 0 : index
    %get3A_27 = vector.load %arg3[%get3A_24, %get3A_25, %get3A_26] : memref<3x1x128xf32, #tpu.memory_space<vmem>>, vector<1x1x128xf32>
    %get3A_28 = vector.shape_cast %get3A_27 : vector<1x1x128xf32> to vector<1x128xf32>
    %add3A = vector.broadcast %get3A_28 : vector<1x128xf32> to vector<2048x128xf32>
    %add3A_29 = arith.addf %dot_general3A_23, %add3A : vector<2048x128xf32>
    %get3A_30 = arith.constant 0 : index
    %get3A_31 = arith.constant 0 : index
    %get3A_32 = arith.constant 0 : index
    %get3A_33 = vector.load %arg4[%get3A_30, %get3A_31, %get3A_32] : memref<3x1x128xf32, #tpu.memory_space<vmem>>, vector<1x1x128xf32>
    %get3A_34 = vector.shape_cast %get3A_33 : vector<1x1x128xf32> to vector<1x128xf32>
    %sub3A_35 = vector.broadcast %mul3A_8 : vector<1x128xf32> to vector<2048x128xf32>
    %sub3A_36 = arith.subf %add3A_29, %sub3A_35 : vector<2048x128xf32>
    %mul3A_37 = vector.broadcast %get3A_34 : vector<1x128xf32> to vector<2048x128xf32>
    %mul3A_38 = arith.mulf %mul3A_37, %sub3A_36 : vector<2048x128xf32>
    %add3A_39 = arith.constant 9.99999974E-6 : f32
    %add3A_40 = vector.broadcast %add3A_39 : f32 to vector<1x128xf32>
    %add3A_41 = arith.addf %sub3A, %add3A_40 : vector<1x128xf32>
    %sqrt3A = math.sqrt %add3A_41 : vector<1x128xf32>
    %div3A = vector.broadcast %sqrt3A : vector<1x128xf32> to vector<2048x128xf32>
    %div3A_42 = arith.divf %mul3A_38, %div3A : vector<2048x128xf32>
    %get3A_43 = arith.constant 0 : index
    %get3A_44 = arith.constant 0 : index
    %get3A_45 = arith.constant 0 : index
    %get3A_46 = vector.load %arg5[%get3A_43, %get3A_44, %get3A_45] : memref<3x1x128xf32, #tpu.memory_space<vmem>>, vector<1x1x128xf32>
    %get3A_47 = vector.shape_cast %get3A_46 : vector<1x1x128xf32> to vector<1x128xf32>
    %add3A_48 = vector.broadcast %get3A_47 : vector<1x128xf32> to vector<2048x128xf32>
    %add3A_49 = arith.addf %div3A_42, %add3A_48 : vector<2048x128xf32>
    %max3A = arith.constant 0.000000e+00 : f32
    %max3A_50 = vector.broadcast %max3A : f32 to vector<2048x128xf32>
    %max3A_51 = arith.maximumf %add3A_49, %max3A_50 : vector<2048x128xf32>
    %transpose3A = tpu.transpose %max3A_51, [1, 0] : vector<2048x128xf32> -> vector<128x2048xf32>
    %reshape3A = vector.shape_cast %transpose3A : vector<128x2048xf32> to vector<32x4x2048xf32>
    %swap3A = arith.constant 0 : index
    %swap3A_52 = arith.constant 0 : index
    %swap3A_53 = arith.constant 0 : index
    %swap3A_54 = vector.load %arg8[%swap3A, %swap3A_52, %swap3A_53] : memref<32x4x2048xf32, #tpu.memory_space<vmem>>, vector<32x4x2048xf32>
    tpu.vector_store %arg8[%swap3A, %swap3A_52, %swap3A_53], %reshape3A {strides = array<i32>} : memref<32x4x2048xf32, #tpu.memory_space<vmem>>, vector<32x4x2048xf32>,
    %get3A_55 = arith.constant 1 : index
    %get3A_56 = arith.constant 0 : index
    %get3A_57 = arith.constant 0 : index
    %get3A_58 = vector.load %arg6[%get3A_55, %get3A_56, %get3A_57] : memref<3x1x128xf32, #tpu.memory_space<vmem>>, vector<1x1x128xf32>
    %get3A_59 = vector.shape_cast %get3A_58 : vector<1x1x128xf32> to vector<1x128xf32>
    %mul3A_60 = arith.constant 3.125000e-06 : f32
    %mul3A_61 = vector.broadcast %mul3A_60 : f32 to vector<1x128xf32>
    %mul3A_62 = arith.mulf %get3A_59, %mul3A_61 : vector<1x128xf32>
    %get3A_63 = arith.constant 1 : index
    %get3A_64 = arith.constant 0 : index
    %get3A_65 = arith.constant 0 : index
    %get3A_66 = vector.load %arg7[%get3A_63, %get3A_64, %get3A_65] : memref<3x1x128xf32, #tpu.memory_space<vmem>>, vector<1x1x128xf32>
    %get3A_67 = vector.shape_cast %get3A_66 : vector<1x1x128xf32> to vector<1x128xf32>
    %mul3A_68 = arith.constant 3.125000e-06 : f32
    %mul3A_69 = vector.broadcast %mul3A_68 : f32 to vector<1x128xf32>
    %mul3A_70 = arith.mulf %get3A_67, %mul3A_69 : vector<1x128xf32>
    %mul3A_71 = arith.mulf %mul3A_62, %mul3A_62 : vector<1x128xf32>
    %sub3A_72 = arith.subf %mul3A_70, %mul3A_71 : vector<1x128xf32>
    %get3A_73 = arith.constant 1 : index
    %get3A_74 = arith.constant 0 : index
    %get3A_75 = arith.constant 0 : index
    %get3A_76 = vector.load %arg2[%get3A_73, %get3A_74, %get3A_75] : memref<3x16x128xf32, #tpu.memory_space<vmem>>, vector<1x16x128xf32>
    %get3A_77 = vector.shape_cast %get3A_76 : vector<1x16x128xf32> to vector<16x128xf32>
    %dot_general3A_78 = arith.constant dense<0.000000e+00> : vector<2048x128xf32>
    %dot_general3A_79 = tpu.matmul %get3A_1, %get3A_77, %dot_general3A_78 {dimension_numbers = #tpu.dot_dimension_numbers<[1], [0], [0], [1], [0, 0, 1, 1], [], []>, transpose_lhs_hint = false} : vector<2048x16xf32>, vector<16x128xf32>, vector<2048x128xf32> -> vector<2048x128xf32>
    %get3A_80 = arith.constant 1 : index
    %get3A_81 = arith.constant 0 : index
    %get3A_82 = arith.constant 0 : index
    %get3A_83 = vector.load %arg3[%get3A_80, %get3A_81, %get3A_82] : memref<3x1x128xf32, #tpu.memory_space<vmem>>, vector<1x1x128xf32>
    %get3A_84 = vector.shape_cast %get3A_83 : vector<1x1x128xf32> to vector<1x128xf32>
    %add3A_85 = vector.broadcast %get3A_84 : vector<1x128xf32> to vector<2048x128xf32>
    %add3A_86 = arith.addf %dot_general3A_79, %add3A_85 : vector<2048x128xf32>
    %get3A_87 = arith.constant 1 : index
    %get3A_88 = arith.constant 0 : index
    %get3A_89 = arith.constant 0 : index
    %get3A_90 = vector.load %arg4[%get3A_87, %get3A_88, %get3A_89] : memref<3x1x128xf32, #tpu.memory_space<vmem>>, vector<1x1x128xf32>
    %get3A_91 = vector.shape_cast %get3A_90 : vector<1x1x128xf32> to vector<1x128xf32>
    %sub3A_92 = vector.broadcast %mul3A_62 : vector<1x128xf32> to vector<2048x128xf32>
    %sub3A_93 = arith.subf %add3A_86, %sub3A_92 : vector<2048x128xf32>
    %mul3A_94 = vector.broadcast %get3A_91 : vector<1x128xf32> to vector<2048x128xf32>
    %mul3A_95 = arith.mulf %mul3A_94, %sub3A_93 : vector<2048x128xf32>
    %add3A_96 = arith.constant 9.99999974E-6 : f32
    %add3A_97 = vector.broadcast %add3A_96 : f32 to vector<1x128xf32>
    %add3A_98 = arith.addf %sub3A_72, %add3A_97 : vector<1x128xf32>
    %sqrt3A_99 = math.sqrt %add3A_98 : vector<1x128xf32>
    %div3A_100 = vector.broadcast %sqrt3A_99 : vector<1x128xf32> to vector<2048x128xf32>
    %div3A_101 = arith.divf %mul3A_95, %div3A_100 : vector<2048x128xf32>
    %get3A_102 = arith.constant 1 : index
    %get3A_103 = arith.constant 0 : index
    %get3A_104 = arith.constant 0 : index
    %get3A_105 = vector.load %arg5[%get3A_102, %get3A_103, %get3A_104] : memref<3x1x128xf32, #tpu.memory_space<vmem>>, vector<1x1x128xf32>
    %get3A_106 = vector.shape_cast %get3A_105 : vector<1x1x128xf32> to vector<1x128xf32>
    %add3A_107 = vector.broadcast %get3A_106 : vector<1x128xf32> to vector<2048x128xf32>
    %add3A_108 = arith.addf %div3A_101, %add3A_107 : vector<2048x128xf32>
    %max3A_109 = arith.constant 0.000000e+00 : f32
    %max3A_110 = vector.broadcast %max3A_109 : f32 to vector<2048x128xf32>
    %max3A_111 = arith.maximumf %add3A_108, %max3A_110 : vector<2048x128xf32>
    %transpose3A_112 = tpu.transpose %max3A_111, [1, 0] : vector<2048x128xf32> -> vector<128x2048xf32>
    %reshape3A_113 = vector.shape_cast %transpose3A_112 : vector<128x2048xf32> to vector<32x4x2048xf32>
    %swap3A_114 = arith.constant 0 : index
    %swap3A_115 = arith.constant 0 : index
    %swap3A_116 = arith.constant 0 : index
    %swap3A_117 = vector.load %arg9[%swap3A_114, %swap3A_115, %swap3A_116] : memref<32x4x2048xf32, #tpu.memory_space<vmem>>, vector<32x4x2048xf32>
    tpu.vector_store %arg9[%swap3A_114, %swap3A_115, %swap3A_116], %reshape3A_113 {strides = array<i32>} : memref<32x4x2048xf32, #tpu.memory_space<vmem>>, vector<32x4x2048xf32>,
    %get3A_118 = arith.constant 2 : index
    %get3A_119 = arith.constant 0 : index
    %get3A_120 = arith.constant 0 : index
    %get3A_121 = vector.load %arg6[%get3A_118, %get3A_119, %get3A_120] : memref<3x1x128xf32, #tpu.memory_space<vmem>>, vector<1x1x128xf32>
    %get3A_122 = vector.shape_cast %get3A_121 : vector<1x1x128xf32> to vector<1x128xf32>
    %mul3A_123 = arith.constant 3.125000e-06 : f32
    %mul3A_124 = vector.broadcast %mul3A_123 : f32 to vector<1x128xf32>
    %mul3A_125 = arith.mulf %get3A_122, %mul3A_124 : vector<1x128xf32>
    %get3A_126 = arith.constant 2 : index
    %get3A_127 = arith.constant 0 : index
    %get3A_128 = arith.constant 0 : index
    %get3A_129 = vector.load %arg7[%get3A_126, %get3A_127, %get3A_128] : memref<3x1x128xf32, #tpu.memory_space<vmem>>, vector<1x1x128xf32>
    %get3A_130 = vector.shape_cast %get3A_129 : vector<1x1x128xf32> to vector<1x128xf32>
    %mul3A_131 = arith.constant 3.125000e-06 : f32
    %mul3A_132 = vector.broadcast %mul3A_131 : f32 to vector<1x128xf32>
    %mul3A_133 = arith.mulf %get3A_130, %mul3A_132 : vector<1x128xf32>
    %mul3A_134 = arith.mulf %mul3A_125, %mul3A_125 : vector<1x128xf32>
    %sub3A_135 = arith.subf %mul3A_133, %mul3A_134 : vector<1x128xf32>
    %get3A_136 = arith.constant 2 : index
    %get3A_137 = arith.constant 0 : index
    %get3A_138 = arith.constant 0 : index
    %get3A_139 = vector.load %arg2[%get3A_136, %get3A_137, %get3A_138] : memref<3x16x128xf32, #tpu.memory_space<vmem>>, vector<1x16x128xf32>
    %get3A_140 = vector.shape_cast %get3A_139 : vector<1x16x128xf32> to vector<16x128xf32>
    %dot_general3A_141 = arith.constant dense<0.000000e+00> : vector<2048x128xf32>
    %dot_general3A_142 = tpu.matmul %get3A_1, %get3A_140, %dot_general3A_141 {dimension_numbers = #tpu.dot_dimension_numbers<[1], [0], [0], [1], [0, 0, 1, 1], [], []>, transpose_lhs_hint = false} : vector<2048x16xf32>, vector<16x128xf32>, vector<2048x128xf32> -> vector<2048x128xf32>
    %get3A_143 = arith.constant 2 : index
    %get3A_144 = arith.constant 0 : index
    %get3A_145 = arith.constant 0 : index
    %get3A_146 = vector.load %arg3[%get3A_143, %get3A_144, %get3A_145] : memref<3x1x128xf32, #tpu.memory_space<vmem>>, vector<1x1x128xf32>
    %get3A_147 = vector.shape_cast %get3A_146 : vector<1x1x128xf32> to vector<1x128xf32>
    %add3A_148 = vector.broadcast %get3A_147 : vector<1x128xf32> to vector<2048x128xf32>
    %add3A_149 = arith.addf %dot_general3A_142, %add3A_148 : vector<2048x128xf32>
    %get3A_150 = arith.constant 2 : index
    %get3A_151 = arith.constant 0 : index
    %get3A_152 = arith.constant 0 : index
    %get3A_153 = vector.load %arg4[%get3A_150, %get3A_151, %get3A_152] : memref<3x1x128xf32, #tpu.memory_space<vmem>>, vector<1x1x128xf32>
    %get3A_154 = vector.shape_cast %get3A_153 : vector<1x1x128xf32> to vector<1x128xf32>
    %sub3A_155 = vector.broadcast %mul3A_125 : vector<1x128xf32> to vector<2048x128xf32>
    %sub3A_156 = arith.subf %add3A_149, %sub3A_155 : vector<2048x128xf32>
    %mul3A_157 = vector.broadcast %get3A_154 : vector<1x128xf32> to vector<2048x128xf32>
    %mul3A_158 = arith.mulf %mul3A_157, %sub3A_156 : vector<2048x128xf32>
    %add3A_159 = arith.constant 9.99999974E-6 : f32
    %add3A_160 = vector.broadcast %add3A_159 : f32 to vector<1x128xf32>
    %add3A_161 = arith.addf %sub3A_135, %add3A_160 : vector<1x128xf32>
    %sqrt3A_162 = math.sqrt %add3A_161 : vector<1x128xf32>
    %div3A_163 = vector.broadcast %sqrt3A_162 : vector<1x128xf32> to vector<2048x128xf32>
    %div3A_164 = arith.divf %mul3A_158, %div3A_163 : vector<2048x128xf32>
    %get3A_165 = arith.constant 2 : index
    %get3A_166 = arith.constant 0 : index
    %get3A_167 = arith.constant 0 : index
    %get3A_168 = vector.load %arg5[%get3A_165, %get3A_166, %get3A_167] : memref<3x1x128xf32, #tpu.memory_space<vmem>>, vector<1x1x128xf32>
    %get3A_169 = vector.shape_cast %get3A_168 : vector<1x1x128xf32> to vector<1x128xf32>
    %add3A_170 = vector.broadcast %get3A_169 : vector<1x128xf32> to vector<2048x128xf32>
    %add3A_171 = arith.addf %div3A_164, %add3A_170 : vector<2048x128xf32>
    %max3A_172 = arith.constant 0.000000e+00 : f32
    %max3A_173 = vector.broadcast %max3A_172 : f32 to vector<2048x128xf32>
    %max3A_174 = arith.maximumf %add3A_171, %max3A_173 : vector<2048x128xf32>
    %transpose3A_175 = tpu.transpose %max3A_174, [1, 0] : vector<2048x128xf32> -> vector<128x2048xf32>
    %reshape3A_176 = vector.shape_cast %transpose3A_175 : vector<128x2048xf32> to vector<32x4x2048xf32>
    %swap3A_177 = arith.constant 0 : index
    %swap3A_178 = arith.constant 0 : index
    %swap3A_179 = arith.constant 0 : index
    %swap3A_180 = vector.load %arg10[%swap3A_177, %swap3A_178, %swap3A_179] : memref<32x4x2048xf32, #tpu.memory_space<vmem>>, vector<32x4x2048xf32>
    tpu.vector_store %arg10[%swap3A_177, %swap3A_178, %swap3A_179], %reshape3A_176 {strides = array<i32>} : memref<32x4x2048xf32, #tpu.memory_space<vmem>>, vector<32x4x2048xf32>,
    return
  }
  func.func @transform_0(%arg0: i32) -> (i32, i32) {
    %c0_i32 = arith.constant 0 : i32
    %c0_i32_0 = arith.constant 0 : i32
    return %arg0, %c0_i32 : i32, i32
  }
  func.func @transform_1(%arg0: i32) -> (i32, i32, i32) {
    %c0_i32 = arith.constant 0 : i32
    %c0_i32_0 = arith.constant 0 : i32
    %c0_i32_1 = arith.constant 0 : i32
    %c0_i32_2 = arith.constant 0 : i32
    return %c0_i32, %c0_i32_0, %c0_i32_1 : i32, i32, i32
  }
  func.func @transform_2(%arg0: i32) -> (i32, i32, i32) {
    %c0_i32 = arith.constant 0 : i32
    %c0_i32_0 = arith.constant 0 : i32
    %c0_i32_1 = arith.constant 0 : i32
    %c0_i32_2 = arith.constant 0 : i32
    return %c0_i32, %c0_i32_0, %c0_i32_1 : i32, i32, i32
  }
  func.func @transform_3(%arg0: i32) -> (i32, i32, i32) {
    %c0_i32 = arith.constant 0 : i32
    %c0_i32_0 = arith.constant 0 : i32
    %c0_i32_1 = arith.constant 0 : i32
    %c0_i32_2 = arith.constant 0 : i32
    return %c0_i32, %c0_i32_0, %c0_i32_1 : i32, i32, i32
  }
  func.func @transform_4(%arg0: i32) -> (i32, i32, i32) {
    %c0_i32 = arith.constant 0 : i32
    %c0_i32_0 = arith.constant 0 : i32
    %c0_i32_1 = arith.constant 0 : i32
    %c0_i32_2 = arith.constant 0 : i32
    return %c0_i32, %c0_i32_0, %c0_i32_1 : i32, i32, i32
  }
  func.func @transform_5(%arg0: i32) -> (i32, i32, i32) {
    %c0_i32 = arith.constant 0 : i32
    %c0_i32_0 = arith.constant 0 : i32
    %c0_i32_1 = arith.constant 0 : i32
    %c0_i32_2 = arith.constant 0 : i32
    return %c0_i32, %c0_i32_0, %c0_i32_1 : i32, i32, i32
  }
  func.func @transform_6(%arg0: i32) -> (i32, i32, i32) {
    %c0_i32 = arith.constant 0 : i32
    %c0_i32_0 = arith.constant 0 : i32
    %c0_i32_1 = arith.constant 0 : i32
    %c0_i32_2 = arith.constant 0 : i32
    return %c0_i32, %c0_i32_0, %c0_i32_1 : i32, i32, i32
  }
  func.func @transform_7(%arg0: i32) -> (i32, i32, i32) {
    %c0_i32 = arith.constant 0 : i32
    %c0_i32_0 = arith.constant 0 : i32
    %c0_i32_1 = arith.constant 0 : i32
    return %c0_i32, %c0_i32_0, %arg0 : i32, i32, i32
  }
  func.func @transform_8(%arg0: i32) -> (i32, i32, i32) {
    %c0_i32 = arith.constant 0 : i32
    %c0_i32_0 = arith.constant 0 : i32
    %c0_i32_1 = arith.constant 0 : i32
    return %c0_i32, %c0_i32_0, %arg0 : i32, i32, i32
  }
  func.func @transform_9(%arg0: i32) -> (i32, i32, i32) {
    %c0_i32 = arith.constant 0 : i32
    %c0_i32_0 = arith.constant 0 : i32
    %c0_i32_1 = arith.constant 0 : i32
    return %c0_i32, %c0_i32_0, %arg0 : i32, i32, i32
  }
}

module attributes {stable_mosaic.version = 14 : i64} {
  func.func @_h0_body(%arg0: memref<10000x128xf32, #tpu.memory_space<vmem>>, %arg1: memref<128x128xf32, #tpu.memory_space<vmem>>, %arg2: memref<1x128xf32, #tpu.memory_space<vmem>>, %arg3: memref<1x128xf32, #tpu.memory_space<vmem>>, %arg4: memref<1x128xf32, #tpu.memory_space<vmem>>, %arg5: memref<10000x128xf32, #tpu.memory_space<vmem>>, %arg6: memref<32x4x10112xf32, #tpu.memory_space<vmem>>) attributes {dimension_semantics = [], scalar_prefetch = 0 : i64, scratch_operands = 0 : i64, tpu.core_type = #tpu.core_type<tc>} {
    %get3A = arith.constant 0 : index
    %get3A_0 = arith.constant 0 : index
    %get3A_1 = vector.load %arg0[%get3A, %get3A_0] : memref<10000x128xf32, #tpu.memory_space<vmem>>, vector<10000x128xf32>
    %get3A_2 = arith.constant 0 : index
    %get3A_3 = arith.constant 0 : index
    %get3A_4 = vector.load %arg1[%get3A_2, %get3A_3] : memref<128x128xf32, #tpu.memory_space<vmem>>, vector<128x128xf32>
    %dot_general3A = arith.constant dense<0.000000e+00> : vector<10000x128xf32>
    %dot_general3A_5 = tpu.matmul %get3A_1, %get3A_4, %dot_general3A {dimension_numbers = #tpu.dot_dimension_numbers<[1], [0], [0], [1], [0, 0, 1, 1], [], []>, transpose_lhs_hint = false} : vector<10000x128xf32>, vector<128x128xf32>, vector<10000x128xf32> -> vector<10000x128xf32>
    %get3A_6 = arith.constant 0 : index
    %get3A_7 = arith.constant 0 : index
    %get3A_8 = vector.load %arg2[%get3A_6, %get3A_7] : memref<1x128xf32, #tpu.memory_space<vmem>>, vector<1x128xf32>
    %add3A = vector.broadcast %get3A_8 : vector<1x128xf32> to vector<10000x128xf32>
    %add3A_9 = arith.addf %dot_general3A_5, %add3A : vector<10000x128xf32>
    %reduce_sum3A = arith.constant dense<0.000000e+00> : vector<128xf32>
    %reduce_sum3A_10 = vector.multi_reduction <add>, %add3A_9, %reduce_sum3A [0] : vector<10000x128xf32> to vector<128xf32>
    %broadcast_in_dim3A = vector.shape_cast %reduce_sum3A_10 : vector<128xf32> to vector<1x128xf32>
    %div3A = arith.constant 1.000000e+04 : f32
    %div3A_11 = vector.broadcast %div3A : f32 to vector<1x128xf32>
    %div3A_12 = arith.divf %broadcast_in_dim3A, %div3A_11 : vector<1x128xf32>
    %sub3A = vector.broadcast %div3A_12 : vector<1x128xf32> to vector<10000x128xf32>
    %sub3A_13 = arith.subf %add3A_9, %sub3A : vector<10000x128xf32>
    %integer_pow3A = arith.mulf %sub3A_13, %sub3A_13 : vector<10000x128xf32>
    %reduce_sum3A_14 = arith.constant dense<0.000000e+00> : vector<128xf32>
    %reduce_sum3A_15 = vector.multi_reduction <add>, %integer_pow3A, %reduce_sum3A_14 [0] : vector<10000x128xf32> to vector<128xf32>
    %broadcast_in_dim3A_16 = vector.shape_cast %reduce_sum3A_15 : vector<128xf32> to vector<1x128xf32>
    %div3A_17 = arith.constant 1.000000e+04 : f32
    %div3A_18 = vector.broadcast %div3A_17 : f32 to vector<1x128xf32>
    %div3A_19 = arith.divf %broadcast_in_dim3A_16, %div3A_18 : vector<1x128xf32>
    %get3A_20 = arith.constant 0 : index
    %get3A_21 = arith.constant 0 : index
    %get3A_22 = vector.load %arg3[%get3A_20, %get3A_21] : memref<1x128xf32, #tpu.memory_space<vmem>>, vector<1x128xf32>
    %sub3A_23 = vector.broadcast %div3A_12 : vector<1x128xf32> to vector<10000x128xf32>
    %sub3A_24 = arith.subf %add3A_9, %sub3A_23 : vector<10000x128xf32>
    %mul3A = vector.broadcast %get3A_22 : vector<1x128xf32> to vector<10000x128xf32>
    %mul3A_25 = arith.mulf %mul3A, %sub3A_24 : vector<10000x128xf32>
    %add3A_26 = arith.constant 9.99999974E-6 : f32
    %add3A_27 = vector.broadcast %add3A_26 : f32 to vector<1x128xf32>
    %add3A_28 = arith.addf %div3A_19, %add3A_27 : vector<1x128xf32>
    %sqrt3A = math.sqrt %add3A_28 : vector<1x128xf32>
    %div3A_29 = vector.broadcast %sqrt3A : vector<1x128xf32> to vector<10000x128xf32>
    %div3A_30 = arith.divf %mul3A_25, %div3A_29 : vector<10000x128xf32>
    %get3A_31 = arith.constant 0 : index
    %get3A_32 = arith.constant 0 : index
    %get3A_33 = vector.load %arg4[%get3A_31, %get3A_32] : memref<1x128xf32, #tpu.memory_space<vmem>>, vector<1x128xf32>
    %add3A_34 = vector.broadcast %get3A_33 : vector<1x128xf32> to vector<10000x128xf32>
    %add3A_35 = arith.addf %div3A_30, %add3A_34 : vector<10000x128xf32>
    %max3A = arith.constant 0.000000e+00 : f32
    %max3A_36 = vector.broadcast %max3A : f32 to vector<10000x128xf32>
    %max3A_37 = arith.maximumf %add3A_35, %max3A_36 : vector<10000x128xf32>
    %swap3A = arith.constant 0 : index
    %swap3A_38 = arith.constant 0 : index
    %swap3A_39 = vector.load %arg5[%swap3A, %swap3A_38] : memref<10000x128xf32, #tpu.memory_space<vmem>>, vector<10000x128xf32>
    tpu.vector_store %arg5[%swap3A, %swap3A_38], %max3A_37 {strides = array<i32>} : memref<10000x128xf32, #tpu.memory_space<vmem>>, vector<10000x128xf32>,
    %jit3A = arith.constant 0 : i32
    %convert_element_type3A = arith.sitofp %jit3A : i32 to f32
    %pad3A = vector.broadcast %convert_element_type3A : f32 to vector<112x128xf32>
    %pad3A_40 = tpu.concatenate %max3A_37, %pad3A in 0 : vector<10000x128xf32>, vector<112x128xf32> -> vector<10112x128xf32>
    %transpose3A = tpu.transpose %pad3A_40, [1, 0] : vector<10112x128xf32> -> vector<128x10112xf32>
    %reshape3A = vector.shape_cast %transpose3A : vector<128x10112xf32> to vector<32x4x10112xf32>
    %swap3A_41 = arith.constant 0 : index
    %swap3A_42 = arith.constant 0 : index
    %swap3A_43 = arith.constant 0 : index
    %swap3A_44 = vector.load %arg6[%swap3A_41, %swap3A_42, %swap3A_43] : memref<32x4x10112xf32, #tpu.memory_space<vmem>>, vector<32x4x10112xf32>
    tpu.vector_store %arg6[%swap3A_41, %swap3A_42, %swap3A_43], %reshape3A {strides = array<i32>} : memref<32x4x10112xf32, #tpu.memory_space<vmem>>, vector<32x4x10112xf32>,
    return
  }
}

module attributes {stable_mosaic.version = 14 : i64} {
  func.func @_update_body(%arg0: memref<10000x128xf32, #tpu.memory_space<vmem>>, %arg1: memref<32x4x10112xf32, #tpu.memory_space<vmem>>, %arg2: memref<128x128xf32, #tpu.memory_space<vmem>>, %arg3: memref<1x1xf32, #tpu.memory_space<vmem>>, %arg4: memref<1x128xf32, #tpu.memory_space<vmem>>, %arg5: memref<1x128xf32, #tpu.memory_space<vmem>>, %arg6: memref<10000x128xf32, #tpu.memory_space<vmem>>, %arg7: memref<32x4x10112xf32, #tpu.memory_space<vmem>>) attributes {dimension_semantics = [], scalar_prefetch = 0 : i64, scratch_operands = 0 : i64, tpu.core_type = #tpu.core_type<tc>} {
    %get3A = arith.constant 0 : index
    %get3A_0 = arith.constant 0 : index
    %get3A_1 = vector.load %arg0[%get3A, %get3A_0] : memref<10000x128xf32, #tpu.memory_space<vmem>>, vector<10000x128xf32>
    %get3A_2 = arith.constant 0 : index
    %get3A_3 = arith.constant 0 : index
    %get3A_4 = arith.constant 0 : index
    %get3A_5 = vector.load %arg1[%get3A_2, %get3A_3, %get3A_4] : memref<32x4x10112xf32, #tpu.memory_space<vmem>>, vector<32x4x10112xf32>
    %reshape3A = vector.shape_cast %get3A_5 : vector<32x4x10112xf32> to vector<128x10112xf32>
    %transpose3A = tpu.transpose %reshape3A, [1, 0] : vector<128x10112xf32> -> vector<10112x128xf32>
    %slice3A = vector.extract_strided_slice %transpose3A {offsets = [0, 0], sizes = [10000, 128], strides = [1, 1]} : vector<10112x128xf32> to vector<10000x128xf32>
    %get3A_6 = arith.constant 0 : index
    %get3A_7 = arith.constant 0 : index
    %get3A_8 = vector.load %arg3[%get3A_6, %get3A_7] : memref<1x1xf32, #tpu.memory_space<vmem>>, vector<1x1xf32>
    %get3A_9 = vector.extract %get3A_8[0, 0] : f32 from vector<1x1xf32>
    %add3A = arith.constant 1.000000e+00 : f32
    %add3A_10 = arith.addf %add3A, %get3A_9 : f32
    %mul3A = vector.broadcast %add3A_10 : f32 to vector<10000x128xf32>
    %mul3A_11 = arith.mulf %mul3A, %get3A_1 : vector<10000x128xf32>
    %add3A_12 = arith.addf %mul3A_11, %slice3A : vector<10000x128xf32>
    %get3A_13 = arith.constant 0 : index
    %get3A_14 = arith.constant 0 : index
    %get3A_15 = vector.load %arg2[%get3A_13, %get3A_14] : memref<128x128xf32, #tpu.memory_space<vmem>>, vector<128x128xf32>
    %dot_general3A = arith.constant dense<0.000000e+00> : vector<10000x128xf32>
    %dot_general3A_16 = tpu.matmul %add3A_12, %get3A_15, %dot_general3A {dimension_numbers = #tpu.dot_dimension_numbers<[1], [0], [0], [1], [0, 0, 1, 1], [], []>, transpose_lhs_hint = false} : vector<10000x128xf32>, vector<128x128xf32>, vector<10000x128xf32> -> vector<10000x128xf32>
    %reduce_sum3A = arith.constant dense<0.000000e+00> : vector<128xf32>
    %reduce_sum3A_17 = vector.multi_reduction <add>, %dot_general3A_16, %reduce_sum3A [0] : vector<10000x128xf32> to vector<128xf32>
    %broadcast_in_dim3A = vector.shape_cast %reduce_sum3A_17 : vector<128xf32> to vector<1x128xf32>
    %div3A = arith.constant 1.000000e+04 : f32
    %div3A_18 = vector.broadcast %div3A : f32 to vector<1x128xf32>
    %div3A_19 = arith.divf %broadcast_in_dim3A, %div3A_18 : vector<1x128xf32>
    %sub3A = vector.broadcast %div3A_19 : vector<1x128xf32> to vector<10000x128xf32>
    %sub3A_20 = arith.subf %dot_general3A_16, %sub3A : vector<10000x128xf32>
    %integer_pow3A = arith.mulf %sub3A_20, %sub3A_20 : vector<10000x128xf32>
    %reduce_sum3A_21 = arith.constant dense<0.000000e+00> : vector<128xf32>
    %reduce_sum3A_22 = vector.multi_reduction <add>, %integer_pow3A, %reduce_sum3A_21 [0] : vector<10000x128xf32> to vector<128xf32>
    %broadcast_in_dim3A_23 = vector.shape_cast %reduce_sum3A_22 : vector<128xf32> to vector<1x128xf32>
    %div3A_24 = arith.constant 1.000000e+04 : f32
    %div3A_25 = vector.broadcast %div3A_24 : f32 to vector<1x128xf32>
    %div3A_26 = arith.divf %broadcast_in_dim3A_23, %div3A_25 : vector<1x128xf32>
    %get3A_27 = arith.constant 0 : index
    %get3A_28 = arith.constant 0 : index
    %get3A_29 = vector.load %arg4[%get3A_27, %get3A_28] : memref<1x128xf32, #tpu.memory_space<vmem>>, vector<1x128xf32>
    %sub3A_30 = vector.broadcast %div3A_19 : vector<1x128xf32> to vector<10000x128xf32>
    %sub3A_31 = arith.subf %dot_general3A_16, %sub3A_30 : vector<10000x128xf32>
    %mul3A_32 = vector.broadcast %get3A_29 : vector<1x128xf32> to vector<10000x128xf32>
    %mul3A_33 = arith.mulf %mul3A_32, %sub3A_31 : vector<10000x128xf32>
    %add3A_34 = arith.constant 9.99999974E-6 : f32
    %add3A_35 = vector.broadcast %add3A_34 : f32 to vector<1x128xf32>
    %add3A_36 = arith.addf %div3A_26, %add3A_35 : vector<1x128xf32>
    %sqrt3A = math.sqrt %add3A_36 : vector<1x128xf32>
    %div3A_37 = vector.broadcast %sqrt3A : vector<1x128xf32> to vector<10000x128xf32>
    %div3A_38 = arith.divf %mul3A_33, %div3A_37 : vector<10000x128xf32>
    %get3A_39 = arith.constant 0 : index
    %get3A_40 = arith.constant 0 : index
    %get3A_41 = vector.load %arg5[%get3A_39, %get3A_40] : memref<1x128xf32, #tpu.memory_space<vmem>>, vector<1x128xf32>
    %add3A_42 = vector.broadcast %get3A_41 : vector<1x128xf32> to vector<10000x128xf32>
    %add3A_43 = arith.addf %div3A_38, %add3A_42 : vector<10000x128xf32>
    %max3A = arith.constant 0.000000e+00 : f32
    %max3A_44 = vector.broadcast %max3A : f32 to vector<10000x128xf32>
    %max3A_45 = arith.maximumf %add3A_43, %max3A_44 : vector<10000x128xf32>
    %add3A_46 = arith.addf %max3A_45, %get3A_1 : vector<10000x128xf32>
    %swap3A = arith.constant 0 : index
    %swap3A_47 = arith.constant 0 : index
    %swap3A_48 = vector.load %arg6[%swap3A, %swap3A_47] : memref<10000x128xf32, #tpu.memory_space<vmem>>, vector<10000x128xf32>
    tpu.vector_store %arg6[%swap3A, %swap3A_47], %add3A_46 {strides = array<i32>} : memref<10000x128xf32, #tpu.memory_space<vmem>>, vector<10000x128xf32>,
    %jit3A = arith.constant 0 : i32
    %convert_element_type3A = arith.sitofp %jit3A : i32 to f32
    %pad3A = vector.broadcast %convert_element_type3A : f32 to vector<112x128xf32>
    %pad3A_49 = tpu.concatenate %add3A_46, %pad3A in 0 : vector<10000x128xf32>, vector<112x128xf32> -> vector<10112x128xf32>
    %transpose3A_50 = tpu.transpose %pad3A_49, [1, 0] : vector<10112x128xf32> -> vector<128x10112xf32>
    %reshape3A_51 = vector.shape_cast %transpose3A_50 : vector<128x10112xf32> to vector<32x4x10112xf32>
    %swap3A_52 = arith.constant 0 : index
    %swap3A_53 = arith.constant 0 : index
    %swap3A_54 = arith.constant 0 : index
    %swap3A_55 = vector.load %arg7[%swap3A_52, %swap3A_53, %swap3A_54] : memref<32x4x10112xf32, #tpu.memory_space<vmem>>, vector<32x4x10112xf32>
    tpu.vector_store %arg7[%swap3A_52, %swap3A_53, %swap3A_54], %reshape3A_51 {strides = array<i32>} : memref<32x4x10112xf32, #tpu.memory_space<vmem>>, vector<32x4x10112xf32>,
    return
  }
}

module attributes {stable_mosaic.version = 14 : i64} {
  func.func @_update_body(%arg0: memref<10000x128xf32, #tpu.memory_space<vmem>>, %arg1: memref<32x4x10112xf32, #tpu.memory_space<vmem>>, %arg2: memref<128x128xf32, #tpu.memory_space<vmem>>, %arg3: memref<1x1xf32, #tpu.memory_space<vmem>>, %arg4: memref<1x128xf32, #tpu.memory_space<vmem>>, %arg5: memref<1x128xf32, #tpu.memory_space<vmem>>, %arg6: memref<10000x128xf32, #tpu.memory_space<vmem>>, %arg7: memref<32x4x10112xf32, #tpu.memory_space<vmem>>) attributes {dimension_semantics = [], scalar_prefetch = 0 : i64, scratch_operands = 0 : i64, tpu.core_type = #tpu.core_type<tc>} {
    %get3A = arith.constant 0 : index
    %get3A_0 = arith.constant 0 : index
    %get3A_1 = vector.load %arg0[%get3A, %get3A_0] : memref<10000x128xf32, #tpu.memory_space<vmem>>, vector<10000x128xf32>
    %get3A_2 = arith.constant 0 : index
    %get3A_3 = arith.constant 0 : index
    %get3A_4 = arith.constant 0 : index
    %get3A_5 = vector.load %arg1[%get3A_2, %get3A_3, %get3A_4] : memref<32x4x10112xf32, #tpu.memory_space<vmem>>, vector<32x4x10112xf32>
    %reshape3A = vector.shape_cast %get3A_5 : vector<32x4x10112xf32> to vector<128x10112xf32>
    %transpose3A = tpu.transpose %reshape3A, [1, 0] : vector<128x10112xf32> -> vector<10112x128xf32>
    %slice3A = vector.extract_strided_slice %transpose3A {offsets = [0, 0], sizes = [10000, 128], strides = [1, 1]} : vector<10112x128xf32> to vector<10000x128xf32>
    %get3A_6 = arith.constant 0 : index
    %get3A_7 = arith.constant 0 : index
    %get3A_8 = vector.load %arg3[%get3A_6, %get3A_7] : memref<1x1xf32, #tpu.memory_space<vmem>>, vector<1x1xf32>
    %get3A_9 = vector.extract %get3A_8[0, 0] : f32 from vector<1x1xf32>
    %add3A = arith.constant 1.000000e+00 : f32
    %add3A_10 = arith.addf %add3A, %get3A_9 : f32
    %mul3A = vector.broadcast %add3A_10 : f32 to vector<10000x128xf32>
    %mul3A_11 = arith.mulf %mul3A, %get3A_1 : vector<10000x128xf32>
    %add3A_12 = arith.addf %mul3A_11, %slice3A : vector<10000x128xf32>
    %get3A_13 = arith.constant 0 : index
    %get3A_14 = arith.constant 0 : index
    %get3A_15 = vector.load %arg2[%get3A_13, %get3A_14] : memref<128x128xf32, #tpu.memory_space<vmem>>, vector<128x128xf32>
    %dot_general3A = arith.constant dense<0.000000e+00> : vector<10000x128xf32>
    %dot_general3A_16 = tpu.matmul %add3A_12, %get3A_15, %dot_general3A {dimension_numbers = #tpu.dot_dimension_numbers<[1], [0], [0], [1], [0, 0, 1, 1], [], []>, transpose_lhs_hint = false} : vector<10000x128xf32>, vector<128x128xf32>, vector<10000x128xf32> -> vector<10000x128xf32>
    %reduce_sum3A = arith.constant dense<0.000000e+00> : vector<128xf32>
    %reduce_sum3A_17 = vector.multi_reduction <add>, %dot_general3A_16, %reduce_sum3A [0] : vector<10000x128xf32> to vector<128xf32>
    %broadcast_in_dim3A = vector.shape_cast %reduce_sum3A_17 : vector<128xf32> to vector<1x128xf32>
    %div3A = arith.constant 1.000000e+04 : f32
    %div3A_18 = vector.broadcast %div3A : f32 to vector<1x128xf32>
    %div3A_19 = arith.divf %broadcast_in_dim3A, %div3A_18 : vector<1x128xf32>
    %sub3A = vector.broadcast %div3A_19 : vector<1x128xf32> to vector<10000x128xf32>
    %sub3A_20 = arith.subf %dot_general3A_16, %sub3A : vector<10000x128xf32>
    %integer_pow3A = arith.mulf %sub3A_20, %sub3A_20 : vector<10000x128xf32>
    %reduce_sum3A_21 = arith.constant dense<0.000000e+00> : vector<128xf32>
    %reduce_sum3A_22 = vector.multi_reduction <add>, %integer_pow3A, %reduce_sum3A_21 [0] : vector<10000x128xf32> to vector<128xf32>
    %broadcast_in_dim3A_23 = vector.shape_cast %reduce_sum3A_22 : vector<128xf32> to vector<1x128xf32>
    %div3A_24 = arith.constant 1.000000e+04 : f32
    %div3A_25 = vector.broadcast %div3A_24 : f32 to vector<1x128xf32>
    %div3A_26 = arith.divf %broadcast_in_dim3A_23, %div3A_25 : vector<1x128xf32>
    %get3A_27 = arith.constant 0 : index
    %get3A_28 = arith.constant 0 : index
    %get3A_29 = vector.load %arg4[%get3A_27, %get3A_28] : memref<1x128xf32, #tpu.memory_space<vmem>>, vector<1x128xf32>
    %sub3A_30 = vector.broadcast %div3A_19 : vector<1x128xf32> to vector<10000x128xf32>
    %sub3A_31 = arith.subf %dot_general3A_16, %sub3A_30 : vector<10000x128xf32>
    %mul3A_32 = vector.broadcast %get3A_29 : vector<1x128xf32> to vector<10000x128xf32>
    %mul3A_33 = arith.mulf %mul3A_32, %sub3A_31 : vector<10000x128xf32>
    %add3A_34 = arith.constant 9.99999974E-6 : f32
    %add3A_35 = vector.broadcast %add3A_34 : f32 to vector<1x128xf32>
    %add3A_36 = arith.addf %div3A_26, %add3A_35 : vector<1x128xf32>
    %sqrt3A = math.sqrt %add3A_36 : vector<1x128xf32>
    %div3A_37 = vector.broadcast %sqrt3A : vector<1x128xf32> to vector<10000x128xf32>
    %div3A_38 = arith.divf %mul3A_33, %div3A_37 : vector<10000x128xf32>
    %get3A_39 = arith.constant 0 : index
    %get3A_40 = arith.constant 0 : index
    %get3A_41 = vector.load %arg5[%get3A_39, %get3A_40] : memref<1x128xf32, #tpu.memory_space<vmem>>, vector<1x128xf32>
    %add3A_42 = vector.broadcast %get3A_41 : vector<1x128xf32> to vector<10000x128xf32>
    %add3A_43 = arith.addf %div3A_38, %add3A_42 : vector<10000x128xf32>
    %max3A = arith.constant 0.000000e+00 : f32
    %max3A_44 = vector.broadcast %max3A : f32 to vector<10000x128xf32>
    %max3A_45 = arith.maximumf %add3A_43, %max3A_44 : vector<10000x128xf32>
    %add3A_46 = arith.addf %max3A_45, %get3A_1 : vector<10000x128xf32>
    %swap3A = arith.constant 0 : index
    %swap3A_47 = arith.constant 0 : index
    %swap3A_48 = vector.load %arg6[%swap3A, %swap3A_47] : memref<10000x128xf32, #tpu.memory_space<vmem>>, vector<10000x128xf32>
    tpu.vector_store %arg6[%swap3A, %swap3A_47], %add3A_46 {strides = array<i32>} : memref<10000x128xf32, #tpu.memory_space<vmem>>, vector<10000x128xf32>,
    %jit3A = arith.constant 0 : i32
    %convert_element_type3A = arith.sitofp %jit3A : i32 to f32
    %pad3A = vector.broadcast %convert_element_type3A : f32 to vector<112x128xf32>
    %pad3A_49 = tpu.concatenate %add3A_46, %pad3A in 0 : vector<10000x128xf32>, vector<112x128xf32> -> vector<10112x128xf32>
    %transpose3A_50 = tpu.transpose %pad3A_49, [1, 0] : vector<10112x128xf32> -> vector<128x10112xf32>
    %reshape3A_51 = vector.shape_cast %transpose3A_50 : vector<128x10112xf32> to vector<32x4x10112xf32>
    %swap3A_52 = arith.constant 0 : index
    %swap3A_53 = arith.constant 0 : index
    %swap3A_54 = arith.constant 0 : index
    %swap3A_55 = vector.load %arg7[%swap3A_52, %swap3A_53, %swap3A_54] : memref<32x4x10112xf32, #tpu.memory_space<vmem>>, vector<32x4x10112xf32>
    tpu.vector_store %arg7[%swap3A_52, %swap3A_53, %swap3A_54], %reshape3A_51 {strides = array<i32>} : memref<32x4x10112xf32, #tpu.memory_space<vmem>>, vector<32x4x10112xf32>,
    return
  }
}

module attributes {stable_mosaic.version = 14 : i64} {
  func.func @_pool_body(%arg0: memref<10000x128xf32, #tpu.memory_space<vmem>>, %arg1: memref<1x10000xi32, #tpu.memory_space<vmem>>, %arg2: memref<128x128xf32, #tpu.memory_space<vmem>>, %arg3: memref<1x128xf32, #tpu.memory_space<vmem>>, %arg4: memref<1x128xf32, #tpu.memory_space<vmem>>, %arg5: memref<1x128xf32, #tpu.memory_space<vmem>>, %arg6: memref<128x128xf32, #tpu.memory_space<vmem>>, %arg7: memref<1x128xf32, #tpu.memory_space<vmem>>, %arg8: memref<1x128xf32, #tpu.memory_space<vmem>>, %arg9: memref<1x128xf32, #tpu.memory_space<vmem>>, %arg10: memref<64x128xf32, #tpu.memory_space<vmem>>) attributes {dimension_semantics = [], scalar_prefetch = 0 : i64, scratch_operands = 0 : i64, tpu.core_type = #tpu.core_type<tc>} {
    %get3A = arith.constant 0 : index
    %get3A_0 = arith.constant 0 : index
    %get3A_1 = vector.load %arg0[%get3A, %get3A_0] : memref<10000x128xf32, #tpu.memory_space<vmem>>, vector<10000x128xf32>
    %get3A_2 = arith.constant 0 : index
    %get3A_3 = arith.constant 0 : index
    %get3A_4 = vector.load %arg1[%get3A_2, %get3A_3] : memref<1x10000xi32, #tpu.memory_space<vmem>>, vector<1x10000xi32>
    %iota3A = tpu.iota {dimensions = array<i32: 0>} : vector<64x10000xi32>
    %eq3A = vector.broadcast %get3A_4 : vector<1x10000xi32> to vector<64x10000xi32>
    %eq3A_5 = arith.cmpi eq, %iota3A, %eq3A : vector<64x10000xi32>
    %jit3A = arith.constant 1.000000e+00 : f32
    %jit3A_6 = arith.constant 0.000000e+00 : f32
    %broadcast_in_dim3A = vector.broadcast %jit3A : f32 to vector<64x10000xf32>
    %broadcast_in_dim3A_7 = vector.broadcast %jit3A_6 : f32 to vector<64x10000xf32>
    %select_n3A = arith.select %eq3A_5, %broadcast_in_dim3A, %broadcast_in_dim3A_7 : vector<64x10000xi1>, vector<64x10000xf32>
    %dot_general3A = arith.constant dense<0.000000e+00> : vector<64x128xf32>
    %dot_general3A_8 = tpu.matmul %select_n3A, %get3A_1, %dot_general3A {dimension_numbers = #tpu.dot_dimension_numbers<[1], [0], [0], [1], [0, 0, 1, 1], [], []>, precision = #tpu.contract_precision<fp32>, transpose_lhs_hint = false} : vector<64x10000xf32>, vector<10000x128xf32>, vector<64x128xf32> -> vector<64x128xf32>
    %get3A_9 = arith.constant 0 : index
    %get3A_10 = arith.constant 0 : index
    %get3A_11 = vector.load %arg2[%get3A_9, %get3A_10] : memref<128x128xf32, #tpu.memory_space<vmem>>, vector<128x128xf32>
    %dot_general3A_12 = arith.constant dense<0.000000e+00> : vector<64x128xf32>
    %dot_general3A_13 = tpu.matmul %dot_general3A_8, %get3A_11, %dot_general3A_12 {dimension_numbers = #tpu.dot_dimension_numbers<[1], [0], [0], [1], [0, 0, 1, 1], [], []>, transpose_lhs_hint = false} : vector<64x128xf32>, vector<128x128xf32>, vector<64x128xf32> -> vector<64x128xf32>
    %get3A_14 = arith.constant 0 : index
    %get3A_15 = arith.constant 0 : index
    %get3A_16 = vector.load %arg3[%get3A_14, %get3A_15] : memref<1x128xf32, #tpu.memory_space<vmem>>, vector<1x128xf32>
    %add3A = vector.broadcast %get3A_16 : vector<1x128xf32> to vector<64x128xf32>
    %add3A_17 = arith.addf %dot_general3A_13, %add3A : vector<64x128xf32>
    %reduce_sum3A = arith.constant dense<0.000000e+00> : vector<128xf32>
    %reduce_sum3A_18 = vector.multi_reduction <add>, %add3A_17, %reduce_sum3A [0] : vector<64x128xf32> to vector<128xf32>
    %broadcast_in_dim3A_19 = vector.shape_cast %reduce_sum3A_18 : vector<128xf32> to vector<1x128xf32>
    %div3A = arith.constant 6.400000e+01 : f32
    %div3A_20 = vector.broadcast %div3A : f32 to vector<1x128xf32>
    %div3A_21 = arith.divf %broadcast_in_dim3A_19, %div3A_20 : vector<1x128xf32>
    %sub3A = vector.broadcast %div3A_21 : vector<1x128xf32> to vector<64x128xf32>
    %sub3A_22 = arith.subf %add3A_17, %sub3A : vector<64x128xf32>
    %integer_pow3A = arith.mulf %sub3A_22, %sub3A_22 : vector<64x128xf32>
    %reduce_sum3A_23 = arith.constant dense<0.000000e+00> : vector<128xf32>
    %reduce_sum3A_24 = vector.multi_reduction <add>, %integer_pow3A, %reduce_sum3A_23 [0] : vector<64x128xf32> to vector<128xf32>
    %broadcast_in_dim3A_25 = vector.shape_cast %reduce_sum3A_24 : vector<128xf32> to vector<1x128xf32>
    %div3A_26 = arith.constant 6.400000e+01 : f32
    %div3A_27 = vector.broadcast %div3A_26 : f32 to vector<1x128xf32>
    %div3A_28 = arith.divf %broadcast_in_dim3A_25, %div3A_27 : vector<1x128xf32>
    %get3A_29 = arith.constant 0 : index
    %get3A_30 = arith.constant 0 : index
    %get3A_31 = vector.load %arg4[%get3A_29, %get3A_30] : memref<1x128xf32, #tpu.memory_space<vmem>>, vector<1x128xf32>
    %sub3A_32 = vector.broadcast %div3A_21 : vector<1x128xf32> to vector<64x128xf32>
    %sub3A_33 = arith.subf %add3A_17, %sub3A_32 : vector<64x128xf32>
    %mul3A = vector.broadcast %get3A_31 : vector<1x128xf32> to vector<64x128xf32>
    %mul3A_34 = arith.mulf %mul3A, %sub3A_33 : vector<64x128xf32>
    %add3A_35 = arith.constant 9.99999974E-6 : f32
    %add3A_36 = vector.broadcast %add3A_35 : f32 to vector<1x128xf32>
    %add3A_37 = arith.addf %div3A_28, %add3A_36 : vector<1x128xf32>
    %sqrt3A = math.sqrt %add3A_37 : vector<1x128xf32>
    %div3A_38 = vector.broadcast %sqrt3A : vector<1x128xf32> to vector<64x128xf32>
    %div3A_39 = arith.divf %mul3A_34, %div3A_38 : vector<64x128xf32>
    %get3A_40 = arith.constant 0 : index
    %get3A_41 = arith.constant 0 : index
    %get3A_42 = vector.load %arg5[%get3A_40, %get3A_41] : memref<1x128xf32, #tpu.memory_space<vmem>>, vector<1x128xf32>
    %add3A_43 = vector.broadcast %get3A_42 : vector<1x128xf32> to vector<64x128xf32>
    %add3A_44 = arith.addf %div3A_39, %add3A_43 : vector<64x128xf32>
    %max3A = arith.constant 0.000000e+00 : f32
    %max3A_45 = vector.broadcast %max3A : f32 to vector<64x128xf32>
    %max3A_46 = arith.maximumf %add3A_44, %max3A_45 : vector<64x128xf32>
    %get3A_47 = arith.constant 0 : index
    %get3A_48 = arith.constant 0 : index
    %get3A_49 = vector.load %arg6[%get3A_47, %get3A_48] : memref<128x128xf32, #tpu.memory_space<vmem>>, vector<128x128xf32>
    %dot_general3A_50 = arith.constant dense<0.000000e+00> : vector<64x128xf32>
    %dot_general3A_51 = tpu.matmul %max3A_46, %get3A_49, %dot_general3A_50 {dimension_numbers = #tpu.dot_dimension_numbers<[1], [0], [0], [1], [0, 0, 1, 1], [], []>, transpose_lhs_hint = false} : vector<64x128xf32>, vector<128x128xf32>, vector<64x128xf32> -> vector<64x128xf32>
    %get3A_52 = arith.constant 0 : index
    %get3A_53 = arith.constant 0 : index
    %get3A_54 = vector.load %arg7[%get3A_52, %get3A_53] : memref<1x128xf32, #tpu.memory_space<vmem>>, vector<1x128xf32>
    %add3A_55 = vector.broadcast %get3A_54 : vector<1x128xf32> to vector<64x128xf32>
    %add3A_56 = arith.addf %dot_general3A_51, %add3A_55 : vector<64x128xf32>
    %reduce_sum3A_57 = arith.constant dense<0.000000e+00> : vector<128xf32>
    %reduce_sum3A_58 = vector.multi_reduction <add>, %add3A_56, %reduce_sum3A_57 [0] : vector<64x128xf32> to vector<128xf32>
    %broadcast_in_dim3A_59 = vector.shape_cast %reduce_sum3A_58 : vector<128xf32> to vector<1x128xf32>
    %div3A_60 = arith.constant 6.400000e+01 : f32
    %div3A_61 = vector.broadcast %div3A_60 : f32 to vector<1x128xf32>
    %div3A_62 = arith.divf %broadcast_in_dim3A_59, %div3A_61 : vector<1x128xf32>
    %sub3A_63 = vector.broadcast %div3A_62 : vector<1x128xf32> to vector<64x128xf32>
    %sub3A_64 = arith.subf %add3A_56, %sub3A_63 : vector<64x128xf32>
    %integer_pow3A_65 = arith.mulf %sub3A_64, %sub3A_64 : vector<64x128xf32>
    %reduce_sum3A_66 = arith.constant dense<0.000000e+00> : vector<128xf32>
    %reduce_sum3A_67 = vector.multi_reduction <add>, %integer_pow3A_65, %reduce_sum3A_66 [0] : vector<64x128xf32> to vector<128xf32>
    %broadcast_in_dim3A_68 = vector.shape_cast %reduce_sum3A_67 : vector<128xf32> to vector<1x128xf32>
    %div3A_69 = arith.constant 6.400000e+01 : f32
    %div3A_70 = vector.broadcast %div3A_69 : f32 to vector<1x128xf32>
    %div3A_71 = arith.divf %broadcast_in_dim3A_68, %div3A_70 : vector<1x128xf32>
    %get3A_72 = arith.constant 0 : index
    %get3A_73 = arith.constant 0 : index
    %get3A_74 = vector.load %arg8[%get3A_72, %get3A_73] : memref<1x128xf32, #tpu.memory_space<vmem>>, vector<1x128xf32>
    %sub3A_75 = vector.broadcast %div3A_62 : vector<1x128xf32> to vector<64x128xf32>
    %sub3A_76 = arith.subf %add3A_56, %sub3A_75 : vector<64x128xf32>
    %mul3A_77 = vector.broadcast %get3A_74 : vector<1x128xf32> to vector<64x128xf32>
    %mul3A_78 = arith.mulf %mul3A_77, %sub3A_76 : vector<64x128xf32>
    %add3A_79 = arith.constant 9.99999974E-6 : f32
    %add3A_80 = vector.broadcast %add3A_79 : f32 to vector<1x128xf32>
    %add3A_81 = arith.addf %div3A_71, %add3A_80 : vector<1x128xf32>
    %sqrt3A_82 = math.sqrt %add3A_81 : vector<1x128xf32>
    %div3A_83 = vector.broadcast %sqrt3A_82 : vector<1x128xf32> to vector<64x128xf32>
    %div3A_84 = arith.divf %mul3A_78, %div3A_83 : vector<64x128xf32>
    %get3A_85 = arith.constant 0 : index
    %get3A_86 = arith.constant 0 : index
    %get3A_87 = vector.load %arg9[%get3A_85, %get3A_86] : memref<1x128xf32, #tpu.memory_space<vmem>>, vector<1x128xf32>
    %add3A_88 = vector.broadcast %get3A_87 : vector<1x128xf32> to vector<64x128xf32>
    %add3A_89 = arith.addf %div3A_84, %add3A_88 : vector<64x128xf32>
    %swap3A = arith.constant 0 : index
    %swap3A_90 = arith.constant 0 : index
    %swap3A_91 = vector.load %arg10[%swap3A, %swap3A_90] : memref<64x128xf32, #tpu.memory_space<vmem>>, vector<64x128xf32>
    tpu.vector_store %arg10[%swap3A, %swap3A_90], %add3A_89 {strides = array<i32>} : memref<64x128xf32, #tpu.memory_space<vmem>>, vector<64x128xf32>,
    return
  }
}

</mosaic_0001>

<sc_bundles>
// kernel: kernel.12.cloned.1.call-start
scs
__scs_entry_jumppad:
0x0: {  	(pc) =	sbr.rel $0x88, $3  }
0x1: {  	(tag) =	ssettag $0x0;
	lr =	simm.s32 $0x1  }
0x2: {  	[smem:$0x3F89] =	sst lr;
	_ =	strace $0xD0000000  }
0x3: {  	_ = 	snop  }
0x4: {  	_ = 	snop  }
0x5: {  	_ = 	snop  }
0x6: {  	_ = 	snop  }
0x7: {  	_ = 	snop  }
__scs_overlays_trampoline_lowered:
0x8: {  	[smem:$0x3F98] =	sst s0  }
0x9: {  	[smem:$0x3F99] =	sst s1  }
0xa: {  	[smem:$0x3F9A] =	sst s2  }
0xb: {  	[smem:$0x3F9B] =	sst s3  }
0xc: {  	[smem:$0x3F9C] =	sst s4  }
0xd: {  	[smem:$0x3F9D] =	sst s5  }
0xe: {  	[smem:$0x3F9E] =	sst s6  }
0xf: {  	[smem:$0x3F9F] =	sst s7  }
0x10: {  	[smem:$0x3FA0] =	sst s8  }
0x11: {  	[smem:$0x3FA1] =	sst s9;
	s0 =	simm.s32 @!p0 $0x0  }
0x12: {  	s1 =	sld [smem:$0x3F87];
	s0 =	simm.s32 @p0 $0x1  }
0x13: {  	[smem:$0x3FA2] =	sst s0;
	s0 =	simm.s32 @!p1 $0x0  }
0x14: {  	s2 =	sld [smem:$0x3F86];
	s0 =	simm.s32 @p1 $0x1  }
0x15: {  	[smem:$0x3FA3] =	sst s0;
	s0 =	simm.s32 @!p2 $0x0  }
0x16: {  	s3 =	sld [smem:$0x3FDB];
	s0 =	simm.s32 @p2 $0x1  }
0x17: {  	s4 =	simm.s32 $0x1BF5;
	[smem:$0x3FA5] =	sst s0  }
0x18: {  	s0 =	sld [smem:$0x3F88];
	_ =	swait.ge [sflag:s4], $0x0  }
0x19: {  	s7 =	sld [smem:$0x3F89]  }
0x1a: {  	s8 =	sadd.s32 $0xFFFFE003, lr  }
0x1b: {  	s9 =	sadd.s32 $0xFFFFFEF7, lr;
	s5 =	simm.s32 $0xFFFFFFFF;
	p2 =	slt.u32 s8, $0xFFFFF086  }
0x1c: {  	p1 =	slt.u32 s9, $0xF7A;
	s5 =	simm.s32 @!p2 $0x0  }
0x1d: {  	s5 =	simm.s32 @p1 $0x1;
	p0 =	seq.s32 s7, s2  }
0x1e: {  	s7 =	smul.u32 @!p0 $0xF7A, s2;
	p2 =	seq.s32 @!p0 s5, $0x0  }
0x1f: {  	s9 =	smul.u32 $0xF7A, s1;
	s8 =	simm.s32 @!p0 $0x1BF5;
	p2 =	por !p2, p0  }
0x20: {  	[sflag:s8] =	ssyncset.s32 @!p0 $0xFFFFF086;
	s6 =	sadd.s32 @!p0 s3, s7;
	s7 =	simm.s32 @!p0 $0x108  }
0x21: {  	s3 =	sadd.s32 s3, s9;
	s6 =	sadd.s32 @!p0 $0x88, s6;
	s7 =	simm.s32 @p2 $0x1082  }
0x22: {  	[simem:s7], [sflag:s8] =	dma.local @!p0 [hbm:s6], $0xF7A  }
0x23: {  	s9 =	sor.u32 $0xD0000000, s2;
	s6 =	simm.s32 $0x108;
	_ =	swait.ge @!p0 [sflag:s8], $0x0  }
0x24: {  	s3 =	sadd.s32 $0x88, s3;
	s6 =	simm.s32 @!p1 $0x1082;
	[sflag:s4] =	ssyncset.s32 $0xFFFFF086  }
0x25: {  	[simem:s6], [sflag:s4] =	dma.local [hbm:s3], $0xF7A  }
0x26: {  	[smem:$0x3F89] =	sst s1;
	(tag) =	ssettag s2;
	_ =	strace s9  }
0x27: {  	s1 =	sld [smem:$0x3F99]  }
0x28: {  	s2 =	sld [smem:$0x3F9A]  }
0x29: {  	s4 =	sld [smem:$0x3F9C]  }
0x2a: {  	p0 =	seq.s32 s5, $0x0;
	s5 =	sld [smem:$0x3F9D]  }
0x2b: {  	s6 =	sld [smem:$0x3F9E]  }
0x2c: {  	s7 =	sld [smem:$0x3F9F]  }
0x2d: {  	s3 =	simm.s32 $0x108;
	s8 =	sld [smem:$0x3FA0]  }
0x2e: {  	s3 =	simm.s32 @!p0 $0x1082;
	s9 =	sld [smem:$0x3FA1]  }
0x2f: {  	lr =	sadd.s32 s0, s3;
	s0 =	sld [smem:$0x3F98]  }
0x30: {  	s3 =	sld [smem:$0x3F9B]  }
0x31: {  	[smem:$0x3FA4] =	sst s10  }
0x32: {  	s10 =	sld [smem:$0x3FA2];
	_ =	sdelay $0x3  }
0x33: {  	p0 =	seq.s32 s10, $0x1;
	s10 =	sld [smem:$0x3FA4];
	_ =	sdelay $0x3  }
0x34: {  	[smem:$0x3FA4] =	sst s10  }
0x35: {  	s10 =	sld [smem:$0x3FA3];
	_ =	sdelay $0x3  }
0x36: {  	p1 =	seq.s32 s10, $0x1;
	s10 =	sld [smem:$0x3FA4];
	_ =	sdelay $0x3  }
0x37: {  	[smem:$0x3FA4] =	sst s10  }
0x38: {  	s10 =	sld [smem:$0x3FA5]  }
0x39: {  	_ = 	snop;
	(pc) =	sbr.ind lr, $3  }
0x3a: {  	_ = 	snop  }
0x3b: {  	_ = 	snop  }
0x3c: {  	p2 =	seq.s32 s10, $0x1;
	s10 =	sld [smem:$0x3FA4]  }
0x3d: {  	_ =	shalt  }
0x3e: {  	_ =	shalt  }
0x3f: {  	_ =	shalt  }
0x40: {  	_ =	shalt  }
0x41: {  	_ =	shalt  }
0x42: {  	_ =	shalt  }
0x43: {  	_ =	shalt  }
0x44: {  	_ =	shalt  }
0x45: {  	_ =	shalt  }
0x46: {  	_ =	shalt  }
0x47: {  	_ =	shalt  }
0x48: {  	_ =	shalt  }
0x49: {  	_ =	shalt  }
0x4a: {  	_ =	shalt  }
0x4b: {  	_ =	shalt  }
0x4c: {  	_ =	shalt  }
0x4d: {  	_ =	shalt  }
0x4e: {  	_ =	shalt  }
0x4f: {  	_ =	shalt  }
0x50: {  	_ =	shalt  }
0x51: {  	_ =	shalt  }
0x52: {  	_ =	shalt  }
0x53: {  	_ =	shalt  }
0x54: {  	_ =	shalt  }
0x55: {  	_ =	shalt  }
0x56: {  	_ =	shalt  }
0x57: {  	_ =	shalt  }
0x58: {  	_ =	shalt  }
0x59: {  	_ =	shalt  }
0x5a: {  	_ =	shalt  }
0x5b: {  	_ =	shalt  }
0x5c: {  	_ =	shalt  }
0x5d: {  	_ =	shalt  }
0x5e: {  	_ =	shalt  }
0x5f: {  	_ =	shalt  }
0x60: {  	_ =	shalt  }
0x61: {  	_ =	shalt  }
0x62: {  	_ =	shalt  }
0x63: {  	_ =	shalt  }
0x64: {  	_ =	shalt  }
0x65: {  	_ =	shalt  }
0x66: {  	_ =	shalt  }
0x67: {  	_ =	shalt  }
0x68: {  	_ =	shalt  }
0x69: {  	_ =	shalt  }
0x6a: {  	_ =	shalt  }
0x6b: {  	_ =	shalt  }
0x6c: {  	_ =	shalt  }
0x6d: {  	_ =	shalt  }
0x6e: {  	_ =	shalt  }
0x6f: {  	_ =	shalt  }
0x70: {  	_ =	shalt  }
0x71: {  	_ =	shalt  }
0x72: {  	_ =	shalt  }
0x73: {  	_ =	shalt  }
0x74: {  	_ =	shalt  }
0x75: {  	_ =	shalt  }
0x76: {  	_ =	shalt  }
0x77: {  	_ =	shalt  }
0x78: {  	_ =	shalt  }
0x79: {  	_ =	shalt  }
0x7a: {  	_ =	shalt  }
0x7b: {  	_ =	shalt  }
0x7c: {  	_ =	shalt  }
0x7d: {  	_ =	shalt  }
0x7e: {  	_ =	shalt  }
0x7f: {  	_ =	shalt  }
0x80: {  	_ =	shalt  }
0x81: {  	_ =	shalt  }
0x82: {  	_ =	shalt  }
0x83: {  	_ =	shalt  }
0x84: {  	_ =	shalt  }
0x85: {  	_ =	shalt  }
0x86: {  	_ =	shalt  }
0x87: {  	_ =	shalt  }
.Lfunc_end0:
.L_simem_size_0:
called_computation_lowered:
.L_overlay_start_0:
0x88: {  	s2 =	sld [smem:$0x3FD9]  }
0x89: {  	s3 =	sld [smem:$0x3FFE];
	_ =	sdelay $0x1  }
0x8a: {  	s1 =	srdreg.scid  }
0x8b: {  	s0 =	sand.u32 $0x1, s1  }
0x8c: {  	s16 =	sshll.u32 s0, $0xA;
	s2 =	sadd.s32 s3, s2  }
0x8d: {  	s2 =	sadd.s32 s2, s16  }
0x8e: {  	[smem:$0x3FB0] =	sst s2  }
0x8f: {  	_ = 	snop  }
0x90: {  	(tm) =	ssettm $0x1  }
0x91: {  	s17 =	sld [smem:$0x3FFB];
	_ =	sdelay $0x3  }
0x92: {  	_ =	strace s17  }
0x93: {  	s2 =	sld [smem:$0x3FFC];
	_ =	sdelay $0x3  }
0x94: {  	_ =	strace s2  }
0x95: {  	s2 =	sld [smem:$0x3FFD];
	_ =	sdelay $0x3  }
0x96: {  	_ =	strace s2  }
0x97: {  	_ =	strace $0x8FFFFFFF  }
0x98: {  	s18 =	sld [smem:$0x3FDB];
	_ =	sdelay $0x1  }
0x99: {  	s19 =	simm.s32 $_scs_section_size  }
0x9a: {  	s4 =	simm.s32 $_size__tile_overlayer_lowered;
	s5 =	simm.s32 $_tile_overlayer_lowered  }
0x9b: {  	s22 =	simm.s32 $0x1BFF;
	s21 =	sshll.u32 s5, $0x1;
	s2 =	sadd.s32 s19, s18  }
0x9c: {  	s6 =	simm.s32 $0x0;
	s20 =	sshll.u32 s4, $0x1;
	s4 =	sadd.s32 s21, s2  }
0x9d: {  	[timem:s6], [sflag:s22] =	dma.local [hbm:s4], s20  }
0x9e: {  	_ =	swait.ge [sflag:s22], s20  }
0x9f: {  	s3 =	ssub.s32 $0x0, s20;
	[sflag:s22] =	ssyncset.done $0x0  }
0xa0: {  	[sflag:s22] =	ssyncadd.s32 s3;
	_ =	sdelay $0x1  }
0xa1: {  	s23 =	simm.s32 $0x1B8B  }
0xa2: {  	_ =	swait.ge [sflag:s23], $0x1  }
0xa3: {  	[sflag:s23] =	ssyncset.done $0x0  }
0xa4: {  	s25 =	simm.s32 $0x1B8E;
	s24 =	sld [smem:$0x3FFE];
	[sflag:s23] =	ssyncadd.s32 $0xFFFFFFFF  }
0xa5: {  	s26 =	simm.s32 $execute0_lowered;
	[smem:$0x3FD2] =	sst s25  }
0xa6: {  	s4 =	sshll.u32 s26, $0x1;
	_ =	strace $0x80000046;
	[dreg:$0x1] =	wrdreg $0xFFFFFFFF  }
0xa7: {  	s28 =	simm.s32 $_size_execute0_lowered;
	s2 =	sadd.s32 s2, s4;
	[dreg:$0x0] =	wrdreg $0x0  }
0xa8: {  	s4 =	sshll.u32 s28, $0x1;
	[dreg:$0x2] =	wrdreg s2  }
0xa9: {  	[dreg:$0x3] =	wrdreg s4  }
0xaa: {  	[dreg:$0x4] =	wrdreg $0xC0  }
0xab: {  	_ =	task [dreg:s6], $0x5FFFF  }
0xac: {  	[dreg:$0x1] =	wrdreg $0xFFFFFFFF  }
0xad: {  	[dreg:$0x0] =	wrdreg $0x60  }
0xae: {  	[dreg:$0x2] =	wrdreg s24  }
0xaf: {  	[dreg:$0x3] =	wrdreg $0x9  }
0xb0: {  	_ =	task.clear_ibuf [dreg:s6], $0x4FFFF;
	_ =	strace $0x90000046  }
0xb1: {  	s29 =	simm.s32 $0x9;
	_ =	strace $0x80000048  }
0xb2: {  	_ =	swait.ge [sflag:s29], $0x1  }
0xb3: {  	[sflag:s29] =	ssyncadd.s32 $0xFFFFFFFF  }
0xb4: {  	_ =	strace $0x90000048  }
0xb5: {  	_ =	sfence  }
0xb6: {  	s30 =	sld [smem:$0x0];
	_ =	sdelay $0x2  }
0xb7: {  	s31 =	sshll.u32 s1, $0xD;
	s1 =	sshrl.u32 s1, $0x2  }
0xb8: {  	s3 =	sand.u32 $0x4000, s31;
	s1 =	sadd.s32 s1, s30  }
0xb9: {  	s0 =	sor.u32 s3, s0;
	s1 =	sshll.u32 s1, $0x11  }
0xba: {  	s0 =	sor.u32 s1, s0  }
0xbb: {  	s0 =	sadd.s32 $0x8F2B, s0  }
0xbc: {  	[sflag:s0] =	ssyncadd.remote.s32 $0x1  }
0xbd: {  	_ =	sfence.sel $0xFFFF  }
0xbe: {  	[dreg:$0x0] =	wrdreg $0xFFFFFFFF;
	(pc) =	sbr.abs _section_cstart, $3  }
0xbf: {  	[dreg:$0x1] =	wrdreg $0xFFFFFFFF  }
0xc0: {  	_ =	task.clear_ibuf [dreg:s6], $0x2FFFF;
	_ =	strace $0x9FFFFFFF  }
0xc1: {  	(tm) =	ssettm $0x7FFFFFFF  }
tec
execute0_lowered:
.L_overlay_start_1:
0x0: {  	(tag) =	ssettag $0x1  }
0x1: {  	s1 =	srdreg.scid  }
0x2: {  	s0 =	stileid.u32;
	s5 =	rddreg [dreg:$0x0];
	s2 =	simm.s32 $0x0  }
0x3: {  	s11 =	simm.s32 $0x15C00;
	s12 =	simm.s32 $0x16400;
	s13 =	simm.s32 $0x13C00  }
0x4: {  	s14 =	simm.s32 $0x9E00;
	s4 =	sand.u32 $0x1, s1;
	s3 =	sshll.u32 s0, $0x1  }
0x5: {  	s15 =	simm.s32 $0x0;
	[smem:$0x7FF] =	sst s2;
	s7 =	sor.u32 s4, s3  }
0x6: {  	s1 =	rddreg [dreg:$0x1];
	_ =	strace $0x80000047;
	s6 =	smul.u32 $0x13C0, s7  }
0x7: {  	s3 =	sadd.s32 $0x9E8E00, s5;
	s8 =	ssub.s32 $0x2, s4;
	s4 =	sadd.s32 $0x6E00, s5  }
0x8: {  	s31 =	sshrl.u32 s8, $0x1;
	s7 =	smul.u32 $0x140000, s7;
	s9 =	sadd.s32 s6, s5  }
0x9: {  	s10 =	ssub.s32 s8, s31;
	s5 =	sadd.s32 $0x10E00, s5;
	s6 =	sadd.s32 $0x1AE00, s9  }
0xa: {  	v0 =	vimm.f32 $0.0e+00;
	s8 =	sadd.s32 $0x69800, s9;
	s9 =	smax.u32 s10, $0x1;
	s10 =	simm.s32 $0x1  }
.LBB2_1:
0xb: {  	[tilespmem:s2], [sflag:$0x1] =	stream.linear.gather [hbm4b:s6+s2], $0x9E00, $0x38;
	[tilespmem:$0x16C00] =	vst v63  }
0xc: {  	_ =	swait.ge [sflag:s10], $0x9E00  }
0xd: {  	s16 =	sand.u32 $0x70, s2;
	s17 =	sand.u32 $0xFE00, s2;
	[sflag:s10] =	ssyncset.done $0x0  }
0xe: {  	s19 =	sor.u32 s16, s17;
	[sflag:s10] =	ssyncadd.s32 $0xFFFF6200  }
0xf: {  	[tilespmem:s19+$0x9F80] =	vst v0  }
0x10: {  	[tilespmem:s19+$0x9E00] =	vst v0  }
0x11: {  	s18 =	simm.s32 $0x0;
	s17 =	simm.s32 $0x10;
	[tilespmem:s19+$0x9E80] =	vst v0  }
.LBB2_2:
0x12: {  	s16 =	sand.u32 $0x70, s17;
	[tilespmem:s19+$0x9F00] =	vst v0;
	s18 =	sadd.s32 $0x40, s18;
	p0 =	sne.s32 s17, $0x2770  }
.Ltmp0:
0x13: {  	s17 =	sadd.s32 $0x10, s17;
	s19 =	sand.u32 $0xFE00, s18;
	(pc) =	sbr.rel @p0 .LBB2_2-.Ltmp0, $4  }
0x14: {  	s19 =	sor.u32 s16, s19  }
0x15: {  	s16 =	simm.s32 $0x0;
	[tilespmem:s19+$0x9F80] =	vst v0  }
0x16: {  	[tilespmem:s19+$0x9E00] =	vst v0  }
0x17: {  	[tilespmem:s19+$0x9E80] =	vst v0  }
0x18: {  	[tilespmem:s19+$0x9F00] =	vst v0;
	s17 =	simm.s32 $0x0  }
.LBB2_4:
0x19: {  	s18 =	sshll.u32 s17, $0x8  }
0x1a: {  	s19 =	sadd.s32 s4, s18  }
0x1b: {  	[tilespmem:s11], [sflag:$0x1] =	stream.linear.gather [hbm4b:s19+s16], $0x800, $0x38;
	[tilespmem:$0x16C00] =	vst v63  }
0x1c: {  	_ =	swait.ge [sflag:s10], $0x800  }
0x1d: {  	[sflag:s10] =	ssyncset.done $0x0  }
0x1e: {  	s30 =	sshll.u32 s17, $0xD;
	s18 =	sadd.s32 s5, s18;
	[sflag:s10] =	ssyncadd.s32 $0xFFFFF800  }
0x1f: {  	[tilespmem:s12], [sflag:$0x1] =	stream.linear.gather [hbm4b:s18+s16], $0x800, $0x38;
	[tilespmem:$0x16C00] =	vst v63  }
0x20: {  	s31 =	sadd.s32 s7, s30;
	_ =	swait.ge [sflag:s10], $0x800  }
0x21: {  	s18 =	sshrl.u32 s31, $0x3;
	[sflag:s10] =	ssyncset.done $0x0  }
0x22: {  	s18 =	sadd.s32 s3, s18;
	[sflag:s10] =	ssyncadd.s32 $0xFFFFF800  }
0x23: {  	[tilespmem:s13], [sflag:$0x1] =	stream.linear.gather [hbm4b:s18+s16], $0x2000, $0x38;
	[tilespmem:$0x16C00] =	vst v63  }
0x24: {  	_ =	swait.ge [sflag:s10], $0x2000  }
0x25: {  	[sflag:s10] =	ssyncset.done $0x0  }
0x26: {  	s19 =	simm.s32 $0x0;
	s18 =	simm.s32 $0x13D00;
	[sflag:s10] =	ssyncadd.s32 $0xFFFFE000  }
.LBB2_5:
0x27: {  	s20 =	sshra.s32 s19, $0x2  }
0x28: {  	v1 =	vld [tilespmem:s20+$0x15C00];
	_ =	sdelay $0x4  }
0x29: {  	v2 =	vshll.u32 v1, $0x2  }
0x2a: {  	v1 =	vand.u32 $0x7F, v1;
	v2 =	vand.u32 $0xFFFFFE00, v2  }
0x2b: {  	v1 =	vor.u32 v1, v2  }
0x2c: {  	v2 =	vld [tilespmem:s20+$0x16400];
	_ =	sdelay $0x2  }
0x2d: {  	v4 =	vld [tilespmem:s18+$0xFFFFFF00]  }
0x2e: {  	v3 =	vld.idx.msk [tilespmem:v1+s2+$0x0], $0xffff  }
0x2f: {  	v5 =	vshll.u32 v2, $0x2  }
0x30: {  	v2 =	vand.u32 $0x7F, v2;
	v5 =	vand.u32 $0xFFFFFE00, v5  }
0x31: {  	v2 =	vor.u32 v2, v5  }
0x32: {  	v59 =	vor.u32 $0x80, v1  }
0x33: {  	v3 =	vadd.f32 v4, v3;
	_ =	sdelay $0x1  }
0x34: {  	v3 =	vmax.f32 v3, $0.0e+00  }
0x35: {  	[tilespmem:v2+s14+$0x0] =	vst.idx.add.f32.msk $0xffff, v3  }
0x36: {  	v3 =	vld.idx.msk [tilespmem:v59+s2+$0x0], $0xffff  }
0x37: {  	v60 =	vld [tilespmem:s18+$0xFFFFFF80];
	_ =	sdelay $0x2  }
0x38: {  	v61 =	vor.u32 $0x80, v2  }
0x39: {  	v6 =	vor.u32 $0x100, v1  }
0x3a: {  	v3 =	vadd.f32 v60, v3;
	_ =	sdelay $0x1  }
0x3b: {  	v3 =	vmax.f32 v3, $0.0e+00  }
0x3c: {  	[tilespmem:v61+s14+$0x0] =	vst.idx.add.f32.msk $0xffff, v3  }
0x3d: {  	v3 =	vld.idx.msk [tilespmem:v6+s2+$0x0], $0xffff  }
0x3e: {  	v62 =	vld [tilespmem:s18+$0x0];
	_ =	sdelay $0x2  }
0x3f: {  	v63 =	vor.u32 $0x100, v2  }
0x40: {  	v1 =	vor.u32 $0x180, v1  }
0x41: {  	v3 =	vadd.f32 v62, v3;
	_ =	sdelay $0x1  }
0x42: {  	v3 =	vmax.f32 v3, $0.0e+00  }
0x43: {  	[tilespmem:v63+s14+$0x0] =	vst.idx.add.f32.msk $0xffff, v3  }
0x44: {  	v1 =	vld.idx.msk [tilespmem:v1+s2+$0x0], $0xffff  }
0x45: {  	v3 =	vld [tilespmem:s18+$0x80];
	_ =	sdelay $0x2  }
0x46: {  	v2 =	vor.u32 $0x180, v2;
	_ =	sdelay $0x1  }
0x47: {  	v1 =	vadd.f32 v3, v1;
	_ =	sdelay $0x1  }
0x48: {  	v1 =	vmax.f32 v1, $0.0e+00  }
0x49: {  	[tilespmem:v2+s14+$0x0] =	vst.idx.add.f32.msk $0xffff, v1  }
0x4a: {  	v1 =	vld [tilespmem:s20+$0x15C10];
	_ =	sdelay $0x4  }
0x4b: {  	v2 =	vshll.u32 v1, $0x2  }
0x4c: {  	v1 =	vand.u32 $0x7F, v1;
	v2 =	vand.u32 $0xFFFFFE00, v2  }
0x4d: {  	v1 =	vor.u32 v1, v2  }
0x4e: {  	v2 =	vld [tilespmem:s20+$0x16410];
	_ =	sdelay $0x2  }
0x4f: {  	v8 =	vld [tilespmem:s18+$0xFFFFFF10]  }
0x50: {  	v3 =	vld.idx.msk [tilespmem:v1+s2+$0x0], $0xffff  }
0x51: {  	v9 =	vshll.u32 v2, $0x2  }
0x52: {  	v2 =	vand.u32 $0x7F, v2;
	v5 =	vand.u32 $0xFFFFFE00, v9  }
0x53: {  	v2 =	vor.u32 v2, v5  }
0x54: {  	v10 =	vor.u32 $0x80, v1  }
0x55: {  	v3 =	vadd.f32 v8, v3;
	_ =	sdelay $0x1  }
0x56: {  	v3 =	vmax.f32 v3, $0.0e+00  }
0x57: {  	[tilespmem:v2+s14+$0x0] =	vst.idx.add.f32.msk $0xffff, v3  }
0x58: {  	v3 =	vld.idx.msk [tilespmem:v10+s2+$0x0], $0xffff  }
0x59: {  	v11 =	vld [tilespmem:s18+$0xFFFFFF90];
	_ =	sdelay $0x2  }
0x5a: {  	v12 =	vor.u32 $0x80, v2  }
0x5b: {  	v13 =	vor.u32 $0x100, v1  }
0x5c: {  	v3 =	vadd.f32 v11, v3;
	_ =	sdelay $0x1  }
0x5d: {  	v3 =	vmax.f32 v3, $0.0e+00  }
0x5e: {  	[tilespmem:v12+s14+$0x0] =	vst.idx.add.f32.msk $0xffff, v3  }
0x5f: {  	v3 =	vld.idx.msk [tilespmem:v13+s2+$0x0], $0xffff  }
0x60: {  	v14 =	vld [tilespmem:s18+$0x10];
	_ =	sdelay $0x2  }
0x61: {  	v15 =	vor.u32 $0x100, v2  }
0x62: {  	v1 =	vor.u32 $0x180, v1  }
0x63: {  	v3 =	vadd.f32 v14, v3;
	_ =	sdelay $0x1  }
0x64: {  	v3 =	vmax.f32 v3, $0.0e+00  }
0x65: {  	[tilespmem:v15+s14+$0x0] =	vst.idx.add.f32.msk $0xffff, v3  }
0x66: {  	v1 =	vld.idx.msk [tilespmem:v1+s2+$0x0], $0xffff  }
0x67: {  	v3 =	vld [tilespmem:s18+$0x90];
	_ =	sdelay $0x2  }
0x68: {  	v2 =	vor.u32 $0x180, v2;
	_ =	sdelay $0x1  }
0x69: {  	v1 =	vadd.f32 v3, v1;
	_ =	sdelay $0x1  }
0x6a: {  	v1 =	vmax.f32 v1, $0.0e+00  }
0x6b: {  	[tilespmem:v2+s14+$0x0] =	vst.idx.add.f32.msk $0xffff, v1  }
0x6c: {  	v1 =	vld [tilespmem:s20+$0x15C20];
	_ =	sdelay $0x4  }
0x6d: {  	v2 =	vshll.u32 v1, $0x2  }
0x6e: {  	v1 =	vand.u32 $0x7F, v1;
	v2 =	vand.u32 $0xFFFFFE00, v2  }
0x6f: {  	v1 =	vor.u32 v1, v2  }
0x70: {  	v2 =	vld [tilespmem:s20+$0x16420];
	_ =	sdelay $0x2  }
0x71: {  	v16 =	vld [tilespmem:s18+$0xFFFFFF20]  }
0x72: {  	v3 =	vld.idx.msk [tilespmem:v1+s2+$0x0], $0xffff  }
0x73: {  	v17 =	vshll.u32 v2, $0x2  }
0x74: {  	v2 =	vand.u32 $0x7F, v2;
	v5 =	vand.u32 $0xFFFFFE00, v17  }
0x75: {  	v2 =	vor.u32 v2, v5  }
0x76: {  	v18 =	vor.u32 $0x80, v1  }
0x77: {  	v3 =	vadd.f32 v16, v3;
	_ =	sdelay $0x1  }
0x78: {  	v3 =	vmax.f32 v3, $0.0e+00  }
0x79: {  	[tilespmem:v2+s14+$0x0] =	vst.idx.add.f32.msk $0xffff, v3  }
0x7a: {  	v3 =	vld.idx.msk [tilespmem:v18+s2+$0x0], $0xffff  }
0x7b: {  	v19 =	vld [tilespmem:s18+$0xFFFFFFA0];
	_ =	sdelay $0x2  }
0x7c: {  	v20 =	vor.u32 $0x80, v2  }
0x7d: {  	v21 =	vor.u32 $0x100, v1  }
0x7e: {  	v3 =	vadd.f32 v19, v3;
	_ =	sdelay $0x1  }
0x7f: {  	v3 =	vmax.f32 v3, $0.0e+00  }
0x80: {  	[tilespmem:v20+s14+$0x0] =	vst.idx.add.f32.msk $0xffff, v3  }
0x81: {  	v3 =	vld.idx.msk [tilespmem:v21+s2+$0x0], $0xffff  }
0x82: {  	v22 =	vld [tilespmem:s18+$0x20];
	_ =	sdelay $0x2  }
0x83: {  	v23 =	vor.u32 $0x100, v2  }
0x84: {  	v1 =	vor.u32 $0x180, v1  }
0x85: {  	v3 =	vadd.f32 v22, v3;
	_ =	sdelay $0x1  }
0x86: {  	v3 =	vmax.f32 v3, $0.0e+00  }
0x87: {  	[tilespmem:v23+s14+$0x0] =	vst.idx.add.f32.msk $0xffff, v3  }
0x88: {  	v1 =	vld.idx.msk [tilespmem:v1+s2+$0x0], $0xffff  }
0x89: {  	v3 =	vld [tilespmem:s18+$0xA0];
	_ =	sdelay $0x2  }
0x8a: {  	v2 =	vor.u32 $0x180, v2;
	_ =	sdelay $0x1  }
0x8b: {  	v1 =	vadd.f32 v3, v1;
	_ =	sdelay $0x1  }
0x8c: {  	v1 =	vmax.f32 v1, $0.0e+00  }
0x8d: {  	[tilespmem:v2+s14+$0x0] =	vst.idx.add.f32.msk $0xffff, v1  }
0x8e: {  	v1 =	vld [tilespmem:s20+$0x15C30];
	_ =	sdelay $0x4  }
0x8f: {  	v2 =	vshll.u32 v1, $0x2  }
0x90: {  	v1 =	vand.u32 $0x7F, v1;
	v2 =	vand.u32 $0xFFFFFE00, v2  }
0x91: {  	v1 =	vor.u32 v1, v2  }
0x92: {  	v2 =	vld [tilespmem:s20+$0x16430];
	_ =	sdelay $0x2  }
0x93: {  	v24 =	vld [tilespmem:s18+$0xFFFFFF30]  }
0x94: {  	v3 =	vld.idx.msk [tilespmem:v1+s2+$0x0], $0xffff  }
0x95: {  	v25 =	vshll.u32 v2, $0x2  }
0x96: {  	v2 =	vand.u32 $0x7F, v2;
	v5 =	vand.u32 $0xFFFFFE00, v25  }
0x97: {  	v2 =	vor.u32 v2, v5  }
0x98: {  	v26 =	vor.u32 $0x80, v1  }
0x99: {  	v3 =	vadd.f32 v24, v3;
	_ =	sdelay $0x1  }
0x9a: {  	v3 =	vmax.f32 v3, $0.0e+00  }
0x9b: {  	[tilespmem:v2+s14+$0x0] =	vst.idx.add.f32.msk $0xffff, v3  }
0x9c: {  	v3 =	vld.idx.msk [tilespmem:v26+s2+$0x0], $0xffff  }
0x9d: {  	v27 =	vld [tilespmem:s18+$0xFFFFFFB0];
	_ =	sdelay $0x2  }
0x9e: {  	v28 =	vor.u32 $0x80, v2  }
0x9f: {  	v29 =	vor.u32 $0x100, v1  }
0xa0: {  	v3 =	vadd.f32 v27, v3;
	_ =	sdelay $0x1  }
0xa1: {  	v3 =	vmax.f32 v3, $0.0e+00  }
0xa2: {  	[tilespmem:v28+s14+$0x0] =	vst.idx.add.f32.msk $0xffff, v3  }
0xa3: {  	v3 =	vld.idx.msk [tilespmem:v29+s2+$0x0], $0xffff  }
0xa4: {  	v30 =	vld [tilespmem:s18+$0x30];
	_ =	sdelay $0x2  }
0xa5: {  	v31 =	vor.u32 $0x100, v2  }
0xa6: {  	v1 =	vor.u32 $0x180, v1  }
0xa7: {  	v3 =	vadd.f32 v30, v3;
	_ =	sdelay $0x1  }
0xa8: {  	v3 =	vmax.f32 v3, $0.0e+00  }
0xa9: {  	[tilespmem:v31+s14+$0x0] =	vst.idx.add.f32.msk $0xffff, v3  }
0xaa: {  	v1 =	vld.idx.msk [tilespmem:v1+s2+$0x0], $0xffff  }
0xab: {  	v3 =	vld [tilespmem:s18+$0xB0];
	_ =	sdelay $0x2  }
0xac: {  	v2 =	vor.u32 $0x180, v2;
	_ =	sdelay $0x1  }
0xad: {  	v1 =	vadd.f32 v3, v1;
	_ =	sdelay $0x1  }
0xae: {  	v1 =	vmax.f32 v1, $0.0e+00  }
0xaf: {  	[tilespmem:v2+s14+$0x0] =	vst.idx.add.f32.msk $0xffff, v1  }
0xb0: {  	v1 =	vld [tilespmem:s20+$0x15C40];
	_ =	sdelay $0x4  }
0xb1: {  	v2 =	vshll.u32 v1, $0x2  }
0xb2: {  	v1 =	vand.u32 $0x7F, v1;
	v2 =	vand.u32 $0xFFFFFE00, v2  }
0xb3: {  	v1 =	vor.u32 v1, v2  }
0xb4: {  	v2 =	vld [tilespmem:s20+$0x16440];
	_ =	sdelay $0x2  }
0xb5: {  	v32 =	vld [tilespmem:s18+$0xFFFFFF40]  }
0xb6: {  	v3 =	vld.idx.msk [tilespmem:v1+s2+$0x0], $0xffff  }
0xb7: {  	v33 =	vshll.u32 v2, $0x2  }
0xb8: {  	v2 =	vand.u32 $0x7F, v2;
	v5 =	vand.u32 $0xFFFFFE00, v33  }
0xb9: {  	v2 =	vor.u32 v2, v5  }
0xba: {  	v34 =	vor.u32 $0x80, v1  }
0xbb: {  	v3 =	vadd.f32 v32, v3;
	_ =	sdelay $0x1  }
0xbc: {  	v3 =	vmax.f32 v3, $0.0e+00  }
0xbd: {  	[tilespmem:v2+s14+$0x0] =	vst.idx.add.f32.msk $0xffff, v3  }
0xbe: {  	v3 =	vld.idx.msk [tilespmem:v34+s2+$0x0], $0xffff  }
0xbf: {  	v35 =	vld [tilespmem:s18+$0xFFFFFFC0];
	_ =	sdelay $0x2  }
0xc0: {  	v36 =	vor.u32 $0x80, v2  }
0xc1: {  	v37 =	vor.u32 $0x100, v1  }
0xc2: {  	v3 =	vadd.f32 v35, v3;
	_ =	sdelay $0x1  }
0xc3: {  	v3 =	vmax.f32 v3, $0.0e+00  }
0xc4: {  	[tilespmem:v36+s14+$0x0] =	vst.idx.add.f32.msk $0xffff, v3  }
0xc5: {  	v3 =	vld.idx.msk [tilespmem:v37+s2+$0x0], $0xffff  }
0xc6: {  	v38 =	vld [tilespmem:s18+$0x40];
	_ =	sdelay $0x2  }
0xc7: {  	v39 =	vor.u32 $0x100, v2  }
0xc8: {  	v1 =	vor.u32 $0x180, v1  }
0xc9: {  	v3 =	vadd.f32 v38, v3;
	_ =	sdelay $0x1  }
0xca: {  	v3 =	vmax.f32 v3, $0.0e+00  }
0xcb: {  	[tilespmem:v39+s14+$0x0] =	vst.idx.add.f32.msk $0xffff, v3  }
0xcc: {  	v1 =	vld.idx.msk [tilespmem:v1+s2+$0x0], $0xffff  }
0xcd: {  	v3 =	vld [tilespmem:s18+$0xC0];
	_ =	sdelay $0x2  }
0xce: {  	v2 =	vor.u32 $0x180, v2;
	_ =	sdelay $0x1  }
0xcf: {  	v1 =	vadd.f32 v3, v1;
	_ =	sdelay $0x1  }
0xd0: {  	v1 =	vmax.f32 v1, $0.0e+00  }
0xd1: {  	[tilespmem:v2+s14+$0x0] =	vst.idx.add.f32.msk $0xffff, v1  }
0xd2: {  	v1 =	vld [tilespmem:s20+$0x15C50];
	_ =	sdelay $0x4  }
0xd3: {  	v2 =	vshll.u32 v1, $0x2  }
0xd4: {  	v1 =	vand.u32 $0x7F, v1;
	v2 =	vand.u32 $0xFFFFFE00, v2  }
0xd5: {  	v1 =	vor.u32 v1, v2  }
0xd6: {  	v2 =	vld [tilespmem:s20+$0x16450];
	_ =	sdelay $0x2  }
0xd7: {  	v40 =	vld [tilespmem:s18+$0xFFFFFF50]  }
0xd8: {  	v3 =	vld.idx.msk [tilespmem:v1+s2+$0x0], $0xffff  }
0xd9: {  	v41 =	vshll.u32 v2, $0x2  }
0xda: {  	v2 =	vand.u32 $0x7F, v2;
	v5 =	vand.u32 $0xFFFFFE00, v41  }
0xdb: {  	v2 =	vor.u32 v2, v5  }
0xdc: {  	v42 =	vor.u32 $0x80, v1  }
0xdd: {  	v3 =	vadd.f32 v40, v3;
	_ =	sdelay $0x1  }
0xde: {  	v3 =	vmax.f32 v3, $0.0e+00  }
0xdf: {  	[tilespmem:v2+s14+$0x0] =	vst.idx.add.f32.msk $0xffff, v3  }
0xe0: {  	v3 =	vld.idx.msk [tilespmem:v42+s2+$0x0], $0xffff  }
0xe1: {  	v43 =	vld [tilespmem:s18+$0xFFFFFFD0];
	_ =	sdelay $0x2  }
0xe2: {  	v44 =	vor.u32 $0x80, v2  }
0xe3: {  	v45 =	vor.u32 $0x100, v1  }
0xe4: {  	v3 =	vadd.f32 v43, v3;
	_ =	sdelay $0x1  }
0xe5: {  	v3 =	vmax.f32 v3, $0.0e+00  }
0xe6: {  	[tilespmem:v44+s14+$0x0] =	vst.idx.add.f32.msk $0xffff, v3  }
0xe7: {  	v3 =	vld.idx.msk [tilespmem:v45+s2+$0x0], $0xffff  }
0xe8: {  	v46 =	vld [tilespmem:s18+$0x50];
	_ =	sdelay $0x2  }
0xe9: {  	v47 =	vor.u32 $0x100, v2  }
0xea: {  	v1 =	vor.u32 $0x180, v1  }
0xeb: {  	v3 =	vadd.f32 v46, v3;
	_ =	sdelay $0x1  }
0xec: {  	v3 =	vmax.f32 v3, $0.0e+00  }
0xed: {  	[tilespmem:v47+s14+$0x0] =	vst.idx.add.f32.msk $0xffff, v3  }
0xee: {  	v1 =	vld.idx.msk [tilespmem:v1+s2+$0x0], $0xffff  }
0xef: {  	v3 =	vld [tilespmem:s18+$0xD0];
	_ =	sdelay $0x2  }
0xf0: {  	v2 =	vor.u32 $0x180, v2;
	_ =	sdelay $0x1  }
0xf1: {  	v1 =	vadd.f32 v3, v1;
	_ =	sdelay $0x1  }
0xf2: {  	v1 =	vmax.f32 v1, $0.0e+00  }
0xf3: {  	[tilespmem:v2+s14+$0x0] =	vst.idx.add.f32.msk $0xffff, v1  }
0xf4: {  	v1 =	vld [tilespmem:s20+$0x15C60];
	_ =	sdelay $0x4  }
0xf5: {  	v2 =	vshll.u32 v1, $0x2  }
0xf6: {  	v1 =	vand.u32 $0x7F, v1;
	v2 =	vand.u32 $0xFFFFFE00, v2  }
0xf7: {  	v1 =	vor.u32 v1, v2  }
0xf8: {  	v2 =	vld [tilespmem:s20+$0x16460];
	_ =	sdelay $0x2  }
0xf9: {  	v48 =	vld [tilespmem:s18+$0xFFFFFF60]  }
0xfa: {  	v3 =	vld.idx.msk [tilespmem:v1+s2+$0x0], $0xffff  }
0xfb: {  	v49 =	vshll.u32 v2, $0x2  }
0xfc: {  	v2 =	vand.u32 $0x7F, v2;
	v5 =	vand.u32 $0xFFFFFE00, v49  }
0xfd: {  	v2 =	vor.u32 v2, v5  }
0xfe: {  	v50 =	vor.u32 $0x80, v1  }
0xff: {  	v3 =	vadd.f32 v48, v3;
	_ =	sdelay $0x1  }
0x100: {  	v3 =	vmax.f32 v3, $0.0e+00  }
0x101: {  	[tilespmem:v2+s14+$0x0] =	vst.idx.add.f32.msk $0xffff, v3  }
0x102: {  	v3 =	vld.idx.msk [tilespmem:v50+s2+$0x0], $0xffff  }
0x103: {  	v51 =	vld [tilespmem:s18+$0xFFFFFFE0];
	_ =	sdelay $0x2  }
0x104: {  	v52 =	vor.u32 $0x80, v2  }
0x105: {  	v53 =	vor.u32 $0x100, v1  }
0x106: {  	v3 =	vadd.f32 v51, v3;
	_ =	sdelay $0x1  }
0x107: {  	v3 =	vmax.f32 v3, $0.0e+00  }
0x108: {  	[tilespmem:v52+s14+$0x0] =	vst.idx.add.f32.msk $0xffff, v3  }
0x109: {  	v3 =	vld.idx.msk [tilespmem:v53+s2+$0x0], $0xffff  }
0x10a: {  	v54 =	vld [tilespmem:s18+$0x60];
	_ =	sdelay $0x2  }
0x10b: {  	v55 =	vor.u32 $0x100, v2  }
0x10c: {  	v1 =	vor.u32 $0x180, v1  }
0x10d: {  	v3 =	vadd.f32 v54, v3;
	_ =	sdelay $0x1  }
0x10e: {  	v3 =	vmax.f32 v3, $0.0e+00  }
0x10f: {  	[tilespmem:v55+s14+$0x0] =	vst.idx.add.f32.msk $0xffff, v3  }
0x110: {  	v1 =	vld.idx.msk [tilespmem:v1+s2+$0x0], $0xffff  }
0x111: {  	v3 =	vld [tilespmem:s18+$0xE0];
	_ =	sdelay $0x2  }
0x112: {  	v2 =	vor.u32 $0x180, v2;
	_ =	sdelay $0x1  }
0x113: {  	v1 =	vadd.f32 v3, v1;
	_ =	sdelay $0x1  }
0x114: {  	v1 =	vmax.f32 v1, $0.0e+00  }
0x115: {  	[tilespmem:v2+s14+$0x0] =	vst.idx.add.f32.msk $0xffff, v1  }
0x116: {  	v1 =	vld [tilespmem:s20+$0x15C70];
	_ =	sdelay $0x4  }
0x117: {  	v2 =	vshll.u32 v1, $0x2  }
0x118: {  	v1 =	vand.u32 $0x7F, v1;
	v2 =	vand.u32 $0xFFFFFE00, v2  }
0x119: {  	v1 =	vor.u32 v1, v2  }
0x11a: {  	v2 =	vld [tilespmem:s20+$0x16470];
	_ =	sdelay $0x2  }
0x11b: {  	v56 =	vld [tilespmem:s18+$0xFFFFFF70]  }
0x11c: {  	v3 =	vld.idx.msk [tilespmem:v1+s2+$0x0], $0xffff  }
0x11d: {  	v57 =	vshll.u32 v2, $0x2  }
0x11e: {  	v2 =	vand.u32 $0x7F, v2;
	v5 =	vand.u32 $0xFFFFFE00, v57  }
0x11f: {  	v2 =	vor.u32 v2, v5  }
0x120: {  	v58 =	vor.u32 $0x80, v1  }
0x121: {  	v3 =	vadd.f32 v56, v3;
	_ =	sdelay $0x1  }
0x122: {  	v3 =	vmax.f32 v3, $0.0e+00  }
0x123: {  	[tilespmem:v2+s14+$0x0] =	vst.idx.add.f32.msk $0xffff, v3  }
0x124: {  	v3 =	vld.idx.msk [tilespmem:v58+s2+$0x0], $0xffff  }
0x125: {  	v59 =	vld [tilespmem:s18+$0xFFFFFFF0];
	_ =	sdelay $0x2  }
0x126: {  	v60 =	vor.u32 $0x80, v2  }
0x127: {  	v61 =	vor.u32 $0x100, v1  }
0x128: {  	v3 =	vadd.f32 v59, v3;
	_ =	sdelay $0x1  }
0x129: {  	v3 =	vmax.f32 v3, $0.0e+00  }
0x12a: {  	[tilespmem:v60+s14+$0x0] =	vst.idx.add.f32.msk $0xffff, v3  }
0x12b: {  	v3 =	vld.idx.msk [tilespmem:v61+s2+$0x0], $0xffff  }
0x12c: {  	v62 =	vld [tilespmem:s18+$0x70];
	_ =	sdelay $0x2  }
0x12d: {  	v63 =	vor.u32 $0x100, v2  }
0x12e: {  	v1 =	vor.u32 $0x180, v1  }
0x12f: {  	v3 =	vadd.f32 v62, v3;
	_ =	sdelay $0x1  }
0x130: {  	v3 =	vmax.f32 v3, $0.0e+00  }
0x131: {  	[tilespmem:v63+s14+$0x0] =	vst.idx.add.f32.msk $0xffff, v3  }
0x132: {  	v1 =	vld.idx.msk [tilespmem:v1+s2+$0x0], $0xffff  }
0x133: {  	v3 =	vld [tilespmem:s18+$0xF0];
	_ =	sdelay $0x2  }
0x134: {  	p0 =	sne.s32 s19, $0x1E00;
	v2 =	vor.u32 $0x180, v2  }
.Ltmp1:
0x135: {  	_ = 	snop;
	(pc) =	sbr.rel @p0 .LBB2_5-.Ltmp1, $3  }
0x136: {  	v1 =	vadd.f32 v3, v1;
	_ =	sdelay $0x1  }
0x137: {  	v1 =	vmax.f32 v1, $0.0e+00  }
0x138: {  	s19 =	sadd.s32 $0x200, s19;
	s18 =	sadd.s32 $0x200, s18;
	[tilespmem:v2+s14+$0x0] =	vst.idx.add.f32.msk $0xffff, v1  }
0x139: {  	s17 =	sadd.s32 $0x1, s17  }
0x13a: {  	p0 =	sne.s32 s17, $0xA0  }
.Ltmp2:
0x13b: {  	_ = 	snop;
	(pc) =	sbr.rel @p0 .LBB2_4-.Ltmp2, $1  }
0x13c: {  	_ =	sdelay $0x3  }
0x13d: {  	s15 =	sadd.s32 $0x1, s15  }
0x13e: {  	p0 =	sne.s32 s15, s9  }
.Ltmp3:
0x13f: {  	_ = 	snop;
	(pc) =	sbr.rel @p0 .LBB2_1-.Ltmp3, $4  }
0x140: {  	[hbm4b:s8+s2] =	stream.linear.scatter [tilespmem:s14], [sflag:$0x1], $0x9E00, $0x38;
	[tilespmem:$0x16C00] =	vst v63  }
0x141: {  	_ =	swait.ge [sflag:s10], $0x9E00  }
0x142: {  	[sflag:s10] =	ssyncset.done $0x0  }
0x143: {  	[sflag:s10] =	ssyncadd.s32 $0xFFFF6200  }
0x144: {  	_ =	sfence.sel $0x180000  }
0x145: {  	[bflag:$0x0] =	sbarrier.arrive $0xFFFF  }
0x146: {  	p0 =	sne.s32 s0, $0x0;
	_ =	strace $0x90000047  }
0x147: {  	s0 =	sadd.s32 @!p0 $0x100000, s1;
	[bflag:$0x2] =	sbarrier.arrive $0xFFFF  }
0x148: {  	[sflag:s0] =	ssyncadd.tile.s32 @!p0 $0x1;
	_ =	shalt  }
.Lfunc_end2:
_tile_overlayer_lowered:
.L_overlay_start_2:
0x149: {  	(tag) =	ssettag $0x2  }
0x14a: {  	s0 =	rddreg [dreg:$0x0];
	s2 =	stileid.u32  }
0x14b: {  	s1 =	rddreg [dreg:$0x1];
	p0 =	sne.s32 s2, $0x0  }
0x14c: {  	s3 =	rddreg [dreg:$0x2];
	[bflag:$0x3] =	sbarrier.arrive $0xFFFF;
	s2 =	simm.s32 @!p0 $0x1C01  }
0x14d: {  	[timem:s3], [sflag:s2] =	dma.local @!p0 [hbm:s0], s1  }
0x14e: {  	s0 =	simm.s32 @!p0 $0x1  }
0x14f: {  	_ =	swait.ge @!p0 [sflag:s0], s1  }
0x150: {  	s1 =	ssub.s32 @!p0 $0x0, s1;
	[sflag:s0] =	ssyncset.done @!p0 $0x0  }
0x151: {  	[sflag:s0] =	ssyncadd.s32 @!p0 s1  }
0x152: {  	[bflag:$0x3] =	sbarrier.arrive $0xFFFF  }
0x153: {  	_ =	shalt  }

// kernel: kernel.15.cloned.1.call-start
scs
__scs_entry_jumppad:
0x0: {  	(pc) =	sbr.rel $0x88, $3  }
0x1: {  	(tag) =	ssettag $0x0;
	lr =	simm.s32 $0x1  }
0x2: {  	[smem:$0x3F89] =	sst lr;
	_ =	strace $0xD0000000  }
0x3: {  	_ = 	snop  }
0x4: {  	_ = 	snop  }
0x5: {  	_ = 	snop  }
0x6: {  	_ = 	snop  }
0x7: {  	_ = 	snop  }
__scs_overlays_trampoline_lowered:
0x8: {  	[smem:$0x3F98] =	sst s0  }
0x9: {  	[smem:$0x3F99] =	sst s1  }
0xa: {  	[smem:$0x3F9A] =	sst s2  }
0xb: {  	[smem:$0x3F9B] =	sst s3  }
0xc: {  	[smem:$0x3F9C] =	sst s4  }
0xd: {  	[smem:$0x3F9D] =	sst s5  }
0xe: {  	[smem:$0x3F9E] =	sst s6  }
0xf: {  	[smem:$0x3F9F] =	sst s7  }
0x10: {  	[smem:$0x3FA0] =	sst s8  }
0x11: {  	[smem:$0x3FA1] =	sst s9;
	s0 =	simm.s32 @!p0 $0x0  }
0x12: {  	s1 =	sld [smem:$0x3F87];
	s0 =	simm.s32 @p0 $0x1  }
0x13: {  	[smem:$0x3FA2] =	sst s0;
	s0 =	simm.s32 @!p1 $0x0  }
0x14: {  	s2 =	sld [smem:$0x3F86];
	s0 =	simm.s32 @p1 $0x1  }
0x15: {  	[smem:$0x3FA3] =	sst s0;
	s0 =	simm.s32 @!p2 $0x0  }
0x16: {  	s3 =	sld [smem:$0x3FDB];
	s0 =	simm.s32 @p2 $0x1  }
0x17: {  	s4 =	simm.s32 $0x1BF5;
	[smem:$0x3FA5] =	sst s0  }
0x18: {  	s0 =	sld [smem:$0x3F88];
	_ =	swait.ge [sflag:s4], $0x0  }
0x19: {  	s7 =	sld [smem:$0x3F89]  }
0x1a: {  	s8 =	sadd.s32 $0xFFFFE003, lr  }
0x1b: {  	s9 =	sadd.s32 $0xFFFFFEF7, lr;
	s5 =	simm.s32 $0xFFFFFFFF;
	p2 =	slt.u32 s8, $0xFFFFF086  }
0x1c: {  	p1 =	slt.u32 s9, $0xF7A;
	s5 =	simm.s32 @!p2 $0x0  }
0x1d: {  	s5 =	simm.s32 @p1 $0x1;
	p0 =	seq.s32 s7, s2  }
0x1e: {  	s7 =	smul.u32 @!p0 $0xF7A, s2;
	p2 =	seq.s32 @!p0 s5, $0x0  }
0x1f: {  	s9 =	smul.u32 $0xF7A, s1;
	s8 =	simm.s32 @!p0 $0x1BF5;
	p2 =	por !p2, p0  }
0x20: {  	[sflag:s8] =	ssyncset.s32 @!p0 $0xFFFFF086;
	s6 =	sadd.s32 @!p0 s3, s7;
	s7 =	simm.s32 @!p0 $0x108  }
0x21: {  	s3 =	sadd.s32 s3, s9;
	s6 =	sadd.s32 @!p0 $0x88, s6;
	s7 =	simm.s32 @p2 $0x1082  }
0x22: {  	[simem:s7], [sflag:s8] =	dma.local @!p0 [hbm:s6], $0xF7A  }
0x23: {  	s9 =	sor.u32 $0xD0000000, s2;
	s6 =	simm.s32 $0x108;
	_ =	swait.ge @!p0 [sflag:s8], $0x0  }
0x24: {  	s3 =	sadd.s32 $0x88, s3;
	s6 =	simm.s32 @!p1 $0x1082;
	[sflag:s4] =	ssyncset.s32 $0xFFFFF086  }
0x25: {  	[simem:s6], [sflag:s4] =	dma.local [hbm:s3], $0xF7A  }
0x26: {  	[smem:$0x3F89] =	sst s1;
	(tag) =	ssettag s2;
	_ =	strace s9  }
0x27: {  	s1 =	sld [smem:$0x3F99]  }
0x28: {  	s2 =	sld [smem:$0x3F9A]  }
0x29: {  	s4 =	sld [smem:$0x3F9C]  }
0x2a: {  	p0 =	seq.s32 s5, $0x0;
	s5 =	sld [smem:$0x3F9D]  }
0x2b: {  	s6 =	sld [smem:$0x3F9E]  }
0x2c: {  	s7 =	sld [smem:$0x3F9F]  }
0x2d: {  	s3 =	simm.s32 $0x108;
	s8 =	sld [smem:$0x3FA0]  }
0x2e: {  	s3 =	simm.s32 @!p0 $0x1082;
	s9 =	sld [smem:$0x3FA1]  }
0x2f: {  	lr =	sadd.s32 s0, s3;
	s0 =	sld [smem:$0x3F98]  }
0x30: {  	s3 =	sld [smem:$0x3F9B]  }
0x31: {  	[smem:$0x3FA4] =	sst s10  }
0x32: {  	s10 =	sld [smem:$0x3FA2];
	_ =	sdelay $0x3  }
0x33: {  	p0 =	seq.s32 s10, $0x1;
	s10 =	sld [smem:$0x3FA4];
	_ =	sdelay $0x3  }
0x34: {  	[smem:$0x3FA4] =	sst s10  }
0x35: {  	s10 =	sld [smem:$0x3FA3];
	_ =	sdelay $0x3  }
0x36: {  	p1 =	seq.s32 s10, $0x1;
	s10 =	sld [smem:$0x3FA4];
	_ =	sdelay $0x3  }
0x37: {  	[smem:$0x3FA4] =	sst s10  }
0x38: {  	s10 =	sld [smem:$0x3FA5]  }
0x39: {  	_ = 	snop;
	(pc) =	sbr.ind lr, $3  }
0x3a: {  	_ = 	snop  }
0x3b: {  	_ = 	snop  }
0x3c: {  	p2 =	seq.s32 s10, $0x1;
	s10 =	sld [smem:$0x3FA4]  }
0x3d: {  	_ =	shalt  }
0x3e: {  	_ =	shalt  }
0x3f: {  	_ =	shalt  }
0x40: {  	_ =	shalt  }
0x41: {  	_ =	shalt  }
0x42: {  	_ =	shalt  }
0x43: {  	_ =	shalt  }
0x44: {  	_ =	shalt  }
0x45: {  	_ =	shalt  }
0x46: {  	_ =	shalt  }
0x47: {  	_ =	shalt  }
0x48: {  	_ =	shalt  }
0x49: {  	_ =	shalt  }
0x4a: {  	_ =	shalt  }
0x4b: {  	_ =	shalt  }
0x4c: {  	_ =	shalt  }
0x4d: {  	_ =	shalt  }
0x4e: {  	_ =	shalt  }
0x4f: {  	_ =	shalt  }
0x50: {  	_ =	shalt  }
0x51: {  	_ =	shalt  }
0x52: {  	_ =	shalt  }
0x53: {  	_ =	shalt  }
0x54: {  	_ =	shalt  }
0x55: {  	_ =	shalt  }
0x56: {  	_ =	shalt  }
0x57: {  	_ =	shalt  }
0x58: {  	_ =	shalt  }
0x59: {  	_ =	shalt  }
0x5a: {  	_ =	shalt  }
0x5b: {  	_ =	shalt  }
0x5c: {  	_ =	shalt  }
0x5d: {  	_ =	shalt  }
0x5e: {  	_ =	shalt  }
0x5f: {  	_ =	shalt  }
0x60: {  	_ =	shalt  }
0x61: {  	_ =	shalt  }
0x62: {  	_ =	shalt  }
0x63: {  	_ =	shalt  }
0x64: {  	_ =	shalt  }
0x65: {  	_ =	shalt  }
0x66: {  	_ =	shalt  }
0x67: {  	_ =	shalt  }
0x68: {  	_ =	shalt  }
0x69: {  	_ =	shalt  }
0x6a: {  	_ =	shalt  }
0x6b: {  	_ =	shalt  }
0x6c: {  	_ =	shalt  }
0x6d: {  	_ =	shalt  }
0x6e: {  	_ =	shalt  }
0x6f: {  	_ =	shalt  }
0x70: {  	_ =	shalt  }
0x71: {  	_ =	shalt  }
0x72: {  	_ =	shalt  }
0x73: {  	_ =	shalt  }
0x74: {  	_ =	shalt  }
0x75: {  	_ =	shalt  }
0x76: {  	_ =	shalt  }
0x77: {  	_ =	shalt  }
0x78: {  	_ =	shalt  }
0x79: {  	_ =	shalt  }
0x7a: {  	_ =	shalt  }
0x7b: {  	_ =	shalt  }
0x7c: {  	_ =	shalt  }
0x7d: {  	_ =	shalt  }
0x7e: {  	_ =	shalt  }
0x7f: {  	_ =	shalt  }
0x80: {  	_ =	shalt  }
0x81: {  	_ =	shalt  }
0x82: {  	_ =	shalt  }
0x83: {  	_ =	shalt  }
0x84: {  	_ =	shalt  }
0x85: {  	_ =	shalt  }
0x86: {  	_ =	shalt  }
0x87: {  	_ =	shalt  }
.Lfunc_end0:
.L_simem_size_0:
called_computation.1_lowered:
.L_overlay_start_0:
0x88: {  	s2 =	sld [smem:$0x3FD9]  }
0x89: {  	s3 =	sld [smem:$0x3FFE];
	_ =	sdelay $0x1  }
0x8a: {  	s1 =	srdreg.scid  }
0x8b: {  	s0 =	sand.u32 $0x1, s1  }
0x8c: {  	s16 =	sshll.u32 s0, $0xA;
	s2 =	sadd.s32 s3, s2  }
0x8d: {  	s2 =	sadd.s32 s2, s16  }
0x8e: {  	[smem:$0x3FB0] =	sst s2  }
0x8f: {  	_ = 	snop  }
0x90: {  	(tm) =	ssettm $0x1  }
0x91: {  	s17 =	sld [smem:$0x3FFB];
	_ =	sdelay $0x3  }
0x92: {  	_ =	strace s17  }
0x93: {  	s2 =	sld [smem:$0x3FFC];
	_ =	sdelay $0x3  }
0x94: {  	_ =	strace s2  }
0x95: {  	s2 =	sld [smem:$0x3FFD];
	_ =	sdelay $0x3  }
0x96: {  	_ =	strace s2  }
0x97: {  	_ =	strace $0x8FFFFFFF  }
0x98: {  	s18 =	sld [smem:$0x3FDB];
	_ =	sdelay $0x1  }
0x99: {  	s19 =	simm.s32 $_scs_section_size  }
0x9a: {  	s4 =	simm.s32 $_size__tile_overlayer_lowered;
	s5 =	simm.s32 $_tile_overlayer_lowered  }
0x9b: {  	s22 =	simm.s32 $0x1BFF;
	s21 =	sshll.u32 s5, $0x1;
	s2 =	sadd.s32 s19, s18  }
0x9c: {  	s6 =	simm.s32 $0x0;
	s20 =	sshll.u32 s4, $0x1;
	s4 =	sadd.s32 s21, s2  }
0x9d: {  	[timem:s6], [sflag:s22] =	dma.local [hbm:s4], s20  }
0x9e: {  	_ =	swait.ge [sflag:s22], s20  }
0x9f: {  	s3 =	ssub.s32 $0x0, s20;
	[sflag:s22] =	ssyncset.done $0x0  }
0xa0: {  	[sflag:s22] =	ssyncadd.s32 s3;
	_ =	sdelay $0x1  }
0xa1: {  	s23 =	simm.s32 $0x1B8B  }
0xa2: {  	_ =	swait.ge [sflag:s23], $0x1  }
0xa3: {  	[sflag:s23] =	ssyncset.done $0x0  }
0xa4: {  	s25 =	simm.s32 $0x1B8E;
	s24 =	sld [smem:$0x3FFE];
	[sflag:s23] =	ssyncadd.s32 $0xFFFFFFFF  }
0xa5: {  	s26 =	simm.s32 $execute0_lowered;
	[smem:$0x3FD2] =	sst s25  }
0xa6: {  	s4 =	sshll.u32 s26, $0x1;
	_ =	strace $0x80000049;
	[dreg:$0x1] =	wrdreg $0xFFFFFFFF  }
0xa7: {  	s28 =	simm.s32 $_size_execute0_lowered;
	s2 =	sadd.s32 s2, s4;
	[dreg:$0x0] =	wrdreg $0x0  }
0xa8: {  	s4 =	sshll.u32 s28, $0x1;
	[dreg:$0x2] =	wrdreg s2  }
0xa9: {  	[dreg:$0x3] =	wrdreg s4  }
0xaa: {  	[dreg:$0x4] =	wrdreg $0xC0  }
0xab: {  	_ =	task [dreg:s6], $0x5FFFF  }
0xac: {  	[dreg:$0x1] =	wrdreg $0xFFFFFFFF  }
0xad: {  	[dreg:$0x0] =	wrdreg $0x60  }
0xae: {  	[dreg:$0x2] =	wrdreg s24  }
0xaf: {  	[dreg:$0x3] =	wrdreg $0x9  }
0xb0: {  	_ =	task.clear_ibuf [dreg:s6], $0x4FFFF;
	_ =	strace $0x90000049  }
0xb1: {  	s29 =	simm.s32 $0x9;
	_ =	strace $0x8000004B  }
0xb2: {  	_ =	swait.ge [sflag:s29], $0x1  }
0xb3: {  	[sflag:s29] =	ssyncadd.s32 $0xFFFFFFFF  }
0xb4: {  	_ =	strace $0x9000004B  }
0xb5: {  	_ =	sfence  }
0xb6: {  	s30 =	sld [smem:$0x0];
	_ =	sdelay $0x2  }
0xb7: {  	s31 =	sshll.u32 s1, $0xD;
	s1 =	sshrl.u32 s1, $0x2  }
0xb8: {  	s3 =	sand.u32 $0x4000, s31;
	s1 =	sadd.s32 s1, s30  }
0xb9: {  	s0 =	sor.u32 s3, s0;
	s1 =	sshll.u32 s1, $0x11  }
0xba: {  	s0 =	sor.u32 s1, s0  }
0xbb: {  	s0 =	sadd.s32 $0x8F2B, s0  }
0xbc: {  	[sflag:s0] =	ssyncadd.remote.s32 $0x1  }
0xbd: {  	_ =	sfence.sel $0xFFFF  }
0xbe: {  	[dreg:$0x0] =	wrdreg $0xFFFFFFFF;
	(pc) =	sbr.abs _section_cstart, $3  }
0xbf: {  	[dreg:$0x1] =	wrdreg $0xFFFFFFFF  }
0xc0: {  	_ =	task.clear_ibuf [dreg:s6], $0x2FFFF;
	_ =	strace $0x9FFFFFFF  }
0xc1: {  	(tm) =	ssettm $0x7FFFFFFF  }
tec
execute0_lowered:
.L_overlay_start_1:
0x0: {  	(tag) =	ssettag $0x1  }
0x1: {  	s1 =	srdreg.scid  }
0x2: {  	s0 =	stileid.u32;
	s5 =	rddreg [dreg:$0x0];
	s2 =	simm.s32 $0x0  }
0x3: {  	s11 =	simm.s32 $0x15C00;
	s12 =	simm.s32 $0x16400;
	s13 =	simm.s32 $0x13C00  }
0x4: {  	s14 =	simm.s32 $0x9E00;
	s4 =	sand.u32 $0x1, s1;
	s3 =	sshll.u32 s0, $0x1  }
0x5: {  	s15 =	simm.s32 $0x0;
	[smem:$0x7FF] =	sst s2;
	s7 =	sor.u32 s4, s3  }
0x6: {  	s1 =	rddreg [dreg:$0x1];
	_ =	strace $0x8000004A;
	s6 =	smul.u32 $0x13C0, s7  }
0x7: {  	s3 =	sadd.s32 $0xEE8E00, s5;
	s8 =	ssub.s32 $0x2, s4;
	s4 =	sadd.s32 $0x6E00, s5  }
0x8: {  	s31 =	sshrl.u32 s8, $0x1;
	s7 =	smul.u32 $0x140000, s7;
	s9 =	sadd.s32 s6, s5  }
0x9: {  	s10 =	ssub.s32 s8, s31;
	s5 =	sadd.s32 $0x10E00, s5;
	s6 =	sadd.s32 $0x1AE00, s9  }
0xa: {  	v0 =	vimm.f32 $0.0e+00;
	s8 =	sadd.s32 $0x69800, s9;
	s9 =	smax.u32 s10, $0x1;
	s10 =	simm.s32 $0x1  }
.LBB2_1:
0xb: {  	[tilespmem:s2], [sflag:$0x1] =	stream.linear.gather [hbm4b:s6+s2], $0x9E00, $0x38;
	[tilespmem:$0x16C00] =	vst v63  }
0xc: {  	_ =	swait.ge [sflag:s10], $0x9E00  }
0xd: {  	s16 =	sand.u32 $0x70, s2;
	s17 =	sand.u32 $0xFE00, s2;
	[sflag:s10] =	ssyncset.done $0x0  }
0xe: {  	s19 =	sor.u32 s16, s17;
	[sflag:s10] =	ssyncadd.s32 $0xFFFF6200  }
0xf: {  	[tilespmem:s19+$0x9F80] =	vst v0  }
0x10: {  	[tilespmem:s19+$0x9E00] =	vst v0  }
0x11: {  	s18 =	simm.s32 $0x0;
	s17 =	simm.s32 $0x10;
	[tilespmem:s19+$0x9E80] =	vst v0  }
.LBB2_2:
0x12: {  	s16 =	sand.u32 $0x70, s17;
	[tilespmem:s19+$0x9F00] =	vst v0;
	s18 =	sadd.s32 $0x40, s18;
	p0 =	sne.s32 s17, $0x2770  }
.Ltmp0:
0x13: {  	s17 =	sadd.s32 $0x10, s17;
	s19 =	sand.u32 $0xFE00, s18;
	(pc) =	sbr.rel @p0 .LBB2_2-.Ltmp0, $4  }
0x14: {  	s19 =	sor.u32 s16, s19  }
0x15: {  	s16 =	simm.s32 $0x0;
	[tilespmem:s19+$0x9F80] =	vst v0  }
0x16: {  	[tilespmem:s19+$0x9E00] =	vst v0  }
0x17: {  	[tilespmem:s19+$0x9E80] =	vst v0  }
0x18: {  	[tilespmem:s19+$0x9F00] =	vst v0;
	s17 =	simm.s32 $0x0  }
.LBB2_4:
0x19: {  	s18 =	sshll.u32 s17, $0x8  }
0x1a: {  	s19 =	sadd.s32 s4, s18  }
0x1b: {  	[tilespmem:s11], [sflag:$0x1] =	stream.linear.gather [hbm4b:s19+s16], $0x800, $0x38;
	[tilespmem:$0x16C00] =	vst v63  }
0x1c: {  	_ =	swait.ge [sflag:s10], $0x800  }
0x1d: {  	[sflag:s10] =	ssyncset.done $0x0  }
0x1e: {  	s30 =	sshll.u32 s17, $0xD;
	s18 =	sadd.s32 s5, s18;
	[sflag:s10] =	ssyncadd.s32 $0xFFFFF800  }
0x1f: {  	[tilespmem:s12], [sflag:$0x1] =	stream.linear.gather [hbm4b:s18+s16], $0x800, $0x38;
	[tilespmem:$0x16C00] =	vst v63  }
0x20: {  	s31 =	sadd.s32 s7, s30;
	_ =	swait.ge [sflag:s10], $0x800  }
0x21: {  	s18 =	sshrl.u32 s31, $0x3;
	[sflag:s10] =	ssyncset.done $0x0  }
0x22: {  	s18 =	sadd.s32 s3, s18;
	[sflag:s10] =	ssyncadd.s32 $0xFFFFF800  }
0x23: {  	[tilespmem:s13], [sflag:$0x1] =	stream.linear.gather [hbm4b:s18+s16], $0x2000, $0x38;
	[tilespmem:$0x16C00] =	vst v63  }
0x24: {  	_ =	swait.ge [sflag:s10], $0x2000  }
0x25: {  	[sflag:s10] =	ssyncset.done $0x0  }
0x26: {  	s19 =	simm.s32 $0x0;
	s18 =	simm.s32 $0x13D00;
	[sflag:s10] =	ssyncadd.s32 $0xFFFFE000  }
.LBB2_5:
0x27: {  	s20 =	sshra.s32 s19, $0x2  }
0x28: {  	v1 =	vld [tilespmem:s20+$0x15C00];
	_ =	sdelay $0x4  }
0x29: {  	v2 =	vshll.u32 v1, $0x2  }
0x2a: {  	v1 =	vand.u32 $0x7F, v1;
	v2 =	vand.u32 $0xFFFFFE00, v2  }
0x2b: {  	v1 =	vor.u32 v1, v2  }
0x2c: {  	v2 =	vld [tilespmem:s20+$0x16400];
	_ =	sdelay $0x2  }
0x2d: {  	v4 =	vld [tilespmem:s18+$0xFFFFFF00]  }
0x2e: {  	v3 =	vld.idx.msk [tilespmem:v1+s2+$0x0], $0xffff  }
0x2f: {  	v5 =	vshll.u32 v2, $0x2  }
0x30: {  	v2 =	vand.u32 $0x7F, v2;
	v5 =	vand.u32 $0xFFFFFE00, v5  }
0x31: {  	v2 =	vor.u32 v2, v5  }
0x32: {  	v59 =	vor.u32 $0x80, v1  }
0x33: {  	v3 =	vadd.f32 v4, v3;
	_ =	sdelay $0x1  }
0x34: {  	v3 =	vmax.f32 v3, $0.0e+00  }
0x35: {  	[tilespmem:v2+s14+$0x0] =	vst.idx.add.f32.msk $0xffff, v3  }
0x36: {  	v3 =	vld.idx.msk [tilespmem:v59+s2+$0x0], $0xffff  }
0x37: {  	v60 =	vld [tilespmem:s18+$0xFFFFFF80];
	_ =	sdelay $0x2  }
0x38: {  	v61 =	vor.u32 $0x80, v2  }
0x39: {  	v6 =	vor.u32 $0x100, v1  }
0x3a: {  	v3 =	vadd.f32 v60, v3;
	_ =	sdelay $0x1  }
0x3b: {  	v3 =	vmax.f32 v3, $0.0e+00  }
0x3c: {  	[tilespmem:v61+s14+$0x0] =	vst.idx.add.f32.msk $0xffff, v3  }
0x3d: {  	v3 =	vld.idx.msk [tilespmem:v6+s2+$0x0], $0xffff  }
0x3e: {  	v62 =	vld [tilespmem:s18+$0x0];
	_ =	sdelay $0x2  }
0x3f: {  	v63 =	vor.u32 $0x100, v2  }
0x40: {  	v1 =	vor.u32 $0x180, v1  }
0x41: {  	v3 =	vadd.f32 v62, v3;
	_ =	sdelay $0x1  }
0x42: {  	v3 =	vmax.f32 v3, $0.0e+00  }
0x43: {  	[tilespmem:v63+s14+$0x0] =	vst.idx.add.f32.msk $0xffff, v3  }
0x44: {  	v1 =	vld.idx.msk [tilespmem:v1+s2+$0x0], $0xffff  }
0x45: {  	v3 =	vld [tilespmem:s18+$0x80];
	_ =	sdelay $0x2  }
0x46: {  	v2 =	vor.u32 $0x180, v2;
	_ =	sdelay $0x1  }
0x47: {  	v1 =	vadd.f32 v3, v1;
	_ =	sdelay $0x1  }
0x48: {  	v1 =	vmax.f32 v1, $0.0e+00  }
0x49: {  	[tilespmem:v2+s14+$0x0] =	vst.idx.add.f32.msk $0xffff, v1  }
0x4a: {  	v1 =	vld [tilespmem:s20+$0x15C10];
	_ =	sdelay $0x4  }
0x4b: {  	v2 =	vshll.u32 v1, $0x2  }
0x4c: {  	v1 =	vand.u32 $0x7F, v1;
	v2 =	vand.u32 $0xFFFFFE00, v2  }
0x4d: {  	v1 =	vor.u32 v1, v2  }
0x4e: {  	v2 =	vld [tilespmem:s20+$0x16410];
	_ =	sdelay $0x2  }
0x4f: {  	v8 =	vld [tilespmem:s18+$0xFFFFFF10]  }
0x50: {  	v3 =	vld.idx.msk [tilespmem:v1+s2+$0x0], $0xffff  }
0x51: {  	v9 =	vshll.u32 v2, $0x2  }
0x52: {  	v2 =	vand.u32 $0x7F, v2;
	v5 =	vand.u32 $0xFFFFFE00, v9  }
0x53: {  	v2 =	vor.u32 v2, v5  }
0x54: {  	v10 =	vor.u32 $0x80, v1  }
0x55: {  	v3 =	vadd.f32 v8, v3;
	_ =	sdelay $0x1  }
0x56: {  	v3 =	vmax.f32 v3, $0.0e+00  }
0x57: {  	[tilespmem:v2+s14+$0x0] =	vst.idx.add.f32.msk $0xffff, v3  }
0x58: {  	v3 =	vld.idx.msk [tilespmem:v10+s2+$0x0], $0xffff  }
0x59: {  	v11 =	vld [tilespmem:s18+$0xFFFFFF90];
	_ =	sdelay $0x2  }
0x5a: {  	v12 =	vor.u32 $0x80, v2  }
0x5b: {  	v13 =	vor.u32 $0x100, v1  }
0x5c: {  	v3 =	vadd.f32 v11, v3;
	_ =	sdelay $0x1  }
0x5d: {  	v3 =	vmax.f32 v3, $0.0e+00  }
0x5e: {  	[tilespmem:v12+s14+$0x0] =	vst.idx.add.f32.msk $0xffff, v3  }
0x5f: {  	v3 =	vld.idx.msk [tilespmem:v13+s2+$0x0], $0xffff  }
0x60: {  	v14 =	vld [tilespmem:s18+$0x10];
	_ =	sdelay $0x2  }
0x61: {  	v15 =	vor.u32 $0x100, v2  }
0x62: {  	v1 =	vor.u32 $0x180, v1  }
0x63: {  	v3 =	vadd.f32 v14, v3;
	_ =	sdelay $0x1  }
0x64: {  	v3 =	vmax.f32 v3, $0.0e+00  }
0x65: {  	[tilespmem:v15+s14+$0x0] =	vst.idx.add.f32.msk $0xffff, v3  }
0x66: {  	v1 =	vld.idx.msk [tilespmem:v1+s2+$0x0], $0xffff  }
0x67: {  	v3 =	vld [tilespmem:s18+$0x90];
	_ =	sdelay $0x2  }
0x68: {  	v2 =	vor.u32 $0x180, v2;
	_ =	sdelay $0x1  }
0x69: {  	v1 =	vadd.f32 v3, v1;
	_ =	sdelay $0x1  }
0x6a: {  	v1 =	vmax.f32 v1, $0.0e+00  }
0x6b: {  	[tilespmem:v2+s14+$0x0] =	vst.idx.add.f32.msk $0xffff, v1  }
0x6c: {  	v1 =	vld [tilespmem:s20+$0x15C20];
	_ =	sdelay $0x4  }
0x6d: {  	v2 =	vshll.u32 v1, $0x2  }
0x6e: {  	v1 =	vand.u32 $0x7F, v1;
	v2 =	vand.u32 $0xFFFFFE00, v2  }
0x6f: {  	v1 =	vor.u32 v1, v2  }
0x70: {  	v2 =	vld [tilespmem:s20+$0x16420];
	_ =	sdelay $0x2  }
0x71: {  	v16 =	vld [tilespmem:s18+$0xFFFFFF20]  }
0x72: {  	v3 =	vld.idx.msk [tilespmem:v1+s2+$0x0], $0xffff  }
0x73: {  	v17 =	vshll.u32 v2, $0x2  }
0x74: {  	v2 =	vand.u32 $0x7F, v2;
	v5 =	vand.u32 $0xFFFFFE00, v17  }
0x75: {  	v2 =	vor.u32 v2, v5  }
0x76: {  	v18 =	vor.u32 $0x80, v1  }
0x77: {  	v3 =	vadd.f32 v16, v3;
	_ =	sdelay $0x1  }
0x78: {  	v3 =	vmax.f32 v3, $0.0e+00  }
0x79: {  	[tilespmem:v2+s14+$0x0] =	vst.idx.add.f32.msk $0xffff, v3  }
0x7a: {  	v3 =	vld.idx.msk [tilespmem:v18+s2+$0x0], $0xffff  }
0x7b: {  	v19 =	vld [tilespmem:s18+$0xFFFFFFA0];
	_ =	sdelay $0x2  }
0x7c: {  	v20 =	vor.u32 $0x80, v2  }
0x7d: {  	v21 =	vor.u32 $0x100, v1  }
0x7e: {  	v3 =	vadd.f32 v19, v3;
	_ =	sdelay $0x1  }
0x7f: {  	v3 =	vmax.f32 v3, $0.0e+00  }
0x80: {  	[tilespmem:v20+s14+$0x0] =	vst.idx.add.f32.msk $0xffff, v3  }
0x81: {  	v3 =	vld.idx.msk [tilespmem:v21+s2+$0x0], $0xffff  }
0x82: {  	v22 =	vld [tilespmem:s18+$0x20];
	_ =	sdelay $0x2  }
0x83: {  	v23 =	vor.u32 $0x100, v2  }
0x84: {  	v1 =	vor.u32 $0x180, v1  }
0x85: {  	v3 =	vadd.f32 v22, v3;
	_ =	sdelay $0x1  }
0x86: {  	v3 =	vmax.f32 v3, $0.0e+00  }
0x87: {  	[tilespmem:v23+s14+$0x0] =	vst.idx.add.f32.msk $0xffff, v3  }
0x88: {  	v1 =	vld.idx.msk [tilespmem:v1+s2+$0x0], $0xffff  }
0x89: {  	v3 =	vld [tilespmem:s18+$0xA0];
	_ =	sdelay $0x2  }
0x8a: {  	v2 =	vor.u32 $0x180, v2;
	_ =	sdelay $0x1  }
0x8b: {  	v1 =	vadd.f32 v3, v1;
	_ =	sdelay $0x1  }
0x8c: {  	v1 =	vmax.f32 v1, $0.0e+00  }
0x8d: {  	[tilespmem:v2+s14+$0x0] =	vst.idx.add.f32.msk $0xffff, v1  }
0x8e: {  	v1 =	vld [tilespmem:s20+$0x15C30];
	_ =	sdelay $0x4  }
0x8f: {  	v2 =	vshll.u32 v1, $0x2  }
0x90: {  	v1 =	vand.u32 $0x7F, v1;
	v2 =	vand.u32 $0xFFFFFE00, v2  }
0x91: {  	v1 =	vor.u32 v1, v2  }
0x92: {  	v2 =	vld [tilespmem:s20+$0x16430];
	_ =	sdelay $0x2  }
0x93: {  	v24 =	vld [tilespmem:s18+$0xFFFFFF30]  }
0x94: {  	v3 =	vld.idx.msk [tilespmem:v1+s2+$0x0], $0xffff  }
0x95: {  	v25 =	vshll.u32 v2, $0x2  }
0x96: {  	v2 =	vand.u32 $0x7F, v2;
	v5 =	vand.u32 $0xFFFFFE00, v25  }
0x97: {  	v2 =	vor.u32 v2, v5  }
0x98: {  	v26 =	vor.u32 $0x80, v1  }
0x99: {  	v3 =	vadd.f32 v24, v3;
	_ =	sdelay $0x1  }
0x9a: {  	v3 =	vmax.f32 v3, $0.0e+00  }
0x9b: {  	[tilespmem:v2+s14+$0x0] =	vst.idx.add.f32.msk $0xffff, v3  }
0x9c: {  	v3 =	vld.idx.msk [tilespmem:v26+s2+$0x0], $0xffff  }
0x9d: {  	v27 =	vld [tilespmem:s18+$0xFFFFFFB0];
	_ =	sdelay $0x2  }
0x9e: {  	v28 =	vor.u32 $0x80, v2  }
0x9f: {  	v29 =	vor.u32 $0x100, v1  }
0xa0: {  	v3 =	vadd.f32 v27, v3;
	_ =	sdelay $0x1  }
0xa1: {  	v3 =	vmax.f32 v3, $0.0e+00  }
0xa2: {  	[tilespmem:v28+s14+$0x0] =	vst.idx.add.f32.msk $0xffff, v3  }
0xa3: {  	v3 =	vld.idx.msk [tilespmem:v29+s2+$0x0], $0xffff  }
0xa4: {  	v30 =	vld [tilespmem:s18+$0x30];
	_ =	sdelay $0x2  }
0xa5: {  	v31 =	vor.u32 $0x100, v2  }
0xa6: {  	v1 =	vor.u32 $0x180, v1  }
0xa7: {  	v3 =	vadd.f32 v30, v3;
	_ =	sdelay $0x1  }
0xa8: {  	v3 =	vmax.f32 v3, $0.0e+00  }
0xa9: {  	[tilespmem:v31+s14+$0x0] =	vst.idx.add.f32.msk $0xffff, v3  }
0xaa: {  	v1 =	vld.idx.msk [tilespmem:v1+s2+$0x0], $0xffff  }
0xab: {  	v3 =	vld [tilespmem:s18+$0xB0];
	_ =	sdelay $0x2  }
0xac: {  	v2 =	vor.u32 $0x180, v2;
	_ =	sdelay $0x1  }
0xad: {  	v1 =	vadd.f32 v3, v1;
	_ =	sdelay $0x1  }
0xae: {  	v1 =	vmax.f32 v1, $0.0e+00  }
0xaf: {  	[tilespmem:v2+s14+$0x0] =	vst.idx.add.f32.msk $0xffff, v1  }
0xb0: {  	v1 =	vld [tilespmem:s20+$0x15C40];
	_ =	sdelay $0x4  }
0xb1: {  	v2 =	vshll.u32 v1, $0x2  }
0xb2: {  	v1 =	vand.u32 $0x7F, v1;
	v2 =	vand.u32 $0xFFFFFE00, v2  }
0xb3: {  	v1 =	vor.u32 v1, v2  }
0xb4: {  	v2 =	vld [tilespmem:s20+$0x16440];
	_ =	sdelay $0x2  }
0xb5: {  	v32 =	vld [tilespmem:s18+$0xFFFFFF40]  }
0xb6: {  	v3 =	vld.idx.msk [tilespmem:v1+s2+$0x0], $0xffff  }
0xb7: {  	v33 =	vshll.u32 v2, $0x2  }
0xb8: {  	v2 =	vand.u32 $0x7F, v2;
	v5 =	vand.u32 $0xFFFFFE00, v33  }
0xb9: {  	v2 =	vor.u32 v2, v5  }
0xba: {  	v34 =	vor.u32 $0x80, v1  }
0xbb: {  	v3 =	vadd.f32 v32, v3;
	_ =	sdelay $0x1  }
0xbc: {  	v3 =	vmax.f32 v3, $0.0e+00  }
0xbd: {  	[tilespmem:v2+s14+$0x0] =	vst.idx.add.f32.msk $0xffff, v3  }
0xbe: {  	v3 =	vld.idx.msk [tilespmem:v34+s2+$0x0], $0xffff  }
0xbf: {  	v35 =	vld [tilespmem:s18+$0xFFFFFFC0];
	_ =	sdelay $0x2  }
0xc0: {  	v36 =	vor.u32 $0x80, v2  }
0xc1: {  	v37 =	vor.u32 $0x100, v1  }
0xc2: {  	v3 =	vadd.f32 v35, v3;
	_ =	sdelay $0x1  }
0xc3: {  	v3 =	vmax.f32 v3, $0.0e+00  }
0xc4: {  	[tilespmem:v36+s14+$0x0] =	vst.idx.add.f32.msk $0xffff, v3  }
0xc5: {  	v3 =	vld.idx.msk [tilespmem:v37+s2+$0x0], $0xffff  }
0xc6: {  	v38 =	vld [tilespmem:s18+$0x40];
	_ =	sdelay $0x2  }
0xc7: {  	v39 =	vor.u32 $0x100, v2  }
0xc8: {  	v1 =	vor.u32 $0x180, v1  }
0xc9: {  	v3 =	vadd.f32 v38, v3;
	_ =	sdelay $0x1  }
0xca: {  	v3 =	vmax.f32 v3, $0.0e+00  }
0xcb: {  	[tilespmem:v39+s14+$0x0] =	vst.idx.add.f32.msk $0xffff, v3  }
0xcc: {  	v1 =	vld.idx.msk [tilespmem:v1+s2+$0x0], $0xffff  }
0xcd: {  	v3 =	vld [tilespmem:s18+$0xC0];
	_ =	sdelay $0x2  }
0xce: {  	v2 =	vor.u32 $0x180, v2;
	_ =	sdelay $0x1  }
0xcf: {  	v1 =	vadd.f32 v3, v1;
	_ =	sdelay $0x1  }
0xd0: {  	v1 =	vmax.f32 v1, $0.0e+00  }
0xd1: {  	[tilespmem:v2+s14+$0x0] =	vst.idx.add.f32.msk $0xffff, v1  }
0xd2: {  	v1 =	vld [tilespmem:s20+$0x15C50];
	_ =	sdelay $0x4  }
0xd3: {  	v2 =	vshll.u32 v1, $0x2  }
0xd4: {  	v1 =	vand.u32 $0x7F, v1;
	v2 =	vand.u32 $0xFFFFFE00, v2  }
0xd5: {  	v1 =	vor.u32 v1, v2  }
0xd6: {  	v2 =	vld [tilespmem:s20+$0x16450];
	_ =	sdelay $0x2  }
0xd7: {  	v40 =	vld [tilespmem:s18+$0xFFFFFF50]  }
0xd8: {  	v3 =	vld.idx.msk [tilespmem:v1+s2+$0x0], $0xffff  }
0xd9: {  	v41 =	vshll.u32 v2, $0x2  }
0xda: {  	v2 =	vand.u32 $0x7F, v2;
	v5 =	vand.u32 $0xFFFFFE00, v41  }
0xdb: {  	v2 =	vor.u32 v2, v5  }
0xdc: {  	v42 =	vor.u32 $0x80, v1  }
0xdd: {  	v3 =	vadd.f32 v40, v3;
	_ =	sdelay $0x1  }
0xde: {  	v3 =	vmax.f32 v3, $0.0e+00  }
0xdf: {  	[tilespmem:v2+s14+$0x0] =	vst.idx.add.f32.msk $0xffff, v3  }
0xe0: {  	v3 =	vld.idx.msk [tilespmem:v42+s2+$0x0], $0xffff  }
0xe1: {  	v43 =	vld [tilespmem:s18+$0xFFFFFFD0];
	_ =	sdelay $0x2  }
0xe2: {  	v44 =	vor.u32 $0x80, v2  }
0xe3: {  	v45 =	vor.u32 $0x100, v1  }
0xe4: {  	v3 =	vadd.f32 v43, v3;
	_ =	sdelay $0x1  }
0xe5: {  	v3 =	vmax.f32 v3, $0.0e+00  }
0xe6: {  	[tilespmem:v44+s14+$0x0] =	vst.idx.add.f32.msk $0xffff, v3  }
0xe7: {  	v3 =	vld.idx.msk [tilespmem:v45+s2+$0x0], $0xffff  }
0xe8: {  	v46 =	vld [tilespmem:s18+$0x50];
	_ =	sdelay $0x2  }
0xe9: {  	v47 =	vor.u32 $0x100, v2  }
0xea: {  	v1 =	vor.u32 $0x180, v1  }
0xeb: {  	v3 =	vadd.f32 v46, v3;
	_ =	sdelay $0x1  }
0xec: {  	v3 =	vmax.f32 v3, $0.0e+00  }
0xed: {  	[tilespmem:v47+s14+$0x0] =	vst.idx.add.f32.msk $0xffff, v3  }
0xee: {  	v1 =	vld.idx.msk [tilespmem:v1+s2+$0x0], $0xffff  }
0xef: {  	v3 =	vld [tilespmem:s18+$0xD0];
	_ =	sdelay $0x2  }
0xf0: {  	v2 =	vor.u32 $0x180, v2;
	_ =	sdelay $0x1  }
0xf1: {  	v1 =	vadd.f32 v3, v1;
	_ =	sdelay $0x1  }
0xf2: {  	v1 =	vmax.f32 v1, $0.0e+00  }
0xf3: {  	[tilespmem:v2+s14+$0x0] =	vst.idx.add.f32.msk $0xffff, v1  }
0xf4: {  	v1 =	vld [tilespmem:s20+$0x15C60];
	_ =	sdelay $0x4  }
0xf5: {  	v2 =	vshll.u32 v1, $0x2  }
0xf6: {  	v1 =	vand.u32 $0x7F, v1;
	v2 =	vand.u32 $0xFFFFFE00, v2  }
0xf7: {  	v1 =	vor.u32 v1, v2  }
0xf8: {  	v2 =	vld [tilespmem:s20+$0x16460];
	_ =	sdelay $0x2  }
0xf9: {  	v48 =	vld [tilespmem:s18+$0xFFFFFF60]  }
0xfa: {  	v3 =	vld.idx.msk [tilespmem:v1+s2+$0x0], $0xffff  }
0xfb: {  	v49 =	vshll.u32 v2, $0x2  }
0xfc: {  	v2 =	vand.u32 $0x7F, v2;
	v5 =	vand.u32 $0xFFFFFE00, v49  }
0xfd: {  	v2 =	vor.u32 v2, v5  }
0xfe: {  	v50 =	vor.u32 $0x80, v1  }
0xff: {  	v3 =	vadd.f32 v48, v3;
	_ =	sdelay $0x1  }
0x100: {  	v3 =	vmax.f32 v3, $0.0e+00  }
0x101: {  	[tilespmem:v2+s14+$0x0] =	vst.idx.add.f32.msk $0xffff, v3  }
0x102: {  	v3 =	vld.idx.msk [tilespmem:v50+s2+$0x0], $0xffff  }
0x103: {  	v51 =	vld [tilespmem:s18+$0xFFFFFFE0];
	_ =	sdelay $0x2  }
0x104: {  	v52 =	vor.u32 $0x80, v2  }
0x105: {  	v53 =	vor.u32 $0x100, v1  }
0x106: {  	v3 =	vadd.f32 v51, v3;
	_ =	sdelay $0x1  }
0x107: {  	v3 =	vmax.f32 v3, $0.0e+00  }
0x108: {  	[tilespmem:v52+s14+$0x0] =	vst.idx.add.f32.msk $0xffff, v3  }
0x109: {  	v3 =	vld.idx.msk [tilespmem:v53+s2+$0x0], $0xffff  }
0x10a: {  	v54 =	vld [tilespmem:s18+$0x60];
	_ =	sdelay $0x2  }
0x10b: {  	v55 =	vor.u32 $0x100, v2  }
0x10c: {  	v1 =	vor.u32 $0x180, v1  }
0x10d: {  	v3 =	vadd.f32 v54, v3;
	_ =	sdelay $0x1  }
0x10e: {  	v3 =	vmax.f32 v3, $0.0e+00  }
0x10f: {  	[tilespmem:v55+s14+$0x0] =	vst.idx.add.f32.msk $0xffff, v3  }
0x110: {  	v1 =	vld.idx.msk [tilespmem:v1+s2+$0x0], $0xffff  }
0x111: {  	v3 =	vld [tilespmem:s18+$0xE0];
	_ =	sdelay $0x2  }
0x112: {  	v2 =	vor.u32 $0x180, v2;
	_ =	sdelay $0x1  }
0x113: {  	v1 =	vadd.f32 v3, v1;
	_ =	sdelay $0x1  }
0x114: {  	v1 =	vmax.f32 v1, $0.0e+00  }
0x115: {  	[tilespmem:v2+s14+$0x0] =	vst.idx.add.f32.msk $0xffff, v1  }
0x116: {  	v1 =	vld [tilespmem:s20+$0x15C70];
	_ =	sdelay $0x4  }
0x117: {  	v2 =	vshll.u32 v1, $0x2  }
0x118: {  	v1 =	vand.u32 $0x7F, v1;
	v2 =	vand.u32 $0xFFFFFE00, v2  }
0x119: {  	v1 =	vor.u32 v1, v2  }
0x11a: {  	v2 =	vld [tilespmem:s20+$0x16470];
	_ =	sdelay $0x2  }
0x11b: {  	v56 =	vld [tilespmem:s18+$0xFFFFFF70]  }
0x11c: {  	v3 =	vld.idx.msk [tilespmem:v1+s2+$0x0], $0xffff  }
0x11d: {  	v57 =	vshll.u32 v2, $0x2  }
0x11e: {  	v2 =	vand.u32 $0x7F, v2;
	v5 =	vand.u32 $0xFFFFFE00, v57  }
0x11f: {  	v2 =	vor.u32 v2, v5  }
0x120: {  	v58 =	vor.u32 $0x80, v1  }
0x121: {  	v3 =	vadd.f32 v56, v3;
	_ =	sdelay $0x1  }
0x122: {  	v3 =	vmax.f32 v3, $0.0e+00  }
0x123: {  	[tilespmem:v2+s14+$0x0] =	vst.idx.add.f32.msk $0xffff, v3  }
0x124: {  	v3 =	vld.idx.msk [tilespmem:v58+s2+$0x0], $0xffff  }
0x125: {  	v59 =	vld [tilespmem:s18+$0xFFFFFFF0];
	_ =	sdelay $0x2  }
0x126: {  	v60 =	vor.u32 $0x80, v2  }
0x127: {  	v61 =	vor.u32 $0x100, v1  }
0x128: {  	v3 =	vadd.f32 v59, v3;
	_ =	sdelay $0x1  }
0x129: {  	v3 =	vmax.f32 v3, $0.0e+00  }
0x12a: {  	[tilespmem:v60+s14+$0x0] =	vst.idx.add.f32.msk $0xffff, v3  }
0x12b: {  	v3 =	vld.idx.msk [tilespmem:v61+s2+$0x0], $0xffff  }
0x12c: {  	v62 =	vld [tilespmem:s18+$0x70];
	_ =	sdelay $0x2  }
0x12d: {  	v63 =	vor.u32 $0x100, v2  }
0x12e: {  	v1 =	vor.u32 $0x180, v1  }
0x12f: {  	v3 =	vadd.f32 v62, v3;
	_ =	sdelay $0x1  }
0x130: {  	v3 =	vmax.f32 v3, $0.0e+00  }
0x131: {  	[tilespmem:v63+s14+$0x0] =	vst.idx.add.f32.msk $0xffff, v3  }
0x132: {  	v1 =	vld.idx.msk [tilespmem:v1+s2+$0x0], $0xffff  }
0x133: {  	v3 =	vld [tilespmem:s18+$0xF0];
	_ =	sdelay $0x2  }
0x134: {  	p0 =	sne.s32 s19, $0x1E00;
	v2 =	vor.u32 $0x180, v2  }
.Ltmp1:
0x135: {  	_ = 	snop;
	(pc) =	sbr.rel @p0 .LBB2_5-.Ltmp1, $3  }
0x136: {  	v1 =	vadd.f32 v3, v1;
	_ =	sdelay $0x1  }
0x137: {  	v1 =	vmax.f32 v1, $0.0e+00  }
0x138: {  	s19 =	sadd.s32 $0x200, s19;
	s18 =	sadd.s32 $0x200, s18;
	[tilespmem:v2+s14+$0x0] =	vst.idx.add.f32.msk $0xffff, v1  }
0x139: {  	s17 =	sadd.s32 $0x1, s17  }
0x13a: {  	p0 =	sne.s32 s17, $0xA0  }
.Ltmp2:
0x13b: {  	_ = 	snop;
	(pc) =	sbr.rel @p0 .LBB2_4-.Ltmp2, $1  }
0x13c: {  	_ =	sdelay $0x3  }
0x13d: {  	s15 =	sadd.s32 $0x1, s15  }
0x13e: {  	p0 =	sne.s32 s15, s9  }
.Ltmp3:
0x13f: {  	_ = 	snop;
	(pc) =	sbr.rel @p0 .LBB2_1-.Ltmp3, $4  }
0x140: {  	[hbm4b:s8+s2] =	stream.linear.scatter [tilespmem:s14], [sflag:$0x1], $0x9E00, $0x38;
	[tilespmem:$0x16C00] =	vst v63  }
0x141: {  	_ =	swait.ge [sflag:s10], $0x9E00  }
0x142: {  	[sflag:s10] =	ssyncset.done $0x0  }
0x143: {  	[sflag:s10] =	ssyncadd.s32 $0xFFFF6200  }
0x144: {  	_ =	sfence.sel $0x180000  }
0x145: {  	[bflag:$0x0] =	sbarrier.arrive $0xFFFF  }
0x146: {  	p0 =	sne.s32 s0, $0x0;
	_ =	strace $0x9000004A  }
0x147: {  	s0 =	sadd.s32 @!p0 $0x100000, s1;
	[bflag:$0x2] =	sbarrier.arrive $0xFFFF  }
0x148: {  	[sflag:s0] =	ssyncadd.tile.s32 @!p0 $0x1;
	_ =	shalt  }
.Lfunc_end2:
_tile_overlayer_lowered:
.L_overlay_start_2:
0x149: {  	(tag) =	ssettag $0x2  }
0x14a: {  	s0 =	rddreg [dreg:$0x0];
	s2 =	stileid.u32  }
0x14b: {  	s1 =	rddreg [dreg:$0x1];
	p0 =	sne.s32 s2, $0x0  }
0x14c: {  	s3 =	rddreg [dreg:$0x2];
	[bflag:$0x3] =	sbarrier.arrive $0xFFFF;
	s2 =	simm.s32 @!p0 $0x1C01  }
0x14d: {  	[timem:s3], [sflag:s2] =	dma.local @!p0 [hbm:s0], s1  }
0x14e: {  	s0 =	simm.s32 @!p0 $0x1  }
0x14f: {  	_ =	swait.ge @!p0 [sflag:s0], s1  }
0x150: {  	s1 =	ssub.s32 @!p0 $0x0, s1;
	[sflag:s0] =	ssyncset.done @!p0 $0x0  }
0x151: {  	[sflag:s0] =	ssyncadd.s32 @!p0 s1  }
0x152: {  	[bflag:$0x3] =	sbarrier.arrive $0xFFFF  }
0x153: {  	_ =	shalt  }

// kernel: kernel.18.cloned.1.call-start
scs
__scs_entry_jumppad:
0x0: {  	(pc) =	sbr.rel $0x88, $3  }
0x1: {  	(tag) =	ssettag $0x0;
	lr =	simm.s32 $0x1  }
0x2: {  	[smem:$0x3F89] =	sst lr;
	_ =	strace $0xD0000000  }
0x3: {  	_ = 	snop  }
0x4: {  	_ = 	snop  }
0x5: {  	_ = 	snop  }
0x6: {  	_ = 	snop  }
0x7: {  	_ = 	snop  }
__scs_overlays_trampoline_lowered:
0x8: {  	[smem:$0x3F98] =	sst s0  }
0x9: {  	[smem:$0x3F99] =	sst s1  }
0xa: {  	[smem:$0x3F9A] =	sst s2  }
0xb: {  	[smem:$0x3F9B] =	sst s3  }
0xc: {  	[smem:$0x3F9C] =	sst s4  }
0xd: {  	[smem:$0x3F9D] =	sst s5  }
0xe: {  	[smem:$0x3F9E] =	sst s6  }
0xf: {  	[smem:$0x3F9F] =	sst s7  }
0x10: {  	[smem:$0x3FA0] =	sst s8  }
0x11: {  	[smem:$0x3FA1] =	sst s9;
	s0 =	simm.s32 @!p0 $0x0  }
0x12: {  	s1 =	sld [smem:$0x3F87];
	s0 =	simm.s32 @p0 $0x1  }
0x13: {  	[smem:$0x3FA2] =	sst s0;
	s0 =	simm.s32 @!p1 $0x0  }
0x14: {  	s2 =	sld [smem:$0x3F86];
	s0 =	simm.s32 @p1 $0x1  }
0x15: {  	[smem:$0x3FA3] =	sst s0;
	s0 =	simm.s32 @!p2 $0x0  }
0x16: {  	s3 =	sld [smem:$0x3FDB];
	s0 =	simm.s32 @p2 $0x1  }
0x17: {  	s4 =	simm.s32 $0x1BF5;
	[smem:$0x3FA5] =	sst s0  }
0x18: {  	s0 =	sld [smem:$0x3F88];
	_ =	swait.ge [sflag:s4], $0x0  }
0x19: {  	s7 =	sld [smem:$0x3F89]  }
0x1a: {  	s8 =	sadd.s32 $0xFFFFE003, lr  }
0x1b: {  	s9 =	sadd.s32 $0xFFFFFEF7, lr;
	s5 =	simm.s32 $0xFFFFFFFF;
	p2 =	slt.u32 s8, $0xFFFFF086  }
0x1c: {  	p1 =	slt.u32 s9, $0xF7A;
	s5 =	simm.s32 @!p2 $0x0  }
0x1d: {  	s5 =	simm.s32 @p1 $0x1;
	p0 =	seq.s32 s7, s2  }
0x1e: {  	s7 =	smul.u32 @!p0 $0xF7A, s2;
	p2 =	seq.s32 @!p0 s5, $0x0  }
0x1f: {  	s9 =	smul.u32 $0xF7A, s1;
	s8 =	simm.s32 @!p0 $0x1BF5;
	p2 =	por !p2, p0  }
0x20: {  	[sflag:s8] =	ssyncset.s32 @!p0 $0xFFFFF086;
	s6 =	sadd.s32 @!p0 s3, s7;
	s7 =	simm.s32 @!p0 $0x108  }
0x21: {  	s3 =	sadd.s32 s3, s9;
	s6 =	sadd.s32 @!p0 $0x88, s6;
	s7 =	simm.s32 @p2 $0x1082  }
0x22: {  	[simem:s7], [sflag:s8] =	dma.local @!p0 [hbm:s6], $0xF7A  }
0x23: {  	s9 =	sor.u32 $0xD0000000, s2;
	s6 =	simm.s32 $0x108;
	_ =	swait.ge @!p0 [sflag:s8], $0x0  }
0x24: {  	s3 =	sadd.s32 $0x88, s3;
	s6 =	simm.s32 @!p1 $0x1082;
	[sflag:s4] =	ssyncset.s32 $0xFFFFF086  }
0x25: {  	[simem:s6], [sflag:s4] =	dma.local [hbm:s3], $0xF7A  }
0x26: {  	[smem:$0x3F89] =	sst s1;
	(tag) =	ssettag s2;
	_ =	strace s9  }
0x27: {  	s1 =	sld [smem:$0x3F99]  }
0x28: {  	s2 =	sld [smem:$0x3F9A]  }
0x29: {  	s4 =	sld [smem:$0x3F9C]  }
0x2a: {  	p0 =	seq.s32 s5, $0x0;
	s5 =	sld [smem:$0x3F9D]  }
0x2b: {  	s6 =	sld [smem:$0x3F9E]  }
0x2c: {  	s7 =	sld [smem:$0x3F9F]  }
0x2d: {  	s3 =	simm.s32 $0x108;
	s8 =	sld [smem:$0x3FA0]  }
0x2e: {  	s3 =	simm.s32 @!p0 $0x1082;
	s9 =	sld [smem:$0x3FA1]  }
0x2f: {  	lr =	sadd.s32 s0, s3;
	s0 =	sld [smem:$0x3F98]  }
0x30: {  	s3 =	sld [smem:$0x3F9B]  }
0x31: {  	[smem:$0x3FA4] =	sst s10  }
0x32: {  	s10 =	sld [smem:$0x3FA2];
	_ =	sdelay $0x3  }
0x33: {  	p0 =	seq.s32 s10, $0x1;
	s10 =	sld [smem:$0x3FA4];
	_ =	sdelay $0x3  }
0x34: {  	[smem:$0x3FA4] =	sst s10  }
0x35: {  	s10 =	sld [smem:$0x3FA3];
	_ =	sdelay $0x3  }
0x36: {  	p1 =	seq.s32 s10, $0x1;
	s10 =	sld [smem:$0x3FA4];
	_ =	sdelay $0x3  }
0x37: {  	[smem:$0x3FA4] =	sst s10  }
0x38: {  	s10 =	sld [smem:$0x3FA5]  }
0x39: {  	_ = 	snop;
	(pc) =	sbr.ind lr, $3  }
0x3a: {  	_ = 	snop  }
0x3b: {  	_ = 	snop  }
0x3c: {  	p2 =	seq.s32 s10, $0x1;
	s10 =	sld [smem:$0x3FA4]  }
0x3d: {  	_ =	shalt  }
0x3e: {  	_ =	shalt  }
0x3f: {  	_ =	shalt  }
0x40: {  	_ =	shalt  }
0x41: {  	_ =	shalt  }
0x42: {  	_ =	shalt  }
0x43: {  	_ =	shalt  }
0x44: {  	_ =	shalt  }
0x45: {  	_ =	shalt  }
0x46: {  	_ =	shalt  }
0x47: {  	_ =	shalt  }
0x48: {  	_ =	shalt  }
0x49: {  	_ =	shalt  }
0x4a: {  	_ =	shalt  }
0x4b: {  	_ =	shalt  }
0x4c: {  	_ =	shalt  }
0x4d: {  	_ =	shalt  }
0x4e: {  	_ =	shalt  }
0x4f: {  	_ =	shalt  }
0x50: {  	_ =	shalt  }
0x51: {  	_ =	shalt  }
0x52: {  	_ =	shalt  }
0x53: {  	_ =	shalt  }
0x54: {  	_ =	shalt  }
0x55: {  	_ =	shalt  }
0x56: {  	_ =	shalt  }
0x57: {  	_ =	shalt  }
0x58: {  	_ =	shalt  }
0x59: {  	_ =	shalt  }
0x5a: {  	_ =	shalt  }
0x5b: {  	_ =	shalt  }
0x5c: {  	_ =	shalt  }
0x5d: {  	_ =	shalt  }
0x5e: {  	_ =	shalt  }
0x5f: {  	_ =	shalt  }
0x60: {  	_ =	shalt  }
0x61: {  	_ =	shalt  }
0x62: {  	_ =	shalt  }
0x63: {  	_ =	shalt  }
0x64: {  	_ =	shalt  }
0x65: {  	_ =	shalt  }
0x66: {  	_ =	shalt  }
0x67: {  	_ =	shalt  }
0x68: {  	_ =	shalt  }
0x69: {  	_ =	shalt  }
0x6a: {  	_ =	shalt  }
0x6b: {  	_ =	shalt  }
0x6c: {  	_ =	shalt  }
0x6d: {  	_ =	shalt  }
0x6e: {  	_ =	shalt  }
0x6f: {  	_ =	shalt  }
0x70: {  	_ =	shalt  }
0x71: {  	_ =	shalt  }
0x72: {  	_ =	shalt  }
0x73: {  	_ =	shalt  }
0x74: {  	_ =	shalt  }
0x75: {  	_ =	shalt  }
0x76: {  	_ =	shalt  }
0x77: {  	_ =	shalt  }
0x78: {  	_ =	shalt  }
0x79: {  	_ =	shalt  }
0x7a: {  	_ =	shalt  }
0x7b: {  	_ =	shalt  }
0x7c: {  	_ =	shalt  }
0x7d: {  	_ =	shalt  }
0x7e: {  	_ =	shalt  }
0x7f: {  	_ =	shalt  }
0x80: {  	_ =	shalt  }
0x81: {  	_ =	shalt  }
0x82: {  	_ =	shalt  }
0x83: {  	_ =	shalt  }
0x84: {  	_ =	shalt  }
0x85: {  	_ =	shalt  }
0x86: {  	_ =	shalt  }
0x87: {  	_ =	shalt  }
.Lfunc_end0:
.L_simem_size_0:
called_computation.2_lowered:
.L_overlay_start_0:
0x88: {  	s2 =	sld [smem:$0x3FD9]  }
0x89: {  	s3 =	sld [smem:$0x3FFE];
	_ =	sdelay $0x1  }
0x8a: {  	s1 =	srdreg.scid  }
0x8b: {  	s0 =	sand.u32 $0x1, s1  }
0x8c: {  	s16 =	sshll.u32 s0, $0xA;
	s2 =	sadd.s32 s3, s2  }
0x8d: {  	s2 =	sadd.s32 s2, s16  }
0x8e: {  	[smem:$0x3FB0] =	sst s2  }
0x8f: {  	_ = 	snop  }
0x90: {  	(tm) =	ssettm $0x1  }
0x91: {  	s17 =	sld [smem:$0x3FFB];
	_ =	sdelay $0x3  }
0x92: {  	_ =	strace s17  }
0x93: {  	s2 =	sld [smem:$0x3FFC];
	_ =	sdelay $0x3  }
0x94: {  	_ =	strace s2  }
0x95: {  	s2 =	sld [smem:$0x3FFD];
	_ =	sdelay $0x3  }
0x96: {  	_ =	strace s2  }
0x97: {  	_ =	strace $0x8FFFFFFF  }
0x98: {  	s18 =	sld [smem:$0x3FDB];
	_ =	sdelay $0x1  }
0x99: {  	s19 =	simm.s32 $_scs_section_size  }
0x9a: {  	s4 =	simm.s32 $_size__tile_overlayer_lowered;
	s5 =	simm.s32 $_tile_overlayer_lowered  }
0x9b: {  	s22 =	simm.s32 $0x1BFF;
	s21 =	sshll.u32 s5, $0x1;
	s2 =	sadd.s32 s19, s18  }
0x9c: {  	s6 =	simm.s32 $0x0;
	s20 =	sshll.u32 s4, $0x1;
	s4 =	sadd.s32 s21, s2  }
0x9d: {  	[timem:s6], [sflag:s22] =	dma.local [hbm:s4], s20  }
0x9e: {  	_ =	swait.ge [sflag:s22], s20  }
0x9f: {  	s3 =	ssub.s32 $0x0, s20;
	[sflag:s22] =	ssyncset.done $0x0  }
0xa0: {  	[sflag:s22] =	ssyncadd.s32 s3;
	_ =	sdelay $0x1  }
0xa1: {  	s23 =	simm.s32 $0x1B8B  }
0xa2: {  	_ =	swait.ge [sflag:s23], $0x1  }
0xa3: {  	[sflag:s23] =	ssyncset.done $0x0  }
0xa4: {  	s25 =	simm.s32 $0x1B8E;
	s24 =	sld [smem:$0x3FFE];
	[sflag:s23] =	ssyncadd.s32 $0xFFFFFFFF  }
0xa5: {  	s26 =	simm.s32 $execute0_lowered;
	[smem:$0x3FD2] =	sst s25  }
0xa6: {  	s4 =	sshll.u32 s26, $0x1;
	_ =	strace $0x8000004C;
	[dreg:$0x1] =	wrdreg $0xFFFFFFFF  }
0xa7: {  	s28 =	simm.s32 $_size_execute0_lowered;
	s2 =	sadd.s32 s2, s4;
	[dreg:$0x0] =	wrdreg $0x0  }
0xa8: {  	s4 =	sshll.u32 s28, $0x1;
	[dreg:$0x2] =	wrdreg s2  }
0xa9: {  	[dreg:$0x3] =	wrdreg s4  }
0xaa: {  	[dreg:$0x4] =	wrdreg $0xC0  }
0xab: {  	_ =	task [dreg:s6], $0x5FFFF  }
0xac: {  	[dreg:$0x1] =	wrdreg $0xFFFFFFFF  }
0xad: {  	[dreg:$0x0] =	wrdreg $0x60  }
0xae: {  	[dreg:$0x2] =	wrdreg s24  }
0xaf: {  	[dreg:$0x3] =	wrdreg $0x9  }
0xb0: {  	_ =	task.clear_ibuf [dreg:s6], $0x4FFFF;
	_ =	strace $0x9000004C  }
0xb1: {  	s29 =	simm.s32 $0x9;
	_ =	strace $0x8000004E  }
0xb2: {  	_ =	swait.ge [sflag:s29], $0x1  }
0xb3: {  	[sflag:s29] =	ssyncadd.s32 $0xFFFFFFFF  }
0xb4: {  	_ =	strace $0x9000004E  }
0xb5: {  	_ =	sfence  }
0xb6: {  	s30 =	sld [smem:$0x0];
	_ =	sdelay $0x2  }
0xb7: {  	s31 =	sshll.u32 s1, $0xD;
	s1 =	sshrl.u32 s1, $0x2  }
0xb8: {  	s3 =	sand.u32 $0x4000, s31;
	s1 =	sadd.s32 s1, s30  }
0xb9: {  	s0 =	sor.u32 s3, s0;
	s1 =	sshll.u32 s1, $0x11  }
0xba: {  	s0 =	sor.u32 s1, s0  }
0xbb: {  	s0 =	sadd.s32 $0x8F2B, s0  }
0xbc: {  	[sflag:s0] =	ssyncadd.remote.s32 $0x1  }
0xbd: {  	_ =	sfence.sel $0xFFFF  }
0xbe: {  	[dreg:$0x0] =	wrdreg $0xFFFFFFFF;
	(pc) =	sbr.abs _section_cstart, $3  }
0xbf: {  	[dreg:$0x1] =	wrdreg $0xFFFFFFFF  }
0xc0: {  	_ =	task.clear_ibuf [dreg:s6], $0x2FFFF;
	_ =	strace $0x9FFFFFFF  }
0xc1: {  	(tm) =	ssettm $0x7FFFFFFF  }
tec
execute0_lowered:
.L_overlay_start_1:
0x0: {  	(tag) =	ssettag $0x1  }
0x1: {  	s1 =	srdreg.scid  }
0x2: {  	s0 =	stileid.u32;
	s5 =	rddreg [dreg:$0x0];
	s2 =	simm.s32 $0x0  }
0x3: {  	s11 =	simm.s32 $0x15C00;
	s12 =	simm.s32 $0x16400;
	s13 =	simm.s32 $0x13C00  }
0x4: {  	s14 =	simm.s32 $0x9E00;
	s4 =	sand.u32 $0x1, s1;
	s3 =	sshll.u32 s0, $0x1  }
0x5: {  	s15 =	simm.s32 $0x0;
	[smem:$0x7FF] =	sst s2;
	s7 =	sor.u32 s4, s3  }
0x6: {  	s1 =	rddreg [dreg:$0x1];
	_ =	strace $0x8000004D;
	s6 =	smul.u32 $0x13C0, s7  }
0x7: {  	s3 =	sadd.s32 $0x13E8E00, s5;
	s8 =	ssub.s32 $0x2, s4;
	s4 =	sadd.s32 $0x6E00, s5  }
0x8: {  	s31 =	sshrl.u32 s8, $0x1;
	s7 =	smul.u32 $0x140000, s7;
	s9 =	sadd.s32 s6, s5  }
0x9: {  	s10 =	ssub.s32 s8, s31;
	s5 =	sadd.s32 $0x10E00, s5;
	s6 =	sadd.s32 $0x1AE00, s9  }
0xa: {  	v0 =	vimm.f32 $0.0e+00;
	s8 =	sadd.s32 $0x69800, s9;
	s9 =	smax.u32 s10, $0x1;
	s10 =	simm.s32 $0x1  }
.LBB2_1:
0xb: {  	[tilespmem:s2], [sflag:$0x1] =	stream.linear.gather [hbm4b:s6+s2], $0x9E00, $0x38;
	[tilespmem:$0x16C00] =	vst v63  }
0xc: {  	_ =	swait.ge [sflag:s10], $0x9E00  }
0xd: {  	s16 =	sand.u32 $0x70, s2;
	s17 =	sand.u32 $0xFE00, s2;
	[sflag:s10] =	ssyncset.done $0x0  }
0xe: {  	s19 =	sor.u32 s16, s17;
	[sflag:s10] =	ssyncadd.s32 $0xFFFF6200  }
0xf: {  	[tilespmem:s19+$0x9F80] =	vst v0  }
0x10: {  	[tilespmem:s19+$0x9E00] =	vst v0  }
0x11: {  	s18 =	simm.s32 $0x0;
	s17 =	simm.s32 $0x10;
	[tilespmem:s19+$0x9E80] =	vst v0  }
.LBB2_2:
0x12: {  	s16 =	sand.u32 $0x70, s17;
	[tilespmem:s19+$0x9F00] =	vst v0;
	s18 =	sadd.s32 $0x40, s18;
	p0 =	sne.s32 s17, $0x2770  }
.Ltmp0:
0x13: {  	s17 =	sadd.s32 $0x10, s17;
	s19 =	sand.u32 $0xFE00, s18;
	(pc) =	sbr.rel @p0 .LBB2_2-.Ltmp0, $4  }
0x14: {  	s19 =	sor.u32 s16, s19  }
0x15: {  	s16 =	simm.s32 $0x0;
	[tilespmem:s19+$0x9F80] =	vst v0  }
0x16: {  	[tilespmem:s19+$0x9E00] =	vst v0  }
0x17: {  	[tilespmem:s19+$0x9E80] =	vst v0  }
0x18: {  	[tilespmem:s19+$0x9F00] =	vst v0;
	s17 =	simm.s32 $0x0  }
.LBB2_4:
0x19: {  	s18 =	sshll.u32 s17, $0x8  }
0x1a: {  	s19 =	sadd.s32 s4, s18  }
0x1b: {  	[tilespmem:s11], [sflag:$0x1] =	stream.linear.gather [hbm4b:s19+s16], $0x800, $0x38;
	[tilespmem:$0x16C00] =	vst v63  }
0x1c: {  	_ =	swait.ge [sflag:s10], $0x800  }
0x1d: {  	[sflag:s10] =	ssyncset.done $0x0  }
0x1e: {  	s30 =	sshll.u32 s17, $0xD;
	s18 =	sadd.s32 s5, s18;
	[sflag:s10] =	ssyncadd.s32 $0xFFFFF800  }
0x1f: {  	[tilespmem:s12], [sflag:$0x1] =	stream.linear.gather [hbm4b:s18+s16], $0x800, $0x38;
	[tilespmem:$0x16C00] =	vst v63  }
0x20: {  	s31 =	sadd.s32 s7, s30;
	_ =	swait.ge [sflag:s10], $0x800  }
0x21: {  	s18 =	sshrl.u32 s31, $0x3;
	[sflag:s10] =	ssyncset.done $0x0  }
0x22: {  	s18 =	sadd.s32 s3, s18;
	[sflag:s10] =	ssyncadd.s32 $0xFFFFF800  }
0x23: {  	[tilespmem:s13], [sflag:$0x1] =	stream.linear.gather [hbm4b:s18+s16], $0x2000, $0x38;
	[tilespmem:$0x16C00] =	vst v63  }
0x24: {  	_ =	swait.ge [sflag:s10], $0x2000  }
0x25: {  	[sflag:s10] =	ssyncset.done $0x0  }
0x26: {  	s19 =	simm.s32 $0x0;
	s18 =	simm.s32 $0x13D00;
	[sflag:s10] =	ssyncadd.s32 $0xFFFFE000  }
.LBB2_5:
0x27: {  	s20 =	sshra.s32 s19, $0x2  }
0x28: {  	v1 =	vld [tilespmem:s20+$0x15C00];
	_ =	sdelay $0x4  }
0x29: {  	v2 =	vshll.u32 v1, $0x2  }
0x2a: {  	v1 =	vand.u32 $0x7F, v1;
	v2 =	vand.u32 $0xFFFFFE00, v2  }
0x2b: {  	v1 =	vor.u32 v1, v2  }
0x2c: {  	v2 =	vld [tilespmem:s20+$0x16400];
	_ =	sdelay $0x2  }
0x2d: {  	v4 =	vld [tilespmem:s18+$0xFFFFFF00]  }
0x2e: {  	v3 =	vld.idx.msk [tilespmem:v1+s2+$0x0], $0xffff  }
0x2f: {  	v5 =	vshll.u32 v2, $0x2  }
0x30: {  	v2 =	vand.u32 $0x7F, v2;
	v5 =	vand.u32 $0xFFFFFE00, v5  }
0x31: {  	v2 =	vor.u32 v2, v5  }
0x32: {  	v59 =	vor.u32 $0x80, v1  }
0x33: {  	v3 =	vadd.f32 v4, v3;
	_ =	sdelay $0x1  }
0x34: {  	v3 =	vmax.f32 v3, $0.0e+00  }
0x35: {  	[tilespmem:v2+s14+$0x0] =	vst.idx.add.f32.msk $0xffff, v3  }
0x36: {  	v3 =	vld.idx.msk [tilespmem:v59+s2+$0x0], $0xffff  }
0x37: {  	v60 =	vld [tilespmem:s18+$0xFFFFFF80];
	_ =	sdelay $0x2  }
0x38: {  	v61 =	vor.u32 $0x80, v2  }
0x39: {  	v6 =	vor.u32 $0x100, v1  }
0x3a: {  	v3 =	vadd.f32 v60, v3;
	_ =	sdelay $0x1  }
0x3b: {  	v3 =	vmax.f32 v3, $0.0e+00  }
0x3c: {  	[tilespmem:v61+s14+$0x0] =	vst.idx.add.f32.msk $0xffff, v3  }
0x3d: {  	v3 =	vld.idx.msk [tilespmem:v6+s2+$0x0], $0xffff  }
0x3e: {  	v62 =	vld [tilespmem:s18+$0x0];
	_ =	sdelay $0x2  }
0x3f: {  	v63 =	vor.u32 $0x100, v2  }
0x40: {  	v1 =	vor.u32 $0x180, v1  }
0x41: {  	v3 =	vadd.f32 v62, v3;
	_ =	sdelay $0x1  }
0x42: {  	v3 =	vmax.f32 v3, $0.0e+00  }
0x43: {  	[tilespmem:v63+s14+$0x0] =	vst.idx.add.f32.msk $0xffff, v3  }
0x44: {  	v1 =	vld.idx.msk [tilespmem:v1+s2+$0x0], $0xffff  }
0x45: {  	v3 =	vld [tilespmem:s18+$0x80];
	_ =	sdelay $0x2  }
0x46: {  	v2 =	vor.u32 $0x180, v2;
	_ =	sdelay $0x1  }
0x47: {  	v1 =	vadd.f32 v3, v1;
	_ =	sdelay $0x1  }
0x48: {  	v1 =	vmax.f32 v1, $0.0e+00  }
0x49: {  	[tilespmem:v2+s14+$0x0] =	vst.idx.add.f32.msk $0xffff, v1  }
0x4a: {  	v1 =	vld [tilespmem:s20+$0x15C10];
	_ =	sdelay $0x4  }
0x4b: {  	v2 =	vshll.u32 v1, $0x2  }
0x4c: {  	v1 =	vand.u32 $0x7F, v1;
	v2 =	vand.u32 $0xFFFFFE00, v2  }
0x4d: {  	v1 =	vor.u32 v1, v2  }
0x4e: {  	v2 =	vld [tilespmem:s20+$0x16410];
	_ =	sdelay $0x2  }
0x4f: {  	v8 =	vld [tilespmem:s18+$0xFFFFFF10]  }
0x50: {  	v3 =	vld.idx.msk [tilespmem:v1+s2+$0x0], $0xffff  }
0x51: {  	v9 =	vshll.u32 v2, $0x2  }
0x52: {  	v2 =	vand.u32 $0x7F, v2;
	v5 =	vand.u32 $0xFFFFFE00, v9  }
0x53: {  	v2 =	vor.u32 v2, v5  }
0x54: {  	v10 =	vor.u32 $0x80, v1  }
0x55: {  	v3 =	vadd.f32 v8, v3;
	_ =	sdelay $0x1  }
0x56: {  	v3 =	vmax.f32 v3, $0.0e+00  }
0x57: {  	[tilespmem:v2+s14+$0x0] =	vst.idx.add.f32.msk $0xffff, v3  }
0x58: {  	v3 =	vld.idx.msk [tilespmem:v10+s2+$0x0], $0xffff  }
0x59: {  	v11 =	vld [tilespmem:s18+$0xFFFFFF90];
	_ =	sdelay $0x2  }
0x5a: {  	v12 =	vor.u32 $0x80, v2  }
0x5b: {  	v13 =	vor.u32 $0x100, v1  }
0x5c: {  	v3 =	vadd.f32 v11, v3;
	_ =	sdelay $0x1  }
0x5d: {  	v3 =	vmax.f32 v3, $0.0e+00  }
0x5e: {  	[tilespmem:v12+s14+$0x0] =	vst.idx.add.f32.msk $0xffff, v3  }
0x5f: {  	v3 =	vld.idx.msk [tilespmem:v13+s2+$0x0], $0xffff  }
0x60: {  	v14 =	vld [tilespmem:s18+$0x10];
	_ =	sdelay $0x2  }
0x61: {  	v15 =	vor.u32 $0x100, v2  }
0x62: {  	v1 =	vor.u32 $0x180, v1  }
0x63: {  	v3 =	vadd.f32 v14, v3;
	_ =	sdelay $0x1  }
0x64: {  	v3 =	vmax.f32 v3, $0.0e+00  }
0x65: {  	[tilespmem:v15+s14+$0x0] =	vst.idx.add.f32.msk $0xffff, v3  }
0x66: {  	v1 =	vld.idx.msk [tilespmem:v1+s2+$0x0], $0xffff  }
0x67: {  	v3 =	vld [tilespmem:s18+$0x90];
	_ =	sdelay $0x2  }
0x68: {  	v2 =	vor.u32 $0x180, v2;
	_ =	sdelay $0x1  }
0x69: {  	v1 =	vadd.f32 v3, v1;
	_ =	sdelay $0x1  }
0x6a: {  	v1 =	vmax.f32 v1, $0.0e+00  }
0x6b: {  	[tilespmem:v2+s14+$0x0] =	vst.idx.add.f32.msk $0xffff, v1  }
0x6c: {  	v1 =	vld [tilespmem:s20+$0x15C20];
	_ =	sdelay $0x4  }
0x6d: {  	v2 =	vshll.u32 v1, $0x2  }
0x6e: {  	v1 =	vand.u32 $0x7F, v1;
	v2 =	vand.u32 $0xFFFFFE00, v2  }
0x6f: {  	v1 =	vor.u32 v1, v2  }
0x70: {  	v2 =	vld [tilespmem:s20+$0x16420];
	_ =	sdelay $0x2  }
0x71: {  	v16 =	vld [tilespmem:s18+$0xFFFFFF20]  }
0x72: {  	v3 =	vld.idx.msk [tilespmem:v1+s2+$0x0], $0xffff  }
0x73: {  	v17 =	vshll.u32 v2, $0x2  }
0x74: {  	v2 =	vand.u32 $0x7F, v2;
	v5 =	vand.u32 $0xFFFFFE00, v17  }
0x75: {  	v2 =	vor.u32 v2, v5  }
0x76: {  	v18 =	vor.u32 $0x80, v1  }
0x77: {  	v3 =	vadd.f32 v16, v3;
	_ =	sdelay $0x1  }
0x78: {  	v3 =	vmax.f32 v3, $0.0e+00  }
0x79: {  	[tilespmem:v2+s14+$0x0] =	vst.idx.add.f32.msk $0xffff, v3  }
0x7a: {  	v3 =	vld.idx.msk [tilespmem:v18+s2+$0x0], $0xffff  }
0x7b: {  	v19 =	vld [tilespmem:s18+$0xFFFFFFA0];
	_ =	sdelay $0x2  }
0x7c: {  	v20 =	vor.u32 $0x80, v2  }
0x7d: {  	v21 =	vor.u32 $0x100, v1  }
0x7e: {  	v3 =	vadd.f32 v19, v3;
	_ =	sdelay $0x1  }
0x7f: {  	v3 =	vmax.f32 v3, $0.0e+00  }
0x80: {  	[tilespmem:v20+s14+$0x0] =	vst.idx.add.f32.msk $0xffff, v3  }
0x81: {  	v3 =	vld.idx.msk [tilespmem:v21+s2+$0x0], $0xffff  }
0x82: {  	v22 =	vld [tilespmem:s18+$0x20];
	_ =	sdelay $0x2  }
0x83: {  	v23 =	vor.u32 $0x100, v2  }
0x84: {  	v1 =	vor.u32 $0x180, v1  }
0x85: {  	v3 =	vadd.f32 v22, v3;
	_ =	sdelay $0x1  }
0x86: {  	v3 =	vmax.f32 v3, $0.0e+00  }
0x87: {  	[tilespmem:v23+s14+$0x0] =	vst.idx.add.f32.msk $0xffff, v3  }
0x88: {  	v1 =	vld.idx.msk [tilespmem:v1+s2+$0x0], $0xffff  }
0x89: {  	v3 =	vld [tilespmem:s18+$0xA0];
	_ =	sdelay $0x2  }
0x8a: {  	v2 =	vor.u32 $0x180, v2;
	_ =	sdelay $0x1  }
0x8b: {  	v1 =	vadd.f32 v3, v1;
	_ =	sdelay $0x1  }
0x8c: {  	v1 =	vmax.f32 v1, $0.0e+00  }
0x8d: {  	[tilespmem:v2+s14+$0x0] =	vst.idx.add.f32.msk $0xffff, v1  }
0x8e: {  	v1 =	vld [tilespmem:s20+$0x15C30];
	_ =	sdelay $0x4  }
0x8f: {  	v2 =	vshll.u32 v1, $0x2  }
0x90: {  	v1 =	vand.u32 $0x7F, v1;
	v2 =	vand.u32 $0xFFFFFE00, v2  }
0x91: {  	v1 =	vor.u32 v1, v2  }
0x92: {  	v2 =	vld [tilespmem:s20+$0x16430];
	_ =	sdelay $0x2  }
0x93: {  	v24 =	vld [tilespmem:s18+$0xFFFFFF30]  }
0x94: {  	v3 =	vld.idx.msk [tilespmem:v1+s2+$0x0], $0xffff  }
0x95: {  	v25 =	vshll.u32 v2, $0x2  }
0x96: {  	v2 =	vand.u32 $0x7F, v2;
	v5 =	vand.u32 $0xFFFFFE00, v25  }
0x97: {  	v2 =	vor.u32 v2, v5  }
0x98: {  	v26 =	vor.u32 $0x80, v1  }
0x99: {  	v3 =	vadd.f32 v24, v3;
	_ =	sdelay $0x1  }
0x9a: {  	v3 =	vmax.f32 v3, $0.0e+00  }
0x9b: {  	[tilespmem:v2+s14+$0x0] =	vst.idx.add.f32.msk $0xffff, v3  }
0x9c: {  	v3 =	vld.idx.msk [tilespmem:v26+s2+$0x0], $0xffff  }
0x9d: {  	v27 =	vld [tilespmem:s18+$0xFFFFFFB0];
	_ =	sdelay $0x2  }
0x9e: {  	v28 =	vor.u32 $0x80, v2  }
0x9f: {  	v29 =	vor.u32 $0x100, v1  }
0xa0: {  	v3 =	vadd.f32 v27, v3;
	_ =	sdelay $0x1  }
0xa1: {  	v3 =	vmax.f32 v3, $0.0e+00  }
0xa2: {  	[tilespmem:v28+s14+$0x0] =	vst.idx.add.f32.msk $0xffff, v3  }
0xa3: {  	v3 =	vld.idx.msk [tilespmem:v29+s2+$0x0], $0xffff  }
0xa4: {  	v30 =	vld [tilespmem:s18+$0x30];
	_ =	sdelay $0x2  }
0xa5: {  	v31 =	vor.u32 $0x100, v2  }
0xa6: {  	v1 =	vor.u32 $0x180, v1  }
0xa7: {  	v3 =	vadd.f32 v30, v3;
	_ =	sdelay $0x1  }
0xa8: {  	v3 =	vmax.f32 v3, $0.0e+00  }
0xa9: {  	[tilespmem:v31+s14+$0x0] =	vst.idx.add.f32.msk $0xffff, v3  }
0xaa: {  	v1 =	vld.idx.msk [tilespmem:v1+s2+$0x0], $0xffff  }
0xab: {  	v3 =	vld [tilespmem:s18+$0xB0];
	_ =	sdelay $0x2  }
0xac: {  	v2 =	vor.u32 $0x180, v2;
	_ =	sdelay $0x1  }
0xad: {  	v1 =	vadd.f32 v3, v1;
	_ =	sdelay $0x1  }
0xae: {  	v1 =	vmax.f32 v1, $0.0e+00  }
0xaf: {  	[tilespmem:v2+s14+$0x0] =	vst.idx.add.f32.msk $0xffff, v1  }
0xb0: {  	v1 =	vld [tilespmem:s20+$0x15C40];
	_ =	sdelay $0x4  }
0xb1: {  	v2 =	vshll.u32 v1, $0x2  }
0xb2: {  	v1 =	vand.u32 $0x7F, v1;
	v2 =	vand.u32 $0xFFFFFE00, v2  }
0xb3: {  	v1 =	vor.u32 v1, v2  }
0xb4: {  	v2 =	vld [tilespmem:s20+$0x16440];
	_ =	sdelay $0x2  }
0xb5: {  	v32 =	vld [tilespmem:s18+$0xFFFFFF40]  }
0xb6: {  	v3 =	vld.idx.msk [tilespmem:v1+s2+$0x0], $0xffff  }
0xb7: {  	v33 =	vshll.u32 v2, $0x2  }
0xb8: {  	v2 =	vand.u32 $0x7F, v2;
	v5 =	vand.u32 $0xFFFFFE00, v33  }
0xb9: {  	v2 =	vor.u32 v2, v5  }
0xba: {  	v34 =	vor.u32 $0x80, v1  }
0xbb: {  	v3 =	vadd.f32 v32, v3;
	_ =	sdelay $0x1  }
0xbc: {  	v3 =	vmax.f32 v3, $0.0e+00  }
0xbd: {  	[tilespmem:v2+s14+$0x0] =	vst.idx.add.f32.msk $0xffff, v3  }
0xbe: {  	v3 =	vld.idx.msk [tilespmem:v34+s2+$0x0], $0xffff  }
0xbf: {  	v35 =	vld [tilespmem:s18+$0xFFFFFFC0];
	_ =	sdelay $0x2  }
0xc0: {  	v36 =	vor.u32 $0x80, v2  }
0xc1: {  	v37 =	vor.u32 $0x100, v1  }
0xc2: {  	v3 =	vadd.f32 v35, v3;
	_ =	sdelay $0x1  }
0xc3: {  	v3 =	vmax.f32 v3, $0.0e+00  }
0xc4: {  	[tilespmem:v36+s14+$0x0] =	vst.idx.add.f32.msk $0xffff, v3  }
0xc5: {  	v3 =	vld.idx.msk [tilespmem:v37+s2+$0x0], $0xffff  }
0xc6: {  	v38 =	vld [tilespmem:s18+$0x40];
	_ =	sdelay $0x2  }
0xc7: {  	v39 =	vor.u32 $0x100, v2  }
0xc8: {  	v1 =	vor.u32 $0x180, v1  }
0xc9: {  	v3 =	vadd.f32 v38, v3;
	_ =	sdelay $0x1  }
0xca: {  	v3 =	vmax.f32 v3, $0.0e+00  }
0xcb: {  	[tilespmem:v39+s14+$0x0] =	vst.idx.add.f32.msk $0xffff, v3  }
0xcc: {  	v1 =	vld.idx.msk [tilespmem:v1+s2+$0x0], $0xffff  }
0xcd: {  	v3 =	vld [tilespmem:s18+$0xC0];
	_ =	sdelay $0x2  }
0xce: {  	v2 =	vor.u32 $0x180, v2;
	_ =	sdelay $0x1  }
0xcf: {  	v1 =	vadd.f32 v3, v1;
	_ =	sdelay $0x1  }
0xd0: {  	v1 =	vmax.f32 v1, $0.0e+00  }
0xd1: {  	[tilespmem:v2+s14+$0x0] =	vst.idx.add.f32.msk $0xffff, v1  }
0xd2: {  	v1 =	vld [tilespmem:s20+$0x15C50];
	_ =	sdelay $0x4  }
0xd3: {  	v2 =	vshll.u32 v1, $0x2  }
0xd4: {  	v1 =	vand.u32 $0x7F, v1;
	v2 =	vand.u32 $0xFFFFFE00, v2  }
0xd5: {  	v1 =	vor.u32 v1, v2  }
0xd6: {  	v2 =	vld [tilespmem:s20+$0x16450];
	_ =	sdelay $0x2  }
0xd7: {  	v40 =	vld [tilespmem:s18+$0xFFFFFF50]  }
0xd8: {  	v3 =	vld.idx.msk [tilespmem:v1+s2+$0x0], $0xffff  }
0xd9: {  	v41 =	vshll.u32 v2, $0x2  }
0xda: {  	v2 =	vand.u32 $0x7F, v2;
	v5 =	vand.u32 $0xFFFFFE00, v41  }
0xdb: {  	v2 =	vor.u32 v2, v5  }
0xdc: {  	v42 =	vor.u32 $0x80, v1  }
0xdd: {  	v3 =	vadd.f32 v40, v3;
	_ =	sdelay $0x1  }
0xde: {  	v3 =	vmax.f32 v3, $0.0e+00  }
0xdf: {  	[tilespmem:v2+s14+$0x0] =	vst.idx.add.f32.msk $0xffff, v3  }
0xe0: {  	v3 =	vld.idx.msk [tilespmem:v42+s2+$0x0], $0xffff  }
0xe1: {  	v43 =	vld [tilespmem:s18+$0xFFFFFFD0];
	_ =	sdelay $0x2  }
0xe2: {  	v44 =	vor.u32 $0x80, v2  }
0xe3: {  	v45 =	vor.u32 $0x100, v1  }
0xe4: {  	v3 =	vadd.f32 v43, v3;
	_ =	sdelay $0x1  }
0xe5: {  	v3 =	vmax.f32 v3, $0.0e+00  }
0xe6: {  	[tilespmem:v44+s14+$0x0] =	vst.idx.add.f32.msk $0xffff, v3  }
0xe7: {  	v3 =	vld.idx.msk [tilespmem:v45+s2+$0x0], $0xffff  }
0xe8: {  	v46 =	vld [tilespmem:s18+$0x50];
	_ =	sdelay $0x2  }
0xe9: {  	v47 =	vor.u32 $0x100, v2  }
0xea: {  	v1 =	vor.u32 $0x180, v1  }
0xeb: {  	v3 =	vadd.f32 v46, v3;
	_ =	sdelay $0x1  }
0xec: {  	v3 =	vmax.f32 v3, $0.0e+00  }
0xed: {  	[tilespmem:v47+s14+$0x0] =	vst.idx.add.f32.msk $0xffff, v3  }
0xee: {  	v1 =	vld.idx.msk [tilespmem:v1+s2+$0x0], $0xffff  }
0xef: {  	v3 =	vld [tilespmem:s18+$0xD0];
	_ =	sdelay $0x2  }
0xf0: {  	v2 =	vor.u32 $0x180, v2;
	_ =	sdelay $0x1  }
0xf1: {  	v1 =	vadd.f32 v3, v1;
	_ =	sdelay $0x1  }
0xf2: {  	v1 =	vmax.f32 v1, $0.0e+00  }
0xf3: {  	[tilespmem:v2+s14+$0x0] =	vst.idx.add.f32.msk $0xffff, v1  }
0xf4: {  	v1 =	vld [tilespmem:s20+$0x15C60];
	_ =	sdelay $0x4  }
0xf5: {  	v2 =	vshll.u32 v1, $0x2  }
0xf6: {  	v1 =	vand.u32 $0x7F, v1;
	v2 =	vand.u32 $0xFFFFFE00, v2  }
0xf7: {  	v1 =	vor.u32 v1, v2  }
0xf8: {  	v2 =	vld [tilespmem:s20+$0x16460];
	_ =	sdelay $0x2  }
0xf9: {  	v48 =	vld [tilespmem:s18+$0xFFFFFF60]  }
0xfa: {  	v3 =	vld.idx.msk [tilespmem:v1+s2+$0x0], $0xffff  }
0xfb: {  	v49 =	vshll.u32 v2, $0x2  }
0xfc: {  	v2 =	vand.u32 $0x7F, v2;
	v5 =	vand.u32 $0xFFFFFE00, v49  }
0xfd: {  	v2 =	vor.u32 v2, v5  }
0xfe: {  	v50 =	vor.u32 $0x80, v1  }
0xff: {  	v3 =	vadd.f32 v48, v3;
	_ =	sdelay $0x1  }
0x100: {  	v3 =	vmax.f32 v3, $0.0e+00  }
0x101: {  	[tilespmem:v2+s14+$0x0] =	vst.idx.add.f32.msk $0xffff, v3  }
0x102: {  	v3 =	vld.idx.msk [tilespmem:v50+s2+$0x0], $0xffff  }
0x103: {  	v51 =	vld [tilespmem:s18+$0xFFFFFFE0];
	_ =	sdelay $0x2  }
0x104: {  	v52 =	vor.u32 $0x80, v2  }
0x105: {  	v53 =	vor.u32 $0x100, v1  }
0x106: {  	v3 =	vadd.f32 v51, v3;
	_ =	sdelay $0x1  }
0x107: {  	v3 =	vmax.f32 v3, $0.0e+00  }
0x108: {  	[tilespmem:v52+s14+$0x0] =	vst.idx.add.f32.msk $0xffff, v3  }
0x109: {  	v3 =	vld.idx.msk [tilespmem:v53+s2+$0x0], $0xffff  }
0x10a: {  	v54 =	vld [tilespmem:s18+$0x60];
	_ =	sdelay $0x2  }
0x10b: {  	v55 =	vor.u32 $0x100, v2  }
0x10c: {  	v1 =	vor.u32 $0x180, v1  }
0x10d: {  	v3 =	vadd.f32 v54, v3;
	_ =	sdelay $0x1  }
0x10e: {  	v3 =	vmax.f32 v3, $0.0e+00  }
0x10f: {  	[tilespmem:v55+s14+$0x0] =	vst.idx.add.f32.msk $0xffff, v3  }
0x110: {  	v1 =	vld.idx.msk [tilespmem:v1+s2+$0x0], $0xffff  }
0x111: {  	v3 =	vld [tilespmem:s18+$0xE0];
	_ =	sdelay $0x2  }
0x112: {  	v2 =	vor.u32 $0x180, v2;
	_ =	sdelay $0x1  }
0x113: {  	v1 =	vadd.f32 v3, v1;
	_ =	sdelay $0x1  }
0x114: {  	v1 =	vmax.f32 v1, $0.0e+00  }
0x115: {  	[tilespmem:v2+s14+$0x0] =	vst.idx.add.f32.msk $0xffff, v1  }
0x116: {  	v1 =	vld [tilespmem:s20+$0x15C70];
	_ =	sdelay $0x4  }
0x117: {  	v2 =	vshll.u32 v1, $0x2  }
0x118: {  	v1 =	vand.u32 $0x7F, v1;
	v2 =	vand.u32 $0xFFFFFE00, v2  }
0x119: {  	v1 =	vor.u32 v1, v2  }
0x11a: {  	v2 =	vld [tilespmem:s20+$0x16470];
	_ =	sdelay $0x2  }
0x11b: {  	v56 =	vld [tilespmem:s18+$0xFFFFFF70]  }
0x11c: {  	v3 =	vld.idx.msk [tilespmem:v1+s2+$0x0], $0xffff  }
0x11d: {  	v57 =	vshll.u32 v2, $0x2  }
0x11e: {  	v2 =	vand.u32 $0x7F, v2;
	v5 =	vand.u32 $0xFFFFFE00, v57  }
0x11f: {  	v2 =	vor.u32 v2, v5  }
0x120: {  	v58 =	vor.u32 $0x80, v1  }
0x121: {  	v3 =	vadd.f32 v56, v3;
	_ =	sdelay $0x1  }
0x122: {  	v3 =	vmax.f32 v3, $0.0e+00  }
0x123: {  	[tilespmem:v2+s14+$0x0] =	vst.idx.add.f32.msk $0xffff, v3  }
0x124: {  	v3 =	vld.idx.msk [tilespmem:v58+s2+$0x0], $0xffff  }
0x125: {  	v59 =	vld [tilespmem:s18+$0xFFFFFFF0];
	_ =	sdelay $0x2  }
0x126: {  	v60 =	vor.u32 $0x80, v2  }
0x127: {  	v61 =	vor.u32 $0x100, v1  }
0x128: {  	v3 =	vadd.f32 v59, v3;
	_ =	sdelay $0x1  }
0x129: {  	v3 =	vmax.f32 v3, $0.0e+00  }
0x12a: {  	[tilespmem:v60+s14+$0x0] =	vst.idx.add.f32.msk $0xffff, v3  }
0x12b: {  	v3 =	vld.idx.msk [tilespmem:v61+s2+$0x0], $0xffff  }
0x12c: {  	v62 =	vld [tilespmem:s18+$0x70];
	_ =	sdelay $0x2  }
0x12d: {  	v63 =	vor.u32 $0x100, v2  }
0x12e: {  	v1 =	vor.u32 $0x180, v1  }
0x12f: {  	v3 =	vadd.f32 v62, v3;
	_ =	sdelay $0x1  }
0x130: {  	v3 =	vmax.f32 v3, $0.0e+00  }
0x131: {  	[tilespmem:v63+s14+$0x0] =	vst.idx.add.f32.msk $0xffff, v3  }
0x132: {  	v1 =	vld.idx.msk [tilespmem:v1+s2+$0x0], $0xffff  }
0x133: {  	v3 =	vld [tilespmem:s18+$0xF0];
	_ =	sdelay $0x2  }
0x134: {  	p0 =	sne.s32 s19, $0x1E00;
	v2 =	vor.u32 $0x180, v2  }
.Ltmp1:
0x135: {  	_ = 	snop;
	(pc) =	sbr.rel @p0 .LBB2_5-.Ltmp1, $3  }
0x136: {  	v1 =	vadd.f32 v3, v1;
	_ =	sdelay $0x1  }
0x137: {  	v1 =	vmax.f32 v1, $0.0e+00  }
0x138: {  	s19 =	sadd.s32 $0x200, s19;
	s18 =	sadd.s32 $0x200, s18;
	[tilespmem:v2+s14+$0x0] =	vst.idx.add.f32.msk $0xffff, v1  }
0x139: {  	s17 =	sadd.s32 $0x1, s17  }
0x13a: {  	p0 =	sne.s32 s17, $0xA0  }
.Ltmp2:
0x13b: {  	_ = 	snop;
	(pc) =	sbr.rel @p0 .LBB2_4-.Ltmp2, $1  }
0x13c: {  	_ =	sdelay $0x3  }
0x13d: {  	s15 =	sadd.s32 $0x1, s15  }
0x13e: {  	p0 =	sne.s32 s15, s9  }
.Ltmp3:
0x13f: {  	_ = 	snop;
	(pc) =	sbr.rel @p0 .LBB2_1-.Ltmp3, $4  }
0x140: {  	[hbm4b:s8+s2] =	stream.linear.scatter [tilespmem:s14], [sflag:$0x1], $0x9E00, $0x38;
	[tilespmem:$0x16C00] =	vst v63  }
0x141: {  	_ =	swait.ge [sflag:s10], $0x9E00  }
0x142: {  	[sflag:s10] =	ssyncset.done $0x0  }
0x143: {  	[sflag:s10] =	ssyncadd.s32 $0xFFFF6200  }
0x144: {  	_ =	sfence.sel $0x180000  }
0x145: {  	[bflag:$0x0] =	sbarrier.arrive $0xFFFF  }
0x146: {  	p0 =	sne.s32 s0, $0x0;
	_ =	strace $0x9000004D  }
0x147: {  	s0 =	sadd.s32 @!p0 $0x100000, s1;
	[bflag:$0x2] =	sbarrier.arrive $0xFFFF  }
0x148: {  	[sflag:s0] =	ssyncadd.tile.s32 @!p0 $0x1;
	_ =	shalt  }
.Lfunc_end2:
_tile_overlayer_lowered:
.L_overlay_start_2:
0x149: {  	(tag) =	ssettag $0x2  }
0x14a: {  	s0 =	rddreg [dreg:$0x0];
	s2 =	stileid.u32  }
0x14b: {  	s1 =	rddreg [dreg:$0x1];
	p0 =	sne.s32 s2, $0x0  }
0x14c: {  	s3 =	rddreg [dreg:$0x2];
	[bflag:$0x3] =	sbarrier.arrive $0xFFFF;
	s2 =	simm.s32 @!p0 $0x1C01  }
0x14d: {  	[timem:s3], [sflag:s2] =	dma.local @!p0 [hbm:s0], s1  }
0x14e: {  	s0 =	simm.s32 @!p0 $0x1  }
0x14f: {  	_ =	swait.ge @!p0 [sflag:s0], s1  }
0x150: {  	s1 =	ssub.s32 @!p0 $0x0, s1;
	[sflag:s0] =	ssyncset.done @!p0 $0x0  }
0x151: {  	[sflag:s0] =	ssyncadd.s32 @!p0 s1  }
0x152: {  	[bflag:$0x3] =	sbarrier.arrive $0xFFFF  }
0x153: {  	_ =	shalt  }

</sc_bundles>
